<compile_context>
chip_gen: v7x
topology: tpu7x:2x2x1
jax: 0.10.2.dev20260603
libtpu: 0.0.44.dev20260713+nightly
codegen_flags: <defaults>
</compile_context>

<pallas_src>
import functools

import jax
import jax.numpy as jnp
from jax import lax
from jax.experimental import pallas as pl
from jax.experimental.pallas import tpu as pltpu
from jax.experimental.pallas import tpu_sc as plsc

N = 10000
NPAD = 10240
D = 128
NG = 64
NC = 10
NW = 32
K = 64
CH = 168
IB = 8
NB = CH // IB
EPAD = NW * CH * K
N_EDGES_FULL = 330000
ROWS = NPAD // 16
RB = 1024


def _deg_body(dst_hbm, out_hbm, dst_b, obuf, zbuf, accd):
    cid = lax.axis_index("c")
    sid = lax.axis_index("s")
    wid = cid * 16 + sid

    def fill(i, _):
        for j in range(D // 16):
            zbuf[i, pl.ds(j * 16, 16)] = jnp.zeros((16,), jnp.float32)
            obuf[i, pl.ds(j * 16, 16)] = jnp.ones((16,), jnp.float32)
        return 0

    lax.fori_loop(0, K, fill, 0)
    for t in range(ROWS // K):
        pltpu.sync_copy(zbuf, accd.at[pl.ds(sid * ROWS + t * K, K)])
    plsc.subcore_barrier()

    def blk(b, _):
        pltpu.sync_copy(dst_hbm.at[wid, pl.ds(b * IB, IB)], dst_b)

        def body(j, _):
            pltpu.sync_copy(obuf, accd.at[dst_b.at[j]], add=True)
            return 0

        lax.fori_loop(0, IB, body, 0)
        return 0

    lax.fori_loop(0, NB, blk, 0)
    plsc.subcore_barrier()
    pltpu.sync_copy(accd.at[pl.ds(sid * ROWS, ROWS)],
                    out_hbm.at[cid, pl.ds(sid * ROWS, ROWS)])



def _agg_body(xw_hbm, src_hbm, dst_hbm, out_hbm,
              src_b, dst_b, buf0, buf1, buf2, buf3, acc,
              sem0, sem1, sem2, sem3):
    cid = lax.axis_index("c")
    sid = lax.axis_index("s")
    wid = cid * 16 + sid

    def zrow(i, _):
        for j in range(D // 16):
            buf0[i, pl.ds(j * 16, 16)] = jnp.zeros((16,), jnp.float32)
        return 0

    lax.fori_loop(0, K, zrow, 0)
    for t in range(ROWS // K):
        pltpu.sync_copy(buf0, acc.at[pl.ds(sid * ROWS + t * K, K)])
    plsc.subcore_barrier()

    def blk(b, _):
        pltpu.sync_copy(src_hbm.at[wid, pl.ds(b * IB, IB)], src_b)
        pltpu.sync_copy(dst_hbm.at[wid, pl.ds(b * IB, IB)], dst_b)

        def body(i, _):
            j0 = i * 4
            c0 = pltpu.async_copy(xw_hbm.at[src_b.at[j0]], buf0, sem0)
            c1 = pltpu.async_copy(xw_hbm.at[src_b.at[j0 + 1]], buf1, sem1)
            c2 = pltpu.async_copy(xw_hbm.at[src_b.at[j0 + 2]], buf2, sem2)
            c3 = pltpu.async_copy(xw_hbm.at[src_b.at[j0 + 3]], buf3, sem3)
            c0.wait()
            pltpu.sync_copy(buf0, acc.at[dst_b.at[j0]], add=True)
            c1.wait()
            pltpu.sync_copy(buf1, acc.at[dst_b.at[j0 + 1]], add=True)
            c2.wait()
            pltpu.sync_copy(buf2, acc.at[dst_b.at[j0 + 2]], add=True)
            c3.wait()
            pltpu.sync_copy(buf3, acc.at[dst_b.at[j0 + 3]], add=True)
            return 0

        lax.fori_loop(0, IB // 4, body, 0)
        return 0

    lax.fori_loop(0, NB, blk, 0)
    plsc.subcore_barrier()
    pltpu.sync_copy(acc.at[pl.ds(sid * ROWS, ROWS)],
                    out_hbm.at[cid, pl.ds(sid * ROWS, ROWS)])


@functools.cache
def _sc_kernels():
    mesh = plsc.VectorSubcoreMesh(core_axis_name="c", subcore_axis_name="s")
    deg_k = pl.kernel(
        _deg_body,
        out_type=jax.ShapeDtypeStruct((2, NPAD, D), jnp.float32),
        mesh=mesh,
        scratch_types=[
            pltpu.VMEM((IB, K), jnp.int32),
            pltpu.VMEM((K, D), jnp.float32),
            pltpu.VMEM((K, D), jnp.float32),
            pltpu.VMEM_SHARED((NPAD, D), jnp.float32),
        ],
    )
    agg_k = pl.kernel(
        _agg_body,
        out_type=jax.ShapeDtypeStruct((2, NPAD, D), jnp.float32),
        mesh=mesh,
        scratch_types=[
            pltpu.VMEM((IB, K), jnp.int32),
            pltpu.VMEM((IB, K), jnp.int32),
            pltpu.VMEM((K, D), jnp.float32),
            pltpu.VMEM((K, D), jnp.float32),
            pltpu.VMEM((K, D), jnp.float32),
            pltpu.VMEM((K, D), jnp.float32),
            pltpu.VMEM_SHARED((NPAD, D), jnp.float32),
            pltpu.SemaphoreType.DMA,
            pltpu.SemaphoreType.DMA,
            pltpu.SemaphoreType.DMA,
            pltpu.SemaphoreType.DMA,
        ],
    )
    return deg_k, agg_k



def _mm1_body(x_ref, w_ref, d0_ref, d1_ref, xw_ref, dinv_ref):
    deg = d0_ref[:, 0:1] + d1_ref[:, 0:1]
    dinv = lax.rsqrt(jnp.maximum(deg, 1.0))
    dinv_ref[...] = dinv
    xw_ref[...] = jnp.dot(x_ref[...], w_ref[...],
                          preferred_element_type=jnp.float32) * dinv


_mm1 = pl.pallas_call(
    _mm1_body,
    grid=(NPAD // RB,),
    in_specs=[
        pl.BlockSpec((RB, D), lambda i: (i, 0)),
        pl.BlockSpec((D, D), lambda i: (0, 0)),
        pl.BlockSpec((RB, D), lambda i: (i, 0)),
        pl.BlockSpec((RB, D), lambda i: (i, 0)),
    ],
    out_specs=[
        pl.BlockSpec((RB, D), lambda i: (i, 0)),
        pl.BlockSpec((RB, 1), lambda i: (i, 0)),
    ],
    out_shape=[
        jax.ShapeDtypeStruct((NPAD, D), jnp.float32),
        jax.ShapeDtypeStruct((NPAD, 1), jnp.float32),
    ],
)


def _mid_body(p0_ref, p1_ref, dinv_ref, b_ref, w_ref, xw_ref):
    dinv = dinv_ref[...]
    h = jnp.maximum((p0_ref[...] + p1_ref[...]) * dinv + b_ref[...], 0.0)
    xw_ref[...] = jnp.dot(h, w_ref[...],
                          preferred_element_type=jnp.float32) * dinv


_mid = pl.pallas_call(
    _mid_body,
    grid=(NPAD // RB,),
    in_specs=[
        pl.BlockSpec((RB, D), lambda i: (i, 0)),
        pl.BlockSpec((RB, D), lambda i: (i, 0)),
        pl.BlockSpec((RB, 1), lambda i: (i, 0)),
        pl.BlockSpec((1, D), lambda i: (0, 0)),
        pl.BlockSpec((D, D), lambda i: (0, 0)),
    ],
    out_specs=pl.BlockSpec((RB, D), lambda i: (i, 0)),
    out_shape=jax.ShapeDtypeStruct((NPAD, D), jnp.float32),
)


def _fin_body(p0_ref, p1_ref, dinv_ref, bt_ref, b3_ref, wl_ref, bl_ref,
              out_ref, sums, counts):
    i = pl.program_id(0)

    @pl.when(i == 0)
    def _init():
        sums[...] = jnp.zeros_like(sums)
        counts[...] = jnp.zeros_like(counts)

    h = (p0_ref[...] + p1_ref[...]) * dinv_ref[...]
    pt = (bt_ref[...] == lax.broadcasted_iota(jnp.int32, (NG, RB), 0)
          ).astype(jnp.float32)
    sums[...] += jnp.dot(pt, h, preferred_element_type=jnp.float32)
    counts[...] += jnp.sum(pt, axis=1, keepdims=True)

    @pl.when(i == pl.num_programs(0) - 1)
    def _fin():
        cnt = counts[...]
        pooled = (sums[...] / jnp.maximum(cnt, 1.0)
                  + jnp.where(cnt > 0, b3_ref[...], 0.0))
        out_ref[...] = jnp.dot(pooled, wl_ref[...],
                               preferred_element_type=jnp.float32) + bl_ref[...]


_fin = pl.pallas_call(
    _fin_body,
    grid=(NPAD // RB,),
    in_specs=[
        pl.BlockSpec((RB, D), lambda i: (i, 0)),
        pl.BlockSpec((RB, D), lambda i: (i, 0)),
        pl.BlockSpec((RB, 1), lambda i: (i, 0)),
        pl.BlockSpec((1, RB), lambda i: (0, i)),
        pl.BlockSpec((1, D), lambda i: (0, 0)),
        pl.BlockSpec((D, NC), lambda i: (0, 0)),
        pl.BlockSpec((1, NC), lambda i: (0, 0)),
    ],
    out_specs=pl.BlockSpec((NG, NC), lambda i: (0, 0)),
    out_shape=jax.ShapeDtypeStruct((NG, NC), jnp.float32),
    scratch_shapes=[
        pltpu.VMEM((NG, D), jnp.float32),
        pltpu.VMEM((NG, 1), jnp.float32),
    ],
)


def kernel(x, edge_index, batch, W1, b1, W2, b2, W3, b3, Wl, bl):
    loop = jnp.arange(N, dtype=jnp.int32)
    pad = N + jnp.arange(EPAD - N_EDGES_FULL, dtype=jnp.int32) % (NPAD - N)
    src = jnp.concatenate([edge_index[0].astype(jnp.int32), loop, pad])
    dst = jnp.concatenate([edge_index[1].astype(jnp.int32), loop, pad])
    src3 = src.reshape(NW, CH, K)
    dst3 = dst.reshape(NW, CH, K)

    x_pad = jnp.pad(x, ((0, NPAD - N), (0, 0)))
    bt = jnp.pad(batch.astype(jnp.int32), (0, NPAD - N),
                 constant_values=NG)[None, :]

    deg_k, agg_k = _sc_kernels()
    degp = deg_k(dst3)
    xw, dinv = _mm1(x_pad, W1, degp[0], degp[1])
    p = agg_k(xw, src3, dst3)
    xw = _mid(p[0], p[1], dinv, b1.reshape(1, D), W2)
    p = agg_k(xw, src3, dst3)
    xw = _mid(p[0], p[1], dinv, b2.reshape(1, D), W3)
    p = agg_k(xw, src3, dst3)
    return _fin(p[0], p[1], dinv, bt, b3.reshape(1, D),
                Wl, bl.reshape(1, NC))

# --- scband reference (transcript-rebuilt; emitter-appended) ---
"""Pipeline reference for scband-gcn-42434276884907 (READ-ONLY COPY).

The authoritative reference and input builder live on the scoring server;
editing this copy changes nothing except your own understanding.
"""

import jax, jax.numpy as jnp
import numpy as np

N_NODES = 10000
N_EDGES = 320000
D_FEAT = 128
HIDDEN = 128
NUM_GRAPHS = 64
NUM_CLASSES = 10


def setup_inputs(seed: int = 0) -> dict:
    key = jax.random.key(seed)
    ks = jax.random.split(key, 12)
    x = jax.random.normal(ks[0], (N_NODES, D_FEAT), dtype=jnp.float32)
    edge_index = jax.random.randint(ks[1], (2, N_EDGES), 0, N_NODES, dtype=jnp.int64)
    batch = jnp.sort(jax.random.randint(ks[2], (N_NODES,), 0, NUM_GRAPHS, dtype=jnp.int64))
    s1 = 1.0 / np.sqrt(D_FEAT)
    s2 = 1.0 / np.sqrt(HIDDEN)
    W1 = jax.random.normal(ks[3], (D_FEAT, HIDDEN), dtype=jnp.float32) * s1
    b1 = jnp.zeros((HIDDEN,), dtype=jnp.float32)
    W2 = jax.random.normal(ks[4], (HIDDEN, HIDDEN), dtype=jnp.float32) * s2
    b2 = jnp.zeros((HIDDEN,), dtype=jnp.float32)
    W3 = jax.random.normal(ks[5], (HIDDEN, HIDDEN), dtype=jnp.float32) * s2
    b3 = jnp.zeros((HIDDEN,), dtype=jnp.float32)
    Wl = jax.random.normal(ks[6], (HIDDEN, NUM_CLASSES), dtype=jnp.float32) * s2
    bl = jnp.zeros((NUM_CLASSES,), dtype=jnp.float32)
    return {"x": x, "edge_index": edge_index, "batch": batch,
            "W1": W1, "b1": b1, "W2": W2, "b2": b2, "W3": W3, "b3": b3,
            "Wl": Wl, "bl": bl}


def _gcn_conv(x, src, dst, norm, W, b):
    # GCNConv: D^{-1/2} (A + I) D^{-1/2} X W + b  (self-loops already in src/dst)
    xw = x @ W
    msg = jnp.take(xw, src, axis=0) * norm[:, None]
    out = jax.ops.segment_sum(msg, dst, num_segments=x.shape[0])
    return out + b


def reference(x, edge_index, batch, W1, b1, W2, b2, W3, b3, Wl, bl):
    n = x.shape[0]
    loop = jnp.arange(n, dtype=edge_index.dtype)
    src = jnp.concatenate([edge_index[0], loop])
    dst = jnp.concatenate([edge_index[1], loop])
    deg = jnp.zeros((n,), dtype=x.dtype).at[dst].add(1.0)
    dinv = jax.lax.rsqrt(jnp.maximum(deg, 1.0))
    norm = jnp.take(dinv, src) * jnp.take(dinv, dst)
    h = _gcn_conv(x, src, dst, norm, W1, b1)
    h = jax.nn.relu(h)
    h = _gcn_conv(h, src, dst, norm, W2, b2)
    h = jax.nn.relu(h)
    h = _gcn_conv(h, src, dst, norm, W3, b3)
    # global_mean_pool over batch ids
    sums = jax.ops.segment_sum(h, batch, num_segments=NUM_GRAPHS)
    counts = jax.ops.segment_sum(jnp.ones((n,), dtype=h.dtype), batch, num_segments=NUM_GRAPHS)
    pooled = sums / jnp.maximum(counts, 1.0)[:, None]
    # dropout is identity in eval mode
    out = pooled @ Wl + bl
    return out

if __name__ == "__main__":
    import jax
    _d = setup_inputs()
    print(jax.jit(kernel)(*tuple(_d.values())))

</pallas_src>

<mosaic_0001>
#map = affine_map<(d0, d1) -> (0, 0, 0)>
module attributes {stable_mosaic.version = 14 : i64} {
  func.func @_deg_body(%arg0: i32, %arg1: i32, %arg2: memref<32x168x64xi32, #tpu.memory_space<hbm>>, %arg3: memref<2x10240x128xf32, #tpu.memory_space<hbm>>, %arg4: memref<8x64xi32, #tpu.memory_space<vmem>>, %arg5: memref<64x128xf32, #tpu.memory_space<vmem>>, %arg6: memref<64x128xf32, #tpu.memory_space<vmem>>, %arg7: memref<10240x128xf32, #tpu.memory_space<vmem_shared>>) attributes {dimension_semantics = [#tpu.dimension_semantics<core_parallel>, #tpu.dimension_semantics<subcore_parallel>], iteration_bounds = array<i64: 2, 16>, scalar_prefetch = 0 : i64, scratch_operands = 4 : i64, tpu.core_type = #tpu.core_type<sc_vector_subcore>, window_params = [{transform_indices = #map}, {transform_indices = #map}]} {
    %mul3A = arith.constant 16 : i32
    %mul3A_0 = arith.muli %arg0, %mul3A : i32
    %add3A = arith.addi %mul3A_0, %arg1 : i32
    %scan3A = arith.constant 0 : i32
    %scan3A_1 = arith.constant 0 : i32
    %scan3A_2 = arith.constant 64 : i32
    %scan3A_3 = arith.addi %scan3A_1, %scan3A_2 : i32
    %scan3A_4 = arith.constant 1 : i32
    %scan3A_5 = scf.for %scan3A_59 = %scan3A_1 to %scan3A_3 step %scan3A_4 iter_args(%scan3A_60 = %scan3A) -> (i32)  : i32 {
      %broadcast_in_dim3A = arith.constant 0.000000e+00 : f32
      %broadcast_in_dim3A_61 = vector.broadcast %broadcast_in_dim3A : f32 to vector<16xf32>
      %swap3A = arith.index_cast %scan3A_59 : i32 to index
      %swap3A_62 = arith.constant 0 : index
      %swap3A_63 = tpu.vector_load %arg6[%swap3A, %swap3A_62] {strides = array<i32>} : memref<64x128xf32, #tpu.memory_space<vmem>>, vector<1x16xf32>,
      %swap3A_64 = vector.shape_cast %swap3A_63 : vector<1x16xf32> to vector<16xf32>
      %swap3A_65 = vector.shape_cast %broadcast_in_dim3A_61 : vector<16xf32> to vector<1x16xf32>
      tpu.vector_store %arg6[%swap3A, %swap3A_62], %swap3A_65 {strides = array<i32>} : memref<64x128xf32, #tpu.memory_space<vmem>>, vector<1x16xf32>,
      %broadcast_in_dim3A_66 = arith.constant 1.000000e+00 : f32
      %broadcast_in_dim3A_67 = vector.broadcast %broadcast_in_dim3A_66 : f32 to vector<16xf32>
      %swap3A_68 = arith.index_cast %scan3A_59 : i32 to index
      %swap3A_69 = arith.constant 0 : index
      %swap3A_70 = tpu.vector_load %arg5[%swap3A_68, %swap3A_69] {strides = array<i32>} : memref<64x128xf32, #tpu.memory_space<vmem>>, vector<1x16xf32>,
      %swap3A_71 = vector.shape_cast %swap3A_70 : vector<1x16xf32> to vector<16xf32>
      %swap3A_72 = vector.shape_cast %broadcast_in_dim3A_67 : vector<16xf32> to vector<1x16xf32>
      tpu.vector_store %arg5[%swap3A_68, %swap3A_69], %swap3A_72 {strides = array<i32>} : memref<64x128xf32, #tpu.memory_space<vmem>>, vector<1x16xf32>,
      %broadcast_in_dim3A_73 = arith.constant 0.000000e+00 : f32
      %broadcast_in_dim3A_74 = vector.broadcast %broadcast_in_dim3A_73 : f32 to vector<16xf32>
      %swap3A_75 = arith.index_cast %scan3A_59 : i32 to index
      %swap3A_76 = arith.constant 16 : index
      %swap3A_77 = tpu.vector_load %arg6[%swap3A_75, %swap3A_76] {strides = array<i32>} : memref<64x128xf32, #tpu.memory_space<vmem>>, vector<1x16xf32>,
      %swap3A_78 = vector.shape_cast %swap3A_77 : vector<1x16xf32> to vector<16xf32>
      %swap3A_79 = vector.shape_cast %broadcast_in_dim3A_74 : vector<16xf32> to vector<1x16xf32>
      tpu.vector_store %arg6[%swap3A_75, %swap3A_76], %swap3A_79 {strides = array<i32>} : memref<64x128xf32, #tpu.memory_space<vmem>>, vector<1x16xf32>,
      %broadcast_in_dim3A_80 = arith.constant 1.000000e+00 : f32
      %broadcast_in_dim3A_81 = vector.broadcast %broadcast_in_dim3A_80 : f32 to vector<16xf32>
      %swap3A_82 = arith.index_cast %scan3A_59 : i32 to index
      %swap3A_83 = arith.constant 16 : index
      %swap3A_84 = tpu.vector_load %arg5[%swap3A_82, %swap3A_83] {strides = array<i32>} : memref<64x128xf32, #tpu.memory_space<vmem>>, vector<1x16xf32>,
      %swap3A_85 = vector.shape_cast %swap3A_84 : vector<1x16xf32> to vector<16xf32>
      %swap3A_86 = vector.shape_cast %broadcast_in_dim3A_81 : vector<16xf32> to vector<1x16xf32>
      tpu.vector_store %arg5[%swap3A_82, %swap3A_83], %swap3A_86 {strides = array<i32>} : memref<64x128xf32, #tpu.memory_space<vmem>>, vector<1x16xf32>,
      %broadcast_in_dim3A_87 = arith.constant 0.000000e+00 : f32
      %broadcast_in_dim3A_88 = vector.broadcast %broadcast_in_dim3A_87 : f32 to vector<16xf32>
      %swap3A_89 = arith.index_cast %scan3A_59 : i32 to index
      %swap3A_90 = arith.constant 32 : index
      %swap3A_91 = tpu.vector_load %arg6[%swap3A_89, %swap3A_90] {strides = array<i32>} : memref<64x128xf32, #tpu.memory_space<vmem>>, vector<1x16xf32>,
      %swap3A_92 = vector.shape_cast %swap3A_91 : vector<1x16xf32> to vector<16xf32>
      %swap3A_93 = vector.shape_cast %broadcast_in_dim3A_88 : vector<16xf32> to vector<1x16xf32>
      tpu.vector_store %arg6[%swap3A_89, %swap3A_90], %swap3A_93 {strides = array<i32>} : memref<64x128xf32, #tpu.memory_space<vmem>>, vector<1x16xf32>,
      %broadcast_in_dim3A_94 = arith.constant 1.000000e+00 : f32
      %broadcast_in_dim3A_95 = vector.broadcast %broadcast_in_dim3A_94 : f32 to vector<16xf32>
      %swap3A_96 = arith.index_cast %scan3A_59 : i32 to index
      %swap3A_97 = arith.constant 32 : index
      %swap3A_98 = tpu.vector_load %arg5[%swap3A_96, %swap3A_97] {strides = array<i32>} : memref<64x128xf32, #tpu.memory_space<vmem>>, vector<1x16xf32>,
      %swap3A_99 = vector.shape_cast %swap3A_98 : vector<1x16xf32> to vector<16xf32>
      %swap3A_100 = vector.shape_cast %broadcast_in_dim3A_95 : vector<16xf32> to vector<1x16xf32>
      tpu.vector_store %arg5[%swap3A_96, %swap3A_97], %swap3A_100 {strides = array<i32>} : memref<64x128xf32, #tpu.memory_space<vmem>>, vector<1x16xf32>,
      %broadcast_in_dim3A_101 = arith.constant 0.000000e+00 : f32
      %broadcast_in_dim3A_102 = vector.broadcast %broadcast_in_dim3A_101 : f32 to vector<16xf32>
      %swap3A_103 = arith.index_cast %scan3A_59 : i32 to index
      %swap3A_104 = arith.constant 48 : index
      %swap3A_105 = tpu.vector_load %arg6[%swap3A_103, %swap3A_104] {strides = array<i32>} : memref<64x128xf32, #tpu.memory_space<vmem>>, vector<1x16xf32>,
      %swap3A_106 = vector.shape_cast %swap3A_105 : vector<1x16xf32> to vector<16xf32>
      %swap3A_107 = vector.shape_cast %broadcast_in_dim3A_102 : vector<16xf32> to vector<1x16xf32>
      tpu.vector_store %arg6[%swap3A_103, %swap3A_104], %swap3A_107 {strides = array<i32>} : memref<64x128xf32, #tpu.memory_space<vmem>>, vector<1x16xf32>,
      %broadcast_in_dim3A_108 = arith.constant 1.000000e+00 : f32
      %broadcast_in_dim3A_109 = vector.broadcast %broadcast_in_dim3A_108 : f32 to vector<16xf32>
      %swap3A_110 = arith.index_cast %scan3A_59 : i32 to index
      %swap3A_111 = arith.constant 48 : index
      %swap3A_112 = tpu.vector_load %arg5[%swap3A_110, %swap3A_111] {strides = array<i32>} : memref<64x128xf32, #tpu.memory_space<vmem>>, vector<1x16xf32>,
      %swap3A_113 = vector.shape_cast %swap3A_112 : vector<1x16xf32> to vector<16xf32>
      %swap3A_114 = vector.shape_cast %broadcast_in_dim3A_109 : vector<16xf32> to vector<1x16xf32>
      tpu.vector_store %arg5[%swap3A_110, %swap3A_111], %swap3A_114 {strides = array<i32>} : memref<64x128xf32, #tpu.memory_space<vmem>>, vector<1x16xf32>,
      %broadcast_in_dim3A_115 = arith.constant 0.000000e+00 : f32
      %broadcast_in_dim3A_116 = vector.broadcast %broadcast_in_dim3A_115 : f32 to vector<16xf32>
      %swap3A_117 = arith.index_cast %scan3A_59 : i32 to index
      %swap3A_118 = arith.constant 64 : index
      %swap3A_119 = tpu.vector_load %arg6[%swap3A_117, %swap3A_118] {strides = array<i32>} : memref<64x128xf32, #tpu.memory_space<vmem>>, vector<1x16xf32>,
      %swap3A_120 = vector.shape_cast %swap3A_119 : vector<1x16xf32> to vector<16xf32>
      %swap3A_121 = vector.shape_cast %broadcast_in_dim3A_116 : vector<16xf32> to vector<1x16xf32>
      tpu.vector_store %arg6[%swap3A_117, %swap3A_118], %swap3A_121 {strides = array<i32>} : memref<64x128xf32, #tpu.memory_space<vmem>>, vector<1x16xf32>,
      %broadcast_in_dim3A_122 = arith.constant 1.000000e+00 : f32
      %broadcast_in_dim3A_123 = vector.broadcast %broadcast_in_dim3A_122 : f32 to vector<16xf32>
      %swap3A_124 = arith.index_cast %scan3A_59 : i32 to index
      %swap3A_125 = arith.constant 64 : index
      %swap3A_126 = tpu.vector_load %arg5[%swap3A_124, %swap3A_125] {strides = array<i32>} : memref<64x128xf32, #tpu.memory_space<vmem>>, vector<1x16xf32>,
      %swap3A_127 = vector.shape_cast %swap3A_126 : vector<1x16xf32> to vector<16xf32>
      %swap3A_128 = vector.shape_cast %broadcast_in_dim3A_123 : vector<16xf32> to vector<1x16xf32>
      tpu.vector_store %arg5[%swap3A_124, %swap3A_125], %swap3A_128 {strides = array<i32>} : memref<64x128xf32, #tpu.memory_space<vmem>>, vector<1x16xf32>,
      %broadcast_in_dim3A_129 = arith.constant 0.000000e+00 : f32
      %broadcast_in_dim3A_130 = vector.broadcast %broadcast_in_dim3A_129 : f32 to vector<16xf32>
      %swap3A_131 = arith.index_cast %scan3A_59 : i32 to index
      %swap3A_132 = arith.constant 80 : index
      %swap3A_133 = tpu.vector_load %arg6[%swap3A_131, %swap3A_132] {strides = array<i32>} : memref<64x128xf32, #tpu.memory_space<vmem>>, vector<1x16xf32>,
      %swap3A_134 = vector.shape_cast %swap3A_133 : vector<1x16xf32> to vector<16xf32>
      %swap3A_135 = vector.shape_cast %broadcast_in_dim3A_130 : vector<16xf32> to vector<1x16xf32>
      tpu.vector_store %arg6[%swap3A_131, %swap3A_132], %swap3A_135 {strides = array<i32>} : memref<64x128xf32, #tpu.memory_space<vmem>>, vector<1x16xf32>,
      %broadcast_in_dim3A_136 = arith.constant 1.000000e+00 : f32
      %broadcast_in_dim3A_137 = vector.broadcast %broadcast_in_dim3A_136 : f32 to vector<16xf32>
      %swap3A_138 = arith.index_cast %scan3A_59 : i32 to index
      %swap3A_139 = arith.constant 80 : index
      %swap3A_140 = tpu.vector_load %arg5[%swap3A_138, %swap3A_139] {strides = array<i32>} : memref<64x128xf32, #tpu.memory_space<vmem>>, vector<1x16xf32>,
      %swap3A_141 = vector.shape_cast %swap3A_140 : vector<1x16xf32> to vector<16xf32>
      %swap3A_142 = vector.shape_cast %broadcast_in_dim3A_137 : vector<16xf32> to vector<1x16xf32>
      tpu.vector_store %arg5[%swap3A_138, %swap3A_139], %swap3A_142 {strides = array<i32>} : memref<64x128xf32, #tpu.memory_space<vmem>>, vector<1x16xf32>,
      %broadcast_in_dim3A_143 = arith.constant 0.000000e+00 : f32
      %broadcast_in_dim3A_144 = vector.broadcast %broadcast_in_dim3A_143 : f32 to vector<16xf32>
      %swap3A_145 = arith.index_cast %scan3A_59 : i32 to index
      %swap3A_146 = arith.constant 96 : index
      %swap3A_147 = tpu.vector_load %arg6[%swap3A_145, %swap3A_146] {strides = array<i32>} : memref<64x128xf32, #tpu.memory_space<vmem>>, vector<1x16xf32>,
      %swap3A_148 = vector.shape_cast %swap3A_147 : vector<1x16xf32> to vector<16xf32>
      %swap3A_149 = vector.shape_cast %broadcast_in_dim3A_144 : vector<16xf32> to vector<1x16xf32>
      tpu.vector_store %arg6[%swap3A_145, %swap3A_146], %swap3A_149 {strides = array<i32>} : memref<64x128xf32, #tpu.memory_space<vmem>>, vector<1x16xf32>,
      %broadcast_in_dim3A_150 = arith.constant 1.000000e+00 : f32
      %broadcast_in_dim3A_151 = vector.broadcast %broadcast_in_dim3A_150 : f32 to vector<16xf32>
      %swap3A_152 = arith.index_cast %scan3A_59 : i32 to index
      %swap3A_153 = arith.constant 96 : index
      %swap3A_154 = tpu.vector_load %arg5[%swap3A_152, %swap3A_153] {strides = array<i32>} : memref<64x128xf32, #tpu.memory_space<vmem>>, vector<1x16xf32>,
      %swap3A_155 = vector.shape_cast %swap3A_154 : vector<1x16xf32> to vector<16xf32>
      %swap3A_156 = vector.shape_cast %broadcast_in_dim3A_151 : vector<16xf32> to vector<1x16xf32>
      tpu.vector_store %arg5[%swap3A_152, %swap3A_153], %swap3A_156 {strides = array<i32>} : memref<64x128xf32, #tpu.memory_space<vmem>>, vector<1x16xf32>,
      %broadcast_in_dim3A_157 = arith.constant 0.000000e+00 : f32
      %broadcast_in_dim3A_158 = vector.broadcast %broadcast_in_dim3A_157 : f32 to vector<16xf32>
      %swap3A_159 = arith.index_cast %scan3A_59 : i32 to index
      %swap3A_160 = arith.constant 112 : index
      %swap3A_161 = tpu.vector_load %arg6[%swap3A_159, %swap3A_160] {strides = array<i32>} : memref<64x128xf32, #tpu.memory_space<vmem>>, vector<1x16xf32>,
      %swap3A_162 = vector.shape_cast %swap3A_161 : vector<1x16xf32> to vector<16xf32>
      %swap3A_163 = vector.shape_cast %broadcast_in_dim3A_158 : vector<16xf32> to vector<1x16xf32>
      tpu.vector_store %arg6[%swap3A_159, %swap3A_160], %swap3A_163 {strides = array<i32>} : memref<64x128xf32, #tpu.memory_space<vmem>>, vector<1x16xf32>,
      %broadcast_in_dim3A_164 = arith.constant 1.000000e+00 : f32
      %broadcast_in_dim3A_165 = vector.broadcast %broadcast_in_dim3A_164 : f32 to vector<16xf32>
      %swap3A_166 = arith.index_cast %scan3A_59 : i32 to index
      %swap3A_167 = arith.constant 112 : index
      %swap3A_168 = tpu.vector_load %arg5[%swap3A_166, %swap3A_167] {strides = array<i32>} : memref<64x128xf32, #tpu.memory_space<vmem>>, vector<1x16xf32>,
      %swap3A_169 = vector.shape_cast %swap3A_168 : vector<1x16xf32> to vector<16xf32>
      %swap3A_170 = vector.shape_cast %broadcast_in_dim3A_165 : vector<16xf32> to vector<1x16xf32>
      tpu.vector_store %arg5[%swap3A_166, %swap3A_167], %swap3A_170 {strides = array<i32>} : memref<64x128xf32, #tpu.memory_space<vmem>>, vector<1x16xf32>,
      %scan3A_171 = arith.constant 0 : i32
      scf.yield %scan3A_171 : i32
    }
    %scan3A_6 = arith.constant 64 : i32
    %mul3A_7 = arith.constant 640 : i32
    %mul3A_8 = arith.muli %arg1, %mul3A_7 : i32
    %add3A_9 = arith.constant 0 : i32
    %add3A_10 = arith.addi %mul3A_8, %add3A_9 : i32
    "tpu.region"() ({
      %run_scoped3A = tpu.sem_alloc : memref<!tpu.dma_semaphore, #tpu.memory_space<semaphore_mem>>
      %dma_start3A = arith.constant 0 : i32
      %dma_start3A_59 = tpu.memref_slice %arg7[%add3A_10, %dma_start3A] : memref<10240x128xf32, #tpu.memory_space<vmem_shared>> -> memref<64x128xf32, #tpu.memory_space<vmem_shared>>
      %dma_start3A_60 = arith.constant 0 : i32
      %dma_start3A_61 = tpu.memref_slice %arg7[%add3A_10, %dma_start3A_60] : memref<10240x128xf32, #tpu.memory_space<vmem_shared>> -> memref<64x128xf32, #tpu.memory_space<vmem_shared>>
      tpu.enqueue_dma source(%arg6 : memref<64x128xf32, #tpu.memory_space<vmem>>) target(%dma_start3A_61 : memref<64x128xf32, #tpu.memory_space<vmem_shared>>) target_semaphore(%run_scoped3A : memref<!tpu.dma_semaphore, #tpu.memory_space<semaphore_mem>>)
      %dma_wait3A = arith.constant 0 : i32
      %dma_wait3A_62 = tpu.memref_slice %arg7[%add3A_10, %dma_wait3A] : memref<10240x128xf32, #tpu.memory_space<vmem_shared>> -> memref<64x128xf32, #tpu.memory_space<vmem_shared>>
      %dma_wait3A_63 = arith.constant 0 : i32
      %dma_wait3A_64 = tpu.memref_slice %arg7[%add3A_10, %dma_wait3A_63] : memref<10240x128xf32, #tpu.memory_space<vmem_shared>> -> memref<64x128xf32, #tpu.memory_space<vmem_shared>>
      tpu.wait_dma2 semaphore(%run_scoped3A : memref<!tpu.dma_semaphore, #tpu.memory_space<semaphore_mem>>) src(%arg6 : memref<64x128xf32, #tpu.memory_space<vmem>>) dst(%dma_wait3A_64 : memref<64x128xf32, #tpu.memory_space<vmem_shared>>)
      tpu.yield
    }) : () -> ()
    %mul3A_11 = arith.constant 640 : i32
    %mul3A_12 = arith.muli %arg1, %mul3A_11 : i32
    %add3A_13 = arith.constant 64 : i32
    %add3A_14 = arith.addi %mul3A_12, %add3A_13 : i32
    "tpu.region"() ({
      %run_scoped3A = tpu.sem_alloc : memref<!tpu.dma_semaphore, #tpu.memory_space<semaphore_mem>>
      %dma_start3A = arith.constant 0 : i32
      %dma_start3A_59 = tpu.memref_slice %arg7[%add3A_14, %dma_start3A] : memref<10240x128xf32, #tpu.memory_space<vmem_shared>> -> memref<64x128xf32, #tpu.memory_space<vmem_shared>>
      %dma_start3A_60 = arith.constant 0 : i32
      %dma_start3A_61 = tpu.memref_slice %arg7[%add3A_14, %dma_start3A_60] : memref<10240x128xf32, #tpu.memory_space<vmem_shared>> -> memref<64x128xf32, #tpu.memory_space<vmem_shared>>
      tpu.enqueue_dma source(%arg6 : memref<64x128xf32, #tpu.memory_space<vmem>>) target(%dma_start3A_61 : memref<64x128xf32, #tpu.memory_space<vmem_shared>>) target_semaphore(%run_scoped3A : memref<!tpu.dma_semaphore, #tpu.memory_space<semaphore_mem>>)
      %dma_wait3A = arith.constant 0 : i32
      %dma_wait3A_62 = tpu.memref_slice %arg7[%add3A_14, %dma_wait3A] : memref<10240x128xf32, #tpu.memory_space<vmem_shared>> -> memref<64x128xf32, #tpu.memory_space<vmem_shared>>
      %dma_wait3A_63 = arith.constant 0 : i32
      %dma_wait3A_64 = tpu.memref_slice %arg7[%add3A_14, %dma_wait3A_63] : memref<10240x128xf32, #tpu.memory_space<vmem_shared>> -> memref<64x128xf32, #tpu.memory_space<vmem_shared>>
      tpu.wait_dma2 semaphore(%run_scoped3A : memref<!tpu.dma_semaphore, #tpu.memory_space<semaphore_mem>>) src(%arg6 : memref<64x128xf32, #tpu.memory_space<vmem>>) dst(%dma_wait3A_64 : memref<64x128xf32, #tpu.memory_space<vmem_shared>>)
      tpu.yield
    }) : () -> ()
    %mul3A_15 = arith.constant 640 : i32
    %mul3A_16 = arith.muli %arg1, %mul3A_15 : i32
    %add3A_17 = arith.constant 128 : i32
    %add3A_18 = arith.addi %mul3A_16, %add3A_17 : i32
    "tpu.region"() ({
      %run_scoped3A = tpu.sem_alloc : memref<!tpu.dma_semaphore, #tpu.memory_space<semaphore_mem>>
      %dma_start3A = arith.constant 0 : i32
      %dma_start3A_59 = tpu.memref_slice %arg7[%add3A_18, %dma_start3A] : memref<10240x128xf32, #tpu.memory_space<vmem_shared>> -> memref<64x128xf32, #tpu.memory_space<vmem_shared>>
      %dma_start3A_60 = arith.constant 0 : i32
      %dma_start3A_61 = tpu.memref_slice %arg7[%add3A_18, %dma_start3A_60] : memref<10240x128xf32, #tpu.memory_space<vmem_shared>> -> memref<64x128xf32, #tpu.memory_space<vmem_shared>>
      tpu.enqueue_dma source(%arg6 : memref<64x128xf32, #tpu.memory_space<vmem>>) target(%dma_start3A_61 : memref<64x128xf32, #tpu.memory_space<vmem_shared>>) target_semaphore(%run_scoped3A : memref<!tpu.dma_semaphore, #tpu.memory_space<semaphore_mem>>)
      %dma_wait3A = arith.constant 0 : i32
      %dma_wait3A_62 = tpu.memref_slice %arg7[%add3A_18, %dma_wait3A] : memref<10240x128xf32, #tpu.memory_space<vmem_shared>> -> memref<64x128xf32, #tpu.memory_space<vmem_shared>>
      %dma_wait3A_63 = arith.constant 0 : i32
      %dma_wait3A_64 = tpu.memref_slice %arg7[%add3A_18, %dma_wait3A_63] : memref<10240x128xf32, #tpu.memory_space<vmem_shared>> -> memref<64x128xf32, #tpu.memory_space<vmem_shared>>
      tpu.wait_dma2 semaphore(%run_scoped3A : memref<!tpu.dma_semaphore, #tpu.memory_space<semaphore_mem>>) src(%arg6 : memref<64x128xf32, #tpu.memory_space<vmem>>) dst(%dma_wait3A_64 : memref<64x128xf32, #tpu.memory_space<vmem_shared>>)
      tpu.yield
    }) : () -> ()
    %mul3A_19 = arith.constant 640 : i32
    %mul3A_20 = arith.muli %arg1, %mul3A_19 : i32
    %add3A_21 = arith.constant 192 : i32
    %add3A_22 = arith.addi %mul3A_20, %add3A_21 : i32
    "tpu.region"() ({
      %run_scoped3A = tpu.sem_alloc : memref<!tpu.dma_semaphore, #tpu.memory_space<semaphore_mem>>
      %dma_start3A = arith.constant 0 : i32
      %dma_start3A_59 = tpu.memref_slice %arg7[%add3A_22, %dma_start3A] : memref<10240x128xf32, #tpu.memory_space<vmem_shared>> -> memref<64x128xf32, #tpu.memory_space<vmem_shared>>
      %dma_start3A_60 = arith.constant 0 : i32
      %dma_start3A_61 = tpu.memref_slice %arg7[%add3A_22, %dma_start3A_60] : memref<10240x128xf32, #tpu.memory_space<vmem_shared>> -> memref<64x128xf32, #tpu.memory_space<vmem_shared>>
      tpu.enqueue_dma source(%arg6 : memref<64x128xf32, #tpu.memory_space<vmem>>) target(%dma_start3A_61 : memref<64x128xf32, #tpu.memory_space<vmem_shared>>) target_semaphore(%run_scoped3A : memref<!tpu.dma_semaphore, #tpu.memory_space<semaphore_mem>>)
      %dma_wait3A = arith.constant 0 : i32
      %dma_wait3A_62 = tpu.memref_slice %arg7[%add3A_22, %dma_wait3A] : memref<10240x128xf32, #tpu.memory_space<vmem_shared>> -> memref<64x128xf32, #tpu.memory_space<vmem_shared>>
      %dma_wait3A_63 = arith.constant 0 : i32
      %dma_wait3A_64 = tpu.memref_slice %arg7[%add3A_22, %dma_wait3A_63] : memref<10240x128xf32, #tpu.memory_space<vmem_shared>> -> memref<64x128xf32, #tpu.memory_space<vmem_shared>>
      tpu.wait_dma2 semaphore(%run_scoped3A : memref<!tpu.dma_semaphore, #tpu.memory_space<semaphore_mem>>) src(%arg6 : memref<64x128xf32, #tpu.memory_space<vmem>>) dst(%dma_wait3A_64 : memref<64x128xf32, #tpu.memory_space<vmem_shared>>)
      tpu.yield
    }) : () -> ()
    %mul3A_23 = arith.constant 640 : i32
    %mul3A_24 = arith.muli %arg1, %mul3A_23 : i32
    %add3A_25 = arith.constant 256 : i32
    %add3A_26 = arith.addi %mul3A_24, %add3A_25 : i32
    "tpu.region"() ({
      %run_scoped3A = tpu.sem_alloc : memref<!tpu.dma_semaphore, #tpu.memory_space<semaphore_mem>>
      %dma_start3A = arith.constant 0 : i32
      %dma_start3A_59 = tpu.memref_slice %arg7[%add3A_26, %dma_start3A] : memref<10240x128xf32, #tpu.memory_space<vmem_shared>> -> memref<64x128xf32, #tpu.memory_space<vmem_shared>>
      %dma_start3A_60 = arith.constant 0 : i32
      %dma_start3A_61 = tpu.memref_slice %arg7[%add3A_26, %dma_start3A_60] : memref<10240x128xf32, #tpu.memory_space<vmem_shared>> -> memref<64x128xf32, #tpu.memory_space<vmem_shared>>
      tpu.enqueue_dma source(%arg6 : memref<64x128xf32, #tpu.memory_space<vmem>>) target(%dma_start3A_61 : memref<64x128xf32, #tpu.memory_space<vmem_shared>>) target_semaphore(%run_scoped3A : memref<!tpu.dma_semaphore, #tpu.memory_space<semaphore_mem>>)
      %dma_wait3A = arith.constant 0 : i32
      %dma_wait3A_62 = tpu.memref_slice %arg7[%add3A_26, %dma_wait3A] : memref<10240x128xf32, #tpu.memory_space<vmem_shared>> -> memref<64x128xf32, #tpu.memory_space<vmem_shared>>
      %dma_wait3A_63 = arith.constant 0 : i32
      %dma_wait3A_64 = tpu.memref_slice %arg7[%add3A_26, %dma_wait3A_63] : memref<10240x128xf32, #tpu.memory_space<vmem_shared>> -> memref<64x128xf32, #tpu.memory_space<vmem_shared>>
      tpu.wait_dma2 semaphore(%run_scoped3A : memref<!tpu.dma_semaphore, #tpu.memory_space<semaphore_mem>>) src(%arg6 : memref<64x128xf32, #tpu.memory_space<vmem>>) dst(%dma_wait3A_64 : memref<64x128xf32, #tpu.memory_space<vmem_shared>>)
      tpu.yield
    }) : () -> ()
    %mul3A_27 = arith.constant 640 : i32
    %mul3A_28 = arith.muli %arg1, %mul3A_27 : i32
    %add3A_29 = arith.constant 320 : i32
    %add3A_30 = arith.addi %mul3A_28, %add3A_29 : i32
    "tpu.region"() ({
      %run_scoped3A = tpu.sem_alloc : memref<!tpu.dma_semaphore, #tpu.memory_space<semaphore_mem>>
      %dma_start3A = arith.constant 0 : i32
      %dma_start3A_59 = tpu.memref_slice %arg7[%add3A_30, %dma_start3A] : memref<10240x128xf32, #tpu.memory_space<vmem_shared>> -> memref<64x128xf32, #tpu.memory_space<vmem_shared>>
      %dma_start3A_60 = arith.constant 0 : i32
      %dma_start3A_61 = tpu.memref_slice %arg7[%add3A_30, %dma_start3A_60] : memref<10240x128xf32, #tpu.memory_space<vmem_shared>> -> memref<64x128xf32, #tpu.memory_space<vmem_shared>>
      tpu.enqueue_dma source(%arg6 : memref<64x128xf32, #tpu.memory_space<vmem>>) target(%dma_start3A_61 : memref<64x128xf32, #tpu.memory_space<vmem_shared>>) target_semaphore(%run_scoped3A : memref<!tpu.dma_semaphore, #tpu.memory_space<semaphore_mem>>)
      %dma_wait3A = arith.constant 0 : i32
      %dma_wait3A_62 = tpu.memref_slice %arg7[%add3A_30, %dma_wait3A] : memref<10240x128xf32, #tpu.memory_space<vmem_shared>> -> memref<64x128xf32, #tpu.memory_space<vmem_shared>>
      %dma_wait3A_63 = arith.constant 0 : i32
      %dma_wait3A_64 = tpu.memref_slice %arg7[%add3A_30, %dma_wait3A_63] : memref<10240x128xf32, #tpu.memory_space<vmem_shared>> -> memref<64x128xf32, #tpu.memory_space<vmem_shared>>
      tpu.wait_dma2 semaphore(%run_scoped3A : memref<!tpu.dma_semaphore, #tpu.memory_space<semaphore_mem>>) src(%arg6 : memref<64x128xf32, #tpu.memory_space<vmem>>) dst(%dma_wait3A_64 : memref<64x128xf32, #tpu.memory_space<vmem_shared>>)
      tpu.yield
    }) : () -> ()
    %mul3A_31 = arith.constant 640 : i32
    %mul3A_32 = arith.muli %arg1, %mul3A_31 : i32
    %add3A_33 = arith.constant 384 : i32
    %add3A_34 = arith.addi %mul3A_32, %add3A_33 : i32
    "tpu.region"() ({
      %run_scoped3A = tpu.sem_alloc : memref<!tpu.dma_semaphore, #tpu.memory_space<semaphore_mem>>
      %dma_start3A = arith.constant 0 : i32
      %dma_start3A_59 = tpu.memref_slice %arg7[%add3A_34, %dma_start3A] : memref<10240x128xf32, #tpu.memory_space<vmem_shared>> -> memref<64x128xf32, #tpu.memory_space<vmem_shared>>
      %dma_start3A_60 = arith.constant 0 : i32
      %dma_start3A_61 = tpu.memref_slice %arg7[%add3A_34, %dma_start3A_60] : memref<10240x128xf32, #tpu.memory_space<vmem_shared>> -> memref<64x128xf32, #tpu.memory_space<vmem_shared>>
      tpu.enqueue_dma source(%arg6 : memref<64x128xf32, #tpu.memory_space<vmem>>) target(%dma_start3A_61 : memref<64x128xf32, #tpu.memory_space<vmem_shared>>) target_semaphore(%run_scoped3A : memref<!tpu.dma_semaphore, #tpu.memory_space<semaphore_mem>>)
      %dma_wait3A = arith.constant 0 : i32
      %dma_wait3A_62 = tpu.memref_slice %arg7[%add3A_34, %dma_wait3A] : memref<10240x128xf32, #tpu.memory_space<vmem_shared>> -> memref<64x128xf32, #tpu.memory_space<vmem_shared>>
      %dma_wait3A_63 = arith.constant 0 : i32
      %dma_wait3A_64 = tpu.memref_slice %arg7[%add3A_34, %dma_wait3A_63] : memref<10240x128xf32, #tpu.memory_space<vmem_shared>> -> memref<64x128xf32, #tpu.memory_space<vmem_shared>>
      tpu.wait_dma2 semaphore(%run_scoped3A : memref<!tpu.dma_semaphore, #tpu.memory_space<semaphore_mem>>) src(%arg6 : memref<64x128xf32, #tpu.memory_space<vmem>>) dst(%dma_wait3A_64 : memref<64x128xf32, #tpu.memory_space<vmem_shared>>)
      tpu.yield
    }) : () -> ()
    %mul3A_35 = arith.constant 640 : i32
    %mul3A_36 = arith.muli %arg1, %mul3A_35 : i32
    %add3A_37 = arith.constant 448 : i32
    %add3A_38 = arith.addi %mul3A_36, %add3A_37 : i32
    "tpu.region"() ({
      %run_scoped3A = tpu.sem_alloc : memref<!tpu.dma_semaphore, #tpu.memory_space<semaphore_mem>>
      %dma_start3A = arith.constant 0 : i32
      %dma_start3A_59 = tpu.memref_slice %arg7[%add3A_38, %dma_start3A] : memref<10240x128xf32, #tpu.memory_space<vmem_shared>> -> memref<64x128xf32, #tpu.memory_space<vmem_shared>>
      %dma_start3A_60 = arith.constant 0 : i32
      %dma_start3A_61 = tpu.memref_slice %arg7[%add3A_38, %dma_start3A_60] : memref<10240x128xf32, #tpu.memory_space<vmem_shared>> -> memref<64x128xf32, #tpu.memory_space<vmem_shared>>
      tpu.enqueue_dma source(%arg6 : memref<64x128xf32, #tpu.memory_space<vmem>>) target(%dma_start3A_61 : memref<64x128xf32, #tpu.memory_space<vmem_shared>>) target_semaphore(%run_scoped3A : memref<!tpu.dma_semaphore, #tpu.memory_space<semaphore_mem>>)
      %dma_wait3A = arith.constant 0 : i32
      %dma_wait3A_62 = tpu.memref_slice %arg7[%add3A_38, %dma_wait3A] : memref<10240x128xf32, #tpu.memory_space<vmem_shared>> -> memref<64x128xf32, #tpu.memory_space<vmem_shared>>
      %dma_wait3A_63 = arith.constant 0 : i32
      %dma_wait3A_64 = tpu.memref_slice %arg7[%add3A_38, %dma_wait3A_63] : memref<10240x128xf32, #tpu.memory_space<vmem_shared>> -> memref<64x128xf32, #tpu.memory_space<vmem_shared>>
      tpu.wait_dma2 semaphore(%run_scoped3A : memref<!tpu.dma_semaphore, #tpu.memory_space<semaphore_mem>>) src(%arg6 : memref<64x128xf32, #tpu.memory_space<vmem>>) dst(%dma_wait3A_64 : memref<64x128xf32, #tpu.memory_space<vmem_shared>>)
      tpu.yield
    }) : () -> ()
    %mul3A_39 = arith.constant 640 : i32
    %mul3A_40 = arith.muli %arg1, %mul3A_39 : i32
    %add3A_41 = arith.constant 512 : i32
    %add3A_42 = arith.addi %mul3A_40, %add3A_41 : i32
    "tpu.region"() ({
      %run_scoped3A = tpu.sem_alloc : memref<!tpu.dma_semaphore, #tpu.memory_space<semaphore_mem>>
      %dma_start3A = arith.constant 0 : i32
      %dma_start3A_59 = tpu.memref_slice %arg7[%add3A_42, %dma_start3A] : memref<10240x128xf32, #tpu.memory_space<vmem_shared>> -> memref<64x128xf32, #tpu.memory_space<vmem_shared>>
      %dma_start3A_60 = arith.constant 0 : i32
      %dma_start3A_61 = tpu.memref_slice %arg7[%add3A_42, %dma_start3A_60] : memref<10240x128xf32, #tpu.memory_space<vmem_shared>> -> memref<64x128xf32, #tpu.memory_space<vmem_shared>>
      tpu.enqueue_dma source(%arg6 : memref<64x128xf32, #tpu.memory_space<vmem>>) target(%dma_start3A_61 : memref<64x128xf32, #tpu.memory_space<vmem_shared>>) target_semaphore(%run_scoped3A : memref<!tpu.dma_semaphore, #tpu.memory_space<semaphore_mem>>)
      %dma_wait3A = arith.constant 0 : i32
      %dma_wait3A_62 = tpu.memref_slice %arg7[%add3A_42, %dma_wait3A] : memref<10240x128xf32, #tpu.memory_space<vmem_shared>> -> memref<64x128xf32, #tpu.memory_space<vmem_shared>>
      %dma_wait3A_63 = arith.constant 0 : i32
      %dma_wait3A_64 = tpu.memref_slice %arg7[%add3A_42, %dma_wait3A_63] : memref<10240x128xf32, #tpu.memory_space<vmem_shared>> -> memref<64x128xf32, #tpu.memory_space<vmem_shared>>
      tpu.wait_dma2 semaphore(%run_scoped3A : memref<!tpu.dma_semaphore, #tpu.memory_space<semaphore_mem>>) src(%arg6 : memref<64x128xf32, #tpu.memory_space<vmem>>) dst(%dma_wait3A_64 : memref<64x128xf32, #tpu.memory_space<vmem_shared>>)
      tpu.yield
    }) : () -> ()
    %mul3A_43 = arith.constant 640 : i32
    %mul3A_44 = arith.muli %arg1, %mul3A_43 : i32
    %add3A_45 = arith.constant 576 : i32
    %add3A_46 = arith.addi %mul3A_44, %add3A_45 : i32
    "tpu.region"() ({
      %run_scoped3A = tpu.sem_alloc : memref<!tpu.dma_semaphore, #tpu.memory_space<semaphore_mem>>
      %dma_start3A = arith.constant 0 : i32
      %dma_start3A_59 = tpu.memref_slice %arg7[%add3A_46, %dma_start3A] : memref<10240x128xf32, #tpu.memory_space<vmem_shared>> -> memref<64x128xf32, #tpu.memory_space<vmem_shared>>
      %dma_start3A_60 = arith.constant 0 : i32
      %dma_start3A_61 = tpu.memref_slice %arg7[%add3A_46, %dma_start3A_60] : memref<10240x128xf32, #tpu.memory_space<vmem_shared>> -> memref<64x128xf32, #tpu.memory_space<vmem_shared>>
      tpu.enqueue_dma source(%arg6 : memref<64x128xf32, #tpu.memory_space<vmem>>) target(%dma_start3A_61 : memref<64x128xf32, #tpu.memory_space<vmem_shared>>) target_semaphore(%run_scoped3A : memref<!tpu.dma_semaphore, #tpu.memory_space<semaphore_mem>>)
      %dma_wait3A = arith.constant 0 : i32
      %dma_wait3A_62 = tpu.memref_slice %arg7[%add3A_46, %dma_wait3A] : memref<10240x128xf32, #tpu.memory_space<vmem_shared>> -> memref<64x128xf32, #tpu.memory_space<vmem_shared>>
      %dma_wait3A_63 = arith.constant 0 : i32
      %dma_wait3A_64 = tpu.memref_slice %arg7[%add3A_46, %dma_wait3A_63] : memref<10240x128xf32, #tpu.memory_space<vmem_shared>> -> memref<64x128xf32, #tpu.memory_space<vmem_shared>>
      tpu.wait_dma2 semaphore(%run_scoped3A : memref<!tpu.dma_semaphore, #tpu.memory_space<semaphore_mem>>) src(%arg6 : memref<64x128xf32, #tpu.memory_space<vmem>>) dst(%dma_wait3A_64 : memref<64x128xf32, #tpu.memory_space<vmem_shared>>)
      tpu.yield
    }) : () -> ()
    %barrier3A = arith.constant 0 : index
    tpu.barrier barrier_id(%barrier3A)
    %scan3A_47 = arith.constant 0 : i32
    %scan3A_48 = arith.constant 0 : i32
    %scan3A_49 = arith.constant 21 : i32
    %scan3A_50 = arith.addi %scan3A_48, %scan3A_49 : i32
    %scan3A_51 = arith.constant 1 : i32
    %scan3A_52 = scf.for %scan3A_59 = %scan3A_48 to %scan3A_50 step %scan3A_51 iter_args(%scan3A_60 = %scan3A_47) -> (i32)  : i32 {
      %mul3A_61 = arith.constant 8 : i32
      %mul3A_62 = arith.muli %scan3A_59, %mul3A_61 : i32
      "tpu.region"() ({
        %run_scoped3A = tpu.sem_alloc : memref<!tpu.dma_semaphore, #tpu.memory_space<semaphore_mem>>
        %dma_start3A = arith.constant 0 : i32
        %dma_start3A_71 = tpu.memref_slice %arg2[%add3A, %mul3A_62, %dma_start3A] : memref<32x168x64xi32, #tpu.memory_space<hbm>> -> memref<1x8x64xi32, #tpu.memory_space<hbm>>
        %dma_start3A_72 = tpu.memref_squeeze %dma_start3A_71 : memref<1x8x64xi32, #tpu.memory_space<hbm>> -> memref<8x64xi32, #tpu.memory_space<hbm>>
        %dma_start3A_73 = arith.constant 0 : i32
        %dma_start3A_74 = tpu.memref_slice %arg2[%add3A, %mul3A_62, %dma_start3A_73] : memref<32x168x64xi32, #tpu.memory_space<hbm>> -> memref<1x8x64xi32, #tpu.memory_space<hbm>>
        %dma_start3A_75 = tpu.memref_squeeze %dma_start3A_74 : memref<1x8x64xi32, #tpu.memory_space<hbm>> -> memref<8x64xi32, #tpu.memory_space<hbm>>
        tpu.enqueue_dma source(%dma_start3A_75 : memref<8x64xi32, #tpu.memory_space<hbm>>) target(%arg4 : memref<8x64xi32, #tpu.memory_space<vmem>>) target_semaphore(%run_scoped3A : memref<!tpu.dma_semaphore, #tpu.memory_space<semaphore_mem>>)
        %dma_wait3A = arith.constant 0 : i32
        %dma_wait3A_76 = tpu.memref_slice %arg2[%add3A, %mul3A_62, %dma_wait3A] : memref<32x168x64xi32, #tpu.memory_space<hbm>> -> memref<1x8x64xi32, #tpu.memory_space<hbm>>
        %dma_wait3A_77 = tpu.memref_squeeze %dma_wait3A_76 : memref<1x8x64xi32, #tpu.memory_space<hbm>> -> memref<8x64xi32, #tpu.memory_space<hbm>>
        %dma_wait3A_78 = arith.constant 0 : i32
        %dma_wait3A_79 = tpu.memref_slice %arg2[%add3A, %mul3A_62, %dma_wait3A_78] : memref<32x168x64xi32, #tpu.memory_space<hbm>> -> memref<1x8x64xi32, #tpu.memory_space<hbm>>
        %dma_wait3A_80 = tpu.memref_squeeze %dma_wait3A_79 : memref<1x8x64xi32, #tpu.memory_space<hbm>> -> memref<8x64xi32, #tpu.memory_space<hbm>>
        tpu.wait_dma2 semaphore(%run_scoped3A : memref<!tpu.dma_semaphore, #tpu.memory_space<semaphore_mem>>) src(%dma_wait3A_80 : memref<8x64xi32, #tpu.memory_space<hbm>>) dst(%arg4 : memref<8x64xi32, #tpu.memory_space<vmem>>)
        tpu.yield
      }) : () -> ()
      %scan3A_63 = arith.constant 0 : i32
      %scan3A_64 = arith.constant 0 : i32
      %scan3A_65 = arith.constant 8 : i32
      %scan3A_66 = arith.addi %scan3A_64, %scan3A_65 : i32
      %scan3A_67 = arith.constant 1 : i32
      %scan3A_68 = scf.for %scan3A_71 = %scan3A_64 to %scan3A_66 step %scan3A_67 iter_args(%scan3A_72 = %scan3A_63) -> (i32)  : i32 {
        "tpu.region"() ({
          %run_scoped3A = tpu.sem_alloc : memref<!tpu.dma_semaphore, #tpu.memory_space<semaphore_mem>>
          %dma_start3A = arith.constant 0 : i32
          %dma_start3A_74 = tpu.memref_slice %arg4[%scan3A_71, %dma_start3A] : memref<8x64xi32, #tpu.memory_space<vmem>> -> memref<1x64xi32, #tpu.memory_space<vmem>>
          %dma_start3A_75 = tpu.memref_squeeze %dma_start3A_74 : memref<1x64xi32, #tpu.memory_space<vmem>> -> memref<64xi32, #tpu.memory_space<vmem>>
          %dma_start3A_76 = arith.constant 0 : i32
          %dma_start3A_77 = arith.constant 0 : i32
          %dma_start3A_78 = tpu.memref_slice %arg7[%dma_start3A_76, %dma_start3A_77] : memref<10240x128xf32, #tpu.memory_space<vmem_shared>> -> memref<10240x128xf32, #tpu.memory_space<vmem_shared>>
          tpu.enqueue_indirect_dma source(%arg5 : memref<64x128xf32, #tpu.memory_space<vmem>>) target(%dma_start3A_78 : memref<10240x128xf32, #tpu.memory_space<vmem_shared>>) offsets(%dma_start3A_75 : memref<64xi32, #tpu.memory_space<vmem>>) semaphore(%run_scoped3A : memref<!tpu.dma_semaphore, #tpu.memory_space<semaphore_mem>>) {add = true}
          %dma_wait3A = arith.constant 0 : i32
          %dma_wait3A_79 = tpu.memref_slice %arg4[%scan3A_71, %dma_wait3A] : memref<8x64xi32, #tpu.memory_space<vmem>> -> memref<1x64xi32, #tpu.memory_space<vmem>>
          %dma_wait3A_80 = tpu.memref_squeeze %dma_wait3A_79 : memref<1x64xi32, #tpu.memory_space<vmem>> -> memref<64xi32, #tpu.memory_space<vmem>>
          %dma_wait3A_81 = arith.constant 0 : i32
          %dma_wait3A_82 = arith.constant 0 : i32
          %dma_wait3A_83 = tpu.memref_slice %arg7[%dma_wait3A_81, %dma_wait3A_82] : memref<10240x128xf32, #tpu.memory_space<vmem_shared>> -> memref<10240x128xf32, #tpu.memory_space<vmem_shared>>
          tpu.wait_indirect_dma semaphore(%run_scoped3A : memref<!tpu.dma_semaphore, #tpu.memory_space<semaphore_mem>>) src(%arg5 : memref<64x128xf32, #tpu.memory_space<vmem>>) dst(%dma_wait3A_83 : memref<10240x128xf32, #tpu.memory_space<vmem_shared>>)
          tpu.yield
        }) : () -> ()
        %scan3A_73 = arith.constant 0 : i32
        scf.yield %scan3A_73 : i32
      }
      %scan3A_69 = arith.constant 8 : i32
      %scan3A_70 = arith.constant 0 : i32
      scf.yield %scan3A_70 : i32
    }
    %scan3A_53 = arith.constant 21 : i32
    %barrier3A_54 = arith.constant 0 : index
    tpu.barrier barrier_id(%barrier3A_54)
    %mul3A_55 = arith.constant 640 : i32
    %mul3A_56 = arith.muli %arg1, %mul3A_55 : i32
    %mul3A_57 = arith.constant 640 : i32
    %mul3A_58 = arith.muli %arg1, %mul3A_57 : i32
    "tpu.region"() ({
      %run_scoped3A = tpu.sem_alloc : memref<!tpu.dma_semaphore, #tpu.memory_space<semaphore_mem>>
      %dma_start3A = arith.constant 0 : i32
      %dma_start3A_59 = tpu.memref_slice %arg3[%arg0, %mul3A_58, %dma_start3A] : memref<2x10240x128xf32, #tpu.memory_space<hbm>> -> memref<1x640x128xf32, #tpu.memory_space<hbm>>
      %dma_start3A_60 = tpu.memref_squeeze %dma_start3A_59 : memref<1x640x128xf32, #tpu.memory_space<hbm>> -> memref<640x128xf32, #tpu.memory_space<hbm>>
      %dma_start3A_61 = arith.constant 0 : i32
      %dma_start3A_62 = tpu.memref_slice %arg7[%mul3A_56, %dma_start3A_61] : memref<10240x128xf32, #tpu.memory_space<vmem_shared>> -> memref<640x128xf32, #tpu.memory_space<vmem_shared>>
      tpu.enqueue_dma source(%dma_start3A_62 : memref<640x128xf32, #tpu.memory_space<vmem_shared>>) target(%dma_start3A_60 : memref<640x128xf32, #tpu.memory_space<hbm>>) target_semaphore(%run_scoped3A : memref<!tpu.dma_semaphore, #tpu.memory_space<semaphore_mem>>)
      %dma_wait3A = arith.constant 0 : i32
      %dma_wait3A_63 = tpu.memref_slice %arg3[%arg0, %mul3A_58, %dma_wait3A] : memref<2x10240x128xf32, #tpu.memory_space<hbm>> -> memref<1x640x128xf32, #tpu.memory_space<hbm>>
      %dma_wait3A_64 = tpu.memref_squeeze %dma_wait3A_63 : memref<1x640x128xf32, #tpu.memory_space<hbm>> -> memref<640x128xf32, #tpu.memory_space<hbm>>
      %dma_wait3A_65 = arith.constant 0 : i32
      %dma_wait3A_66 = tpu.memref_slice %arg7[%mul3A_56, %dma_wait3A_65] : memref<10240x128xf32, #tpu.memory_space<vmem_shared>> -> memref<640x128xf32, #tpu.memory_space<vmem_shared>>
      tpu.wait_dma2 semaphore(%run_scoped3A : memref<!tpu.dma_semaphore, #tpu.memory_space<semaphore_mem>>) src(%dma_wait3A_66 : memref<640x128xf32, #tpu.memory_space<vmem_shared>>) dst(%dma_wait3A_64 : memref<640x128xf32, #tpu.memory_space<hbm>>)
      tpu.yield
    }) : () -> ()
    return
  }
}

#map = affine_map<(d0, d1) -> (0, 0)>
#map1 = affine_map<(d0, d1) -> (0, 0, 0)>
module attributes {stable_mosaic.version = 14 : i64} {
  func.func @_agg_body(%arg0: i32, %arg1: i32, %arg2: memref<10240x128xf32, #tpu.memory_space<hbm>>, %arg3: memref<32x168x64xi32, #tpu.memory_space<hbm>>, %arg4: memref<32x168x64xi32, #tpu.memory_space<hbm>>, %arg5: memref<2x10240x128xf32, #tpu.memory_space<hbm>>, %arg6: memref<8x64xi32, #tpu.memory_space<vmem>>, %arg7: memref<8x64xi32, #tpu.memory_space<vmem>>, %arg8: memref<64x128xf32, #tpu.memory_space<vmem>>, %arg9: memref<64x128xf32, #tpu.memory_space<vmem>>, %arg10: memref<64x128xf32, #tpu.memory_space<vmem>>, %arg11: memref<64x128xf32, #tpu.memory_space<vmem>>, %arg12: memref<10240x128xf32, #tpu.memory_space<vmem_shared>>, %arg13: memref<!tpu.dma_semaphore, #tpu.memory_space<semaphore_mem>>, %arg14: memref<!tpu.dma_semaphore, #tpu.memory_space<semaphore_mem>>, %arg15: memref<!tpu.dma_semaphore, #tpu.memory_space<semaphore_mem>>, %arg16: memref<!tpu.dma_semaphore, #tpu.memory_space<semaphore_mem>>) attributes {dimension_semantics = [#tpu.dimension_semantics<core_parallel>, #tpu.dimension_semantics<subcore_parallel>], iteration_bounds = array<i64: 2, 16>, scalar_prefetch = 0 : i64, scratch_operands = 11 : i64, tpu.core_type = #tpu.core_type<sc_vector_subcore>, window_params = [{transform_indices = #map}, {transform_indices = #map1}, {transform_indices = #map1}, {transform_indices = #map1}]} {
    %mul3A = arith.constant 16 : i32
    %mul3A_0 = arith.muli %arg0, %mul3A : i32
    %add3A = arith.addi %mul3A_0, %arg1 : i32
    %scan3A = arith.constant 0 : i32
    %scan3A_1 = arith.constant 0 : i32
    %scan3A_2 = arith.constant 64 : i32
    %scan3A_3 = arith.addi %scan3A_1, %scan3A_2 : i32
    %scan3A_4 = arith.constant 1 : i32
    %scan3A_5 = scf.for %scan3A_59 = %scan3A_1 to %scan3A_3 step %scan3A_4 iter_args(%scan3A_60 = %scan3A) -> (i32)  : i32 {
      %broadcast_in_dim3A = arith.constant 0.000000e+00 : f32
      %broadcast_in_dim3A_61 = vector.broadcast %broadcast_in_dim3A : f32 to vector<16xf32>
      %swap3A = arith.index_cast %scan3A_59 : i32 to index
      %swap3A_62 = arith.constant 0 : index
      %swap3A_63 = tpu.vector_load %arg8[%swap3A, %swap3A_62] {strides = array<i32>} : memref<64x128xf32, #tpu.memory_space<vmem>>, vector<1x16xf32>,
      %swap3A_64 = vector.shape_cast %swap3A_63 : vector<1x16xf32> to vector<16xf32>
      %swap3A_65 = vector.shape_cast %broadcast_in_dim3A_61 : vector<16xf32> to vector<1x16xf32>
      tpu.vector_store %arg8[%swap3A, %swap3A_62], %swap3A_65 {strides = array<i32>} : memref<64x128xf32, #tpu.memory_space<vmem>>, vector<1x16xf32>,
      %broadcast_in_dim3A_66 = arith.constant 0.000000e+00 : f32
      %broadcast_in_dim3A_67 = vector.broadcast %broadcast_in_dim3A_66 : f32 to vector<16xf32>
      %swap3A_68 = arith.index_cast %scan3A_59 : i32 to index
      %swap3A_69 = arith.constant 16 : index
      %swap3A_70 = tpu.vector_load %arg8[%swap3A_68, %swap3A_69] {strides = array<i32>} : memref<64x128xf32, #tpu.memory_space<vmem>>, vector<1x16xf32>,
      %swap3A_71 = vector.shape_cast %swap3A_70 : vector<1x16xf32> to vector<16xf32>
      %swap3A_72 = vector.shape_cast %broadcast_in_dim3A_67 : vector<16xf32> to vector<1x16xf32>
      tpu.vector_store %arg8[%swap3A_68, %swap3A_69], %swap3A_72 {strides = array<i32>} : memref<64x128xf32, #tpu.memory_space<vmem>>, vector<1x16xf32>,
      %broadcast_in_dim3A_73 = arith.constant 0.000000e+00 : f32
      %broadcast_in_dim3A_74 = vector.broadcast %broadcast_in_dim3A_73 : f32 to vector<16xf32>
      %swap3A_75 = arith.index_cast %scan3A_59 : i32 to index
      %swap3A_76 = arith.constant 32 : index
      %swap3A_77 = tpu.vector_load %arg8[%swap3A_75, %swap3A_76] {strides = array<i32>} : memref<64x128xf32, #tpu.memory_space<vmem>>, vector<1x16xf32>,
      %swap3A_78 = vector.shape_cast %swap3A_77 : vector<1x16xf32> to vector<16xf32>
      %swap3A_79 = vector.shape_cast %broadcast_in_dim3A_74 : vector<16xf32> to vector<1x16xf32>
      tpu.vector_store %arg8[%swap3A_75, %swap3A_76], %swap3A_79 {strides = array<i32>} : memref<64x128xf32, #tpu.memory_space<vmem>>, vector<1x16xf32>,
      %broadcast_in_dim3A_80 = arith.constant 0.000000e+00 : f32
      %broadcast_in_dim3A_81 = vector.broadcast %broadcast_in_dim3A_80 : f32 to vector<16xf32>
      %swap3A_82 = arith.index_cast %scan3A_59 : i32 to index
      %swap3A_83 = arith.constant 48 : index
      %swap3A_84 = tpu.vector_load %arg8[%swap3A_82, %swap3A_83] {strides = array<i32>} : memref<64x128xf32, #tpu.memory_space<vmem>>, vector<1x16xf32>,
      %swap3A_85 = vector.shape_cast %swap3A_84 : vector<1x16xf32> to vector<16xf32>
      %swap3A_86 = vector.shape_cast %broadcast_in_dim3A_81 : vector<16xf32> to vector<1x16xf32>
      tpu.vector_store %arg8[%swap3A_82, %swap3A_83], %swap3A_86 {strides = array<i32>} : memref<64x128xf32, #tpu.memory_space<vmem>>, vector<1x16xf32>,
      %broadcast_in_dim3A_87 = arith.constant 0.000000e+00 : f32
      %broadcast_in_dim3A_88 = vector.broadcast %broadcast_in_dim3A_87 : f32 to vector<16xf32>
      %swap3A_89 = arith.index_cast %scan3A_59 : i32 to index
      %swap3A_90 = arith.constant 64 : index
      %swap3A_91 = tpu.vector_load %arg8[%swap3A_89, %swap3A_90] {strides = array<i32>} : memref<64x128xf32, #tpu.memory_space<vmem>>, vector<1x16xf32>,
      %swap3A_92 = vector.shape_cast %swap3A_91 : vector<1x16xf32> to vector<16xf32>
      %swap3A_93 = vector.shape_cast %broadcast_in_dim3A_88 : vector<16xf32> to vector<1x16xf32>
      tpu.vector_store %arg8[%swap3A_89, %swap3A_90], %swap3A_93 {strides = array<i32>} : memref<64x128xf32, #tpu.memory_space<vmem>>, vector<1x16xf32>,
      %broadcast_in_dim3A_94 = arith.constant 0.000000e+00 : f32
      %broadcast_in_dim3A_95 = vector.broadcast %broadcast_in_dim3A_94 : f32 to vector<16xf32>
      %swap3A_96 = arith.index_cast %scan3A_59 : i32 to index
      %swap3A_97 = arith.constant 80 : index
      %swap3A_98 = tpu.vector_load %arg8[%swap3A_96, %swap3A_97] {strides = array<i32>} : memref<64x128xf32, #tpu.memory_space<vmem>>, vector<1x16xf32>,
      %swap3A_99 = vector.shape_cast %swap3A_98 : vector<1x16xf32> to vector<16xf32>
      %swap3A_100 = vector.shape_cast %broadcast_in_dim3A_95 : vector<16xf32> to vector<1x16xf32>
      tpu.vector_store %arg8[%swap3A_96, %swap3A_97], %swap3A_100 {strides = array<i32>} : memref<64x128xf32, #tpu.memory_space<vmem>>, vector<1x16xf32>,
      %broadcast_in_dim3A_101 = arith.constant 0.000000e+00 : f32
      %broadcast_in_dim3A_102 = vector.broadcast %broadcast_in_dim3A_101 : f32 to vector<16xf32>
      %swap3A_103 = arith.index_cast %scan3A_59 : i32 to index
      %swap3A_104 = arith.constant 96 : index
      %swap3A_105 = tpu.vector_load %arg8[%swap3A_103, %swap3A_104] {strides = array<i32>} : memref<64x128xf32, #tpu.memory_space<vmem>>, vector<1x16xf32>,
      %swap3A_106 = vector.shape_cast %swap3A_105 : vector<1x16xf32> to vector<16xf32>
      %swap3A_107 = vector.shape_cast %broadcast_in_dim3A_102 : vector<16xf32> to vector<1x16xf32>
      tpu.vector_store %arg8[%swap3A_103, %swap3A_104], %swap3A_107 {strides = array<i32>} : memref<64x128xf32, #tpu.memory_space<vmem>>, vector<1x16xf32>,
      %broadcast_in_dim3A_108 = arith.constant 0.000000e+00 : f32
      %broadcast_in_dim3A_109 = vector.broadcast %broadcast_in_dim3A_108 : f32 to vector<16xf32>
      %swap3A_110 = arith.index_cast %scan3A_59 : i32 to index
      %swap3A_111 = arith.constant 112 : index
      %swap3A_112 = tpu.vector_load %arg8[%swap3A_110, %swap3A_111] {strides = array<i32>} : memref<64x128xf32, #tpu.memory_space<vmem>>, vector<1x16xf32>,
      %swap3A_113 = vector.shape_cast %swap3A_112 : vector<1x16xf32> to vector<16xf32>
      %swap3A_114 = vector.shape_cast %broadcast_in_dim3A_109 : vector<16xf32> to vector<1x16xf32>
      tpu.vector_store %arg8[%swap3A_110, %swap3A_111], %swap3A_114 {strides = array<i32>} : memref<64x128xf32, #tpu.memory_space<vmem>>, vector<1x16xf32>,
      %scan3A_115 = arith.constant 0 : i32
      scf.yield %scan3A_115 : i32
    }
    %scan3A_6 = arith.constant 64 : i32
    %mul3A_7 = arith.constant 640 : i32
    %mul3A_8 = arith.muli %arg1, %mul3A_7 : i32
    %add3A_9 = arith.constant 0 : i32
    %add3A_10 = arith.addi %mul3A_8, %add3A_9 : i32
    "tpu.region"() ({
      %run_scoped3A = tpu.sem_alloc : memref<!tpu.dma_semaphore, #tpu.memory_space<semaphore_mem>>
      %dma_start3A = arith.constant 0 : i32
      %dma_start3A_59 = tpu.memref_slice %arg12[%add3A_10, %dma_start3A] : memref<10240x128xf32, #tpu.memory_space<vmem_shared>> -> memref<64x128xf32, #tpu.memory_space<vmem_shared>>
      %dma_start3A_60 = arith.constant 0 : i32
      %dma_start3A_61 = tpu.memref_slice %arg12[%add3A_10, %dma_start3A_60] : memref<10240x128xf32, #tpu.memory_space<vmem_shared>> -> memref<64x128xf32, #tpu.memory_space<vmem_shared>>
      tpu.enqueue_dma source(%arg8 : memref<64x128xf32, #tpu.memory_space<vmem>>) target(%dma_start3A_61 : memref<64x128xf32, #tpu.memory_space<vmem_shared>>) target_semaphore(%run_scoped3A : memref<!tpu.dma_semaphore, #tpu.memory_space<semaphore_mem>>)
      %dma_wait3A = arith.constant 0 : i32
      %dma_wait3A_62 = tpu.memref_slice %arg12[%add3A_10, %dma_wait3A] : memref<10240x128xf32, #tpu.memory_space<vmem_shared>> -> memref<64x128xf32, #tpu.memory_space<vmem_shared>>
      %dma_wait3A_63 = arith.constant 0 : i32
      %dma_wait3A_64 = tpu.memref_slice %arg12[%add3A_10, %dma_wait3A_63] : memref<10240x128xf32, #tpu.memory_space<vmem_shared>> -> memref<64x128xf32, #tpu.memory_space<vmem_shared>>
      tpu.wait_dma2 semaphore(%run_scoped3A : memref<!tpu.dma_semaphore, #tpu.memory_space<semaphore_mem>>) src(%arg8 : memref<64x128xf32, #tpu.memory_space<vmem>>) dst(%dma_wait3A_64 : memref<64x128xf32, #tpu.memory_space<vmem_shared>>)
      tpu.yield
    }) : () -> ()
    %mul3A_11 = arith.constant 640 : i32
    %mul3A_12 = arith.muli %arg1, %mul3A_11 : i32
    %add3A_13 = arith.constant 64 : i32
    %add3A_14 = arith.addi %mul3A_12, %add3A_13 : i32
    "tpu.region"() ({
      %run_scoped3A = tpu.sem_alloc : memref<!tpu.dma_semaphore, #tpu.memory_space<semaphore_mem>>
      %dma_start3A = arith.constant 0 : i32
      %dma_start3A_59 = tpu.memref_slice %arg12[%add3A_14, %dma_start3A] : memref<10240x128xf32, #tpu.memory_space<vmem_shared>> -> memref<64x128xf32, #tpu.memory_space<vmem_shared>>
      %dma_start3A_60 = arith.constant 0 : i32
      %dma_start3A_61 = tpu.memref_slice %arg12[%add3A_14, %dma_start3A_60] : memref<10240x128xf32, #tpu.memory_space<vmem_shared>> -> memref<64x128xf32, #tpu.memory_space<vmem_shared>>
      tpu.enqueue_dma source(%arg8 : memref<64x128xf32, #tpu.memory_space<vmem>>) target(%dma_start3A_61 : memref<64x128xf32, #tpu.memory_space<vmem_shared>>) target_semaphore(%run_scoped3A : memref<!tpu.dma_semaphore, #tpu.memory_space<semaphore_mem>>)
      %dma_wait3A = arith.constant 0 : i32
      %dma_wait3A_62 = tpu.memref_slice %arg12[%add3A_14, %dma_wait3A] : memref<10240x128xf32, #tpu.memory_space<vmem_shared>> -> memref<64x128xf32, #tpu.memory_space<vmem_shared>>
      %dma_wait3A_63 = arith.constant 0 : i32
      %dma_wait3A_64 = tpu.memref_slice %arg12[%add3A_14, %dma_wait3A_63] : memref<10240x128xf32, #tpu.memory_space<vmem_shared>> -> memref<64x128xf32, #tpu.memory_space<vmem_shared>>
      tpu.wait_dma2 semaphore(%run_scoped3A : memref<!tpu.dma_semaphore, #tpu.memory_space<semaphore_mem>>) src(%arg8 : memref<64x128xf32, #tpu.memory_space<vmem>>) dst(%dma_wait3A_64 : memref<64x128xf32, #tpu.memory_space<vmem_shared>>)
      tpu.yield
    }) : () -> ()
    %mul3A_15 = arith.constant 640 : i32
    %mul3A_16 = arith.muli %arg1, %mul3A_15 : i32
    %add3A_17 = arith.constant 128 : i32
    %add3A_18 = arith.addi %mul3A_16, %add3A_17 : i32
    "tpu.region"() ({
      %run_scoped3A = tpu.sem_alloc : memref<!tpu.dma_semaphore, #tpu.memory_space<semaphore_mem>>
      %dma_start3A = arith.constant 0 : i32
      %dma_start3A_59 = tpu.memref_slice %arg12[%add3A_18, %dma_start3A] : memref<10240x128xf32, #tpu.memory_space<vmem_shared>> -> memref<64x128xf32, #tpu.memory_space<vmem_shared>>
      %dma_start3A_60 = arith.constant 0 : i32
      %dma_start3A_61 = tpu.memref_slice %arg12[%add3A_18, %dma_start3A_60] : memref<10240x128xf32, #tpu.memory_space<vmem_shared>> -> memref<64x128xf32, #tpu.memory_space<vmem_shared>>
      tpu.enqueue_dma source(%arg8 : memref<64x128xf32, #tpu.memory_space<vmem>>) target(%dma_start3A_61 : memref<64x128xf32, #tpu.memory_space<vmem_shared>>) target_semaphore(%run_scoped3A : memref<!tpu.dma_semaphore, #tpu.memory_space<semaphore_mem>>)
      %dma_wait3A = arith.constant 0 : i32
      %dma_wait3A_62 = tpu.memref_slice %arg12[%add3A_18, %dma_wait3A] : memref<10240x128xf32, #tpu.memory_space<vmem_shared>> -> memref<64x128xf32, #tpu.memory_space<vmem_shared>>
      %dma_wait3A_63 = arith.constant 0 : i32
      %dma_wait3A_64 = tpu.memref_slice %arg12[%add3A_18, %dma_wait3A_63] : memref<10240x128xf32, #tpu.memory_space<vmem_shared>> -> memref<64x128xf32, #tpu.memory_space<vmem_shared>>
      tpu.wait_dma2 semaphore(%run_scoped3A : memref<!tpu.dma_semaphore, #tpu.memory_space<semaphore_mem>>) src(%arg8 : memref<64x128xf32, #tpu.memory_space<vmem>>) dst(%dma_wait3A_64 : memref<64x128xf32, #tpu.memory_space<vmem_shared>>)
      tpu.yield
    }) : () -> ()
    %mul3A_19 = arith.constant 640 : i32
    %mul3A_20 = arith.muli %arg1, %mul3A_19 : i32
    %add3A_21 = arith.constant 192 : i32
    %add3A_22 = arith.addi %mul3A_20, %add3A_21 : i32
    "tpu.region"() ({
      %run_scoped3A = tpu.sem_alloc : memref<!tpu.dma_semaphore, #tpu.memory_space<semaphore_mem>>
      %dma_start3A = arith.constant 0 : i32
      %dma_start3A_59 = tpu.memref_slice %arg12[%add3A_22, %dma_start3A] : memref<10240x128xf32, #tpu.memory_space<vmem_shared>> -> memref<64x128xf32, #tpu.memory_space<vmem_shared>>
      %dma_start3A_60 = arith.constant 0 : i32
      %dma_start3A_61 = tpu.memref_slice %arg12[%add3A_22, %dma_start3A_60] : memref<10240x128xf32, #tpu.memory_space<vmem_shared>> -> memref<64x128xf32, #tpu.memory_space<vmem_shared>>
      tpu.enqueue_dma source(%arg8 : memref<64x128xf32, #tpu.memory_space<vmem>>) target(%dma_start3A_61 : memref<64x128xf32, #tpu.memory_space<vmem_shared>>) target_semaphore(%run_scoped3A : memref<!tpu.dma_semaphore, #tpu.memory_space<semaphore_mem>>)
      %dma_wait3A = arith.constant 0 : i32
      %dma_wait3A_62 = tpu.memref_slice %arg12[%add3A_22, %dma_wait3A] : memref<10240x128xf32, #tpu.memory_space<vmem_shared>> -> memref<64x128xf32, #tpu.memory_space<vmem_shared>>
      %dma_wait3A_63 = arith.constant 0 : i32
      %dma_wait3A_64 = tpu.memref_slice %arg12[%add3A_22, %dma_wait3A_63] : memref<10240x128xf32, #tpu.memory_space<vmem_shared>> -> memref<64x128xf32, #tpu.memory_space<vmem_shared>>
      tpu.wait_dma2 semaphore(%run_scoped3A : memref<!tpu.dma_semaphore, #tpu.memory_space<semaphore_mem>>) src(%arg8 : memref<64x128xf32, #tpu.memory_space<vmem>>) dst(%dma_wait3A_64 : memref<64x128xf32, #tpu.memory_space<vmem_shared>>)
      tpu.yield
    }) : () -> ()
    %mul3A_23 = arith.constant 640 : i32
    %mul3A_24 = arith.muli %arg1, %mul3A_23 : i32
    %add3A_25 = arith.constant 256 : i32
    %add3A_26 = arith.addi %mul3A_24, %add3A_25 : i32
    "tpu.region"() ({
      %run_scoped3A = tpu.sem_alloc : memref<!tpu.dma_semaphore, #tpu.memory_space<semaphore_mem>>
      %dma_start3A = arith.constant 0 : i32
      %dma_start3A_59 = tpu.memref_slice %arg12[%add3A_26, %dma_start3A] : memref<10240x128xf32, #tpu.memory_space<vmem_shared>> -> memref<64x128xf32, #tpu.memory_space<vmem_shared>>
      %dma_start3A_60 = arith.constant 0 : i32
      %dma_start3A_61 = tpu.memref_slice %arg12[%add3A_26, %dma_start3A_60] : memref<10240x128xf32, #tpu.memory_space<vmem_shared>> -> memref<64x128xf32, #tpu.memory_space<vmem_shared>>
      tpu.enqueue_dma source(%arg8 : memref<64x128xf32, #tpu.memory_space<vmem>>) target(%dma_start3A_61 : memref<64x128xf32, #tpu.memory_space<vmem_shared>>) target_semaphore(%run_scoped3A : memref<!tpu.dma_semaphore, #tpu.memory_space<semaphore_mem>>)
      %dma_wait3A = arith.constant 0 : i32
      %dma_wait3A_62 = tpu.memref_slice %arg12[%add3A_26, %dma_wait3A] : memref<10240x128xf32, #tpu.memory_space<vmem_shared>> -> memref<64x128xf32, #tpu.memory_space<vmem_shared>>
      %dma_wait3A_63 = arith.constant 0 : i32
      %dma_wait3A_64 = tpu.memref_slice %arg12[%add3A_26, %dma_wait3A_63] : memref<10240x128xf32, #tpu.memory_space<vmem_shared>> -> memref<64x128xf32, #tpu.memory_space<vmem_shared>>
      tpu.wait_dma2 semaphore(%run_scoped3A : memref<!tpu.dma_semaphore, #tpu.memory_space<semaphore_mem>>) src(%arg8 : memref<64x128xf32, #tpu.memory_space<vmem>>) dst(%dma_wait3A_64 : memref<64x128xf32, #tpu.memory_space<vmem_shared>>)
      tpu.yield
    }) : () -> ()
    %mul3A_27 = arith.constant 640 : i32
    %mul3A_28 = arith.muli %arg1, %mul3A_27 : i32
    %add3A_29 = arith.constant 320 : i32
    %add3A_30 = arith.addi %mul3A_28, %add3A_29 : i32
    "tpu.region"() ({
      %run_scoped3A = tpu.sem_alloc : memref<!tpu.dma_semaphore, #tpu.memory_space<semaphore_mem>>
      %dma_start3A = arith.constant 0 : i32
      %dma_start3A_59 = tpu.memref_slice %arg12[%add3A_30, %dma_start3A] : memref<10240x128xf32, #tpu.memory_space<vmem_shared>> -> memref<64x128xf32, #tpu.memory_space<vmem_shared>>
      %dma_start3A_60 = arith.constant 0 : i32
      %dma_start3A_61 = tpu.memref_slice %arg12[%add3A_30, %dma_start3A_60] : memref<10240x128xf32, #tpu.memory_space<vmem_shared>> -> memref<64x128xf32, #tpu.memory_space<vmem_shared>>
      tpu.enqueue_dma source(%arg8 : memref<64x128xf32, #tpu.memory_space<vmem>>) target(%dma_start3A_61 : memref<64x128xf32, #tpu.memory_space<vmem_shared>>) target_semaphore(%run_scoped3A : memref<!tpu.dma_semaphore, #tpu.memory_space<semaphore_mem>>)
      %dma_wait3A = arith.constant 0 : i32
      %dma_wait3A_62 = tpu.memref_slice %arg12[%add3A_30, %dma_wait3A] : memref<10240x128xf32, #tpu.memory_space<vmem_shared>> -> memref<64x128xf32, #tpu.memory_space<vmem_shared>>
      %dma_wait3A_63 = arith.constant 0 : i32
      %dma_wait3A_64 = tpu.memref_slice %arg12[%add3A_30, %dma_wait3A_63] : memref<10240x128xf32, #tpu.memory_space<vmem_shared>> -> memref<64x128xf32, #tpu.memory_space<vmem_shared>>
      tpu.wait_dma2 semaphore(%run_scoped3A : memref<!tpu.dma_semaphore, #tpu.memory_space<semaphore_mem>>) src(%arg8 : memref<64x128xf32, #tpu.memory_space<vmem>>) dst(%dma_wait3A_64 : memref<64x128xf32, #tpu.memory_space<vmem_shared>>)
      tpu.yield
    }) : () -> ()
    %mul3A_31 = arith.constant 640 : i32
    %mul3A_32 = arith.muli %arg1, %mul3A_31 : i32
    %add3A_33 = arith.constant 384 : i32
    %add3A_34 = arith.addi %mul3A_32, %add3A_33 : i32
    "tpu.region"() ({
      %run_scoped3A = tpu.sem_alloc : memref<!tpu.dma_semaphore, #tpu.memory_space<semaphore_mem>>
      %dma_start3A = arith.constant 0 : i32
      %dma_start3A_59 = tpu.memref_slice %arg12[%add3A_34, %dma_start3A] : memref<10240x128xf32, #tpu.memory_space<vmem_shared>> -> memref<64x128xf32, #tpu.memory_space<vmem_shared>>
      %dma_start3A_60 = arith.constant 0 : i32
      %dma_start3A_61 = tpu.memref_slice %arg12[%add3A_34, %dma_start3A_60] : memref<10240x128xf32, #tpu.memory_space<vmem_shared>> -> memref<64x128xf32, #tpu.memory_space<vmem_shared>>
      tpu.enqueue_dma source(%arg8 : memref<64x128xf32, #tpu.memory_space<vmem>>) target(%dma_start3A_61 : memref<64x128xf32, #tpu.memory_space<vmem_shared>>) target_semaphore(%run_scoped3A : memref<!tpu.dma_semaphore, #tpu.memory_space<semaphore_mem>>)
      %dma_wait3A = arith.constant 0 : i32
      %dma_wait3A_62 = tpu.memref_slice %arg12[%add3A_34, %dma_wait3A] : memref<10240x128xf32, #tpu.memory_space<vmem_shared>> -> memref<64x128xf32, #tpu.memory_space<vmem_shared>>
      %dma_wait3A_63 = arith.constant 0 : i32
      %dma_wait3A_64 = tpu.memref_slice %arg12[%add3A_34, %dma_wait3A_63] : memref<10240x128xf32, #tpu.memory_space<vmem_shared>> -> memref<64x128xf32, #tpu.memory_space<vmem_shared>>
      tpu.wait_dma2 semaphore(%run_scoped3A : memref<!tpu.dma_semaphore, #tpu.memory_space<semaphore_mem>>) src(%arg8 : memref<64x128xf32, #tpu.memory_space<vmem>>) dst(%dma_wait3A_64 : memref<64x128xf32, #tpu.memory_space<vmem_shared>>)
      tpu.yield
    }) : () -> ()
    %mul3A_35 = arith.constant 640 : i32
    %mul3A_36 = arith.muli %arg1, %mul3A_35 : i32
    %add3A_37 = arith.constant 448 : i32
    %add3A_38 = arith.addi %mul3A_36, %add3A_37 : i32
    "tpu.region"() ({
      %run_scoped3A = tpu.sem_alloc : memref<!tpu.dma_semaphore, #tpu.memory_space<semaphore_mem>>
      %dma_start3A = arith.constant 0 : i32
      %dma_start3A_59 = tpu.memref_slice %arg12[%add3A_38, %dma_start3A] : memref<10240x128xf32, #tpu.memory_space<vmem_shared>> -> memref<64x128xf32, #tpu.memory_space<vmem_shared>>
      %dma_start3A_60 = arith.constant 0 : i32
      %dma_start3A_61 = tpu.memref_slice %arg12[%add3A_38, %dma_start3A_60] : memref<10240x128xf32, #tpu.memory_space<vmem_shared>> -> memref<64x128xf32, #tpu.memory_space<vmem_shared>>
      tpu.enqueue_dma source(%arg8 : memref<64x128xf32, #tpu.memory_space<vmem>>) target(%dma_start3A_61 : memref<64x128xf32, #tpu.memory_space<vmem_shared>>) target_semaphore(%run_scoped3A : memref<!tpu.dma_semaphore, #tpu.memory_space<semaphore_mem>>)
      %dma_wait3A = arith.constant 0 : i32
      %dma_wait3A_62 = tpu.memref_slice %arg12[%add3A_38, %dma_wait3A] : memref<10240x128xf32, #tpu.memory_space<vmem_shared>> -> memref<64x128xf32, #tpu.memory_space<vmem_shared>>
      %dma_wait3A_63 = arith.constant 0 : i32
      %dma_wait3A_64 = tpu.memref_slice %arg12[%add3A_38, %dma_wait3A_63] : memref<10240x128xf32, #tpu.memory_space<vmem_shared>> -> memref<64x128xf32, #tpu.memory_space<vmem_shared>>
      tpu.wait_dma2 semaphore(%run_scoped3A : memref<!tpu.dma_semaphore, #tpu.memory_space<semaphore_mem>>) src(%arg8 : memref<64x128xf32, #tpu.memory_space<vmem>>) dst(%dma_wait3A_64 : memref<64x128xf32, #tpu.memory_space<vmem_shared>>)
      tpu.yield
    }) : () -> ()
    %mul3A_39 = arith.constant 640 : i32
    %mul3A_40 = arith.muli %arg1, %mul3A_39 : i32
    %add3A_41 = arith.constant 512 : i32
    %add3A_42 = arith.addi %mul3A_40, %add3A_41 : i32
    "tpu.region"() ({
      %run_scoped3A = tpu.sem_alloc : memref<!tpu.dma_semaphore, #tpu.memory_space<semaphore_mem>>
      %dma_start3A = arith.constant 0 : i32
      %dma_start3A_59 = tpu.memref_slice %arg12[%add3A_42, %dma_start3A] : memref<10240x128xf32, #tpu.memory_space<vmem_shared>> -> memref<64x128xf32, #tpu.memory_space<vmem_shared>>
      %dma_start3A_60 = arith.constant 0 : i32
      %dma_start3A_61 = tpu.memref_slice %arg12[%add3A_42, %dma_start3A_60] : memref<10240x128xf32, #tpu.memory_space<vmem_shared>> -> memref<64x128xf32, #tpu.memory_space<vmem_shared>>
      tpu.enqueue_dma source(%arg8 : memref<64x128xf32, #tpu.memory_space<vmem>>) target(%dma_start3A_61 : memref<64x128xf32, #tpu.memory_space<vmem_shared>>) target_semaphore(%run_scoped3A : memref<!tpu.dma_semaphore, #tpu.memory_space<semaphore_mem>>)
      %dma_wait3A = arith.constant 0 : i32
      %dma_wait3A_62 = tpu.memref_slice %arg12[%add3A_42, %dma_wait3A] : memref<10240x128xf32, #tpu.memory_space<vmem_shared>> -> memref<64x128xf32, #tpu.memory_space<vmem_shared>>
      %dma_wait3A_63 = arith.constant 0 : i32
      %dma_wait3A_64 = tpu.memref_slice %arg12[%add3A_42, %dma_wait3A_63] : memref<10240x128xf32, #tpu.memory_space<vmem_shared>> -> memref<64x128xf32, #tpu.memory_space<vmem_shared>>
      tpu.wait_dma2 semaphore(%run_scoped3A : memref<!tpu.dma_semaphore, #tpu.memory_space<semaphore_mem>>) src(%arg8 : memref<64x128xf32, #tpu.memory_space<vmem>>) dst(%dma_wait3A_64 : memref<64x128xf32, #tpu.memory_space<vmem_shared>>)
      tpu.yield
    }) : () -> ()
    %mul3A_43 = arith.constant 640 : i32
    %mul3A_44 = arith.muli %arg1, %mul3A_43 : i32
    %add3A_45 = arith.constant 576 : i32
    %add3A_46 = arith.addi %mul3A_44, %add3A_45 : i32
    "tpu.region"() ({
      %run_scoped3A = tpu.sem_alloc : memref<!tpu.dma_semaphore, #tpu.memory_space<semaphore_mem>>
      %dma_start3A = arith.constant 0 : i32
      %dma_start3A_59 = tpu.memref_slice %arg12[%add3A_46, %dma_start3A] : memref<10240x128xf32, #tpu.memory_space<vmem_shared>> -> memref<64x128xf32, #tpu.memory_space<vmem_shared>>
      %dma_start3A_60 = arith.constant 0 : i32
      %dma_start3A_61 = tpu.memref_slice %arg12[%add3A_46, %dma_start3A_60] : memref<10240x128xf32, #tpu.memory_space<vmem_shared>> -> memref<64x128xf32, #tpu.memory_space<vmem_shared>>
      tpu.enqueue_dma source(%arg8 : memref<64x128xf32, #tpu.memory_space<vmem>>) target(%dma_start3A_61 : memref<64x128xf32, #tpu.memory_space<vmem_shared>>) target_semaphore(%run_scoped3A : memref<!tpu.dma_semaphore, #tpu.memory_space<semaphore_mem>>)
      %dma_wait3A = arith.constant 0 : i32
      %dma_wait3A_62 = tpu.memref_slice %arg12[%add3A_46, %dma_wait3A] : memref<10240x128xf32, #tpu.memory_space<vmem_shared>> -> memref<64x128xf32, #tpu.memory_space<vmem_shared>>
      %dma_wait3A_63 = arith.constant 0 : i32
      %dma_wait3A_64 = tpu.memref_slice %arg12[%add3A_46, %dma_wait3A_63] : memref<10240x128xf32, #tpu.memory_space<vmem_shared>> -> memref<64x128xf32, #tpu.memory_space<vmem_shared>>
      tpu.wait_dma2 semaphore(%run_scoped3A : memref<!tpu.dma_semaphore, #tpu.memory_space<semaphore_mem>>) src(%arg8 : memref<64x128xf32, #tpu.memory_space<vmem>>) dst(%dma_wait3A_64 : memref<64x128xf32, #tpu.memory_space<vmem_shared>>)
      tpu.yield
    }) : () -> ()
    %barrier3A = arith.constant 0 : index
    tpu.barrier barrier_id(%barrier3A)
    %scan3A_47 = arith.constant 0 : i32
    %scan3A_48 = arith.constant 0 : i32
    %scan3A_49 = arith.constant 21 : i32
    %scan3A_50 = arith.addi %scan3A_48, %scan3A_49 : i32
    %scan3A_51 = arith.constant 1 : i32
    %scan3A_52 = scf.for %scan3A_59 = %scan3A_48 to %scan3A_50 step %scan3A_51 iter_args(%scan3A_60 = %scan3A_47) -> (i32)  : i32 {
      %mul3A_61 = arith.constant 8 : i32
      %mul3A_62 = arith.muli %scan3A_59, %mul3A_61 : i32
      "tpu.region"() ({
        %run_scoped3A = tpu.sem_alloc : memref<!tpu.dma_semaphore, #tpu.memory_space<semaphore_mem>>
        %dma_start3A = arith.constant 0 : i32
        %dma_start3A_73 = tpu.memref_slice %arg3[%add3A, %mul3A_62, %dma_start3A] : memref<32x168x64xi32, #tpu.memory_space<hbm>> -> memref<1x8x64xi32, #tpu.memory_space<hbm>>
        %dma_start3A_74 = tpu.memref_squeeze %dma_start3A_73 : memref<1x8x64xi32, #tpu.memory_space<hbm>> -> memref<8x64xi32, #tpu.memory_space<hbm>>
        %dma_start3A_75 = arith.constant 0 : i32
        %dma_start3A_76 = tpu.memref_slice %arg3[%add3A, %mul3A_62, %dma_start3A_75] : memref<32x168x64xi32, #tpu.memory_space<hbm>> -> memref<1x8x64xi32, #tpu.memory_space<hbm>>
        %dma_start3A_77 = tpu.memref_squeeze %dma_start3A_76 : memref<1x8x64xi32, #tpu.memory_space<hbm>> -> memref<8x64xi32, #tpu.memory_space<hbm>>
        tpu.enqueue_dma source(%dma_start3A_77 : memref<8x64xi32, #tpu.memory_space<hbm>>) target(%arg6 : memref<8x64xi32, #tpu.memory_space<vmem>>) target_semaphore(%run_scoped3A : memref<!tpu.dma_semaphore, #tpu.memory_space<semaphore_mem>>)
        %dma_wait3A = arith.constant 0 : i32
        %dma_wait3A_78 = tpu.memref_slice %arg3[%add3A, %mul3A_62, %dma_wait3A] : memref<32x168x64xi32, #tpu.memory_space<hbm>> -> memref<1x8x64xi32, #tpu.memory_space<hbm>>
        %dma_wait3A_79 = tpu.memref_squeeze %dma_wait3A_78 : memref<1x8x64xi32, #tpu.memory_space<hbm>> -> memref<8x64xi32, #tpu.memory_space<hbm>>
        %dma_wait3A_80 = arith.constant 0 : i32
        %dma_wait3A_81 = tpu.memref_slice %arg3[%add3A, %mul3A_62, %dma_wait3A_80] : memref<32x168x64xi32, #tpu.memory_space<hbm>> -> memref<1x8x64xi32, #tpu.memory_space<hbm>>
        %dma_wait3A_82 = tpu.memref_squeeze %dma_wait3A_81 : memref<1x8x64xi32, #tpu.memory_space<hbm>> -> memref<8x64xi32, #tpu.memory_space<hbm>>
        tpu.wait_dma2 semaphore(%run_scoped3A : memref<!tpu.dma_semaphore, #tpu.memory_space<semaphore_mem>>) src(%dma_wait3A_82 : memref<8x64xi32, #tpu.memory_space<hbm>>) dst(%arg6 : memref<8x64xi32, #tpu.memory_space<vmem>>)
        tpu.yield
      }) : () -> ()
      %mul3A_63 = arith.constant 8 : i32
      %mul3A_64 = arith.muli %scan3A_59, %mul3A_63 : i32
      "tpu.region"() ({
        %run_scoped3A = tpu.sem_alloc : memref<!tpu.dma_semaphore, #tpu.memory_space<semaphore_mem>>
        %dma_start3A = arith.constant 0 : i32
        %dma_start3A_73 = tpu.memref_slice %arg4[%add3A, %mul3A_64, %dma_start3A] : memref<32x168x64xi32, #tpu.memory_space<hbm>> -> memref<1x8x64xi32, #tpu.memory_space<hbm>>
        %dma_start3A_74 = tpu.memref_squeeze %dma_start3A_73 : memref<1x8x64xi32, #tpu.memory_space<hbm>> -> memref<8x64xi32, #tpu.memory_space<hbm>>
        %dma_start3A_75 = arith.constant 0 : i32
        %dma_start3A_76 = tpu.memref_slice %arg4[%add3A, %mul3A_64, %dma_start3A_75] : memref<32x168x64xi32, #tpu.memory_space<hbm>> -> memref<1x8x64xi32, #tpu.memory_space<hbm>>
        %dma_start3A_77 = tpu.memref_squeeze %dma_start3A_76 : memref<1x8x64xi32, #tpu.memory_space<hbm>> -> memref<8x64xi32, #tpu.memory_space<hbm>>
        tpu.enqueue_dma source(%dma_start3A_77 : memref<8x64xi32, #tpu.memory_space<hbm>>) target(%arg7 : memref<8x64xi32, #tpu.memory_space<vmem>>) target_semaphore(%run_scoped3A : memref<!tpu.dma_semaphore, #tpu.memory_space<semaphore_mem>>)
        %dma_wait3A = arith.constant 0 : i32
        %dma_wait3A_78 = tpu.memref_slice %arg4[%add3A, %mul3A_64, %dma_wait3A] : memref<32x168x64xi32, #tpu.memory_space<hbm>> -> memref<1x8x64xi32, #tpu.memory_space<hbm>>
        %dma_wait3A_79 = tpu.memref_squeeze %dma_wait3A_78 : memref<1x8x64xi32, #tpu.memory_space<hbm>> -> memref<8x64xi32, #tpu.memory_space<hbm>>
        %dma_wait3A_80 = arith.constant 0 : i32
        %dma_wait3A_81 = tpu.memref_slice %arg4[%add3A, %mul3A_64, %dma_wait3A_80] : memref<32x168x64xi32, #tpu.memory_space<hbm>> -> memref<1x8x64xi32, #tpu.memory_space<hbm>>
        %dma_wait3A_82 = tpu.memref_squeeze %dma_wait3A_81 : memref<1x8x64xi32, #tpu.memory_space<hbm>> -> memref<8x64xi32, #tpu.memory_space<hbm>>
        tpu.wait_dma2 semaphore(%run_scoped3A : memref<!tpu.dma_semaphore, #tpu.memory_space<semaphore_mem>>) src(%dma_wait3A_82 : memref<8x64xi32, #tpu.memory_space<hbm>>) dst(%arg7 : memref<8x64xi32, #tpu.memory_space<vmem>>)
        tpu.yield
      }) : () -> ()
      %scan3A_65 = arith.constant 0 : i32
      %scan3A_66 = arith.constant 0 : i32
      %scan3A_67 = arith.constant 2 : i32
      %scan3A_68 = arith.addi %scan3A_66, %scan3A_67 : i32
      %scan3A_69 = arith.constant 1 : i32
      %scan3A_70 = scf.for %scan3A_73 = %scan3A_66 to %scan3A_68 step %scan3A_69 iter_args(%scan3A_74 = %scan3A_65) -> (i32)  : i32 {
        %mul3A_75 = arith.constant 4 : i32
        %mul3A_76 = arith.muli %scan3A_73, %mul3A_75 : i32
        %dma_start3A = arith.constant 0 : i32
        %dma_start3A_77 = tpu.memref_slice %arg6[%mul3A_76, %dma_start3A] : memref<8x64xi32, #tpu.memory_space<vmem>> -> memref<1x64xi32, #tpu.memory_space<vmem>>
        %dma_start3A_78 = tpu.memref_squeeze %dma_start3A_77 : memref<1x64xi32, #tpu.memory_space<vmem>> -> memref<64xi32, #tpu.memory_space<vmem>>
        %dma_start3A_79 = arith.constant 0 : i32
        %dma_start3A_80 = arith.constant 0 : i32
        %dma_start3A_81 = tpu.memref_slice %arg2[%dma_start3A_79, %dma_start3A_80] : memref<10240x128xf32, #tpu.memory_space<hbm>> -> memref<10240x128xf32, #tpu.memory_space<hbm>>
        tpu.enqueue_indirect_dma source(%dma_start3A_81 : memref<10240x128xf32, #tpu.memory_space<hbm>>) target(%arg8 : memref<64x128xf32, #tpu.memory_space<vmem>>) offsets(%dma_start3A_78 : memref<64xi32, #tpu.memory_space<vmem>>) semaphore(%arg13 : memref<!tpu.dma_semaphore, #tpu.memory_space<semaphore_mem>>)
        %add3A_82 = arith.constant 1 : i32
        %add3A_83 = arith.addi %mul3A_76, %add3A_82 : i32
        %dma_start3A_84 = arith.constant 0 : i32
        %dma_start3A_85 = tpu.memref_slice %arg6[%add3A_83, %dma_start3A_84] : memref<8x64xi32, #tpu.memory_space<vmem>> -> memref<1x64xi32, #tpu.memory_space<vmem>>
        %dma_start3A_86 = tpu.memref_squeeze %dma_start3A_85 : memref<1x64xi32, #tpu.memory_space<vmem>> -> memref<64xi32, #tpu.memory_space<vmem>>
        %dma_start3A_87 = arith.constant 0 : i32
        %dma_start3A_88 = arith.constant 0 : i32
        %dma_start3A_89 = tpu.memref_slice %arg2[%dma_start3A_87, %dma_start3A_88] : memref<10240x128xf32, #tpu.memory_space<hbm>> -> memref<10240x128xf32, #tpu.memory_space<hbm>>
        tpu.enqueue_indirect_dma source(%dma_start3A_89 : memref<10240x128xf32, #tpu.memory_space<hbm>>) target(%arg9 : memref<64x128xf32, #tpu.memory_space<vmem>>) offsets(%dma_start3A_86 : memref<64xi32, #tpu.memory_space<vmem>>) semaphore(%arg14 : memref<!tpu.dma_semaphore, #tpu.memory_space<semaphore_mem>>)
        %add3A_90 = arith.constant 2 : i32
        %add3A_91 = arith.addi %mul3A_76, %add3A_90 : i32
        %dma_start3A_92 = arith.constant 0 : i32
        %dma_start3A_93 = tpu.memref_slice %arg6[%add3A_91, %dma_start3A_92] : memref<8x64xi32, #tpu.memory_space<vmem>> -> memref<1x64xi32, #tpu.memory_space<vmem>>
        %dma_start3A_94 = tpu.memref_squeeze %dma_start3A_93 : memref<1x64xi32, #tpu.memory_space<vmem>> -> memref<64xi32, #tpu.memory_space<vmem>>
        %dma_start3A_95 = arith.constant 0 : i32
        %dma_start3A_96 = arith.constant 0 : i32
        %dma_start3A_97 = tpu.memref_slice %arg2[%dma_start3A_95, %dma_start3A_96] : memref<10240x128xf32, #tpu.memory_space<hbm>> -> memref<10240x128xf32, #tpu.memory_space<hbm>>
        tpu.enqueue_indirect_dma source(%dma_start3A_97 : memref<10240x128xf32, #tpu.memory_space<hbm>>) target(%arg10 : memref<64x128xf32, #tpu.memory_space<vmem>>) offsets(%dma_start3A_94 : memref<64xi32, #tpu.memory_space<vmem>>) semaphore(%arg15 : memref<!tpu.dma_semaphore, #tpu.memory_space<semaphore_mem>>)
        %add3A_98 = arith.constant 3 : i32
        %add3A_99 = arith.addi %mul3A_76, %add3A_98 : i32
        %dma_start3A_100 = arith.constant 0 : i32
        %dma_start3A_101 = tpu.memref_slice %arg6[%add3A_99, %dma_start3A_100] : memref<8x64xi32, #tpu.memory_space<vmem>> -> memref<1x64xi32, #tpu.memory_space<vmem>>
        %dma_start3A_102 = tpu.memref_squeeze %dma_start3A_101 : memref<1x64xi32, #tpu.memory_space<vmem>> -> memref<64xi32, #tpu.memory_space<vmem>>
        %dma_start3A_103 = arith.constant 0 : i32
        %dma_start3A_104 = arith.constant 0 : i32
        %dma_start3A_105 = tpu.memref_slice %arg2[%dma_start3A_103, %dma_start3A_104] : memref<10240x128xf32, #tpu.memory_space<hbm>> -> memref<10240x128xf32, #tpu.memory_space<hbm>>
        tpu.enqueue_indirect_dma source(%dma_start3A_105 : memref<10240x128xf32, #tpu.memory_space<hbm>>) target(%arg11 : memref<64x128xf32, #tpu.memory_space<vmem>>) offsets(%dma_start3A_102 : memref<64xi32, #tpu.memory_space<vmem>>) semaphore(%arg16 : memref<!tpu.dma_semaphore, #tpu.memory_space<semaphore_mem>>)
        %dma_wait3A = arith.constant 0 : i32
        %dma_wait3A_106 = tpu.memref_slice %arg6[%mul3A_76, %dma_wait3A] : memref<8x64xi32, #tpu.memory_space<vmem>> -> memref<1x64xi32, #tpu.memory_space<vmem>>
        %dma_wait3A_107 = tpu.memref_squeeze %dma_wait3A_106 : memref<1x64xi32, #tpu.memory_space<vmem>> -> memref<64xi32, #tpu.memory_space<vmem>>
        %dma_wait3A_108 = arith.constant 0 : i32
        %dma_wait3A_109 = arith.constant 0 : i32
        %dma_wait3A_110 = tpu.memref_slice %arg2[%dma_wait3A_108, %dma_wait3A_109] : memref<10240x128xf32, #tpu.memory_space<hbm>> -> memref<10240x128xf32, #tpu.memory_space<hbm>>
        tpu.wait_indirect_dma semaphore(%arg13 : memref<!tpu.dma_semaphore, #tpu.memory_space<semaphore_mem>>) src(%dma_wait3A_110 : memref<10240x128xf32, #tpu.memory_space<hbm>>) dst(%arg8 : memref<64x128xf32, #tpu.memory_space<vmem>>)
        "tpu.region"() ({
          %run_scoped3A = tpu.sem_alloc : memref<!tpu.dma_semaphore, #tpu.memory_space<semaphore_mem>>
          %dma_start3A_136 = arith.constant 0 : i32
          %dma_start3A_137 = tpu.memref_slice %arg7[%mul3A_76, %dma_start3A_136] : memref<8x64xi32, #tpu.memory_space<vmem>> -> memref<1x64xi32, #tpu.memory_space<vmem>>
          %dma_start3A_138 = tpu.memref_squeeze %dma_start3A_137 : memref<1x64xi32, #tpu.memory_space<vmem>> -> memref<64xi32, #tpu.memory_space<vmem>>
          %dma_start3A_139 = arith.constant 0 : i32
          %dma_start3A_140 = arith.constant 0 : i32
          %dma_start3A_141 = tpu.memref_slice %arg12[%dma_start3A_139, %dma_start3A_140] : memref<10240x128xf32, #tpu.memory_space<vmem_shared>> -> memref<10240x128xf32, #tpu.memory_space<vmem_shared>>
          tpu.enqueue_indirect_dma source(%arg8 : memref<64x128xf32, #tpu.memory_space<vmem>>) target(%dma_start3A_141 : memref<10240x128xf32, #tpu.memory_space<vmem_shared>>) offsets(%dma_start3A_138 : memref<64xi32, #tpu.memory_space<vmem>>) semaphore(%run_scoped3A : memref<!tpu.dma_semaphore, #tpu.memory_space<semaphore_mem>>) {add = true}
          %dma_wait3A_142 = arith.constant 0 : i32
          %dma_wait3A_143 = tpu.memref_slice %arg7[%mul3A_76, %dma_wait3A_142] : memref<8x64xi32, #tpu.memory_space<vmem>> -> memref<1x64xi32, #tpu.memory_space<vmem>>
          %dma_wait3A_144 = tpu.memref_squeeze %dma_wait3A_143 : memref<1x64xi32, #tpu.memory_space<vmem>> -> memref<64xi32, #tpu.memory_space<vmem>>
          %dma_wait3A_145 = arith.constant 0 : i32
          %dma_wait3A_146 = arith.constant 0 : i32
          %dma_wait3A_147 = tpu.memref_slice %arg12[%dma_wait3A_145, %dma_wait3A_146] : memref<10240x128xf32, #tpu.memory_space<vmem_shared>> -> memref<10240x128xf32, #tpu.memory_space<vmem_shared>>
          tpu.wait_indirect_dma semaphore(%run_scoped3A : memref<!tpu.dma_semaphore, #tpu.memory_space<semaphore_mem>>) src(%arg8 : memref<64x128xf32, #tpu.memory_space<vmem>>) dst(%dma_wait3A_147 : memref<10240x128xf32, #tpu.memory_space<vmem_shared>>)
          tpu.yield
        }) : () -> ()
        %dma_wait3A_111 = arith.constant 0 : i32
        %dma_wait3A_112 = tpu.memref_slice %arg6[%add3A_83, %dma_wait3A_111] : memref<8x64xi32, #tpu.memory_space<vmem>> -> memref<1x64xi32, #tpu.memory_space<vmem>>
        %dma_wait3A_113 = tpu.memref_squeeze %dma_wait3A_112 : memref<1x64xi32, #tpu.memory_space<vmem>> -> memref<64xi32, #tpu.memory_space<vmem>>
        %dma_wait3A_114 = arith.constant 0 : i32
        %dma_wait3A_115 = arith.constant 0 : i32
        %dma_wait3A_116 = tpu.memref_slice %arg2[%dma_wait3A_114, %dma_wait3A_115] : memref<10240x128xf32, #tpu.memory_space<hbm>> -> memref<10240x128xf32, #tpu.memory_space<hbm>>
        tpu.wait_indirect_dma semaphore(%arg14 : memref<!tpu.dma_semaphore, #tpu.memory_space<semaphore_mem>>) src(%dma_wait3A_116 : memref<10240x128xf32, #tpu.memory_space<hbm>>) dst(%arg9 : memref<64x128xf32, #tpu.memory_space<vmem>>)
        %add3A_117 = arith.constant 1 : i32
        %add3A_118 = arith.addi %mul3A_76, %add3A_117 : i32
        "tpu.region"() ({
          %run_scoped3A = tpu.sem_alloc : memref<!tpu.dma_semaphore, #tpu.memory_space<semaphore_mem>>
          %dma_start3A_136 = arith.constant 0 : i32
          %dma_start3A_137 = tpu.memref_slice %arg7[%add3A_118, %dma_start3A_136] : memref<8x64xi32, #tpu.memory_space<vmem>> -> memref<1x64xi32, #tpu.memory_space<vmem>>
          %dma_start3A_138 = tpu.memref_squeeze %dma_start3A_137 : memref<1x64xi32, #tpu.memory_space<vmem>> -> memref<64xi32, #tpu.memory_space<vmem>>
          %dma_start3A_139 = arith.constant 0 : i32
          %dma_start3A_140 = arith.constant 0 : i32
          %dma_start3A_141 = tpu.memref_slice %arg12[%dma_start3A_139, %dma_start3A_140] : memref<10240x128xf32, #tpu.memory_space<vmem_shared>> -> memref<10240x128xf32, #tpu.memory_space<vmem_shared>>
          tpu.enqueue_indirect_dma source(%arg9 : memref<64x128xf32, #tpu.memory_space<vmem>>) target(%dma_start3A_141 : memref<10240x128xf32, #tpu.memory_space<vmem_shared>>) offsets(%dma_start3A_138 : memref<64xi32, #tpu.memory_space<vmem>>) semaphore(%run_scoped3A : memref<!tpu.dma_semaphore, #tpu.memory_space<semaphore_mem>>) {add = true}
          %dma_wait3A_142 = arith.constant 0 : i32
          %dma_wait3A_143 = tpu.memref_slice %arg7[%add3A_118, %dma_wait3A_142] : memref<8x64xi32, #tpu.memory_space<vmem>> -> memref<1x64xi32, #tpu.memory_space<vmem>>
          %dma_wait3A_144 = tpu.memref_squeeze %dma_wait3A_143 : memref<1x64xi32, #tpu.memory_space<vmem>> -> memref<64xi32, #tpu.memory_space<vmem>>
          %dma_wait3A_145 = arith.constant 0 : i32
          %dma_wait3A_146 = arith.constant 0 : i32
          %dma_wait3A_147 = tpu.memref_slice %arg12[%dma_wait3A_145, %dma_wait3A_146] : memref<10240x128xf32, #tpu.memory_space<vmem_shared>> -> memref<10240x128xf32, #tpu.memory_space<vmem_shared>>
          tpu.wait_indirect_dma semaphore(%run_scoped3A : memref<!tpu.dma_semaphore, #tpu.memory_space<semaphore_mem>>) src(%arg9 : memref<64x128xf32, #tpu.memory_space<vmem>>) dst(%dma_wait3A_147 : memref<10240x128xf32, #tpu.memory_space<vmem_shared>>)
          tpu.yield
        }) : () -> ()
        %dma_wait3A_119 = arith.constant 0 : i32
        %dma_wait3A_120 = tpu.memref_slice %arg6[%add3A_91, %dma_wait3A_119] : memref<8x64xi32, #tpu.memory_space<vmem>> -> memref<1x64xi32, #tpu.memory_space<vmem>>
        %dma_wait3A_121 = tpu.memref_squeeze %dma_wait3A_120 : memref<1x64xi32, #tpu.memory_space<vmem>> -> memref<64xi32, #tpu.memory_space<vmem>>
        %dma_wait3A_122 = arith.constant 0 : i32
        %dma_wait3A_123 = arith.constant 0 : i32
        %dma_wait3A_124 = tpu.memref_slice %arg2[%dma_wait3A_122, %dma_wait3A_123] : memref<10240x128xf32, #tpu.memory_space<hbm>> -> memref<10240x128xf32, #tpu.memory_space<hbm>>
        tpu.wait_indirect_dma semaphore(%arg15 : memref<!tpu.dma_semaphore, #tpu.memory_space<semaphore_mem>>) src(%dma_wait3A_124 : memref<10240x128xf32, #tpu.memory_space<hbm>>) dst(%arg10 : memref<64x128xf32, #tpu.memory_space<vmem>>)
        %add3A_125 = arith.constant 2 : i32
        %add3A_126 = arith.addi %mul3A_76, %add3A_125 : i32
        "tpu.region"() ({
          %run_scoped3A = tpu.sem_alloc : memref<!tpu.dma_semaphore, #tpu.memory_space<semaphore_mem>>
          %dma_start3A_136 = arith.constant 0 : i32
          %dma_start3A_137 = tpu.memref_slice %arg7[%add3A_126, %dma_start3A_136] : memref<8x64xi32, #tpu.memory_space<vmem>> -> memref<1x64xi32, #tpu.memory_space<vmem>>
          %dma_start3A_138 = tpu.memref_squeeze %dma_start3A_137 : memref<1x64xi32, #tpu.memory_space<vmem>> -> memref<64xi32, #tpu.memory_space<vmem>>
          %dma_start3A_139 = arith.constant 0 : i32
          %dma_start3A_140 = arith.constant 0 : i32
          %dma_start3A_141 = tpu.memref_slice %arg12[%dma_start3A_139, %dma_start3A_140] : memref<10240x128xf32, #tpu.memory_space<vmem_shared>> -> memref<10240x128xf32, #tpu.memory_space<vmem_shared>>
          tpu.enqueue_indirect_dma source(%arg10 : memref<64x128xf32, #tpu.memory_space<vmem>>) target(%dma_start3A_141 : memref<10240x128xf32, #tpu.memory_space<vmem_shared>>) offsets(%dma_start3A_138 : memref<64xi32, #tpu.memory_space<vmem>>) semaphore(%run_scoped3A : memref<!tpu.dma_semaphore, #tpu.memory_space<semaphore_mem>>) {add = true}
          %dma_wait3A_142 = arith.constant 0 : i32
          %dma_wait3A_143 = tpu.memref_slice %arg7[%add3A_126, %dma_wait3A_142] : memref<8x64xi32, #tpu.memory_space<vmem>> -> memref<1x64xi32, #tpu.memory_space<vmem>>
          %dma_wait3A_144 = tpu.memref_squeeze %dma_wait3A_143 : memref<1x64xi32, #tpu.memory_space<vmem>> -> memref<64xi32, #tpu.memory_space<vmem>>
          %dma_wait3A_145 = arith.constant 0 : i32
          %dma_wait3A_146 = arith.constant 0 : i32
          %dma_wait3A_147 = tpu.memref_slice %arg12[%dma_wait3A_145, %dma_wait3A_146] : memref<10240x128xf32, #tpu.memory_space<vmem_shared>> -> memref<10240x128xf32, #tpu.memory_space<vmem_shared>>
          tpu.wait_indirect_dma semaphore(%run_scoped3A : memref<!tpu.dma_semaphore, #tpu.memory_space<semaphore_mem>>) src(%arg10 : memref<64x128xf32, #tpu.memory_space<vmem>>) dst(%dma_wait3A_147 : memref<10240x128xf32, #tpu.memory_space<vmem_shared>>)
          tpu.yield
        }) : () -> ()
        %dma_wait3A_127 = arith.constant 0 : i32
        %dma_wait3A_128 = tpu.memref_slice %arg6[%add3A_99, %dma_wait3A_127] : memref<8x64xi32, #tpu.memory_space<vmem>> -> memref<1x64xi32, #tpu.memory_space<vmem>>
        %dma_wait3A_129 = tpu.memref_squeeze %dma_wait3A_128 : memref<1x64xi32, #tpu.memory_space<vmem>> -> memref<64xi32, #tpu.memory_space<vmem>>
        %dma_wait3A_130 = arith.constant 0 : i32
        %dma_wait3A_131 = arith.constant 0 : i32
        %dma_wait3A_132 = tpu.memref_slice %arg2[%dma_wait3A_130, %dma_wait3A_131] : memref<10240x128xf32, #tpu.memory_space<hbm>> -> memref<10240x128xf32, #tpu.memory_space<hbm>>
        tpu.wait_indirect_dma semaphore(%arg16 : memref<!tpu.dma_semaphore, #tpu.memory_space<semaphore_mem>>) src(%dma_wait3A_132 : memref<10240x128xf32, #tpu.memory_space<hbm>>) dst(%arg11 : memref<64x128xf32, #tpu.memory_space<vmem>>)
        %add3A_133 = arith.constant 3 : i32
        %add3A_134 = arith.addi %mul3A_76, %add3A_133 : i32
        "tpu.region"() ({
          %run_scoped3A = tpu.sem_alloc : memref<!tpu.dma_semaphore, #tpu.memory_space<semaphore_mem>>
          %dma_start3A_136 = arith.constant 0 : i32
          %dma_start3A_137 = tpu.memref_slice %arg7[%add3A_134, %dma_start3A_136] : memref<8x64xi32, #tpu.memory_space<vmem>> -> memref<1x64xi32, #tpu.memory_space<vmem>>
          %dma_start3A_138 = tpu.memref_squeeze %dma_start3A_137 : memref<1x64xi32, #tpu.memory_space<vmem>> -> memref<64xi32, #tpu.memory_space<vmem>>
          %dma_start3A_139 = arith.constant 0 : i32
          %dma_start3A_140 = arith.constant 0 : i32
          %dma_start3A_141 = tpu.memref_slice %arg12[%dma_start3A_139, %dma_start3A_140] : memref<10240x128xf32, #tpu.memory_space<vmem_shared>> -> memref<10240x128xf32, #tpu.memory_space<vmem_shared>>
          tpu.enqueue_indirect_dma source(%arg11 : memref<64x128xf32, #tpu.memory_space<vmem>>) target(%dma_start3A_141 : memref<10240x128xf32, #tpu.memory_space<vmem_shared>>) offsets(%dma_start3A_138 : memref<64xi32, #tpu.memory_space<vmem>>) semaphore(%run_scoped3A : memref<!tpu.dma_semaphore, #tpu.memory_space<semaphore_mem>>) {add = true}
          %dma_wait3A_142 = arith.constant 0 : i32
          %dma_wait3A_143 = tpu.memref_slice %arg7[%add3A_134, %dma_wait3A_142] : memref<8x64xi32, #tpu.memory_space<vmem>> -> memref<1x64xi32, #tpu.memory_space<vmem>>
          %dma_wait3A_144 = tpu.memref_squeeze %dma_wait3A_143 : memref<1x64xi32, #tpu.memory_space<vmem>> -> memref<64xi32, #tpu.memory_space<vmem>>
          %dma_wait3A_145 = arith.constant 0 : i32
          %dma_wait3A_146 = arith.constant 0 : i32
          %dma_wait3A_147 = tpu.memref_slice %arg12[%dma_wait3A_145, %dma_wait3A_146] : memref<10240x128xf32, #tpu.memory_space<vmem_shared>> -> memref<10240x128xf32, #tpu.memory_space<vmem_shared>>
          tpu.wait_indirect_dma semaphore(%run_scoped3A : memref<!tpu.dma_semaphore, #tpu.memory_space<semaphore_mem>>) src(%arg11 : memref<64x128xf32, #tpu.memory_space<vmem>>) dst(%dma_wait3A_147 : memref<10240x128xf32, #tpu.memory_space<vmem_shared>>)
          tpu.yield
        }) : () -> ()
        %scan3A_135 = arith.constant 0 : i32
        scf.yield %scan3A_135 : i32
      }
      %scan3A_71 = arith.constant 2 : i32
      %scan3A_72 = arith.constant 0 : i32
      scf.yield %scan3A_72 : i32
    }
    %scan3A_53 = arith.constant 21 : i32
    %barrier3A_54 = arith.constant 0 : index
    tpu.barrier barrier_id(%barrier3A_54)
    %mul3A_55 = arith.constant 640 : i32
    %mul3A_56 = arith.muli %arg1, %mul3A_55 : i32
    %mul3A_57 = arith.constant 640 : i32
    %mul3A_58 = arith.muli %arg1, %mul3A_57 : i32
    "tpu.region"() ({
      %run_scoped3A = tpu.sem_alloc : memref<!tpu.dma_semaphore, #tpu.memory_space<semaphore_mem>>
      %dma_start3A = arith.constant 0 : i32
      %dma_start3A_59 = tpu.memref_slice %arg5[%arg0, %mul3A_58, %dma_start3A] : memref<2x10240x128xf32, #tpu.memory_space<hbm>> -> memref<1x640x128xf32, #tpu.memory_space<hbm>>
      %dma_start3A_60 = tpu.memref_squeeze %dma_start3A_59 : memref<1x640x128xf32, #tpu.memory_space<hbm>> -> memref<640x128xf32, #tpu.memory_space<hbm>>
      %dma_start3A_61 = arith.constant 0 : i32
      %dma_start3A_62 = tpu.memref_slice %arg12[%mul3A_56, %dma_start3A_61] : memref<10240x128xf32, #tpu.memory_space<vmem_shared>> -> memref<640x128xf32, #tpu.memory_space<vmem_shared>>
      tpu.enqueue_dma source(%dma_start3A_62 : memref<640x128xf32, #tpu.memory_space<vmem_shared>>) target(%dma_start3A_60 : memref<640x128xf32, #tpu.memory_space<hbm>>) target_semaphore(%run_scoped3A : memref<!tpu.dma_semaphore, #tpu.memory_space<semaphore_mem>>)
      %dma_wait3A = arith.constant 0 : i32
      %dma_wait3A_63 = tpu.memref_slice %arg5[%arg0, %mul3A_58, %dma_wait3A] : memref<2x10240x128xf32, #tpu.memory_space<hbm>> -> memref<1x640x128xf32, #tpu.memory_space<hbm>>
      %dma_wait3A_64 = tpu.memref_squeeze %dma_wait3A_63 : memref<1x640x128xf32, #tpu.memory_space<hbm>> -> memref<640x128xf32, #tpu.memory_space<hbm>>
      %dma_wait3A_65 = arith.constant 0 : i32
      %dma_wait3A_66 = tpu.memref_slice %arg12[%mul3A_56, %dma_wait3A_65] : memref<10240x128xf32, #tpu.memory_space<vmem_shared>> -> memref<640x128xf32, #tpu.memory_space<vmem_shared>>
      tpu.wait_dma2 semaphore(%run_scoped3A : memref<!tpu.dma_semaphore, #tpu.memory_space<semaphore_mem>>) src(%dma_wait3A_66 : memref<640x128xf32, #tpu.memory_space<vmem_shared>>) dst(%dma_wait3A_64 : memref<640x128xf32, #tpu.memory_space<hbm>>)
      tpu.yield
    }) : () -> ()
    return
  }
}

#map = affine_map<(d0, d1) -> (0, 0)>
#map1 = affine_map<(d0, d1) -> (0, 0, 0)>
module attributes {stable_mosaic.version = 14 : i64} {
  func.func @_agg_body(%arg0: i32, %arg1: i32, %arg2: memref<10240x128xf32, #tpu.memory_space<hbm>>, %arg3: memref<32x168x64xi32, #tpu.memory_space<hbm>>, %arg4: memref<32x168x64xi32, #tpu.memory_space<hbm>>, %arg5: memref<2x10240x128xf32, #tpu.memory_space<hbm>>, %arg6: memref<8x64xi32, #tpu.memory_space<vmem>>, %arg7: memref<8x64xi32, #tpu.memory_space<vmem>>, %arg8: memref<64x128xf32, #tpu.memory_space<vmem>>, %arg9: memref<64x128xf32, #tpu.memory_space<vmem>>, %arg10: memref<64x128xf32, #tpu.memory_space<vmem>>, %arg11: memref<64x128xf32, #tpu.memory_space<vmem>>, %arg12: memref<10240x128xf32, #tpu.memory_space<vmem_shared>>, %arg13: memref<!tpu.dma_semaphore, #tpu.memory_space<semaphore_mem>>, %arg14: memref<!tpu.dma_semaphore, #tpu.memory_space<semaphore_mem>>, %arg15: memref<!tpu.dma_semaphore, #tpu.memory_space<semaphore_mem>>, %arg16: memref<!tpu.dma_semaphore, #tpu.memory_space<semaphore_mem>>) attributes {dimension_semantics = [#tpu.dimension_semantics<core_parallel>, #tpu.dimension_semantics<subcore_parallel>], iteration_bounds = array<i64: 2, 16>, scalar_prefetch = 0 : i64, scratch_operands = 11 : i64, tpu.core_type = #tpu.core_type<sc_vector_subcore>, window_params = [{transform_indices = #map}, {transform_indices = #map1}, {transform_indices = #map1}, {transform_indices = #map1}]} {
    %mul3A = arith.constant 16 : i32
    %mul3A_0 = arith.muli %arg0, %mul3A : i32
    %add3A = arith.addi %mul3A_0, %arg1 : i32
    %scan3A = arith.constant 0 : i32
    %scan3A_1 = arith.constant 0 : i32
    %scan3A_2 = arith.constant 64 : i32
    %scan3A_3 = arith.addi %scan3A_1, %scan3A_2 : i32
    %scan3A_4 = arith.constant 1 : i32
    %scan3A_5 = scf.for %scan3A_59 = %scan3A_1 to %scan3A_3 step %scan3A_4 iter_args(%scan3A_60 = %scan3A) -> (i32)  : i32 {
      %broadcast_in_dim3A = arith.constant 0.000000e+00 : f32
      %broadcast_in_dim3A_61 = vector.broadcast %broadcast_in_dim3A : f32 to vector<16xf32>
      %swap3A = arith.index_cast %scan3A_59 : i32 to index
      %swap3A_62 = arith.constant 0 : index
      %swap3A_63 = tpu.vector_load %arg8[%swap3A, %swap3A_62] {strides = array<i32>} : memref<64x128xf32, #tpu.memory_space<vmem>>, vector<1x16xf32>,
      %swap3A_64 = vector.shape_cast %swap3A_63 : vector<1x16xf32> to vector<16xf32>
      %swap3A_65 = vector.shape_cast %broadcast_in_dim3A_61 : vector<16xf32> to vector<1x16xf32>
      tpu.vector_store %arg8[%swap3A, %swap3A_62], %swap3A_65 {strides = array<i32>} : memref<64x128xf32, #tpu.memory_space<vmem>>, vector<1x16xf32>,
      %broadcast_in_dim3A_66 = arith.constant 0.000000e+00 : f32
      %broadcast_in_dim3A_67 = vector.broadcast %broadcast_in_dim3A_66 : f32 to vector<16xf32>
      %swap3A_68 = arith.index_cast %scan3A_59 : i32 to index
      %swap3A_69 = arith.constant 16 : index
      %swap3A_70 = tpu.vector_load %arg8[%swap3A_68, %swap3A_69] {strides = array<i32>} : memref<64x128xf32, #tpu.memory_space<vmem>>, vector<1x16xf32>,
      %swap3A_71 = vector.shape_cast %swap3A_70 : vector<1x16xf32> to vector<16xf32>
      %swap3A_72 = vector.shape_cast %broadcast_in_dim3A_67 : vector<16xf32> to vector<1x16xf32>
      tpu.vector_store %arg8[%swap3A_68, %swap3A_69], %swap3A_72 {strides = array<i32>} : memref<64x128xf32, #tpu.memory_space<vmem>>, vector<1x16xf32>,
      %broadcast_in_dim3A_73 = arith.constant 0.000000e+00 : f32
      %broadcast_in_dim3A_74 = vector.broadcast %broadcast_in_dim3A_73 : f32 to vector<16xf32>
      %swap3A_75 = arith.index_cast %scan3A_59 : i32 to index
      %swap3A_76 = arith.constant 32 : index
      %swap3A_77 = tpu.vector_load %arg8[%swap3A_75, %swap3A_76] {strides = array<i32>} : memref<64x128xf32, #tpu.memory_space<vmem>>, vector<1x16xf32>,
      %swap3A_78 = vector.shape_cast %swap3A_77 : vector<1x16xf32> to vector<16xf32>
      %swap3A_79 = vector.shape_cast %broadcast_in_dim3A_74 : vector<16xf32> to vector<1x16xf32>
      tpu.vector_store %arg8[%swap3A_75, %swap3A_76], %swap3A_79 {strides = array<i32>} : memref<64x128xf32, #tpu.memory_space<vmem>>, vector<1x16xf32>,
      %broadcast_in_dim3A_80 = arith.constant 0.000000e+00 : f32
      %broadcast_in_dim3A_81 = vector.broadcast %broadcast_in_dim3A_80 : f32 to vector<16xf32>
      %swap3A_82 = arith.index_cast %scan3A_59 : i32 to index
      %swap3A_83 = arith.constant 48 : index
      %swap3A_84 = tpu.vector_load %arg8[%swap3A_82, %swap3A_83] {strides = array<i32>} : memref<64x128xf32, #tpu.memory_space<vmem>>, vector<1x16xf32>,
      %swap3A_85 = vector.shape_cast %swap3A_84 : vector<1x16xf32> to vector<16xf32>
      %swap3A_86 = vector.shape_cast %broadcast_in_dim3A_81 : vector<16xf32> to vector<1x16xf32>
      tpu.vector_store %arg8[%swap3A_82, %swap3A_83], %swap3A_86 {strides = array<i32>} : memref<64x128xf32, #tpu.memory_space<vmem>>, vector<1x16xf32>,
      %broadcast_in_dim3A_87 = arith.constant 0.000000e+00 : f32
      %broadcast_in_dim3A_88 = vector.broadcast %broadcast_in_dim3A_87 : f32 to vector<16xf32>
      %swap3A_89 = arith.index_cast %scan3A_59 : i32 to index
      %swap3A_90 = arith.constant 64 : index
      %swap3A_91 = tpu.vector_load %arg8[%swap3A_89, %swap3A_90] {strides = array<i32>} : memref<64x128xf32, #tpu.memory_space<vmem>>, vector<1x16xf32>,
      %swap3A_92 = vector.shape_cast %swap3A_91 : vector<1x16xf32> to vector<16xf32>
      %swap3A_93 = vector.shape_cast %broadcast_in_dim3A_88 : vector<16xf32> to vector<1x16xf32>
      tpu.vector_store %arg8[%swap3A_89, %swap3A_90], %swap3A_93 {strides = array<i32>} : memref<64x128xf32, #tpu.memory_space<vmem>>, vector<1x16xf32>,
      %broadcast_in_dim3A_94 = arith.constant 0.000000e+00 : f32
      %broadcast_in_dim3A_95 = vector.broadcast %broadcast_in_dim3A_94 : f32 to vector<16xf32>
      %swap3A_96 = arith.index_cast %scan3A_59 : i32 to index
      %swap3A_97 = arith.constant 80 : index
      %swap3A_98 = tpu.vector_load %arg8[%swap3A_96, %swap3A_97] {strides = array<i32>} : memref<64x128xf32, #tpu.memory_space<vmem>>, vector<1x16xf32>,
      %swap3A_99 = vector.shape_cast %swap3A_98 : vector<1x16xf32> to vector<16xf32>
      %swap3A_100 = vector.shape_cast %broadcast_in_dim3A_95 : vector<16xf32> to vector<1x16xf32>
      tpu.vector_store %arg8[%swap3A_96, %swap3A_97], %swap3A_100 {strides = array<i32>} : memref<64x128xf32, #tpu.memory_space<vmem>>, vector<1x16xf32>,
      %broadcast_in_dim3A_101 = arith.constant 0.000000e+00 : f32
      %broadcast_in_dim3A_102 = vector.broadcast %broadcast_in_dim3A_101 : f32 to vector<16xf32>
      %swap3A_103 = arith.index_cast %scan3A_59 : i32 to index
      %swap3A_104 = arith.constant 96 : index
      %swap3A_105 = tpu.vector_load %arg8[%swap3A_103, %swap3A_104] {strides = array<i32>} : memref<64x128xf32, #tpu.memory_space<vmem>>, vector<1x16xf32>,
      %swap3A_106 = vector.shape_cast %swap3A_105 : vector<1x16xf32> to vector<16xf32>
      %swap3A_107 = vector.shape_cast %broadcast_in_dim3A_102 : vector<16xf32> to vector<1x16xf32>
      tpu.vector_store %arg8[%swap3A_103, %swap3A_104], %swap3A_107 {strides = array<i32>} : memref<64x128xf32, #tpu.memory_space<vmem>>, vector<1x16xf32>,
      %broadcast_in_dim3A_108 = arith.constant 0.000000e+00 : f32
      %broadcast_in_dim3A_109 = vector.broadcast %broadcast_in_dim3A_108 : f32 to vector<16xf32>
      %swap3A_110 = arith.index_cast %scan3A_59 : i32 to index
      %swap3A_111 = arith.constant 112 : index
      %swap3A_112 = tpu.vector_load %arg8[%swap3A_110, %swap3A_111] {strides = array<i32>} : memref<64x128xf32, #tpu.memory_space<vmem>>, vector<1x16xf32>,
      %swap3A_113 = vector.shape_cast %swap3A_112 : vector<1x16xf32> to vector<16xf32>
      %swap3A_114 = vector.shape_cast %broadcast_in_dim3A_109 : vector<16xf32> to vector<1x16xf32>
      tpu.vector_store %arg8[%swap3A_110, %swap3A_111], %swap3A_114 {strides = array<i32>} : memref<64x128xf32, #tpu.memory_space<vmem>>, vector<1x16xf32>,
      %scan3A_115 = arith.constant 0 : i32
      scf.yield %scan3A_115 : i32
    }
    %scan3A_6 = arith.constant 64 : i32
    %mul3A_7 = arith.constant 640 : i32
    %mul3A_8 = arith.muli %arg1, %mul3A_7 : i32
    %add3A_9 = arith.constant 0 : i32
    %add3A_10 = arith.addi %mul3A_8, %add3A_9 : i32
    "tpu.region"() ({
      %run_scoped3A = tpu.sem_alloc : memref<!tpu.dma_semaphore, #tpu.memory_space<semaphore_mem>>
      %dma_start3A = arith.constant 0 : i32
      %dma_start3A_59 = tpu.memref_slice %arg12[%add3A_10, %dma_start3A] : memref<10240x128xf32, #tpu.memory_space<vmem_shared>> -> memref<64x128xf32, #tpu.memory_space<vmem_shared>>
      %dma_start3A_60 = arith.constant 0 : i32
      %dma_start3A_61 = tpu.memref_slice %arg12[%add3A_10, %dma_start3A_60] : memref<10240x128xf32, #tpu.memory_space<vmem_shared>> -> memref<64x128xf32, #tpu.memory_space<vmem_shared>>
      tpu.enqueue_dma source(%arg8 : memref<64x128xf32, #tpu.memory_space<vmem>>) target(%dma_start3A_61 : memref<64x128xf32, #tpu.memory_space<vmem_shared>>) target_semaphore(%run_scoped3A : memref<!tpu.dma_semaphore, #tpu.memory_space<semaphore_mem>>)
      %dma_wait3A = arith.constant 0 : i32
      %dma_wait3A_62 = tpu.memref_slice %arg12[%add3A_10, %dma_wait3A] : memref<10240x128xf32, #tpu.memory_space<vmem_shared>> -> memref<64x128xf32, #tpu.memory_space<vmem_shared>>
      %dma_wait3A_63 = arith.constant 0 : i32
      %dma_wait3A_64 = tpu.memref_slice %arg12[%add3A_10, %dma_wait3A_63] : memref<10240x128xf32, #tpu.memory_space<vmem_shared>> -> memref<64x128xf32, #tpu.memory_space<vmem_shared>>
      tpu.wait_dma2 semaphore(%run_scoped3A : memref<!tpu.dma_semaphore, #tpu.memory_space<semaphore_mem>>) src(%arg8 : memref<64x128xf32, #tpu.memory_space<vmem>>) dst(%dma_wait3A_64 : memref<64x128xf32, #tpu.memory_space<vmem_shared>>)
      tpu.yield
    }) : () -> ()
    %mul3A_11 = arith.constant 640 : i32
    %mul3A_12 = arith.muli %arg1, %mul3A_11 : i32
    %add3A_13 = arith.constant 64 : i32
    %add3A_14 = arith.addi %mul3A_12, %add3A_13 : i32
    "tpu.region"() ({
      %run_scoped3A = tpu.sem_alloc : memref<!tpu.dma_semaphore, #tpu.memory_space<semaphore_mem>>
      %dma_start3A = arith.constant 0 : i32
      %dma_start3A_59 = tpu.memref_slice %arg12[%add3A_14, %dma_start3A] : memref<10240x128xf32, #tpu.memory_space<vmem_shared>> -> memref<64x128xf32, #tpu.memory_space<vmem_shared>>
      %dma_start3A_60 = arith.constant 0 : i32
      %dma_start3A_61 = tpu.memref_slice %arg12[%add3A_14, %dma_start3A_60] : memref<10240x128xf32, #tpu.memory_space<vmem_shared>> -> memref<64x128xf32, #tpu.memory_space<vmem_shared>>
      tpu.enqueue_dma source(%arg8 : memref<64x128xf32, #tpu.memory_space<vmem>>) target(%dma_start3A_61 : memref<64x128xf32, #tpu.memory_space<vmem_shared>>) target_semaphore(%run_scoped3A : memref<!tpu.dma_semaphore, #tpu.memory_space<semaphore_mem>>)
      %dma_wait3A = arith.constant 0 : i32
      %dma_wait3A_62 = tpu.memref_slice %arg12[%add3A_14, %dma_wait3A] : memref<10240x128xf32, #tpu.memory_space<vmem_shared>> -> memref<64x128xf32, #tpu.memory_space<vmem_shared>>
      %dma_wait3A_63 = arith.constant 0 : i32
      %dma_wait3A_64 = tpu.memref_slice %arg12[%add3A_14, %dma_wait3A_63] : memref<10240x128xf32, #tpu.memory_space<vmem_shared>> -> memref<64x128xf32, #tpu.memory_space<vmem_shared>>
      tpu.wait_dma2 semaphore(%run_scoped3A : memref<!tpu.dma_semaphore, #tpu.memory_space<semaphore_mem>>) src(%arg8 : memref<64x128xf32, #tpu.memory_space<vmem>>) dst(%dma_wait3A_64 : memref<64x128xf32, #tpu.memory_space<vmem_shared>>)
      tpu.yield
    }) : () -> ()
    %mul3A_15 = arith.constant 640 : i32
    %mul3A_16 = arith.muli %arg1, %mul3A_15 : i32
    %add3A_17 = arith.constant 128 : i32
    %add3A_18 = arith.addi %mul3A_16, %add3A_17 : i32
    "tpu.region"() ({
      %run_scoped3A = tpu.sem_alloc : memref<!tpu.dma_semaphore, #tpu.memory_space<semaphore_mem>>
      %dma_start3A = arith.constant 0 : i32
      %dma_start3A_59 = tpu.memref_slice %arg12[%add3A_18, %dma_start3A] : memref<10240x128xf32, #tpu.memory_space<vmem_shared>> -> memref<64x128xf32, #tpu.memory_space<vmem_shared>>
      %dma_start3A_60 = arith.constant 0 : i32
      %dma_start3A_61 = tpu.memref_slice %arg12[%add3A_18, %dma_start3A_60] : memref<10240x128xf32, #tpu.memory_space<vmem_shared>> -> memref<64x128xf32, #tpu.memory_space<vmem_shared>>
      tpu.enqueue_dma source(%arg8 : memref<64x128xf32, #tpu.memory_space<vmem>>) target(%dma_start3A_61 : memref<64x128xf32, #tpu.memory_space<vmem_shared>>) target_semaphore(%run_scoped3A : memref<!tpu.dma_semaphore, #tpu.memory_space<semaphore_mem>>)
      %dma_wait3A = arith.constant 0 : i32
      %dma_wait3A_62 = tpu.memref_slice %arg12[%add3A_18, %dma_wait3A] : memref<10240x128xf32, #tpu.memory_space<vmem_shared>> -> memref<64x128xf32, #tpu.memory_space<vmem_shared>>
      %dma_wait3A_63 = arith.constant 0 : i32
      %dma_wait3A_64 = tpu.memref_slice %arg12[%add3A_18, %dma_wait3A_63] : memref<10240x128xf32, #tpu.memory_space<vmem_shared>> -> memref<64x128xf32, #tpu.memory_space<vmem_shared>>
      tpu.wait_dma2 semaphore(%run_scoped3A : memref<!tpu.dma_semaphore, #tpu.memory_space<semaphore_mem>>) src(%arg8 : memref<64x128xf32, #tpu.memory_space<vmem>>) dst(%dma_wait3A_64 : memref<64x128xf32, #tpu.memory_space<vmem_shared>>)
      tpu.yield
    }) : () -> ()
    %mul3A_19 = arith.constant 640 : i32
    %mul3A_20 = arith.muli %arg1, %mul3A_19 : i32
    %add3A_21 = arith.constant 192 : i32
    %add3A_22 = arith.addi %mul3A_20, %add3A_21 : i32
    "tpu.region"() ({
      %run_scoped3A = tpu.sem_alloc : memref<!tpu.dma_semaphore, #tpu.memory_space<semaphore_mem>>
      %dma_start3A = arith.constant 0 : i32
      %dma_start3A_59 = tpu.memref_slice %arg12[%add3A_22, %dma_start3A] : memref<10240x128xf32, #tpu.memory_space<vmem_shared>> -> memref<64x128xf32, #tpu.memory_space<vmem_shared>>
      %dma_start3A_60 = arith.constant 0 : i32
      %dma_start3A_61 = tpu.memref_slice %arg12[%add3A_22, %dma_start3A_60] : memref<10240x128xf32, #tpu.memory_space<vmem_shared>> -> memref<64x128xf32, #tpu.memory_space<vmem_shared>>
      tpu.enqueue_dma source(%arg8 : memref<64x128xf32, #tpu.memory_space<vmem>>) target(%dma_start3A_61 : memref<64x128xf32, #tpu.memory_space<vmem_shared>>) target_semaphore(%run_scoped3A : memref<!tpu.dma_semaphore, #tpu.memory_space<semaphore_mem>>)
      %dma_wait3A = arith.constant 0 : i32
      %dma_wait3A_62 = tpu.memref_slice %arg12[%add3A_22, %dma_wait3A] : memref<10240x128xf32, #tpu.memory_space<vmem_shared>> -> memref<64x128xf32, #tpu.memory_space<vmem_shared>>
      %dma_wait3A_63 = arith.constant 0 : i32
      %dma_wait3A_64 = tpu.memref_slice %arg12[%add3A_22, %dma_wait3A_63] : memref<10240x128xf32, #tpu.memory_space<vmem_shared>> -> memref<64x128xf32, #tpu.memory_space<vmem_shared>>
      tpu.wait_dma2 semaphore(%run_scoped3A : memref<!tpu.dma_semaphore, #tpu.memory_space<semaphore_mem>>) src(%arg8 : memref<64x128xf32, #tpu.memory_space<vmem>>) dst(%dma_wait3A_64 : memref<64x128xf32, #tpu.memory_space<vmem_shared>>)
      tpu.yield
    }) : () -> ()
    %mul3A_23 = arith.constant 640 : i32
    %mul3A_24 = arith.muli %arg1, %mul3A_23 : i32
    %add3A_25 = arith.constant 256 : i32
    %add3A_26 = arith.addi %mul3A_24, %add3A_25 : i32
    "tpu.region"() ({
      %run_scoped3A = tpu.sem_alloc : memref<!tpu.dma_semaphore, #tpu.memory_space<semaphore_mem>>
      %dma_start3A = arith.constant 0 : i32
      %dma_start3A_59 = tpu.memref_slice %arg12[%add3A_26, %dma_start3A] : memref<10240x128xf32, #tpu.memory_space<vmem_shared>> -> memref<64x128xf32, #tpu.memory_space<vmem_shared>>
      %dma_start3A_60 = arith.constant 0 : i32
      %dma_start3A_61 = tpu.memref_slice %arg12[%add3A_26, %dma_start3A_60] : memref<10240x128xf32, #tpu.memory_space<vmem_shared>> -> memref<64x128xf32, #tpu.memory_space<vmem_shared>>
      tpu.enqueue_dma source(%arg8 : memref<64x128xf32, #tpu.memory_space<vmem>>) target(%dma_start3A_61 : memref<64x128xf32, #tpu.memory_space<vmem_shared>>) target_semaphore(%run_scoped3A : memref<!tpu.dma_semaphore, #tpu.memory_space<semaphore_mem>>)
      %dma_wait3A = arith.constant 0 : i32
      %dma_wait3A_62 = tpu.memref_slice %arg12[%add3A_26, %dma_wait3A] : memref<10240x128xf32, #tpu.memory_space<vmem_shared>> -> memref<64x128xf32, #tpu.memory_space<vmem_shared>>
      %dma_wait3A_63 = arith.constant 0 : i32
      %dma_wait3A_64 = tpu.memref_slice %arg12[%add3A_26, %dma_wait3A_63] : memref<10240x128xf32, #tpu.memory_space<vmem_shared>> -> memref<64x128xf32, #tpu.memory_space<vmem_shared>>
      tpu.wait_dma2 semaphore(%run_scoped3A : memref<!tpu.dma_semaphore, #tpu.memory_space<semaphore_mem>>) src(%arg8 : memref<64x128xf32, #tpu.memory_space<vmem>>) dst(%dma_wait3A_64 : memref<64x128xf32, #tpu.memory_space<vmem_shared>>)
      tpu.yield
    }) : () -> ()
    %mul3A_27 = arith.constant 640 : i32
    %mul3A_28 = arith.muli %arg1, %mul3A_27 : i32
    %add3A_29 = arith.constant 320 : i32
    %add3A_30 = arith.addi %mul3A_28, %add3A_29 : i32
    "tpu.region"() ({
      %run_scoped3A = tpu.sem_alloc : memref<!tpu.dma_semaphore, #tpu.memory_space<semaphore_mem>>
      %dma_start3A = arith.constant 0 : i32
      %dma_start3A_59 = tpu.memref_slice %arg12[%add3A_30, %dma_start3A] : memref<10240x128xf32, #tpu.memory_space<vmem_shared>> -> memref<64x128xf32, #tpu.memory_space<vmem_shared>>
      %dma_start3A_60 = arith.constant 0 : i32
      %dma_start3A_61 = tpu.memref_slice %arg12[%add3A_30, %dma_start3A_60] : memref<10240x128xf32, #tpu.memory_space<vmem_shared>> -> memref<64x128xf32, #tpu.memory_space<vmem_shared>>
      tpu.enqueue_dma source(%arg8 : memref<64x128xf32, #tpu.memory_space<vmem>>) target(%dma_start3A_61 : memref<64x128xf32, #tpu.memory_space<vmem_shared>>) target_semaphore(%run_scoped3A : memref<!tpu.dma_semaphore, #tpu.memory_space<semaphore_mem>>)
      %dma_wait3A = arith.constant 0 : i32
      %dma_wait3A_62 = tpu.memref_slice %arg12[%add3A_30, %dma_wait3A] : memref<10240x128xf32, #tpu.memory_space<vmem_shared>> -> memref<64x128xf32, #tpu.memory_space<vmem_shared>>
      %dma_wait3A_63 = arith.constant 0 : i32
      %dma_wait3A_64 = tpu.memref_slice %arg12[%add3A_30, %dma_wait3A_63] : memref<10240x128xf32, #tpu.memory_space<vmem_shared>> -> memref<64x128xf32, #tpu.memory_space<vmem_shared>>
      tpu.wait_dma2 semaphore(%run_scoped3A : memref<!tpu.dma_semaphore, #tpu.memory_space<semaphore_mem>>) src(%arg8 : memref<64x128xf32, #tpu.memory_space<vmem>>) dst(%dma_wait3A_64 : memref<64x128xf32, #tpu.memory_space<vmem_shared>>)
      tpu.yield
    }) : () -> ()
    %mul3A_31 = arith.constant 640 : i32
    %mul3A_32 = arith.muli %arg1, %mul3A_31 : i32
    %add3A_33 = arith.constant 384 : i32
    %add3A_34 = arith.addi %mul3A_32, %add3A_33 : i32
    "tpu.region"() ({
      %run_scoped3A = tpu.sem_alloc : memref<!tpu.dma_semaphore, #tpu.memory_space<semaphore_mem>>
      %dma_start3A = arith.constant 0 : i32
      %dma_start3A_59 = tpu.memref_slice %arg12[%add3A_34, %dma_start3A] : memref<10240x128xf32, #tpu.memory_space<vmem_shared>> -> memref<64x128xf32, #tpu.memory_space<vmem_shared>>
      %dma_start3A_60 = arith.constant 0 : i32
      %dma_start3A_61 = tpu.memref_slice %arg12[%add3A_34, %dma_start3A_60] : memref<10240x128xf32, #tpu.memory_space<vmem_shared>> -> memref<64x128xf32, #tpu.memory_space<vmem_shared>>
      tpu.enqueue_dma source(%arg8 : memref<64x128xf32, #tpu.memory_space<vmem>>) target(%dma_start3A_61 : memref<64x128xf32, #tpu.memory_space<vmem_shared>>) target_semaphore(%run_scoped3A : memref<!tpu.dma_semaphore, #tpu.memory_space<semaphore_mem>>)
      %dma_wait3A = arith.constant 0 : i32
      %dma_wait3A_62 = tpu.memref_slice %arg12[%add3A_34, %dma_wait3A] : memref<10240x128xf32, #tpu.memory_space<vmem_shared>> -> memref<64x128xf32, #tpu.memory_space<vmem_shared>>
      %dma_wait3A_63 = arith.constant 0 : i32
      %dma_wait3A_64 = tpu.memref_slice %arg12[%add3A_34, %dma_wait3A_63] : memref<10240x128xf32, #tpu.memory_space<vmem_shared>> -> memref<64x128xf32, #tpu.memory_space<vmem_shared>>
      tpu.wait_dma2 semaphore(%run_scoped3A : memref<!tpu.dma_semaphore, #tpu.memory_space<semaphore_mem>>) src(%arg8 : memref<64x128xf32, #tpu.memory_space<vmem>>) dst(%dma_wait3A_64 : memref<64x128xf32, #tpu.memory_space<vmem_shared>>)
      tpu.yield
    }) : () -> ()
    %mul3A_35 = arith.constant 640 : i32
    %mul3A_36 = arith.muli %arg1, %mul3A_35 : i32
    %add3A_37 = arith.constant 448 : i32
    %add3A_38 = arith.addi %mul3A_36, %add3A_37 : i32
    "tpu.region"() ({
      %run_scoped3A = tpu.sem_alloc : memref<!tpu.dma_semaphore, #tpu.memory_space<semaphore_mem>>
      %dma_start3A = arith.constant 0 : i32
      %dma_start3A_59 = tpu.memref_slice %arg12[%add3A_38, %dma_start3A] : memref<10240x128xf32, #tpu.memory_space<vmem_shared>> -> memref<64x128xf32, #tpu.memory_space<vmem_shared>>
      %dma_start3A_60 = arith.constant 0 : i32
      %dma_start3A_61 = tpu.memref_slice %arg12[%add3A_38, %dma_start3A_60] : memref<10240x128xf32, #tpu.memory_space<vmem_shared>> -> memref<64x128xf32, #tpu.memory_space<vmem_shared>>
      tpu.enqueue_dma source(%arg8 : memref<64x128xf32, #tpu.memory_space<vmem>>) target(%dma_start3A_61 : memref<64x128xf32, #tpu.memory_space<vmem_shared>>) target_semaphore(%run_scoped3A : memref<!tpu.dma_semaphore, #tpu.memory_space<semaphore_mem>>)
      %dma_wait3A = arith.constant 0 : i32
      %dma_wait3A_62 = tpu.memref_slice %arg12[%add3A_38, %dma_wait3A] : memref<10240x128xf32, #tpu.memory_space<vmem_shared>> -> memref<64x128xf32, #tpu.memory_space<vmem_shared>>
      %dma_wait3A_63 = arith.constant 0 : i32
      %dma_wait3A_64 = tpu.memref_slice %arg12[%add3A_38, %dma_wait3A_63] : memref<10240x128xf32, #tpu.memory_space<vmem_shared>> -> memref<64x128xf32, #tpu.memory_space<vmem_shared>>
      tpu.wait_dma2 semaphore(%run_scoped3A : memref<!tpu.dma_semaphore, #tpu.memory_space<semaphore_mem>>) src(%arg8 : memref<64x128xf32, #tpu.memory_space<vmem>>) dst(%dma_wait3A_64 : memref<64x128xf32, #tpu.memory_space<vmem_shared>>)
      tpu.yield
    }) : () -> ()
    %mul3A_39 = arith.constant 640 : i32
    %mul3A_40 = arith.muli %arg1, %mul3A_39 : i32
    %add3A_41 = arith.constant 512 : i32
    %add3A_42 = arith.addi %mul3A_40, %add3A_41 : i32
    "tpu.region"() ({
      %run_scoped3A = tpu.sem_alloc : memref<!tpu.dma_semaphore, #tpu.memory_space<semaphore_mem>>
      %dma_start3A = arith.constant 0 : i32
      %dma_start3A_59 = tpu.memref_slice %arg12[%add3A_42, %dma_start3A] : memref<10240x128xf32, #tpu.memory_space<vmem_shared>> -> memref<64x128xf32, #tpu.memory_space<vmem_shared>>
      %dma_start3A_60 = arith.constant 0 : i32
      %dma_start3A_61 = tpu.memref_slice %arg12[%add3A_42, %dma_start3A_60] : memref<10240x128xf32, #tpu.memory_space<vmem_shared>> -> memref<64x128xf32, #tpu.memory_space<vmem_shared>>
      tpu.enqueue_dma source(%arg8 : memref<64x128xf32, #tpu.memory_space<vmem>>) target(%dma_start3A_61 : memref<64x128xf32, #tpu.memory_space<vmem_shared>>) target_semaphore(%run_scoped3A : memref<!tpu.dma_semaphore, #tpu.memory_space<semaphore_mem>>)
      %dma_wait3A = arith.constant 0 : i32
      %dma_wait3A_62 = tpu.memref_slice %arg12[%add3A_42, %dma_wait3A] : memref<10240x128xf32, #tpu.memory_space<vmem_shared>> -> memref<64x128xf32, #tpu.memory_space<vmem_shared>>
      %dma_wait3A_63 = arith.constant 0 : i32
      %dma_wait3A_64 = tpu.memref_slice %arg12[%add3A_42, %dma_wait3A_63] : memref<10240x128xf32, #tpu.memory_space<vmem_shared>> -> memref<64x128xf32, #tpu.memory_space<vmem_shared>>
      tpu.wait_dma2 semaphore(%run_scoped3A : memref<!tpu.dma_semaphore, #tpu.memory_space<semaphore_mem>>) src(%arg8 : memref<64x128xf32, #tpu.memory_space<vmem>>) dst(%dma_wait3A_64 : memref<64x128xf32, #tpu.memory_space<vmem_shared>>)
      tpu.yield
    }) : () -> ()
    %mul3A_43 = arith.constant 640 : i32
    %mul3A_44 = arith.muli %arg1, %mul3A_43 : i32
    %add3A_45 = arith.constant 576 : i32
    %add3A_46 = arith.addi %mul3A_44, %add3A_45 : i32
    "tpu.region"() ({
      %run_scoped3A = tpu.sem_alloc : memref<!tpu.dma_semaphore, #tpu.memory_space<semaphore_mem>>
      %dma_start3A = arith.constant 0 : i32
      %dma_start3A_59 = tpu.memref_slice %arg12[%add3A_46, %dma_start3A] : memref<10240x128xf32, #tpu.memory_space<vmem_shared>> -> memref<64x128xf32, #tpu.memory_space<vmem_shared>>
      %dma_start3A_60 = arith.constant 0 : i32
      %dma_start3A_61 = tpu.memref_slice %arg12[%add3A_46, %dma_start3A_60] : memref<10240x128xf32, #tpu.memory_space<vmem_shared>> -> memref<64x128xf32, #tpu.memory_space<vmem_shared>>
      tpu.enqueue_dma source(%arg8 : memref<64x128xf32, #tpu.memory_space<vmem>>) target(%dma_start3A_61 : memref<64x128xf32, #tpu.memory_space<vmem_shared>>) target_semaphore(%run_scoped3A : memref<!tpu.dma_semaphore, #tpu.memory_space<semaphore_mem>>)
      %dma_wait3A = arith.constant 0 : i32
      %dma_wait3A_62 = tpu.memref_slice %arg12[%add3A_46, %dma_wait3A] : memref<10240x128xf32, #tpu.memory_space<vmem_shared>> -> memref<64x128xf32, #tpu.memory_space<vmem_shared>>
      %dma_wait3A_63 = arith.constant 0 : i32
      %dma_wait3A_64 = tpu.memref_slice %arg12[%add3A_46, %dma_wait3A_63] : memref<10240x128xf32, #tpu.memory_space<vmem_shared>> -> memref<64x128xf32, #tpu.memory_space<vmem_shared>>
      tpu.wait_dma2 semaphore(%run_scoped3A : memref<!tpu.dma_semaphore, #tpu.memory_space<semaphore_mem>>) src(%arg8 : memref<64x128xf32, #tpu.memory_space<vmem>>) dst(%dma_wait3A_64 : memref<64x128xf32, #tpu.memory_space<vmem_shared>>)
      tpu.yield
    }) : () -> ()
    %barrier3A = arith.constant 0 : index
    tpu.barrier barrier_id(%barrier3A)
    %scan3A_47 = arith.constant 0 : i32
    %scan3A_48 = arith.constant 0 : i32
    %scan3A_49 = arith.constant 21 : i32
    %scan3A_50 = arith.addi %scan3A_48, %scan3A_49 : i32
    %scan3A_51 = arith.constant 1 : i32
    %scan3A_52 = scf.for %scan3A_59 = %scan3A_48 to %scan3A_50 step %scan3A_51 iter_args(%scan3A_60 = %scan3A_47) -> (i32)  : i32 {
      %mul3A_61 = arith.constant 8 : i32
      %mul3A_62 = arith.muli %scan3A_59, %mul3A_61 : i32
      "tpu.region"() ({
        %run_scoped3A = tpu.sem_alloc : memref<!tpu.dma_semaphore, #tpu.memory_space<semaphore_mem>>
        %dma_start3A = arith.constant 0 : i32
        %dma_start3A_73 = tpu.memref_slice %arg3[%add3A, %mul3A_62, %dma_start3A] : memref<32x168x64xi32, #tpu.memory_space<hbm>> -> memref<1x8x64xi32, #tpu.memory_space<hbm>>
        %dma_start3A_74 = tpu.memref_squeeze %dma_start3A_73 : memref<1x8x64xi32, #tpu.memory_space<hbm>> -> memref<8x64xi32, #tpu.memory_space<hbm>>
        %dma_start3A_75 = arith.constant 0 : i32
        %dma_start3A_76 = tpu.memref_slice %arg3[%add3A, %mul3A_62, %dma_start3A_75] : memref<32x168x64xi32, #tpu.memory_space<hbm>> -> memref<1x8x64xi32, #tpu.memory_space<hbm>>
        %dma_start3A_77 = tpu.memref_squeeze %dma_start3A_76 : memref<1x8x64xi32, #tpu.memory_space<hbm>> -> memref<8x64xi32, #tpu.memory_space<hbm>>
        tpu.enqueue_dma source(%dma_start3A_77 : memref<8x64xi32, #tpu.memory_space<hbm>>) target(%arg6 : memref<8x64xi32, #tpu.memory_space<vmem>>) target_semaphore(%run_scoped3A : memref<!tpu.dma_semaphore, #tpu.memory_space<semaphore_mem>>)
        %dma_wait3A = arith.constant 0 : i32
        %dma_wait3A_78 = tpu.memref_slice %arg3[%add3A, %mul3A_62, %dma_wait3A] : memref<32x168x64xi32, #tpu.memory_space<hbm>> -> memref<1x8x64xi32, #tpu.memory_space<hbm>>
        %dma_wait3A_79 = tpu.memref_squeeze %dma_wait3A_78 : memref<1x8x64xi32, #tpu.memory_space<hbm>> -> memref<8x64xi32, #tpu.memory_space<hbm>>
        %dma_wait3A_80 = arith.constant 0 : i32
        %dma_wait3A_81 = tpu.memref_slice %arg3[%add3A, %mul3A_62, %dma_wait3A_80] : memref<32x168x64xi32, #tpu.memory_space<hbm>> -> memref<1x8x64xi32, #tpu.memory_space<hbm>>
        %dma_wait3A_82 = tpu.memref_squeeze %dma_wait3A_81 : memref<1x8x64xi32, #tpu.memory_space<hbm>> -> memref<8x64xi32, #tpu.memory_space<hbm>>
        tpu.wait_dma2 semaphore(%run_scoped3A : memref<!tpu.dma_semaphore, #tpu.memory_space<semaphore_mem>>) src(%dma_wait3A_82 : memref<8x64xi32, #tpu.memory_space<hbm>>) dst(%arg6 : memref<8x64xi32, #tpu.memory_space<vmem>>)
        tpu.yield
      }) : () -> ()
      %mul3A_63 = arith.constant 8 : i32
      %mul3A_64 = arith.muli %scan3A_59, %mul3A_63 : i32
      "tpu.region"() ({
        %run_scoped3A = tpu.sem_alloc : memref<!tpu.dma_semaphore, #tpu.memory_space<semaphore_mem>>
        %dma_start3A = arith.constant 0 : i32
        %dma_start3A_73 = tpu.memref_slice %arg4[%add3A, %mul3A_64, %dma_start3A] : memref<32x168x64xi32, #tpu.memory_space<hbm>> -> memref<1x8x64xi32, #tpu.memory_space<hbm>>
        %dma_start3A_74 = tpu.memref_squeeze %dma_start3A_73 : memref<1x8x64xi32, #tpu.memory_space<hbm>> -> memref<8x64xi32, #tpu.memory_space<hbm>>
        %dma_start3A_75 = arith.constant 0 : i32
        %dma_start3A_76 = tpu.memref_slice %arg4[%add3A, %mul3A_64, %dma_start3A_75] : memref<32x168x64xi32, #tpu.memory_space<hbm>> -> memref<1x8x64xi32, #tpu.memory_space<hbm>>
        %dma_start3A_77 = tpu.memref_squeeze %dma_start3A_76 : memref<1x8x64xi32, #tpu.memory_space<hbm>> -> memref<8x64xi32, #tpu.memory_space<hbm>>
        tpu.enqueue_dma source(%dma_start3A_77 : memref<8x64xi32, #tpu.memory_space<hbm>>) target(%arg7 : memref<8x64xi32, #tpu.memory_space<vmem>>) target_semaphore(%run_scoped3A : memref<!tpu.dma_semaphore, #tpu.memory_space<semaphore_mem>>)
        %dma_wait3A = arith.constant 0 : i32
        %dma_wait3A_78 = tpu.memref_slice %arg4[%add3A, %mul3A_64, %dma_wait3A] : memref<32x168x64xi32, #tpu.memory_space<hbm>> -> memref<1x8x64xi32, #tpu.memory_space<hbm>>
        %dma_wait3A_79 = tpu.memref_squeeze %dma_wait3A_78 : memref<1x8x64xi32, #tpu.memory_space<hbm>> -> memref<8x64xi32, #tpu.memory_space<hbm>>
        %dma_wait3A_80 = arith.constant 0 : i32
        %dma_wait3A_81 = tpu.memref_slice %arg4[%add3A, %mul3A_64, %dma_wait3A_80] : memref<32x168x64xi32, #tpu.memory_space<hbm>> -> memref<1x8x64xi32, #tpu.memory_space<hbm>>
        %dma_wait3A_82 = tpu.memref_squeeze %dma_wait3A_81 : memref<1x8x64xi32, #tpu.memory_space<hbm>> -> memref<8x64xi32, #tpu.memory_space<hbm>>
        tpu.wait_dma2 semaphore(%run_scoped3A : memref<!tpu.dma_semaphore, #tpu.memory_space<semaphore_mem>>) src(%dma_wait3A_82 : memref<8x64xi32, #tpu.memory_space<hbm>>) dst(%arg7 : memref<8x64xi32, #tpu.memory_space<vmem>>)
        tpu.yield
      }) : () -> ()
      %scan3A_65 = arith.constant 0 : i32
      %scan3A_66 = arith.constant 0 : i32
      %scan3A_67 = arith.constant 2 : i32
      %scan3A_68 = arith.addi %scan3A_66, %scan3A_67 : i32
      %scan3A_69 = arith.constant 1 : i32
      %scan3A_70 = scf.for %scan3A_73 = %scan3A_66 to %scan3A_68 step %scan3A_69 iter_args(%scan3A_74 = %scan3A_65) -> (i32)  : i32 {
        %mul3A_75 = arith.constant 4 : i32
        %mul3A_76 = arith.muli %scan3A_73, %mul3A_75 : i32
        %dma_start3A = arith.constant 0 : i32
        %dma_start3A_77 = tpu.memref_slice %arg6[%mul3A_76, %dma_start3A] : memref<8x64xi32, #tpu.memory_space<vmem>> -> memref<1x64xi32, #tpu.memory_space<vmem>>
        %dma_start3A_78 = tpu.memref_squeeze %dma_start3A_77 : memref<1x64xi32, #tpu.memory_space<vmem>> -> memref<64xi32, #tpu.memory_space<vmem>>
        %dma_start3A_79 = arith.constant 0 : i32
        %dma_start3A_80 = arith.constant 0 : i32
        %dma_start3A_81 = tpu.memref_slice %arg2[%dma_start3A_79, %dma_start3A_80] : memref<10240x128xf32, #tpu.memory_space<hbm>> -> memref<10240x128xf32, #tpu.memory_space<hbm>>
        tpu.enqueue_indirect_dma source(%dma_start3A_81 : memref<10240x128xf32, #tpu.memory_space<hbm>>) target(%arg8 : memref<64x128xf32, #tpu.memory_space<vmem>>) offsets(%dma_start3A_78 : memref<64xi32, #tpu.memory_space<vmem>>) semaphore(%arg13 : memref<!tpu.dma_semaphore, #tpu.memory_space<semaphore_mem>>)
        %add3A_82 = arith.constant 1 : i32
        %add3A_83 = arith.addi %mul3A_76, %add3A_82 : i32
        %dma_start3A_84 = arith.constant 0 : i32
        %dma_start3A_85 = tpu.memref_slice %arg6[%add3A_83, %dma_start3A_84] : memref<8x64xi32, #tpu.memory_space<vmem>> -> memref<1x64xi32, #tpu.memory_space<vmem>>
        %dma_start3A_86 = tpu.memref_squeeze %dma_start3A_85 : memref<1x64xi32, #tpu.memory_space<vmem>> -> memref<64xi32, #tpu.memory_space<vmem>>
        %dma_start3A_87 = arith.constant 0 : i32
        %dma_start3A_88 = arith.constant 0 : i32
        %dma_start3A_89 = tpu.memref_slice %arg2[%dma_start3A_87, %dma_start3A_88] : memref<10240x128xf32, #tpu.memory_space<hbm>> -> memref<10240x128xf32, #tpu.memory_space<hbm>>
        tpu.enqueue_indirect_dma source(%dma_start3A_89 : memref<10240x128xf32, #tpu.memory_space<hbm>>) target(%arg9 : memref<64x128xf32, #tpu.memory_space<vmem>>) offsets(%dma_start3A_86 : memref<64xi32, #tpu.memory_space<vmem>>) semaphore(%arg14 : memref<!tpu.dma_semaphore, #tpu.memory_space<semaphore_mem>>)
        %add3A_90 = arith.constant 2 : i32
        %add3A_91 = arith.addi %mul3A_76, %add3A_90 : i32
        %dma_start3A_92 = arith.constant 0 : i32
        %dma_start3A_93 = tpu.memref_slice %arg6[%add3A_91, %dma_start3A_92] : memref<8x64xi32, #tpu.memory_space<vmem>> -> memref<1x64xi32, #tpu.memory_space<vmem>>
        %dma_start3A_94 = tpu.memref_squeeze %dma_start3A_93 : memref<1x64xi32, #tpu.memory_space<vmem>> -> memref<64xi32, #tpu.memory_space<vmem>>
        %dma_start3A_95 = arith.constant 0 : i32
        %dma_start3A_96 = arith.constant 0 : i32
        %dma_start3A_97 = tpu.memref_slice %arg2[%dma_start3A_95, %dma_start3A_96] : memref<10240x128xf32, #tpu.memory_space<hbm>> -> memref<10240x128xf32, #tpu.memory_space<hbm>>
        tpu.enqueue_indirect_dma source(%dma_start3A_97 : memref<10240x128xf32, #tpu.memory_space<hbm>>) target(%arg10 : memref<64x128xf32, #tpu.memory_space<vmem>>) offsets(%dma_start3A_94 : memref<64xi32, #tpu.memory_space<vmem>>) semaphore(%arg15 : memref<!tpu.dma_semaphore, #tpu.memory_space<semaphore_mem>>)
        %add3A_98 = arith.constant 3 : i32
        %add3A_99 = arith.addi %mul3A_76, %add3A_98 : i32
        %dma_start3A_100 = arith.constant 0 : i32
        %dma_start3A_101 = tpu.memref_slice %arg6[%add3A_99, %dma_start3A_100] : memref<8x64xi32, #tpu.memory_space<vmem>> -> memref<1x64xi32, #tpu.memory_space<vmem>>
        %dma_start3A_102 = tpu.memref_squeeze %dma_start3A_101 : memref<1x64xi32, #tpu.memory_space<vmem>> -> memref<64xi32, #tpu.memory_space<vmem>>
        %dma_start3A_103 = arith.constant 0 : i32
        %dma_start3A_104 = arith.constant 0 : i32
        %dma_start3A_105 = tpu.memref_slice %arg2[%dma_start3A_103, %dma_start3A_104] : memref<10240x128xf32, #tpu.memory_space<hbm>> -> memref<10240x128xf32, #tpu.memory_space<hbm>>
        tpu.enqueue_indirect_dma source(%dma_start3A_105 : memref<10240x128xf32, #tpu.memory_space<hbm>>) target(%arg11 : memref<64x128xf32, #tpu.memory_space<vmem>>) offsets(%dma_start3A_102 : memref<64xi32, #tpu.memory_space<vmem>>) semaphore(%arg16 : memref<!tpu.dma_semaphore, #tpu.memory_space<semaphore_mem>>)
        %dma_wait3A = arith.constant 0 : i32
        %dma_wait3A_106 = tpu.memref_slice %arg6[%mul3A_76, %dma_wait3A] : memref<8x64xi32, #tpu.memory_space<vmem>> -> memref<1x64xi32, #tpu.memory_space<vmem>>
        %dma_wait3A_107 = tpu.memref_squeeze %dma_wait3A_106 : memref<1x64xi32, #tpu.memory_space<vmem>> -> memref<64xi32, #tpu.memory_space<vmem>>
        %dma_wait3A_108 = arith.constant 0 : i32
        %dma_wait3A_109 = arith.constant 0 : i32
        %dma_wait3A_110 = tpu.memref_slice %arg2[%dma_wait3A_108, %dma_wait3A_109] : memref<10240x128xf32, #tpu.memory_space<hbm>> -> memref<10240x128xf32, #tpu.memory_space<hbm>>
        tpu.wait_indirect_dma semaphore(%arg13 : memref<!tpu.dma_semaphore, #tpu.memory_space<semaphore_mem>>) src(%dma_wait3A_110 : memref<10240x128xf32, #tpu.memory_space<hbm>>) dst(%arg8 : memref<64x128xf32, #tpu.memory_space<vmem>>)
        "tpu.region"() ({
          %run_scoped3A = tpu.sem_alloc : memref<!tpu.dma_semaphore, #tpu.memory_space<semaphore_mem>>
          %dma_start3A_136 = arith.constant 0 : i32
          %dma_start3A_137 = tpu.memref_slice %arg7[%mul3A_76, %dma_start3A_136] : memref<8x64xi32, #tpu.memory_space<vmem>> -> memref<1x64xi32, #tpu.memory_space<vmem>>
          %dma_start3A_138 = tpu.memref_squeeze %dma_start3A_137 : memref<1x64xi32, #tpu.memory_space<vmem>> -> memref<64xi32, #tpu.memory_space<vmem>>
          %dma_start3A_139 = arith.constant 0 : i32
          %dma_start3A_140 = arith.constant 0 : i32
          %dma_start3A_141 = tpu.memref_slice %arg12[%dma_start3A_139, %dma_start3A_140] : memref<10240x128xf32, #tpu.memory_space<vmem_shared>> -> memref<10240x128xf32, #tpu.memory_space<vmem_shared>>
          tpu.enqueue_indirect_dma source(%arg8 : memref<64x128xf32, #tpu.memory_space<vmem>>) target(%dma_start3A_141 : memref<10240x128xf32, #tpu.memory_space<vmem_shared>>) offsets(%dma_start3A_138 : memref<64xi32, #tpu.memory_space<vmem>>) semaphore(%run_scoped3A : memref<!tpu.dma_semaphore, #tpu.memory_space<semaphore_mem>>) {add = true}
          %dma_wait3A_142 = arith.constant 0 : i32
          %dma_wait3A_143 = tpu.memref_slice %arg7[%mul3A_76, %dma_wait3A_142] : memref<8x64xi32, #tpu.memory_space<vmem>> -> memref<1x64xi32, #tpu.memory_space<vmem>>
          %dma_wait3A_144 = tpu.memref_squeeze %dma_wait3A_143 : memref<1x64xi32, #tpu.memory_space<vmem>> -> memref<64xi32, #tpu.memory_space<vmem>>
          %dma_wait3A_145 = arith.constant 0 : i32
          %dma_wait3A_146 = arith.constant 0 : i32
          %dma_wait3A_147 = tpu.memref_slice %arg12[%dma_wait3A_145, %dma_wait3A_146] : memref<10240x128xf32, #tpu.memory_space<vmem_shared>> -> memref<10240x128xf32, #tpu.memory_space<vmem_shared>>
          tpu.wait_indirect_dma semaphore(%run_scoped3A : memref<!tpu.dma_semaphore, #tpu.memory_space<semaphore_mem>>) src(%arg8 : memref<64x128xf32, #tpu.memory_space<vmem>>) dst(%dma_wait3A_147 : memref<10240x128xf32, #tpu.memory_space<vmem_shared>>)
          tpu.yield
        }) : () -> ()
        %dma_wait3A_111 = arith.constant 0 : i32
        %dma_wait3A_112 = tpu.memref_slice %arg6[%add3A_83, %dma_wait3A_111] : memref<8x64xi32, #tpu.memory_space<vmem>> -> memref<1x64xi32, #tpu.memory_space<vmem>>
        %dma_wait3A_113 = tpu.memref_squeeze %dma_wait3A_112 : memref<1x64xi32, #tpu.memory_space<vmem>> -> memref<64xi32, #tpu.memory_space<vmem>>
        %dma_wait3A_114 = arith.constant 0 : i32
        %dma_wait3A_115 = arith.constant 0 : i32
        %dma_wait3A_116 = tpu.memref_slice %arg2[%dma_wait3A_114, %dma_wait3A_115] : memref<10240x128xf32, #tpu.memory_space<hbm>> -> memref<10240x128xf32, #tpu.memory_space<hbm>>
        tpu.wait_indirect_dma semaphore(%arg14 : memref<!tpu.dma_semaphore, #tpu.memory_space<semaphore_mem>>) src(%dma_wait3A_116 : memref<10240x128xf32, #tpu.memory_space<hbm>>) dst(%arg9 : memref<64x128xf32, #tpu.memory_space<vmem>>)
        %add3A_117 = arith.constant 1 : i32
        %add3A_118 = arith.addi %mul3A_76, %add3A_117 : i32
        "tpu.region"() ({
          %run_scoped3A = tpu.sem_alloc : memref<!tpu.dma_semaphore, #tpu.memory_space<semaphore_mem>>
          %dma_start3A_136 = arith.constant 0 : i32
          %dma_start3A_137 = tpu.memref_slice %arg7[%add3A_118, %dma_start3A_136] : memref<8x64xi32, #tpu.memory_space<vmem>> -> memref<1x64xi32, #tpu.memory_space<vmem>>
          %dma_start3A_138 = tpu.memref_squeeze %dma_start3A_137 : memref<1x64xi32, #tpu.memory_space<vmem>> -> memref<64xi32, #tpu.memory_space<vmem>>
          %dma_start3A_139 = arith.constant 0 : i32
          %dma_start3A_140 = arith.constant 0 : i32
          %dma_start3A_141 = tpu.memref_slice %arg12[%dma_start3A_139, %dma_start3A_140] : memref<10240x128xf32, #tpu.memory_space<vmem_shared>> -> memref<10240x128xf32, #tpu.memory_space<vmem_shared>>
          tpu.enqueue_indirect_dma source(%arg9 : memref<64x128xf32, #tpu.memory_space<vmem>>) target(%dma_start3A_141 : memref<10240x128xf32, #tpu.memory_space<vmem_shared>>) offsets(%dma_start3A_138 : memref<64xi32, #tpu.memory_space<vmem>>) semaphore(%run_scoped3A : memref<!tpu.dma_semaphore, #tpu.memory_space<semaphore_mem>>) {add = true}
          %dma_wait3A_142 = arith.constant 0 : i32
          %dma_wait3A_143 = tpu.memref_slice %arg7[%add3A_118, %dma_wait3A_142] : memref<8x64xi32, #tpu.memory_space<vmem>> -> memref<1x64xi32, #tpu.memory_space<vmem>>
          %dma_wait3A_144 = tpu.memref_squeeze %dma_wait3A_143 : memref<1x64xi32, #tpu.memory_space<vmem>> -> memref<64xi32, #tpu.memory_space<vmem>>
          %dma_wait3A_145 = arith.constant 0 : i32
          %dma_wait3A_146 = arith.constant 0 : i32
          %dma_wait3A_147 = tpu.memref_slice %arg12[%dma_wait3A_145, %dma_wait3A_146] : memref<10240x128xf32, #tpu.memory_space<vmem_shared>> -> memref<10240x128xf32, #tpu.memory_space<vmem_shared>>
          tpu.wait_indirect_dma semaphore(%run_scoped3A : memref<!tpu.dma_semaphore, #tpu.memory_space<semaphore_mem>>) src(%arg9 : memref<64x128xf32, #tpu.memory_space<vmem>>) dst(%dma_wait3A_147 : memref<10240x128xf32, #tpu.memory_space<vmem_shared>>)
          tpu.yield
        }) : () -> ()
        %dma_wait3A_119 = arith.constant 0 : i32
        %dma_wait3A_120 = tpu.memref_slice %arg6[%add3A_91, %dma_wait3A_119] : memref<8x64xi32, #tpu.memory_space<vmem>> -> memref<1x64xi32, #tpu.memory_space<vmem>>
        %dma_wait3A_121 = tpu.memref_squeeze %dma_wait3A_120 : memref<1x64xi32, #tpu.memory_space<vmem>> -> memref<64xi32, #tpu.memory_space<vmem>>
        %dma_wait3A_122 = arith.constant 0 : i32
        %dma_wait3A_123 = arith.constant 0 : i32
        %dma_wait3A_124 = tpu.memref_slice %arg2[%dma_wait3A_122, %dma_wait3A_123] : memref<10240x128xf32, #tpu.memory_space<hbm>> -> memref<10240x128xf32, #tpu.memory_space<hbm>>
        tpu.wait_indirect_dma semaphore(%arg15 : memref<!tpu.dma_semaphore, #tpu.memory_space<semaphore_mem>>) src(%dma_wait3A_124 : memref<10240x128xf32, #tpu.memory_space<hbm>>) dst(%arg10 : memref<64x128xf32, #tpu.memory_space<vmem>>)
        %add3A_125 = arith.constant 2 : i32
        %add3A_126 = arith.addi %mul3A_76, %add3A_125 : i32
        "tpu.region"() ({
          %run_scoped3A = tpu.sem_alloc : memref<!tpu.dma_semaphore, #tpu.memory_space<semaphore_mem>>
          %dma_start3A_136 = arith.constant 0 : i32
          %dma_start3A_137 = tpu.memref_slice %arg7[%add3A_126, %dma_start3A_136] : memref<8x64xi32, #tpu.memory_space<vmem>> -> memref<1x64xi32, #tpu.memory_space<vmem>>
          %dma_start3A_138 = tpu.memref_squeeze %dma_start3A_137 : memref<1x64xi32, #tpu.memory_space<vmem>> -> memref<64xi32, #tpu.memory_space<vmem>>
          %dma_start3A_139 = arith.constant 0 : i32
          %dma_start3A_140 = arith.constant 0 : i32
          %dma_start3A_141 = tpu.memref_slice %arg12[%dma_start3A_139, %dma_start3A_140] : memref<10240x128xf32, #tpu.memory_space<vmem_shared>> -> memref<10240x128xf32, #tpu.memory_space<vmem_shared>>
          tpu.enqueue_indirect_dma source(%arg10 : memref<64x128xf32, #tpu.memory_space<vmem>>) target(%dma_start3A_141 : memref<10240x128xf32, #tpu.memory_space<vmem_shared>>) offsets(%dma_start3A_138 : memref<64xi32, #tpu.memory_space<vmem>>) semaphore(%run_scoped3A : memref<!tpu.dma_semaphore, #tpu.memory_space<semaphore_mem>>) {add = true}
          %dma_wait3A_142 = arith.constant 0 : i32
          %dma_wait3A_143 = tpu.memref_slice %arg7[%add3A_126, %dma_wait3A_142] : memref<8x64xi32, #tpu.memory_space<vmem>> -> memref<1x64xi32, #tpu.memory_space<vmem>>
          %dma_wait3A_144 = tpu.memref_squeeze %dma_wait3A_143 : memref<1x64xi32, #tpu.memory_space<vmem>> -> memref<64xi32, #tpu.memory_space<vmem>>
          %dma_wait3A_145 = arith.constant 0 : i32
          %dma_wait3A_146 = arith.constant 0 : i32
          %dma_wait3A_147 = tpu.memref_slice %arg12[%dma_wait3A_145, %dma_wait3A_146] : memref<10240x128xf32, #tpu.memory_space<vmem_shared>> -> memref<10240x128xf32, #tpu.memory_space<vmem_shared>>
          tpu.wait_indirect_dma semaphore(%run_scoped3A : memref<!tpu.dma_semaphore, #tpu.memory_space<semaphore_mem>>) src(%arg10 : memref<64x128xf32, #tpu.memory_space<vmem>>) dst(%dma_wait3A_147 : memref<10240x128xf32, #tpu.memory_space<vmem_shared>>)
          tpu.yield
        }) : () -> ()
        %dma_wait3A_127 = arith.constant 0 : i32
        %dma_wait3A_128 = tpu.memref_slice %arg6[%add3A_99, %dma_wait3A_127] : memref<8x64xi32, #tpu.memory_space<vmem>> -> memref<1x64xi32, #tpu.memory_space<vmem>>
        %dma_wait3A_129 = tpu.memref_squeeze %dma_wait3A_128 : memref<1x64xi32, #tpu.memory_space<vmem>> -> memref<64xi32, #tpu.memory_space<vmem>>
        %dma_wait3A_130 = arith.constant 0 : i32
        %dma_wait3A_131 = arith.constant 0 : i32
        %dma_wait3A_132 = tpu.memref_slice %arg2[%dma_wait3A_130, %dma_wait3A_131] : memref<10240x128xf32, #tpu.memory_space<hbm>> -> memref<10240x128xf32, #tpu.memory_space<hbm>>
        tpu.wait_indirect_dma semaphore(%arg16 : memref<!tpu.dma_semaphore, #tpu.memory_space<semaphore_mem>>) src(%dma_wait3A_132 : memref<10240x128xf32, #tpu.memory_space<hbm>>) dst(%arg11 : memref<64x128xf32, #tpu.memory_space<vmem>>)
        %add3A_133 = arith.constant 3 : i32
        %add3A_134 = arith.addi %mul3A_76, %add3A_133 : i32
        "tpu.region"() ({
          %run_scoped3A = tpu.sem_alloc : memref<!tpu.dma_semaphore, #tpu.memory_space<semaphore_mem>>
          %dma_start3A_136 = arith.constant 0 : i32
          %dma_start3A_137 = tpu.memref_slice %arg7[%add3A_134, %dma_start3A_136] : memref<8x64xi32, #tpu.memory_space<vmem>> -> memref<1x64xi32, #tpu.memory_space<vmem>>
          %dma_start3A_138 = tpu.memref_squeeze %dma_start3A_137 : memref<1x64xi32, #tpu.memory_space<vmem>> -> memref<64xi32, #tpu.memory_space<vmem>>
          %dma_start3A_139 = arith.constant 0 : i32
          %dma_start3A_140 = arith.constant 0 : i32
          %dma_start3A_141 = tpu.memref_slice %arg12[%dma_start3A_139, %dma_start3A_140] : memref<10240x128xf32, #tpu.memory_space<vmem_shared>> -> memref<10240x128xf32, #tpu.memory_space<vmem_shared>>
          tpu.enqueue_indirect_dma source(%arg11 : memref<64x128xf32, #tpu.memory_space<vmem>>) target(%dma_start3A_141 : memref<10240x128xf32, #tpu.memory_space<vmem_shared>>) offsets(%dma_start3A_138 : memref<64xi32, #tpu.memory_space<vmem>>) semaphore(%run_scoped3A : memref<!tpu.dma_semaphore, #tpu.memory_space<semaphore_mem>>) {add = true}
          %dma_wait3A_142 = arith.constant 0 : i32
          %dma_wait3A_143 = tpu.memref_slice %arg7[%add3A_134, %dma_wait3A_142] : memref<8x64xi32, #tpu.memory_space<vmem>> -> memref<1x64xi32, #tpu.memory_space<vmem>>
          %dma_wait3A_144 = tpu.memref_squeeze %dma_wait3A_143 : memref<1x64xi32, #tpu.memory_space<vmem>> -> memref<64xi32, #tpu.memory_space<vmem>>
          %dma_wait3A_145 = arith.constant 0 : i32
          %dma_wait3A_146 = arith.constant 0 : i32
          %dma_wait3A_147 = tpu.memref_slice %arg12[%dma_wait3A_145, %dma_wait3A_146] : memref<10240x128xf32, #tpu.memory_space<vmem_shared>> -> memref<10240x128xf32, #tpu.memory_space<vmem_shared>>
          tpu.wait_indirect_dma semaphore(%run_scoped3A : memref<!tpu.dma_semaphore, #tpu.memory_space<semaphore_mem>>) src(%arg11 : memref<64x128xf32, #tpu.memory_space<vmem>>) dst(%dma_wait3A_147 : memref<10240x128xf32, #tpu.memory_space<vmem_shared>>)
          tpu.yield
        }) : () -> ()
        %scan3A_135 = arith.constant 0 : i32
        scf.yield %scan3A_135 : i32
      }
      %scan3A_71 = arith.constant 2 : i32
      %scan3A_72 = arith.constant 0 : i32
      scf.yield %scan3A_72 : i32
    }
    %scan3A_53 = arith.constant 21 : i32
    %barrier3A_54 = arith.constant 0 : index
    tpu.barrier barrier_id(%barrier3A_54)
    %mul3A_55 = arith.constant 640 : i32
    %mul3A_56 = arith.muli %arg1, %mul3A_55 : i32
    %mul3A_57 = arith.constant 640 : i32
    %mul3A_58 = arith.muli %arg1, %mul3A_57 : i32
    "tpu.region"() ({
      %run_scoped3A = tpu.sem_alloc : memref<!tpu.dma_semaphore, #tpu.memory_space<semaphore_mem>>
      %dma_start3A = arith.constant 0 : i32
      %dma_start3A_59 = tpu.memref_slice %arg5[%arg0, %mul3A_58, %dma_start3A] : memref<2x10240x128xf32, #tpu.memory_space<hbm>> -> memref<1x640x128xf32, #tpu.memory_space<hbm>>
      %dma_start3A_60 = tpu.memref_squeeze %dma_start3A_59 : memref<1x640x128xf32, #tpu.memory_space<hbm>> -> memref<640x128xf32, #tpu.memory_space<hbm>>
      %dma_start3A_61 = arith.constant 0 : i32
      %dma_start3A_62 = tpu.memref_slice %arg12[%mul3A_56, %dma_start3A_61] : memref<10240x128xf32, #tpu.memory_space<vmem_shared>> -> memref<640x128xf32, #tpu.memory_space<vmem_shared>>
      tpu.enqueue_dma source(%dma_start3A_62 : memref<640x128xf32, #tpu.memory_space<vmem_shared>>) target(%dma_start3A_60 : memref<640x128xf32, #tpu.memory_space<hbm>>) target_semaphore(%run_scoped3A : memref<!tpu.dma_semaphore, #tpu.memory_space<semaphore_mem>>)
      %dma_wait3A = arith.constant 0 : i32
      %dma_wait3A_63 = tpu.memref_slice %arg5[%arg0, %mul3A_58, %dma_wait3A] : memref<2x10240x128xf32, #tpu.memory_space<hbm>> -> memref<1x640x128xf32, #tpu.memory_space<hbm>>
      %dma_wait3A_64 = tpu.memref_squeeze %dma_wait3A_63 : memref<1x640x128xf32, #tpu.memory_space<hbm>> -> memref<640x128xf32, #tpu.memory_space<hbm>>
      %dma_wait3A_65 = arith.constant 0 : i32
      %dma_wait3A_66 = tpu.memref_slice %arg12[%mul3A_56, %dma_wait3A_65] : memref<10240x128xf32, #tpu.memory_space<vmem_shared>> -> memref<640x128xf32, #tpu.memory_space<vmem_shared>>
      tpu.wait_dma2 semaphore(%run_scoped3A : memref<!tpu.dma_semaphore, #tpu.memory_space<semaphore_mem>>) src(%dma_wait3A_66 : memref<640x128xf32, #tpu.memory_space<vmem_shared>>) dst(%dma_wait3A_64 : memref<640x128xf32, #tpu.memory_space<hbm>>)
      tpu.yield
    }) : () -> ()
    return
  }
}

#map = affine_map<(d0, d1) -> (0, 0)>
#map1 = affine_map<(d0, d1) -> (0, 0, 0)>
module attributes {stable_mosaic.version = 14 : i64} {
  func.func @_agg_body(%arg0: i32, %arg1: i32, %arg2: memref<10240x128xf32, #tpu.memory_space<hbm>>, %arg3: memref<32x168x64xi32, #tpu.memory_space<hbm>>, %arg4: memref<32x168x64xi32, #tpu.memory_space<hbm>>, %arg5: memref<2x10240x128xf32, #tpu.memory_space<hbm>>, %arg6: memref<8x64xi32, #tpu.memory_space<vmem>>, %arg7: memref<8x64xi32, #tpu.memory_space<vmem>>, %arg8: memref<64x128xf32, #tpu.memory_space<vmem>>, %arg9: memref<64x128xf32, #tpu.memory_space<vmem>>, %arg10: memref<64x128xf32, #tpu.memory_space<vmem>>, %arg11: memref<64x128xf32, #tpu.memory_space<vmem>>, %arg12: memref<10240x128xf32, #tpu.memory_space<vmem_shared>>, %arg13: memref<!tpu.dma_semaphore, #tpu.memory_space<semaphore_mem>>, %arg14: memref<!tpu.dma_semaphore, #tpu.memory_space<semaphore_mem>>, %arg15: memref<!tpu.dma_semaphore, #tpu.memory_space<semaphore_mem>>, %arg16: memref<!tpu.dma_semaphore, #tpu.memory_space<semaphore_mem>>) attributes {dimension_semantics = [#tpu.dimension_semantics<core_parallel>, #tpu.dimension_semantics<subcore_parallel>], iteration_bounds = array<i64: 2, 16>, scalar_prefetch = 0 : i64, scratch_operands = 11 : i64, tpu.core_type = #tpu.core_type<sc_vector_subcore>, window_params = [{transform_indices = #map}, {transform_indices = #map1}, {transform_indices = #map1}, {transform_indices = #map1}]} {
    %mul3A = arith.constant 16 : i32
    %mul3A_0 = arith.muli %arg0, %mul3A : i32
    %add3A = arith.addi %mul3A_0, %arg1 : i32
    %scan3A = arith.constant 0 : i32
    %scan3A_1 = arith.constant 0 : i32
    %scan3A_2 = arith.constant 64 : i32
    %scan3A_3 = arith.addi %scan3A_1, %scan3A_2 : i32
    %scan3A_4 = arith.constant 1 : i32
    %scan3A_5 = scf.for %scan3A_59 = %scan3A_1 to %scan3A_3 step %scan3A_4 iter_args(%scan3A_60 = %scan3A) -> (i32)  : i32 {
      %broadcast_in_dim3A = arith.constant 0.000000e+00 : f32
      %broadcast_in_dim3A_61 = vector.broadcast %broadcast_in_dim3A : f32 to vector<16xf32>
      %swap3A = arith.index_cast %scan3A_59 : i32 to index
      %swap3A_62 = arith.constant 0 : index
      %swap3A_63 = tpu.vector_load %arg8[%swap3A, %swap3A_62] {strides = array<i32>} : memref<64x128xf32, #tpu.memory_space<vmem>>, vector<1x16xf32>,
      %swap3A_64 = vector.shape_cast %swap3A_63 : vector<1x16xf32> to vector<16xf32>
      %swap3A_65 = vector.shape_cast %broadcast_in_dim3A_61 : vector<16xf32> to vector<1x16xf32>
      tpu.vector_store %arg8[%swap3A, %swap3A_62], %swap3A_65 {strides = array<i32>} : memref<64x128xf32, #tpu.memory_space<vmem>>, vector<1x16xf32>,
      %broadcast_in_dim3A_66 = arith.constant 0.000000e+00 : f32
      %broadcast_in_dim3A_67 = vector.broadcast %broadcast_in_dim3A_66 : f32 to vector<16xf32>
      %swap3A_68 = arith.index_cast %scan3A_59 : i32 to index
      %swap3A_69 = arith.constant 16 : index
      %swap3A_70 = tpu.vector_load %arg8[%swap3A_68, %swap3A_69] {strides = array<i32>} : memref<64x128xf32, #tpu.memory_space<vmem>>, vector<1x16xf32>,
      %swap3A_71 = vector.shape_cast %swap3A_70 : vector<1x16xf32> to vector<16xf32>
      %swap3A_72 = vector.shape_cast %broadcast_in_dim3A_67 : vector<16xf32> to vector<1x16xf32>
      tpu.vector_store %arg8[%swap3A_68, %swap3A_69], %swap3A_72 {strides = array<i32>} : memref<64x128xf32, #tpu.memory_space<vmem>>, vector<1x16xf32>,
      %broadcast_in_dim3A_73 = arith.constant 0.000000e+00 : f32
      %broadcast_in_dim3A_74 = vector.broadcast %broadcast_in_dim3A_73 : f32 to vector<16xf32>
      %swap3A_75 = arith.index_cast %scan3A_59 : i32 to index
      %swap3A_76 = arith.constant 32 : index
      %swap3A_77 = tpu.vector_load %arg8[%swap3A_75, %swap3A_76] {strides = array<i32>} : memref<64x128xf32, #tpu.memory_space<vmem>>, vector<1x16xf32>,
      %swap3A_78 = vector.shape_cast %swap3A_77 : vector<1x16xf32> to vector<16xf32>
      %swap3A_79 = vector.shape_cast %broadcast_in_dim3A_74 : vector<16xf32> to vector<1x16xf32>
      tpu.vector_store %arg8[%swap3A_75, %swap3A_76], %swap3A_79 {strides = array<i32>} : memref<64x128xf32, #tpu.memory_space<vmem>>, vector<1x16xf32>,
      %broadcast_in_dim3A_80 = arith.constant 0.000000e+00 : f32
      %broadcast_in_dim3A_81 = vector.broadcast %broadcast_in_dim3A_80 : f32 to vector<16xf32>
      %swap3A_82 = arith.index_cast %scan3A_59 : i32 to index
      %swap3A_83 = arith.constant 48 : index
      %swap3A_84 = tpu.vector_load %arg8[%swap3A_82, %swap3A_83] {strides = array<i32>} : memref<64x128xf32, #tpu.memory_space<vmem>>, vector<1x16xf32>,
      %swap3A_85 = vector.shape_cast %swap3A_84 : vector<1x16xf32> to vector<16xf32>
      %swap3A_86 = vector.shape_cast %broadcast_in_dim3A_81 : vector<16xf32> to vector<1x16xf32>
      tpu.vector_store %arg8[%swap3A_82, %swap3A_83], %swap3A_86 {strides = array<i32>} : memref<64x128xf32, #tpu.memory_space<vmem>>, vector<1x16xf32>,
      %broadcast_in_dim3A_87 = arith.constant 0.000000e+00 : f32
      %broadcast_in_dim3A_88 = vector.broadcast %broadcast_in_dim3A_87 : f32 to vector<16xf32>
      %swap3A_89 = arith.index_cast %scan3A_59 : i32 to index
      %swap3A_90 = arith.constant 64 : index
      %swap3A_91 = tpu.vector_load %arg8[%swap3A_89, %swap3A_90] {strides = array<i32>} : memref<64x128xf32, #tpu.memory_space<vmem>>, vector<1x16xf32>,
      %swap3A_92 = vector.shape_cast %swap3A_91 : vector<1x16xf32> to vector<16xf32>
      %swap3A_93 = vector.shape_cast %broadcast_in_dim3A_88 : vector<16xf32> to vector<1x16xf32>
      tpu.vector_store %arg8[%swap3A_89, %swap3A_90], %swap3A_93 {strides = array<i32>} : memref<64x128xf32, #tpu.memory_space<vmem>>, vector<1x16xf32>,
      %broadcast_in_dim3A_94 = arith.constant 0.000000e+00 : f32
      %broadcast_in_dim3A_95 = vector.broadcast %broadcast_in_dim3A_94 : f32 to vector<16xf32>
      %swap3A_96 = arith.index_cast %scan3A_59 : i32 to index
      %swap3A_97 = arith.constant 80 : index
      %swap3A_98 = tpu.vector_load %arg8[%swap3A_96, %swap3A_97] {strides = array<i32>} : memref<64x128xf32, #tpu.memory_space<vmem>>, vector<1x16xf32>,
      %swap3A_99 = vector.shape_cast %swap3A_98 : vector<1x16xf32> to vector<16xf32>
      %swap3A_100 = vector.shape_cast %broadcast_in_dim3A_95 : vector<16xf32> to vector<1x16xf32>
      tpu.vector_store %arg8[%swap3A_96, %swap3A_97], %swap3A_100 {strides = array<i32>} : memref<64x128xf32, #tpu.memory_space<vmem>>, vector<1x16xf32>,
      %broadcast_in_dim3A_101 = arith.constant 0.000000e+00 : f32
      %broadcast_in_dim3A_102 = vector.broadcast %broadcast_in_dim3A_101 : f32 to vector<16xf32>
      %swap3A_103 = arith.index_cast %scan3A_59 : i32 to index
      %swap3A_104 = arith.constant 96 : index
      %swap3A_105 = tpu.vector_load %arg8[%swap3A_103, %swap3A_104] {strides = array<i32>} : memref<64x128xf32, #tpu.memory_space<vmem>>, vector<1x16xf32>,
      %swap3A_106 = vector.shape_cast %swap3A_105 : vector<1x16xf32> to vector<16xf32>
      %swap3A_107 = vector.shape_cast %broadcast_in_dim3A_102 : vector<16xf32> to vector<1x16xf32>
      tpu.vector_store %arg8[%swap3A_103, %swap3A_104], %swap3A_107 {strides = array<i32>} : memref<64x128xf32, #tpu.memory_space<vmem>>, vector<1x16xf32>,
      %broadcast_in_dim3A_108 = arith.constant 0.000000e+00 : f32
      %broadcast_in_dim3A_109 = vector.broadcast %broadcast_in_dim3A_108 : f32 to vector<16xf32>
      %swap3A_110 = arith.index_cast %scan3A_59 : i32 to index
      %swap3A_111 = arith.constant 112 : index
      %swap3A_112 = tpu.vector_load %arg8[%swap3A_110, %swap3A_111] {strides = array<i32>} : memref<64x128xf32, #tpu.memory_space<vmem>>, vector<1x16xf32>,
      %swap3A_113 = vector.shape_cast %swap3A_112 : vector<1x16xf32> to vector<16xf32>
      %swap3A_114 = vector.shape_cast %broadcast_in_dim3A_109 : vector<16xf32> to vector<1x16xf32>
      tpu.vector_store %arg8[%swap3A_110, %swap3A_111], %swap3A_114 {strides = array<i32>} : memref<64x128xf32, #tpu.memory_space<vmem>>, vector<1x16xf32>,
      %scan3A_115 = arith.constant 0 : i32
      scf.yield %scan3A_115 : i32
    }
    %scan3A_6 = arith.constant 64 : i32
    %mul3A_7 = arith.constant 640 : i32
    %mul3A_8 = arith.muli %arg1, %mul3A_7 : i32
    %add3A_9 = arith.constant 0 : i32
    %add3A_10 = arith.addi %mul3A_8, %add3A_9 : i32
    "tpu.region"() ({
      %run_scoped3A = tpu.sem_alloc : memref<!tpu.dma_semaphore, #tpu.memory_space<semaphore_mem>>
      %dma_start3A = arith.constant 0 : i32
      %dma_start3A_59 = tpu.memref_slice %arg12[%add3A_10, %dma_start3A] : memref<10240x128xf32, #tpu.memory_space<vmem_shared>> -> memref<64x128xf32, #tpu.memory_space<vmem_shared>>
      %dma_start3A_60 = arith.constant 0 : i32
      %dma_start3A_61 = tpu.memref_slice %arg12[%add3A_10, %dma_start3A_60] : memref<10240x128xf32, #tpu.memory_space<vmem_shared>> -> memref<64x128xf32, #tpu.memory_space<vmem_shared>>
      tpu.enqueue_dma source(%arg8 : memref<64x128xf32, #tpu.memory_space<vmem>>) target(%dma_start3A_61 : memref<64x128xf32, #tpu.memory_space<vmem_shared>>) target_semaphore(%run_scoped3A : memref<!tpu.dma_semaphore, #tpu.memory_space<semaphore_mem>>)
      %dma_wait3A = arith.constant 0 : i32
      %dma_wait3A_62 = tpu.memref_slice %arg12[%add3A_10, %dma_wait3A] : memref<10240x128xf32, #tpu.memory_space<vmem_shared>> -> memref<64x128xf32, #tpu.memory_space<vmem_shared>>
      %dma_wait3A_63 = arith.constant 0 : i32
      %dma_wait3A_64 = tpu.memref_slice %arg12[%add3A_10, %dma_wait3A_63] : memref<10240x128xf32, #tpu.memory_space<vmem_shared>> -> memref<64x128xf32, #tpu.memory_space<vmem_shared>>
      tpu.wait_dma2 semaphore(%run_scoped3A : memref<!tpu.dma_semaphore, #tpu.memory_space<semaphore_mem>>) src(%arg8 : memref<64x128xf32, #tpu.memory_space<vmem>>) dst(%dma_wait3A_64 : memref<64x128xf32, #tpu.memory_space<vmem_shared>>)
      tpu.yield
    }) : () -> ()
    %mul3A_11 = arith.constant 640 : i32
    %mul3A_12 = arith.muli %arg1, %mul3A_11 : i32
    %add3A_13 = arith.constant 64 : i32
    %add3A_14 = arith.addi %mul3A_12, %add3A_13 : i32
    "tpu.region"() ({
      %run_scoped3A = tpu.sem_alloc : memref<!tpu.dma_semaphore, #tpu.memory_space<semaphore_mem>>
      %dma_start3A = arith.constant 0 : i32
      %dma_start3A_59 = tpu.memref_slice %arg12[%add3A_14, %dma_start3A] : memref<10240x128xf32, #tpu.memory_space<vmem_shared>> -> memref<64x128xf32, #tpu.memory_space<vmem_shared>>
      %dma_start3A_60 = arith.constant 0 : i32
      %dma_start3A_61 = tpu.memref_slice %arg12[%add3A_14, %dma_start3A_60] : memref<10240x128xf32, #tpu.memory_space<vmem_shared>> -> memref<64x128xf32, #tpu.memory_space<vmem_shared>>
      tpu.enqueue_dma source(%arg8 : memref<64x128xf32, #tpu.memory_space<vmem>>) target(%dma_start3A_61 : memref<64x128xf32, #tpu.memory_space<vmem_shared>>) target_semaphore(%run_scoped3A : memref<!tpu.dma_semaphore, #tpu.memory_space<semaphore_mem>>)
      %dma_wait3A = arith.constant 0 : i32
      %dma_wait3A_62 = tpu.memref_slice %arg12[%add3A_14, %dma_wait3A] : memref<10240x128xf32, #tpu.memory_space<vmem_shared>> -> memref<64x128xf32, #tpu.memory_space<vmem_shared>>
      %dma_wait3A_63 = arith.constant 0 : i32
      %dma_wait3A_64 = tpu.memref_slice %arg12[%add3A_14, %dma_wait3A_63] : memref<10240x128xf32, #tpu.memory_space<vmem_shared>> -> memref<64x128xf32, #tpu.memory_space<vmem_shared>>
      tpu.wait_dma2 semaphore(%run_scoped3A : memref<!tpu.dma_semaphore, #tpu.memory_space<semaphore_mem>>) src(%arg8 : memref<64x128xf32, #tpu.memory_space<vmem>>) dst(%dma_wait3A_64 : memref<64x128xf32, #tpu.memory_space<vmem_shared>>)
      tpu.yield
    }) : () -> ()
    %mul3A_15 = arith.constant 640 : i32
    %mul3A_16 = arith.muli %arg1, %mul3A_15 : i32
    %add3A_17 = arith.constant 128 : i32
    %add3A_18 = arith.addi %mul3A_16, %add3A_17 : i32
    "tpu.region"() ({
      %run_scoped3A = tpu.sem_alloc : memref<!tpu.dma_semaphore, #tpu.memory_space<semaphore_mem>>
      %dma_start3A = arith.constant 0 : i32
      %dma_start3A_59 = tpu.memref_slice %arg12[%add3A_18, %dma_start3A] : memref<10240x128xf32, #tpu.memory_space<vmem_shared>> -> memref<64x128xf32, #tpu.memory_space<vmem_shared>>
      %dma_start3A_60 = arith.constant 0 : i32
      %dma_start3A_61 = tpu.memref_slice %arg12[%add3A_18, %dma_start3A_60] : memref<10240x128xf32, #tpu.memory_space<vmem_shared>> -> memref<64x128xf32, #tpu.memory_space<vmem_shared>>
      tpu.enqueue_dma source(%arg8 : memref<64x128xf32, #tpu.memory_space<vmem>>) target(%dma_start3A_61 : memref<64x128xf32, #tpu.memory_space<vmem_shared>>) target_semaphore(%run_scoped3A : memref<!tpu.dma_semaphore, #tpu.memory_space<semaphore_mem>>)
      %dma_wait3A = arith.constant 0 : i32
      %dma_wait3A_62 = tpu.memref_slice %arg12[%add3A_18, %dma_wait3A] : memref<10240x128xf32, #tpu.memory_space<vmem_shared>> -> memref<64x128xf32, #tpu.memory_space<vmem_shared>>
      %dma_wait3A_63 = arith.constant 0 : i32
      %dma_wait3A_64 = tpu.memref_slice %arg12[%add3A_18, %dma_wait3A_63] : memref<10240x128xf32, #tpu.memory_space<vmem_shared>> -> memref<64x128xf32, #tpu.memory_space<vmem_shared>>
      tpu.wait_dma2 semaphore(%run_scoped3A : memref<!tpu.dma_semaphore, #tpu.memory_space<semaphore_mem>>) src(%arg8 : memref<64x128xf32, #tpu.memory_space<vmem>>) dst(%dma_wait3A_64 : memref<64x128xf32, #tpu.memory_space<vmem_shared>>)
      tpu.yield
    }) : () -> ()
    %mul3A_19 = arith.constant 640 : i32
    %mul3A_20 = arith.muli %arg1, %mul3A_19 : i32
    %add3A_21 = arith.constant 192 : i32
    %add3A_22 = arith.addi %mul3A_20, %add3A_21 : i32
    "tpu.region"() ({
      %run_scoped3A = tpu.sem_alloc : memref<!tpu.dma_semaphore, #tpu.memory_space<semaphore_mem>>
      %dma_start3A = arith.constant 0 : i32
      %dma_start3A_59 = tpu.memref_slice %arg12[%add3A_22, %dma_start3A] : memref<10240x128xf32, #tpu.memory_space<vmem_shared>> -> memref<64x128xf32, #tpu.memory_space<vmem_shared>>
      %dma_start3A_60 = arith.constant 0 : i32
      %dma_start3A_61 = tpu.memref_slice %arg12[%add3A_22, %dma_start3A_60] : memref<10240x128xf32, #tpu.memory_space<vmem_shared>> -> memref<64x128xf32, #tpu.memory_space<vmem_shared>>
      tpu.enqueue_dma source(%arg8 : memref<64x128xf32, #tpu.memory_space<vmem>>) target(%dma_start3A_61 : memref<64x128xf32, #tpu.memory_space<vmem_shared>>) target_semaphore(%run_scoped3A : memref<!tpu.dma_semaphore, #tpu.memory_space<semaphore_mem>>)
      %dma_wait3A = arith.constant 0 : i32
      %dma_wait3A_62 = tpu.memref_slice %arg12[%add3A_22, %dma_wait3A] : memref<10240x128xf32, #tpu.memory_space<vmem_shared>> -> memref<64x128xf32, #tpu.memory_space<vmem_shared>>
      %dma_wait3A_63 = arith.constant 0 : i32
      %dma_wait3A_64 = tpu.memref_slice %arg12[%add3A_22, %dma_wait3A_63] : memref<10240x128xf32, #tpu.memory_space<vmem_shared>> -> memref<64x128xf32, #tpu.memory_space<vmem_shared>>
      tpu.wait_dma2 semaphore(%run_scoped3A : memref<!tpu.dma_semaphore, #tpu.memory_space<semaphore_mem>>) src(%arg8 : memref<64x128xf32, #tpu.memory_space<vmem>>) dst(%dma_wait3A_64 : memref<64x128xf32, #tpu.memory_space<vmem_shared>>)
      tpu.yield
    }) : () -> ()
    %mul3A_23 = arith.constant 640 : i32
    %mul3A_24 = arith.muli %arg1, %mul3A_23 : i32
    %add3A_25 = arith.constant 256 : i32
    %add3A_26 = arith.addi %mul3A_24, %add3A_25 : i32
    "tpu.region"() ({
      %run_scoped3A = tpu.sem_alloc : memref<!tpu.dma_semaphore, #tpu.memory_space<semaphore_mem>>
      %dma_start3A = arith.constant 0 : i32
      %dma_start3A_59 = tpu.memref_slice %arg12[%add3A_26, %dma_start3A] : memref<10240x128xf32, #tpu.memory_space<vmem_shared>> -> memref<64x128xf32, #tpu.memory_space<vmem_shared>>
      %dma_start3A_60 = arith.constant 0 : i32
      %dma_start3A_61 = tpu.memref_slice %arg12[%add3A_26, %dma_start3A_60] : memref<10240x128xf32, #tpu.memory_space<vmem_shared>> -> memref<64x128xf32, #tpu.memory_space<vmem_shared>>
      tpu.enqueue_dma source(%arg8 : memref<64x128xf32, #tpu.memory_space<vmem>>) target(%dma_start3A_61 : memref<64x128xf32, #tpu.memory_space<vmem_shared>>) target_semaphore(%run_scoped3A : memref<!tpu.dma_semaphore, #tpu.memory_space<semaphore_mem>>)
      %dma_wait3A = arith.constant 0 : i32
      %dma_wait3A_62 = tpu.memref_slice %arg12[%add3A_26, %dma_wait3A] : memref<10240x128xf32, #tpu.memory_space<vmem_shared>> -> memref<64x128xf32, #tpu.memory_space<vmem_shared>>
      %dma_wait3A_63 = arith.constant 0 : i32
      %dma_wait3A_64 = tpu.memref_slice %arg12[%add3A_26, %dma_wait3A_63] : memref<10240x128xf32, #tpu.memory_space<vmem_shared>> -> memref<64x128xf32, #tpu.memory_space<vmem_shared>>
      tpu.wait_dma2 semaphore(%run_scoped3A : memref<!tpu.dma_semaphore, #tpu.memory_space<semaphore_mem>>) src(%arg8 : memref<64x128xf32, #tpu.memory_space<vmem>>) dst(%dma_wait3A_64 : memref<64x128xf32, #tpu.memory_space<vmem_shared>>)
      tpu.yield
    }) : () -> ()
    %mul3A_27 = arith.constant 640 : i32
    %mul3A_28 = arith.muli %arg1, %mul3A_27 : i32
    %add3A_29 = arith.constant 320 : i32
    %add3A_30 = arith.addi %mul3A_28, %add3A_29 : i32
    "tpu.region"() ({
      %run_scoped3A = tpu.sem_alloc : memref<!tpu.dma_semaphore, #tpu.memory_space<semaphore_mem>>
      %dma_start3A = arith.constant 0 : i32
      %dma_start3A_59 = tpu.memref_slice %arg12[%add3A_30, %dma_start3A] : memref<10240x128xf32, #tpu.memory_space<vmem_shared>> -> memref<64x128xf32, #tpu.memory_space<vmem_shared>>
      %dma_start3A_60 = arith.constant 0 : i32
      %dma_start3A_61 = tpu.memref_slice %arg12[%add3A_30, %dma_start3A_60] : memref<10240x128xf32, #tpu.memory_space<vmem_shared>> -> memref<64x128xf32, #tpu.memory_space<vmem_shared>>
      tpu.enqueue_dma source(%arg8 : memref<64x128xf32, #tpu.memory_space<vmem>>) target(%dma_start3A_61 : memref<64x128xf32, #tpu.memory_space<vmem_shared>>) target_semaphore(%run_scoped3A : memref<!tpu.dma_semaphore, #tpu.memory_space<semaphore_mem>>)
      %dma_wait3A = arith.constant 0 : i32
      %dma_wait3A_62 = tpu.memref_slice %arg12[%add3A_30, %dma_wait3A] : memref<10240x128xf32, #tpu.memory_space<vmem_shared>> -> memref<64x128xf32, #tpu.memory_space<vmem_shared>>
      %dma_wait3A_63 = arith.constant 0 : i32
      %dma_wait3A_64 = tpu.memref_slice %arg12[%add3A_30, %dma_wait3A_63] : memref<10240x128xf32, #tpu.memory_space<vmem_shared>> -> memref<64x128xf32, #tpu.memory_space<vmem_shared>>
      tpu.wait_dma2 semaphore(%run_scoped3A : memref<!tpu.dma_semaphore, #tpu.memory_space<semaphore_mem>>) src(%arg8 : memref<64x128xf32, #tpu.memory_space<vmem>>) dst(%dma_wait3A_64 : memref<64x128xf32, #tpu.memory_space<vmem_shared>>)
      tpu.yield
    }) : () -> ()
    %mul3A_31 = arith.constant 640 : i32
    %mul3A_32 = arith.muli %arg1, %mul3A_31 : i32
    %add3A_33 = arith.constant 384 : i32
    %add3A_34 = arith.addi %mul3A_32, %add3A_33 : i32
    "tpu.region"() ({
      %run_scoped3A = tpu.sem_alloc : memref<!tpu.dma_semaphore, #tpu.memory_space<semaphore_mem>>
      %dma_start3A = arith.constant 0 : i32
      %dma_start3A_59 = tpu.memref_slice %arg12[%add3A_34, %dma_start3A] : memref<10240x128xf32, #tpu.memory_space<vmem_shared>> -> memref<64x128xf32, #tpu.memory_space<vmem_shared>>
      %dma_start3A_60 = arith.constant 0 : i32
      %dma_start3A_61 = tpu.memref_slice %arg12[%add3A_34, %dma_start3A_60] : memref<10240x128xf32, #tpu.memory_space<vmem_shared>> -> memref<64x128xf32, #tpu.memory_space<vmem_shared>>
      tpu.enqueue_dma source(%arg8 : memref<64x128xf32, #tpu.memory_space<vmem>>) target(%dma_start3A_61 : memref<64x128xf32, #tpu.memory_space<vmem_shared>>) target_semaphore(%run_scoped3A : memref<!tpu.dma_semaphore, #tpu.memory_space<semaphore_mem>>)
      %dma_wait3A = arith.constant 0 : i32
      %dma_wait3A_62 = tpu.memref_slice %arg12[%add3A_34, %dma_wait3A] : memref<10240x128xf32, #tpu.memory_space<vmem_shared>> -> memref<64x128xf32, #tpu.memory_space<vmem_shared>>
      %dma_wait3A_63 = arith.constant 0 : i32
      %dma_wait3A_64 = tpu.memref_slice %arg12[%add3A_34, %dma_wait3A_63] : memref<10240x128xf32, #tpu.memory_space<vmem_shared>> -> memref<64x128xf32, #tpu.memory_space<vmem_shared>>
      tpu.wait_dma2 semaphore(%run_scoped3A : memref<!tpu.dma_semaphore, #tpu.memory_space<semaphore_mem>>) src(%arg8 : memref<64x128xf32, #tpu.memory_space<vmem>>) dst(%dma_wait3A_64 : memref<64x128xf32, #tpu.memory_space<vmem_shared>>)
      tpu.yield
    }) : () -> ()
    %mul3A_35 = arith.constant 640 : i32
    %mul3A_36 = arith.muli %arg1, %mul3A_35 : i32
    %add3A_37 = arith.constant 448 : i32
    %add3A_38 = arith.addi %mul3A_36, %add3A_37 : i32
    "tpu.region"() ({
      %run_scoped3A = tpu.sem_alloc : memref<!tpu.dma_semaphore, #tpu.memory_space<semaphore_mem>>
      %dma_start3A = arith.constant 0 : i32
      %dma_start3A_59 = tpu.memref_slice %arg12[%add3A_38, %dma_start3A] : memref<10240x128xf32, #tpu.memory_space<vmem_shared>> -> memref<64x128xf32, #tpu.memory_space<vmem_shared>>
      %dma_start3A_60 = arith.constant 0 : i32
      %dma_start3A_61 = tpu.memref_slice %arg12[%add3A_38, %dma_start3A_60] : memref<10240x128xf32, #tpu.memory_space<vmem_shared>> -> memref<64x128xf32, #tpu.memory_space<vmem_shared>>
      tpu.enqueue_dma source(%arg8 : memref<64x128xf32, #tpu.memory_space<vmem>>) target(%dma_start3A_61 : memref<64x128xf32, #tpu.memory_space<vmem_shared>>) target_semaphore(%run_scoped3A : memref<!tpu.dma_semaphore, #tpu.memory_space<semaphore_mem>>)
      %dma_wait3A = arith.constant 0 : i32
      %dma_wait3A_62 = tpu.memref_slice %arg12[%add3A_38, %dma_wait3A] : memref<10240x128xf32, #tpu.memory_space<vmem_shared>> -> memref<64x128xf32, #tpu.memory_space<vmem_shared>>
      %dma_wait3A_63 = arith.constant 0 : i32
      %dma_wait3A_64 = tpu.memref_slice %arg12[%add3A_38, %dma_wait3A_63] : memref<10240x128xf32, #tpu.memory_space<vmem_shared>> -> memref<64x128xf32, #tpu.memory_space<vmem_shared>>
      tpu.wait_dma2 semaphore(%run_scoped3A : memref<!tpu.dma_semaphore, #tpu.memory_space<semaphore_mem>>) src(%arg8 : memref<64x128xf32, #tpu.memory_space<vmem>>) dst(%dma_wait3A_64 : memref<64x128xf32, #tpu.memory_space<vmem_shared>>)
      tpu.yield
    }) : () -> ()
    %mul3A_39 = arith.constant 640 : i32
    %mul3A_40 = arith.muli %arg1, %mul3A_39 : i32
    %add3A_41 = arith.constant 512 : i32
    %add3A_42 = arith.addi %mul3A_40, %add3A_41 : i32
    "tpu.region"() ({
      %run_scoped3A = tpu.sem_alloc : memref<!tpu.dma_semaphore, #tpu.memory_space<semaphore_mem>>
      %dma_start3A = arith.constant 0 : i32
      %dma_start3A_59 = tpu.memref_slice %arg12[%add3A_42, %dma_start3A] : memref<10240x128xf32, #tpu.memory_space<vmem_shared>> -> memref<64x128xf32, #tpu.memory_space<vmem_shared>>
      %dma_start3A_60 = arith.constant 0 : i32
      %dma_start3A_61 = tpu.memref_slice %arg12[%add3A_42, %dma_start3A_60] : memref<10240x128xf32, #tpu.memory_space<vmem_shared>> -> memref<64x128xf32, #tpu.memory_space<vmem_shared>>
      tpu.enqueue_dma source(%arg8 : memref<64x128xf32, #tpu.memory_space<vmem>>) target(%dma_start3A_61 : memref<64x128xf32, #tpu.memory_space<vmem_shared>>) target_semaphore(%run_scoped3A : memref<!tpu.dma_semaphore, #tpu.memory_space<semaphore_mem>>)
      %dma_wait3A = arith.constant 0 : i32
      %dma_wait3A_62 = tpu.memref_slice %arg12[%add3A_42, %dma_wait3A] : memref<10240x128xf32, #tpu.memory_space<vmem_shared>> -> memref<64x128xf32, #tpu.memory_space<vmem_shared>>
      %dma_wait3A_63 = arith.constant 0 : i32
      %dma_wait3A_64 = tpu.memref_slice %arg12[%add3A_42, %dma_wait3A_63] : memref<10240x128xf32, #tpu.memory_space<vmem_shared>> -> memref<64x128xf32, #tpu.memory_space<vmem_shared>>
      tpu.wait_dma2 semaphore(%run_scoped3A : memref<!tpu.dma_semaphore, #tpu.memory_space<semaphore_mem>>) src(%arg8 : memref<64x128xf32, #tpu.memory_space<vmem>>) dst(%dma_wait3A_64 : memref<64x128xf32, #tpu.memory_space<vmem_shared>>)
      tpu.yield
    }) : () -> ()
    %mul3A_43 = arith.constant 640 : i32
    %mul3A_44 = arith.muli %arg1, %mul3A_43 : i32
    %add3A_45 = arith.constant 576 : i32
    %add3A_46 = arith.addi %mul3A_44, %add3A_45 : i32
    "tpu.region"() ({
      %run_scoped3A = tpu.sem_alloc : memref<!tpu.dma_semaphore, #tpu.memory_space<semaphore_mem>>
      %dma_start3A = arith.constant 0 : i32
      %dma_start3A_59 = tpu.memref_slice %arg12[%add3A_46, %dma_start3A] : memref<10240x128xf32, #tpu.memory_space<vmem_shared>> -> memref<64x128xf32, #tpu.memory_space<vmem_shared>>
      %dma_start3A_60 = arith.constant 0 : i32
      %dma_start3A_61 = tpu.memref_slice %arg12[%add3A_46, %dma_start3A_60] : memref<10240x128xf32, #tpu.memory_space<vmem_shared>> -> memref<64x128xf32, #tpu.memory_space<vmem_shared>>
      tpu.enqueue_dma source(%arg8 : memref<64x128xf32, #tpu.memory_space<vmem>>) target(%dma_start3A_61 : memref<64x128xf32, #tpu.memory_space<vmem_shared>>) target_semaphore(%run_scoped3A : memref<!tpu.dma_semaphore, #tpu.memory_space<semaphore_mem>>)
      %dma_wait3A = arith.constant 0 : i32
      %dma_wait3A_62 = tpu.memref_slice %arg12[%add3A_46, %dma_wait3A] : memref<10240x128xf32, #tpu.memory_space<vmem_shared>> -> memref<64x128xf32, #tpu.memory_space<vmem_shared>>
      %dma_wait3A_63 = arith.constant 0 : i32
      %dma_wait3A_64 = tpu.memref_slice %arg12[%add3A_46, %dma_wait3A_63] : memref<10240x128xf32, #tpu.memory_space<vmem_shared>> -> memref<64x128xf32, #tpu.memory_space<vmem_shared>>
      tpu.wait_dma2 semaphore(%run_scoped3A : memref<!tpu.dma_semaphore, #tpu.memory_space<semaphore_mem>>) src(%arg8 : memref<64x128xf32, #tpu.memory_space<vmem>>) dst(%dma_wait3A_64 : memref<64x128xf32, #tpu.memory_space<vmem_shared>>)
      tpu.yield
    }) : () -> ()
    %barrier3A = arith.constant 0 : index
    tpu.barrier barrier_id(%barrier3A)
    %scan3A_47 = arith.constant 0 : i32
    %scan3A_48 = arith.constant 0 : i32
    %scan3A_49 = arith.constant 21 : i32
    %scan3A_50 = arith.addi %scan3A_48, %scan3A_49 : i32
    %scan3A_51 = arith.constant 1 : i32
    %scan3A_52 = scf.for %scan3A_59 = %scan3A_48 to %scan3A_50 step %scan3A_51 iter_args(%scan3A_60 = %scan3A_47) -> (i32)  : i32 {
      %mul3A_61 = arith.constant 8 : i32
      %mul3A_62 = arith.muli %scan3A_59, %mul3A_61 : i32
      "tpu.region"() ({
        %run_scoped3A = tpu.sem_alloc : memref<!tpu.dma_semaphore, #tpu.memory_space<semaphore_mem>>
        %dma_start3A = arith.constant 0 : i32
        %dma_start3A_73 = tpu.memref_slice %arg3[%add3A, %mul3A_62, %dma_start3A] : memref<32x168x64xi32, #tpu.memory_space<hbm>> -> memref<1x8x64xi32, #tpu.memory_space<hbm>>
        %dma_start3A_74 = tpu.memref_squeeze %dma_start3A_73 : memref<1x8x64xi32, #tpu.memory_space<hbm>> -> memref<8x64xi32, #tpu.memory_space<hbm>>
        %dma_start3A_75 = arith.constant 0 : i32
        %dma_start3A_76 = tpu.memref_slice %arg3[%add3A, %mul3A_62, %dma_start3A_75] : memref<32x168x64xi32, #tpu.memory_space<hbm>> -> memref<1x8x64xi32, #tpu.memory_space<hbm>>
        %dma_start3A_77 = tpu.memref_squeeze %dma_start3A_76 : memref<1x8x64xi32, #tpu.memory_space<hbm>> -> memref<8x64xi32, #tpu.memory_space<hbm>>
        tpu.enqueue_dma source(%dma_start3A_77 : memref<8x64xi32, #tpu.memory_space<hbm>>) target(%arg6 : memref<8x64xi32, #tpu.memory_space<vmem>>) target_semaphore(%run_scoped3A : memref<!tpu.dma_semaphore, #tpu.memory_space<semaphore_mem>>)
        %dma_wait3A = arith.constant 0 : i32
        %dma_wait3A_78 = tpu.memref_slice %arg3[%add3A, %mul3A_62, %dma_wait3A] : memref<32x168x64xi32, #tpu.memory_space<hbm>> -> memref<1x8x64xi32, #tpu.memory_space<hbm>>
        %dma_wait3A_79 = tpu.memref_squeeze %dma_wait3A_78 : memref<1x8x64xi32, #tpu.memory_space<hbm>> -> memref<8x64xi32, #tpu.memory_space<hbm>>
        %dma_wait3A_80 = arith.constant 0 : i32
        %dma_wait3A_81 = tpu.memref_slice %arg3[%add3A, %mul3A_62, %dma_wait3A_80] : memref<32x168x64xi32, #tpu.memory_space<hbm>> -> memref<1x8x64xi32, #tpu.memory_space<hbm>>
        %dma_wait3A_82 = tpu.memref_squeeze %dma_wait3A_81 : memref<1x8x64xi32, #tpu.memory_space<hbm>> -> memref<8x64xi32, #tpu.memory_space<hbm>>
        tpu.wait_dma2 semaphore(%run_scoped3A : memref<!tpu.dma_semaphore, #tpu.memory_space<semaphore_mem>>) src(%dma_wait3A_82 : memref<8x64xi32, #tpu.memory_space<hbm>>) dst(%arg6 : memref<8x64xi32, #tpu.memory_space<vmem>>)
        tpu.yield
      }) : () -> ()
      %mul3A_63 = arith.constant 8 : i32
      %mul3A_64 = arith.muli %scan3A_59, %mul3A_63 : i32
      "tpu.region"() ({
        %run_scoped3A = tpu.sem_alloc : memref<!tpu.dma_semaphore, #tpu.memory_space<semaphore_mem>>
        %dma_start3A = arith.constant 0 : i32
        %dma_start3A_73 = tpu.memref_slice %arg4[%add3A, %mul3A_64, %dma_start3A] : memref<32x168x64xi32, #tpu.memory_space<hbm>> -> memref<1x8x64xi32, #tpu.memory_space<hbm>>
        %dma_start3A_74 = tpu.memref_squeeze %dma_start3A_73 : memref<1x8x64xi32, #tpu.memory_space<hbm>> -> memref<8x64xi32, #tpu.memory_space<hbm>>
        %dma_start3A_75 = arith.constant 0 : i32
        %dma_start3A_76 = tpu.memref_slice %arg4[%add3A, %mul3A_64, %dma_start3A_75] : memref<32x168x64xi32, #tpu.memory_space<hbm>> -> memref<1x8x64xi32, #tpu.memory_space<hbm>>
        %dma_start3A_77 = tpu.memref_squeeze %dma_start3A_76 : memref<1x8x64xi32, #tpu.memory_space<hbm>> -> memref<8x64xi32, #tpu.memory_space<hbm>>
        tpu.enqueue_dma source(%dma_start3A_77 : memref<8x64xi32, #tpu.memory_space<hbm>>) target(%arg7 : memref<8x64xi32, #tpu.memory_space<vmem>>) target_semaphore(%run_scoped3A : memref<!tpu.dma_semaphore, #tpu.memory_space<semaphore_mem>>)
        %dma_wait3A = arith.constant 0 : i32
        %dma_wait3A_78 = tpu.memref_slice %arg4[%add3A, %mul3A_64, %dma_wait3A] : memref<32x168x64xi32, #tpu.memory_space<hbm>> -> memref<1x8x64xi32, #tpu.memory_space<hbm>>
        %dma_wait3A_79 = tpu.memref_squeeze %dma_wait3A_78 : memref<1x8x64xi32, #tpu.memory_space<hbm>> -> memref<8x64xi32, #tpu.memory_space<hbm>>
        %dma_wait3A_80 = arith.constant 0 : i32
        %dma_wait3A_81 = tpu.memref_slice %arg4[%add3A, %mul3A_64, %dma_wait3A_80] : memref<32x168x64xi32, #tpu.memory_space<hbm>> -> memref<1x8x64xi32, #tpu.memory_space<hbm>>
        %dma_wait3A_82 = tpu.memref_squeeze %dma_wait3A_81 : memref<1x8x64xi32, #tpu.memory_space<hbm>> -> memref<8x64xi32, #tpu.memory_space<hbm>>
        tpu.wait_dma2 semaphore(%run_scoped3A : memref<!tpu.dma_semaphore, #tpu.memory_space<semaphore_mem>>) src(%dma_wait3A_82 : memref<8x64xi32, #tpu.memory_space<hbm>>) dst(%arg7 : memref<8x64xi32, #tpu.memory_space<vmem>>)
        tpu.yield
      }) : () -> ()
      %scan3A_65 = arith.constant 0 : i32
      %scan3A_66 = arith.constant 0 : i32
      %scan3A_67 = arith.constant 2 : i32
      %scan3A_68 = arith.addi %scan3A_66, %scan3A_67 : i32
      %scan3A_69 = arith.constant 1 : i32
      %scan3A_70 = scf.for %scan3A_73 = %scan3A_66 to %scan3A_68 step %scan3A_69 iter_args(%scan3A_74 = %scan3A_65) -> (i32)  : i32 {
        %mul3A_75 = arith.constant 4 : i32
        %mul3A_76 = arith.muli %scan3A_73, %mul3A_75 : i32
        %dma_start3A = arith.constant 0 : i32
        %dma_start3A_77 = tpu.memref_slice %arg6[%mul3A_76, %dma_start3A] : memref<8x64xi32, #tpu.memory_space<vmem>> -> memref<1x64xi32, #tpu.memory_space<vmem>>
        %dma_start3A_78 = tpu.memref_squeeze %dma_start3A_77 : memref<1x64xi32, #tpu.memory_space<vmem>> -> memref<64xi32, #tpu.memory_space<vmem>>
        %dma_start3A_79 = arith.constant 0 : i32
        %dma_start3A_80 = arith.constant 0 : i32
        %dma_start3A_81 = tpu.memref_slice %arg2[%dma_start3A_79, %dma_start3A_80] : memref<10240x128xf32, #tpu.memory_space<hbm>> -> memref<10240x128xf32, #tpu.memory_space<hbm>>
        tpu.enqueue_indirect_dma source(%dma_start3A_81 : memref<10240x128xf32, #tpu.memory_space<hbm>>) target(%arg8 : memref<64x128xf32, #tpu.memory_space<vmem>>) offsets(%dma_start3A_78 : memref<64xi32, #tpu.memory_space<vmem>>) semaphore(%arg13 : memref<!tpu.dma_semaphore, #tpu.memory_space<semaphore_mem>>)
        %add3A_82 = arith.constant 1 : i32
        %add3A_83 = arith.addi %mul3A_76, %add3A_82 : i32
        %dma_start3A_84 = arith.constant 0 : i32
        %dma_start3A_85 = tpu.memref_slice %arg6[%add3A_83, %dma_start3A_84] : memref<8x64xi32, #tpu.memory_space<vmem>> -> memref<1x64xi32, #tpu.memory_space<vmem>>
        %dma_start3A_86 = tpu.memref_squeeze %dma_start3A_85 : memref<1x64xi32, #tpu.memory_space<vmem>> -> memref<64xi32, #tpu.memory_space<vmem>>
        %dma_start3A_87 = arith.constant 0 : i32
        %dma_start3A_88 = arith.constant 0 : i32
        %dma_start3A_89 = tpu.memref_slice %arg2[%dma_start3A_87, %dma_start3A_88] : memref<10240x128xf32, #tpu.memory_space<hbm>> -> memref<10240x128xf32, #tpu.memory_space<hbm>>
        tpu.enqueue_indirect_dma source(%dma_start3A_89 : memref<10240x128xf32, #tpu.memory_space<hbm>>) target(%arg9 : memref<64x128xf32, #tpu.memory_space<vmem>>) offsets(%dma_start3A_86 : memref<64xi32, #tpu.memory_space<vmem>>) semaphore(%arg14 : memref<!tpu.dma_semaphore, #tpu.memory_space<semaphore_mem>>)
        %add3A_90 = arith.constant 2 : i32
        %add3A_91 = arith.addi %mul3A_76, %add3A_90 : i32
        %dma_start3A_92 = arith.constant 0 : i32
        %dma_start3A_93 = tpu.memref_slice %arg6[%add3A_91, %dma_start3A_92] : memref<8x64xi32, #tpu.memory_space<vmem>> -> memref<1x64xi32, #tpu.memory_space<vmem>>
        %dma_start3A_94 = tpu.memref_squeeze %dma_start3A_93 : memref<1x64xi32, #tpu.memory_space<vmem>> -> memref<64xi32, #tpu.memory_space<vmem>>
        %dma_start3A_95 = arith.constant 0 : i32
        %dma_start3A_96 = arith.constant 0 : i32
        %dma_start3A_97 = tpu.memref_slice %arg2[%dma_start3A_95, %dma_start3A_96] : memref<10240x128xf32, #tpu.memory_space<hbm>> -> memref<10240x128xf32, #tpu.memory_space<hbm>>
        tpu.enqueue_indirect_dma source(%dma_start3A_97 : memref<10240x128xf32, #tpu.memory_space<hbm>>) target(%arg10 : memref<64x128xf32, #tpu.memory_space<vmem>>) offsets(%dma_start3A_94 : memref<64xi32, #tpu.memory_space<vmem>>) semaphore(%arg15 : memref<!tpu.dma_semaphore, #tpu.memory_space<semaphore_mem>>)
        %add3A_98 = arith.constant 3 : i32
        %add3A_99 = arith.addi %mul3A_76, %add3A_98 : i32
        %dma_start3A_100 = arith.constant 0 : i32
        %dma_start3A_101 = tpu.memref_slice %arg6[%add3A_99, %dma_start3A_100] : memref<8x64xi32, #tpu.memory_space<vmem>> -> memref<1x64xi32, #tpu.memory_space<vmem>>
        %dma_start3A_102 = tpu.memref_squeeze %dma_start3A_101 : memref<1x64xi32, #tpu.memory_space<vmem>> -> memref<64xi32, #tpu.memory_space<vmem>>
        %dma_start3A_103 = arith.constant 0 : i32
        %dma_start3A_104 = arith.constant 0 : i32
        %dma_start3A_105 = tpu.memref_slice %arg2[%dma_start3A_103, %dma_start3A_104] : memref<10240x128xf32, #tpu.memory_space<hbm>> -> memref<10240x128xf32, #tpu.memory_space<hbm>>
        tpu.enqueue_indirect_dma source(%dma_start3A_105 : memref<10240x128xf32, #tpu.memory_space<hbm>>) target(%arg11 : memref<64x128xf32, #tpu.memory_space<vmem>>) offsets(%dma_start3A_102 : memref<64xi32, #tpu.memory_space<vmem>>) semaphore(%arg16 : memref<!tpu.dma_semaphore, #tpu.memory_space<semaphore_mem>>)
        %dma_wait3A = arith.constant 0 : i32
        %dma_wait3A_106 = tpu.memref_slice %arg6[%mul3A_76, %dma_wait3A] : memref<8x64xi32, #tpu.memory_space<vmem>> -> memref<1x64xi32, #tpu.memory_space<vmem>>
        %dma_wait3A_107 = tpu.memref_squeeze %dma_wait3A_106 : memref<1x64xi32, #tpu.memory_space<vmem>> -> memref<64xi32, #tpu.memory_space<vmem>>
        %dma_wait3A_108 = arith.constant 0 : i32
        %dma_wait3A_109 = arith.constant 0 : i32
        %dma_wait3A_110 = tpu.memref_slice %arg2[%dma_wait3A_108, %dma_wait3A_109] : memref<10240x128xf32, #tpu.memory_space<hbm>> -> memref<10240x128xf32, #tpu.memory_space<hbm>>
        tpu.wait_indirect_dma semaphore(%arg13 : memref<!tpu.dma_semaphore, #tpu.memory_space<semaphore_mem>>) src(%dma_wait3A_110 : memref<10240x128xf32, #tpu.memory_space<hbm>>) dst(%arg8 : memref<64x128xf32, #tpu.memory_space<vmem>>)
        "tpu.region"() ({
          %run_scoped3A = tpu.sem_alloc : memref<!tpu.dma_semaphore, #tpu.memory_space<semaphore_mem>>
          %dma_start3A_136 = arith.constant 0 : i32
          %dma_start3A_137 = tpu.memref_slice %arg7[%mul3A_76, %dma_start3A_136] : memref<8x64xi32, #tpu.memory_space<vmem>> -> memref<1x64xi32, #tpu.memory_space<vmem>>
          %dma_start3A_138 = tpu.memref_squeeze %dma_start3A_137 : memref<1x64xi32, #tpu.memory_space<vmem>> -> memref<64xi32, #tpu.memory_space<vmem>>
          %dma_start3A_139 = arith.constant 0 : i32
          %dma_start3A_140 = arith.constant 0 : i32
          %dma_start3A_141 = tpu.memref_slice %arg12[%dma_start3A_139, %dma_start3A_140] : memref<10240x128xf32, #tpu.memory_space<vmem_shared>> -> memref<10240x128xf32, #tpu.memory_space<vmem_shared>>
          tpu.enqueue_indirect_dma source(%arg8 : memref<64x128xf32, #tpu.memory_space<vmem>>) target(%dma_start3A_141 : memref<10240x128xf32, #tpu.memory_space<vmem_shared>>) offsets(%dma_start3A_138 : memref<64xi32, #tpu.memory_space<vmem>>) semaphore(%run_scoped3A : memref<!tpu.dma_semaphore, #tpu.memory_space<semaphore_mem>>) {add = true}
          %dma_wait3A_142 = arith.constant 0 : i32
          %dma_wait3A_143 = tpu.memref_slice %arg7[%mul3A_76, %dma_wait3A_142] : memref<8x64xi32, #tpu.memory_space<vmem>> -> memref<1x64xi32, #tpu.memory_space<vmem>>
          %dma_wait3A_144 = tpu.memref_squeeze %dma_wait3A_143 : memref<1x64xi32, #tpu.memory_space<vmem>> -> memref<64xi32, #tpu.memory_space<vmem>>
          %dma_wait3A_145 = arith.constant 0 : i32
          %dma_wait3A_146 = arith.constant 0 : i32
          %dma_wait3A_147 = tpu.memref_slice %arg12[%dma_wait3A_145, %dma_wait3A_146] : memref<10240x128xf32, #tpu.memory_space<vmem_shared>> -> memref<10240x128xf32, #tpu.memory_space<vmem_shared>>
          tpu.wait_indirect_dma semaphore(%run_scoped3A : memref<!tpu.dma_semaphore, #tpu.memory_space<semaphore_mem>>) src(%arg8 : memref<64x128xf32, #tpu.memory_space<vmem>>) dst(%dma_wait3A_147 : memref<10240x128xf32, #tpu.memory_space<vmem_shared>>)
          tpu.yield
        }) : () -> ()
        %dma_wait3A_111 = arith.constant 0 : i32
        %dma_wait3A_112 = tpu.memref_slice %arg6[%add3A_83, %dma_wait3A_111] : memref<8x64xi32, #tpu.memory_space<vmem>> -> memref<1x64xi32, #tpu.memory_space<vmem>>
        %dma_wait3A_113 = tpu.memref_squeeze %dma_wait3A_112 : memref<1x64xi32, #tpu.memory_space<vmem>> -> memref<64xi32, #tpu.memory_space<vmem>>
        %dma_wait3A_114 = arith.constant 0 : i32
        %dma_wait3A_115 = arith.constant 0 : i32
        %dma_wait3A_116 = tpu.memref_slice %arg2[%dma_wait3A_114, %dma_wait3A_115] : memref<10240x128xf32, #tpu.memory_space<hbm>> -> memref<10240x128xf32, #tpu.memory_space<hbm>>
        tpu.wait_indirect_dma semaphore(%arg14 : memref<!tpu.dma_semaphore, #tpu.memory_space<semaphore_mem>>) src(%dma_wait3A_116 : memref<10240x128xf32, #tpu.memory_space<hbm>>) dst(%arg9 : memref<64x128xf32, #tpu.memory_space<vmem>>)
        %add3A_117 = arith.constant 1 : i32
        %add3A_118 = arith.addi %mul3A_76, %add3A_117 : i32
        "tpu.region"() ({
          %run_scoped3A = tpu.sem_alloc : memref<!tpu.dma_semaphore, #tpu.memory_space<semaphore_mem>>
          %dma_start3A_136 = arith.constant 0 : i32
          %dma_start3A_137 = tpu.memref_slice %arg7[%add3A_118, %dma_start3A_136] : memref<8x64xi32, #tpu.memory_space<vmem>> -> memref<1x64xi32, #tpu.memory_space<vmem>>
          %dma_start3A_138 = tpu.memref_squeeze %dma_start3A_137 : memref<1x64xi32, #tpu.memory_space<vmem>> -> memref<64xi32, #tpu.memory_space<vmem>>
          %dma_start3A_139 = arith.constant 0 : i32
          %dma_start3A_140 = arith.constant 0 : i32
          %dma_start3A_141 = tpu.memref_slice %arg12[%dma_start3A_139, %dma_start3A_140] : memref<10240x128xf32, #tpu.memory_space<vmem_shared>> -> memref<10240x128xf32, #tpu.memory_space<vmem_shared>>
          tpu.enqueue_indirect_dma source(%arg9 : memref<64x128xf32, #tpu.memory_space<vmem>>) target(%dma_start3A_141 : memref<10240x128xf32, #tpu.memory_space<vmem_shared>>) offsets(%dma_start3A_138 : memref<64xi32, #tpu.memory_space<vmem>>) semaphore(%run_scoped3A : memref<!tpu.dma_semaphore, #tpu.memory_space<semaphore_mem>>) {add = true}
          %dma_wait3A_142 = arith.constant 0 : i32
          %dma_wait3A_143 = tpu.memref_slice %arg7[%add3A_118, %dma_wait3A_142] : memref<8x64xi32, #tpu.memory_space<vmem>> -> memref<1x64xi32, #tpu.memory_space<vmem>>
          %dma_wait3A_144 = tpu.memref_squeeze %dma_wait3A_143 : memref<1x64xi32, #tpu.memory_space<vmem>> -> memref<64xi32, #tpu.memory_space<vmem>>
          %dma_wait3A_145 = arith.constant 0 : i32
          %dma_wait3A_146 = arith.constant 0 : i32
          %dma_wait3A_147 = tpu.memref_slice %arg12[%dma_wait3A_145, %dma_wait3A_146] : memref<10240x128xf32, #tpu.memory_space<vmem_shared>> -> memref<10240x128xf32, #tpu.memory_space<vmem_shared>>
          tpu.wait_indirect_dma semaphore(%run_scoped3A : memref<!tpu.dma_semaphore, #tpu.memory_space<semaphore_mem>>) src(%arg9 : memref<64x128xf32, #tpu.memory_space<vmem>>) dst(%dma_wait3A_147 : memref<10240x128xf32, #tpu.memory_space<vmem_shared>>)
          tpu.yield
        }) : () -> ()
        %dma_wait3A_119 = arith.constant 0 : i32
        %dma_wait3A_120 = tpu.memref_slice %arg6[%add3A_91, %dma_wait3A_119] : memref<8x64xi32, #tpu.memory_space<vmem>> -> memref<1x64xi32, #tpu.memory_space<vmem>>
        %dma_wait3A_121 = tpu.memref_squeeze %dma_wait3A_120 : memref<1x64xi32, #tpu.memory_space<vmem>> -> memref<64xi32, #tpu.memory_space<vmem>>
        %dma_wait3A_122 = arith.constant 0 : i32
        %dma_wait3A_123 = arith.constant 0 : i32
        %dma_wait3A_124 = tpu.memref_slice %arg2[%dma_wait3A_122, %dma_wait3A_123] : memref<10240x128xf32, #tpu.memory_space<hbm>> -> memref<10240x128xf32, #tpu.memory_space<hbm>>
        tpu.wait_indirect_dma semaphore(%arg15 : memref<!tpu.dma_semaphore, #tpu.memory_space<semaphore_mem>>) src(%dma_wait3A_124 : memref<10240x128xf32, #tpu.memory_space<hbm>>) dst(%arg10 : memref<64x128xf32, #tpu.memory_space<vmem>>)
        %add3A_125 = arith.constant 2 : i32
        %add3A_126 = arith.addi %mul3A_76, %add3A_125 : i32
        "tpu.region"() ({
          %run_scoped3A = tpu.sem_alloc : memref<!tpu.dma_semaphore, #tpu.memory_space<semaphore_mem>>
          %dma_start3A_136 = arith.constant 0 : i32
          %dma_start3A_137 = tpu.memref_slice %arg7[%add3A_126, %dma_start3A_136] : memref<8x64xi32, #tpu.memory_space<vmem>> -> memref<1x64xi32, #tpu.memory_space<vmem>>
          %dma_start3A_138 = tpu.memref_squeeze %dma_start3A_137 : memref<1x64xi32, #tpu.memory_space<vmem>> -> memref<64xi32, #tpu.memory_space<vmem>>
          %dma_start3A_139 = arith.constant 0 : i32
          %dma_start3A_140 = arith.constant 0 : i32
          %dma_start3A_141 = tpu.memref_slice %arg12[%dma_start3A_139, %dma_start3A_140] : memref<10240x128xf32, #tpu.memory_space<vmem_shared>> -> memref<10240x128xf32, #tpu.memory_space<vmem_shared>>
          tpu.enqueue_indirect_dma source(%arg10 : memref<64x128xf32, #tpu.memory_space<vmem>>) target(%dma_start3A_141 : memref<10240x128xf32, #tpu.memory_space<vmem_shared>>) offsets(%dma_start3A_138 : memref<64xi32, #tpu.memory_space<vmem>>) semaphore(%run_scoped3A : memref<!tpu.dma_semaphore, #tpu.memory_space<semaphore_mem>>) {add = true}
          %dma_wait3A_142 = arith.constant 0 : i32
          %dma_wait3A_143 = tpu.memref_slice %arg7[%add3A_126, %dma_wait3A_142] : memref<8x64xi32, #tpu.memory_space<vmem>> -> memref<1x64xi32, #tpu.memory_space<vmem>>
          %dma_wait3A_144 = tpu.memref_squeeze %dma_wait3A_143 : memref<1x64xi32, #tpu.memory_space<vmem>> -> memref<64xi32, #tpu.memory_space<vmem>>
          %dma_wait3A_145 = arith.constant 0 : i32
          %dma_wait3A_146 = arith.constant 0 : i32
          %dma_wait3A_147 = tpu.memref_slice %arg12[%dma_wait3A_145, %dma_wait3A_146] : memref<10240x128xf32, #tpu.memory_space<vmem_shared>> -> memref<10240x128xf32, #tpu.memory_space<vmem_shared>>
          tpu.wait_indirect_dma semaphore(%run_scoped3A : memref<!tpu.dma_semaphore, #tpu.memory_space<semaphore_mem>>) src(%arg10 : memref<64x128xf32, #tpu.memory_space<vmem>>) dst(%dma_wait3A_147 : memref<10240x128xf32, #tpu.memory_space<vmem_shared>>)
          tpu.yield
        }) : () -> ()
        %dma_wait3A_127 = arith.constant 0 : i32
        %dma_wait3A_128 = tpu.memref_slice %arg6[%add3A_99, %dma_wait3A_127] : memref<8x64xi32, #tpu.memory_space<vmem>> -> memref<1x64xi32, #tpu.memory_space<vmem>>
        %dma_wait3A_129 = tpu.memref_squeeze %dma_wait3A_128 : memref<1x64xi32, #tpu.memory_space<vmem>> -> memref<64xi32, #tpu.memory_space<vmem>>
        %dma_wait3A_130 = arith.constant 0 : i32
        %dma_wait3A_131 = arith.constant 0 : i32
        %dma_wait3A_132 = tpu.memref_slice %arg2[%dma_wait3A_130, %dma_wait3A_131] : memref<10240x128xf32, #tpu.memory_space<hbm>> -> memref<10240x128xf32, #tpu.memory_space<hbm>>
        tpu.wait_indirect_dma semaphore(%arg16 : memref<!tpu.dma_semaphore, #tpu.memory_space<semaphore_mem>>) src(%dma_wait3A_132 : memref<10240x128xf32, #tpu.memory_space<hbm>>) dst(%arg11 : memref<64x128xf32, #tpu.memory_space<vmem>>)
        %add3A_133 = arith.constant 3 : i32
        %add3A_134 = arith.addi %mul3A_76, %add3A_133 : i32
        "tpu.region"() ({
          %run_scoped3A = tpu.sem_alloc : memref<!tpu.dma_semaphore, #tpu.memory_space<semaphore_mem>>
          %dma_start3A_136 = arith.constant 0 : i32
          %dma_start3A_137 = tpu.memref_slice %arg7[%add3A_134, %dma_start3A_136] : memref<8x64xi32, #tpu.memory_space<vmem>> -> memref<1x64xi32, #tpu.memory_space<vmem>>
          %dma_start3A_138 = tpu.memref_squeeze %dma_start3A_137 : memref<1x64xi32, #tpu.memory_space<vmem>> -> memref<64xi32, #tpu.memory_space<vmem>>
          %dma_start3A_139 = arith.constant 0 : i32
          %dma_start3A_140 = arith.constant 0 : i32
          %dma_start3A_141 = tpu.memref_slice %arg12[%dma_start3A_139, %dma_start3A_140] : memref<10240x128xf32, #tpu.memory_space<vmem_shared>> -> memref<10240x128xf32, #tpu.memory_space<vmem_shared>>
          tpu.enqueue_indirect_dma source(%arg11 : memref<64x128xf32, #tpu.memory_space<vmem>>) target(%dma_start3A_141 : memref<10240x128xf32, #tpu.memory_space<vmem_shared>>) offsets(%dma_start3A_138 : memref<64xi32, #tpu.memory_space<vmem>>) semaphore(%run_scoped3A : memref<!tpu.dma_semaphore, #tpu.memory_space<semaphore_mem>>) {add = true}
          %dma_wait3A_142 = arith.constant 0 : i32
          %dma_wait3A_143 = tpu.memref_slice %arg7[%add3A_134, %dma_wait3A_142] : memref<8x64xi32, #tpu.memory_space<vmem>> -> memref<1x64xi32, #tpu.memory_space<vmem>>
          %dma_wait3A_144 = tpu.memref_squeeze %dma_wait3A_143 : memref<1x64xi32, #tpu.memory_space<vmem>> -> memref<64xi32, #tpu.memory_space<vmem>>
          %dma_wait3A_145 = arith.constant 0 : i32
          %dma_wait3A_146 = arith.constant 0 : i32
          %dma_wait3A_147 = tpu.memref_slice %arg12[%dma_wait3A_145, %dma_wait3A_146] : memref<10240x128xf32, #tpu.memory_space<vmem_shared>> -> memref<10240x128xf32, #tpu.memory_space<vmem_shared>>
          tpu.wait_indirect_dma semaphore(%run_scoped3A : memref<!tpu.dma_semaphore, #tpu.memory_space<semaphore_mem>>) src(%arg11 : memref<64x128xf32, #tpu.memory_space<vmem>>) dst(%dma_wait3A_147 : memref<10240x128xf32, #tpu.memory_space<vmem_shared>>)
          tpu.yield
        }) : () -> ()
        %scan3A_135 = arith.constant 0 : i32
        scf.yield %scan3A_135 : i32
      }
      %scan3A_71 = arith.constant 2 : i32
      %scan3A_72 = arith.constant 0 : i32
      scf.yield %scan3A_72 : i32
    }
    %scan3A_53 = arith.constant 21 : i32
    %barrier3A_54 = arith.constant 0 : index
    tpu.barrier barrier_id(%barrier3A_54)
    %mul3A_55 = arith.constant 640 : i32
    %mul3A_56 = arith.muli %arg1, %mul3A_55 : i32
    %mul3A_57 = arith.constant 640 : i32
    %mul3A_58 = arith.muli %arg1, %mul3A_57 : i32
    "tpu.region"() ({
      %run_scoped3A = tpu.sem_alloc : memref<!tpu.dma_semaphore, #tpu.memory_space<semaphore_mem>>
      %dma_start3A = arith.constant 0 : i32
      %dma_start3A_59 = tpu.memref_slice %arg5[%arg0, %mul3A_58, %dma_start3A] : memref<2x10240x128xf32, #tpu.memory_space<hbm>> -> memref<1x640x128xf32, #tpu.memory_space<hbm>>
      %dma_start3A_60 = tpu.memref_squeeze %dma_start3A_59 : memref<1x640x128xf32, #tpu.memory_space<hbm>> -> memref<640x128xf32, #tpu.memory_space<hbm>>
      %dma_start3A_61 = arith.constant 0 : i32
      %dma_start3A_62 = tpu.memref_slice %arg12[%mul3A_56, %dma_start3A_61] : memref<10240x128xf32, #tpu.memory_space<vmem_shared>> -> memref<640x128xf32, #tpu.memory_space<vmem_shared>>
      tpu.enqueue_dma source(%dma_start3A_62 : memref<640x128xf32, #tpu.memory_space<vmem_shared>>) target(%dma_start3A_60 : memref<640x128xf32, #tpu.memory_space<hbm>>) target_semaphore(%run_scoped3A : memref<!tpu.dma_semaphore, #tpu.memory_space<semaphore_mem>>)
      %dma_wait3A = arith.constant 0 : i32
      %dma_wait3A_63 = tpu.memref_slice %arg5[%arg0, %mul3A_58, %dma_wait3A] : memref<2x10240x128xf32, #tpu.memory_space<hbm>> -> memref<1x640x128xf32, #tpu.memory_space<hbm>>
      %dma_wait3A_64 = tpu.memref_squeeze %dma_wait3A_63 : memref<1x640x128xf32, #tpu.memory_space<hbm>> -> memref<640x128xf32, #tpu.memory_space<hbm>>
      %dma_wait3A_65 = arith.constant 0 : i32
      %dma_wait3A_66 = tpu.memref_slice %arg12[%mul3A_56, %dma_wait3A_65] : memref<10240x128xf32, #tpu.memory_space<vmem_shared>> -> memref<640x128xf32, #tpu.memory_space<vmem_shared>>
      tpu.wait_dma2 semaphore(%run_scoped3A : memref<!tpu.dma_semaphore, #tpu.memory_space<semaphore_mem>>) src(%dma_wait3A_66 : memref<640x128xf32, #tpu.memory_space<vmem_shared>>) dst(%dma_wait3A_64 : memref<640x128xf32, #tpu.memory_space<hbm>>)
      tpu.yield
    }) : () -> ()
    return
  }
}

module attributes {stable_mosaic.version = 14 : i64} {
  func.func @_mm1_body(%arg0: i32, %arg1: memref<1024x128xf32, #tpu.memory_space<vmem>>, %arg2: memref<128x128xf32, #tpu.memory_space<vmem>>, %arg3: memref<1024x128xf32, #tpu.memory_space<vmem>>, %arg4: memref<1024x128xf32, #tpu.memory_space<vmem>>, %arg5: memref<1024x128xf32, #tpu.memory_space<vmem>>, %arg6: memref<1024x1xf32, #tpu.memory_space<vmem>>) attributes {dimension_semantics = [#tpu.dimension_semantics<arbitrary>], iteration_bounds = array<i64: 10>, scalar_prefetch = 0 : i64, scratch_operands = 0 : i64, tpu.core_type = #tpu.core_type<tc>, window_params = [{transform_indices = @transform_0, window_bounds = array<i64: 1024, 128>}, {pipeline_mode = #tpu.pipeline_mode<synchronous>, transform_indices = @transform_1, window_bounds = array<i64: 128, 128>}, {transform_indices = @transform_2, window_bounds = array<i64: 1024, 128>}, {transform_indices = @transform_3, window_bounds = array<i64: 1024, 128>}, {transform_indices = @transform_4, window_bounds = array<i64: 1024, 128>}, {transform_indices = @transform_5, window_bounds = array<i64: 1024, 1>}]} {
    %get3A = arith.constant 0 : index
    %get3A_0 = arith.constant 0 : index
    %get3A_1 = vector.load %arg3[%get3A, %get3A_0] : memref<1024x128xf32, #tpu.memory_space<vmem>>, vector<1024x1xf32>
    %get3A_2 = arith.constant 0 : index
    %get3A_3 = arith.constant 0 : index
    %get3A_4 = vector.load %arg4[%get3A_2, %get3A_3] : memref<1024x128xf32, #tpu.memory_space<vmem>>, vector<1024x1xf32>
    %add3A = arith.addf %get3A_1, %get3A_4 : vector<1024x1xf32>
    %max3A = arith.constant 1.000000e+00 : f32
    %max3A_5 = vector.broadcast %max3A : f32 to vector<1024x1xf32>
    %max3A_6 = arith.maximumf %add3A, %max3A_5 : vector<1024x1xf32>
    %rsqrt3A = math.rsqrt %max3A_6 : vector<1024x1xf32>
    %swap3A = arith.constant 0 : index
    %swap3A_7 = arith.constant 0 : index
    %swap3A_8 = vector.load %arg6[%swap3A, %swap3A_7] : memref<1024x1xf32, #tpu.memory_space<vmem>>, vector<1024x1xf32>
    tpu.vector_store %arg6[%swap3A, %swap3A_7], %rsqrt3A {strides = array<i32>} : memref<1024x1xf32, #tpu.memory_space<vmem>>, vector<1024x1xf32>,
    %get3A_9 = arith.constant 0 : index
    %get3A_10 = arith.constant 0 : index
    %get3A_11 = vector.load %arg1[%get3A_9, %get3A_10] : memref<1024x128xf32, #tpu.memory_space<vmem>>, vector<1024x128xf32>
    %get3A_12 = arith.constant 0 : index
    %get3A_13 = arith.constant 0 : index
    %get3A_14 = vector.load %arg2[%get3A_12, %get3A_13] : memref<128x128xf32, #tpu.memory_space<vmem>>, vector<128x128xf32>
    %dot_general3A = arith.constant dense<0.000000e+00> : vector<1024x128xf32>
    %dot_general3A_15 = tpu.matmul %get3A_11, %get3A_14, %dot_general3A {dimension_numbers = #tpu.dot_dimension_numbers<[1], [0], [0], [1], [0, 0, 1, 1], [], []>, transpose_lhs_hint = false} : vector<1024x128xf32>, vector<128x128xf32>, vector<1024x128xf32> -> vector<1024x128xf32>
    %mul3A = vector.broadcast %rsqrt3A : vector<1024x1xf32> to vector<1024x128xf32>
    %mul3A_16 = arith.mulf %dot_general3A_15, %mul3A : vector<1024x128xf32>
    %swap3A_17 = arith.constant 0 : index
    %swap3A_18 = arith.constant 0 : index
    %swap3A_19 = vector.load %arg5[%swap3A_17, %swap3A_18] : memref<1024x128xf32, #tpu.memory_space<vmem>>, vector<1024x128xf32>
    tpu.vector_store %arg5[%swap3A_17, %swap3A_18], %mul3A_16 {strides = array<i32>} : memref<1024x128xf32, #tpu.memory_space<vmem>>, vector<1024x128xf32>,
    return
  }
  func.func @transform_0(%arg0: i32) -> (i32, i32) {
    %c0_i32 = arith.constant 0 : i32
    %c0_i32_0 = arith.constant 0 : i32
    return %arg0, %c0_i32 : i32, i32
  }
  func.func @transform_1(%arg0: i32) -> (i32, i32) {
    %c0_i32 = arith.constant 0 : i32
    %c0_i32_0 = arith.constant 0 : i32
    %c0_i32_1 = arith.constant 0 : i32
    return %c0_i32, %c0_i32_0 : i32, i32
  }
  func.func @transform_2(%arg0: i32) -> (i32, i32) {
    %c0_i32 = arith.constant 0 : i32
    %c0_i32_0 = arith.constant 0 : i32
    return %arg0, %c0_i32 : i32, i32
  }
  func.func @transform_3(%arg0: i32) -> (i32, i32) {
    %c0_i32 = arith.constant 0 : i32
    %c0_i32_0 = arith.constant 0 : i32
    return %arg0, %c0_i32 : i32, i32
  }
  func.func @transform_4(%arg0: i32) -> (i32, i32) {
    %c0_i32 = arith.constant 0 : i32
    %c0_i32_0 = arith.constant 0 : i32
    return %arg0, %c0_i32 : i32, i32
  }
  func.func @transform_5(%arg0: i32) -> (i32, i32) {
    %c0_i32 = arith.constant 0 : i32
    %c0_i32_0 = arith.constant 0 : i32
    return %arg0, %c0_i32 : i32, i32
  }
}

module attributes {stable_mosaic.version = 14 : i64} {
  func.func @_mid_body(%arg0: i32, %arg1: memref<1024x128xf32, #tpu.memory_space<vmem>>, %arg2: memref<1024x128xf32, #tpu.memory_space<vmem>>, %arg3: memref<1024x1xf32, #tpu.memory_space<vmem>>, %arg4: memref<1x128xf32, #tpu.memory_space<vmem>>, %arg5: memref<128x128xf32, #tpu.memory_space<vmem>>, %arg6: memref<1024x128xf32, #tpu.memory_space<vmem>>) attributes {dimension_semantics = [#tpu.dimension_semantics<arbitrary>], iteration_bounds = array<i64: 10>, scalar_prefetch = 0 : i64, scratch_operands = 0 : i64, tpu.core_type = #tpu.core_type<tc>, window_params = [{transform_indices = @transform_0, window_bounds = array<i64: 1024, 128>}, {transform_indices = @transform_1, window_bounds = array<i64: 1024, 128>}, {transform_indices = @transform_2, window_bounds = array<i64: 1024, 1>}, {pipeline_mode = #tpu.pipeline_mode<synchronous>, transform_indices = @transform_3, window_bounds = array<i64: 1, 128>}, {pipeline_mode = #tpu.pipeline_mode<synchronous>, transform_indices = @transform_4, window_bounds = array<i64: 128, 128>}, {transform_indices = @transform_5, window_bounds = array<i64: 1024, 128>}]} {
    %get3A = arith.constant 0 : index
    %get3A_0 = arith.constant 0 : index
    %get3A_1 = vector.load %arg3[%get3A, %get3A_0] : memref<1024x1xf32, #tpu.memory_space<vmem>>, vector<1024x1xf32>
    %get3A_2 = arith.constant 0 : index
    %get3A_3 = arith.constant 0 : index
    %get3A_4 = vector.load %arg1[%get3A_2, %get3A_3] : memref<1024x128xf32, #tpu.memory_space<vmem>>, vector<1024x128xf32>
    %get3A_5 = arith.constant 0 : index
    %get3A_6 = arith.constant 0 : index
    %get3A_7 = vector.load %arg2[%get3A_5, %get3A_6] : memref<1024x128xf32, #tpu.memory_space<vmem>>, vector<1024x128xf32>
    %add3A = arith.addf %get3A_4, %get3A_7 : vector<1024x128xf32>
    %mul3A = vector.broadcast %get3A_1 : vector<1024x1xf32> to vector<1024x128xf32>
    %mul3A_8 = arith.mulf %add3A, %mul3A : vector<1024x128xf32>
    %get3A_9 = arith.constant 0 : index
    %get3A_10 = arith.constant 0 : index
    %get3A_11 = vector.load %arg4[%get3A_9, %get3A_10] : memref<1x128xf32, #tpu.memory_space<vmem>>, vector<1x128xf32>
    %add3A_12 = vector.broadcast %get3A_11 : vector<1x128xf32> to vector<1024x128xf32>
    %add3A_13 = arith.addf %mul3A_8, %add3A_12 : vector<1024x128xf32>
    %max3A = arith.constant 0.000000e+00 : f32
    %max3A_14 = vector.broadcast %max3A : f32 to vector<1024x128xf32>
    %max3A_15 = arith.maximumf %add3A_13, %max3A_14 : vector<1024x128xf32>
    %get3A_16 = arith.constant 0 : index
    %get3A_17 = arith.constant 0 : index
    %get3A_18 = vector.load %arg5[%get3A_16, %get3A_17] : memref<128x128xf32, #tpu.memory_space<vmem>>, vector<128x128xf32>
    %dot_general3A = arith.constant dense<0.000000e+00> : vector<1024x128xf32>
    %dot_general3A_19 = tpu.matmul %max3A_15, %get3A_18, %dot_general3A {dimension_numbers = #tpu.dot_dimension_numbers<[1], [0], [0], [1], [0, 0, 1, 1], [], []>, transpose_lhs_hint = false} : vector<1024x128xf32>, vector<128x128xf32>, vector<1024x128xf32> -> vector<1024x128xf32>
    %mul3A_20 = vector.broadcast %get3A_1 : vector<1024x1xf32> to vector<1024x128xf32>
    %mul3A_21 = arith.mulf %dot_general3A_19, %mul3A_20 : vector<1024x128xf32>
    %swap3A = arith.constant 0 : index
    %swap3A_22 = arith.constant 0 : index
    %swap3A_23 = vector.load %arg6[%swap3A, %swap3A_22] : memref<1024x128xf32, #tpu.memory_space<vmem>>, vector<1024x128xf32>
    tpu.vector_store %arg6[%swap3A, %swap3A_22], %mul3A_21 {strides = array<i32>} : memref<1024x128xf32, #tpu.memory_space<vmem>>, vector<1024x128xf32>,
    return
  }
  func.func @transform_0(%arg0: i32) -> (i32, i32) {
    %c0_i32 = arith.constant 0 : i32
    %c0_i32_0 = arith.constant 0 : i32
    return %arg0, %c0_i32 : i32, i32
  }
  func.func @transform_1(%arg0: i32) -> (i32, i32) {
    %c0_i32 = arith.constant 0 : i32
    %c0_i32_0 = arith.constant 0 : i32
    return %arg0, %c0_i32 : i32, i32
  }
  func.func @transform_2(%arg0: i32) -> (i32, i32) {
    %c0_i32 = arith.constant 0 : i32
    %c0_i32_0 = arith.constant 0 : i32
    return %arg0, %c0_i32 : i32, i32
  }
  func.func @transform_3(%arg0: i32) -> (i32, i32) {
    %c0_i32 = arith.constant 0 : i32
    %c0_i32_0 = arith.constant 0 : i32
    %c0_i32_1 = arith.constant 0 : i32
    return %c0_i32, %c0_i32_0 : i32, i32
  }
  func.func @transform_4(%arg0: i32) -> (i32, i32) {
    %c0_i32 = arith.constant 0 : i32
    %c0_i32_0 = arith.constant 0 : i32
    %c0_i32_1 = arith.constant 0 : i32
    return %c0_i32, %c0_i32_0 : i32, i32
  }
  func.func @transform_5(%arg0: i32) -> (i32, i32) {
    %c0_i32 = arith.constant 0 : i32
    %c0_i32_0 = arith.constant 0 : i32
    return %arg0, %c0_i32 : i32, i32
  }
}

module attributes {stable_mosaic.version = 14 : i64} {
  func.func @_fin_body(%arg0: i32, %arg1: memref<1024x128xf32, #tpu.memory_space<vmem>>, %arg2: memref<1024x128xf32, #tpu.memory_space<vmem>>, %arg3: memref<1024x1xf32, #tpu.memory_space<vmem>>, %arg4: memref<1x1024xi32, #tpu.memory_space<vmem>>, %arg5: memref<1x128xf32, #tpu.memory_space<vmem>>, %arg6: memref<128x10xf32, #tpu.memory_space<vmem>>, %arg7: memref<1x10xf32, #tpu.memory_space<vmem>>, %arg8: memref<64x10xf32, #tpu.memory_space<vmem>>, %arg9: memref<64x128xf32, #tpu.memory_space<vmem>>, %arg10: memref<64x1xf32, #tpu.memory_space<vmem>>) attributes {dimension_semantics = [#tpu.dimension_semantics<arbitrary>], iteration_bounds = array<i64: 10>, scalar_prefetch = 0 : i64, scratch_operands = 2 : i64, tpu.core_type = #tpu.core_type<tc>, window_params = [{transform_indices = @transform_0, window_bounds = array<i64: 1024, 128>}, {transform_indices = @transform_1, window_bounds = array<i64: 1024, 128>}, {transform_indices = @transform_2, window_bounds = array<i64: 1024, 1>}, {transform_indices = @transform_3, window_bounds = array<i64: 1, 1024>}, {pipeline_mode = #tpu.pipeline_mode<synchronous>, transform_indices = @transform_4, window_bounds = array<i64: 1, 128>}, {pipeline_mode = #tpu.pipeline_mode<synchronous>, transform_indices = @transform_5, window_bounds = array<i64: 128, 10>}, {pipeline_mode = #tpu.pipeline_mode<synchronous>, transform_indices = @transform_6, window_bounds = array<i64: 1, 10>}, {pipeline_mode = #tpu.pipeline_mode<synchronous>, transform_indices = @transform_7, window_bounds = array<i64: 64, 10>}]} {
    %eq3A = arith.constant 0 : i32
    %eq3A_0 = arith.cmpi eq, %arg0, %eq3A : i32
    %convert_element_type3A = arith.extui %eq3A_0 : i1 to i32
    %cond3A = arith.constant 0 : i32
    %cond3A_1 = arith.cmpi ne, %convert_element_type3A, %cond3A : i32
    scf.if %cond3A_1 {
      %broadcast_in_dim3A_38 = arith.constant 0.000000e+00 : f32
      %broadcast_in_dim3A_39 = vector.broadcast %broadcast_in_dim3A_38 : f32 to vector<64x128xf32>
      %swap3A_40 = arith.constant 0 : index
      %swap3A_41 = arith.constant 0 : index
      %swap3A_42 = vector.load %arg9[%swap3A_40, %swap3A_41] : memref<64x128xf32, #tpu.memory_space<vmem>>, vector<64x128xf32>
      tpu.vector_store %arg9[%swap3A_40, %swap3A_41], %broadcast_in_dim3A_39 {strides = array<i32>} : memref<64x128xf32, #tpu.memory_space<vmem>>, vector<64x128xf32>,
      %broadcast_in_dim3A_43 = arith.constant 0.000000e+00 : f32
      %broadcast_in_dim3A_44 = vector.broadcast %broadcast_in_dim3A_43 : f32 to vector<64x1xf32>
      %swap3A_45 = arith.constant 0 : index
      %swap3A_46 = arith.constant 0 : index
      %swap3A_47 = vector.load %arg10[%swap3A_45, %swap3A_46] : memref<64x1xf32, #tpu.memory_space<vmem>>, vector<64x1xf32>
      tpu.vector_store %arg10[%swap3A_45, %swap3A_46], %broadcast_in_dim3A_44 {strides = array<i32>} : memref<64x1xf32, #tpu.memory_space<vmem>>, vector<64x1xf32>,
    } else {
    }
    %get3A = arith.constant 0 : index
    %get3A_2 = arith.constant 0 : index
    %get3A_3 = vector.load %arg1[%get3A, %get3A_2] : memref<1024x128xf32, #tpu.memory_space<vmem>>, vector<1024x128xf32>
    %get3A_4 = arith.constant 0 : index
    %get3A_5 = arith.constant 0 : index
    %get3A_6 = vector.load %arg2[%get3A_4, %get3A_5] : memref<1024x128xf32, #tpu.memory_space<vmem>>, vector<1024x128xf32>
    %add3A = arith.addf %get3A_3, %get3A_6 : vector<1024x128xf32>
    %get3A_7 = arith.constant 0 : index
    %get3A_8 = arith.constant 0 : index
    %get3A_9 = vector.load %arg3[%get3A_7, %get3A_8] : memref<1024x1xf32, #tpu.memory_space<vmem>>, vector<1024x1xf32>
    %mul3A = vector.broadcast %get3A_9 : vector<1024x1xf32> to vector<1024x128xf32>
    %mul3A_10 = arith.mulf %add3A, %mul3A : vector<1024x128xf32>
    %get3A_11 = arith.constant 0 : index
    %get3A_12 = arith.constant 0 : index
    %get3A_13 = vector.load %arg4[%get3A_11, %get3A_12] : memref<1x1024xi32, #tpu.memory_space<vmem>>, vector<1x1024xi32>
    %iota3A = tpu.iota {dimensions = array<i32: 0>} : vector<64x1024xi32>
    %eq3A_14 = vector.broadcast %get3A_13 : vector<1x1024xi32> to vector<64x1024xi32>
    %eq3A_15 = arith.cmpi eq, %eq3A_14, %iota3A : vector<64x1024xi32>
    %convert_element_type3A_16 = arith.extui %eq3A_15 : vector<64x1024xi1> to vector<64x1024xi32>
    %convert_element_type3A_17 = arith.sitofp %convert_element_type3A_16 : vector<64x1024xi32> to vector<64x1024xf32>
    %get3A_18 = arith.constant 0 : index
    %get3A_19 = arith.constant 0 : index
    %get3A_20 = vector.load %arg9[%get3A_18, %get3A_19] : memref<64x128xf32, #tpu.memory_space<vmem>>, vector<64x128xf32>
    %dot_general3A = arith.constant dense<0.000000e+00> : vector<64x128xf32>
    %dot_general3A_21 = tpu.matmul %convert_element_type3A_17, %mul3A_10, %dot_general3A {dimension_numbers = #tpu.dot_dimension_numbers<[1], [0], [0], [1], [0, 0, 1, 1], [], []>, transpose_lhs_hint = false} : vector<64x1024xf32>, vector<1024x128xf32>, vector<64x128xf32> -> vector<64x128xf32>
    %add3A_22 = arith.addf %get3A_20, %dot_general3A_21 : vector<64x128xf32>
    %swap3A = arith.constant 0 : index
    %swap3A_23 = arith.constant 0 : index
    %swap3A_24 = vector.load %arg9[%swap3A, %swap3A_23] : memref<64x128xf32, #tpu.memory_space<vmem>>, vector<64x128xf32>
    tpu.vector_store %arg9[%swap3A, %swap3A_23], %add3A_22 {strides = array<i32>} : memref<64x128xf32, #tpu.memory_space<vmem>>, vector<64x128xf32>,
    %get3A_25 = arith.constant 0 : index
    %get3A_26 = arith.constant 0 : index
    %get3A_27 = vector.load %arg10[%get3A_25, %get3A_26] : memref<64x1xf32, #tpu.memory_space<vmem>>, vector<64x1xf32>
    %reduce_sum3A = arith.constant dense<0.000000e+00> : vector<64xf32>
    %reduce_sum3A_28 = vector.multi_reduction <add>, %convert_element_type3A_17, %reduce_sum3A [1] : vector<64x1024xf32> to vector<64xf32>
    %broadcast_in_dim3A = vector.shape_cast %reduce_sum3A_28 : vector<64xf32> to vector<64x1xf32>
    %add3A_29 = arith.addf %get3A_27, %broadcast_in_dim3A : vector<64x1xf32>
    %swap3A_30 = arith.constant 0 : index
    %swap3A_31 = arith.constant 0 : index
    %swap3A_32 = vector.load %arg10[%swap3A_30, %swap3A_31] : memref<64x1xf32, #tpu.memory_space<vmem>>, vector<64x1xf32>
    tpu.vector_store %arg10[%swap3A_30, %swap3A_31], %add3A_29 {strides = array<i32>} : memref<64x1xf32, #tpu.memory_space<vmem>>, vector<64x1xf32>,
    %eq3A_33 = arith.constant 9 : i32
    %eq3A_34 = arith.cmpi eq, %arg0, %eq3A_33 : i32
    %convert_element_type3A_35 = arith.extui %eq3A_34 : i1 to i32
    %cond3A_36 = arith.constant 0 : i32
    %cond3A_37 = arith.cmpi ne, %convert_element_type3A_35, %cond3A_36 : i32
    scf.if %cond3A_37 {
      %get3A_38 = arith.constant 0 : index
      %get3A_39 = arith.constant 0 : index
      %get3A_40 = vector.load %arg10[%get3A_38, %get3A_39] : memref<64x1xf32, #tpu.memory_space<vmem>>, vector<64x1xf32>
      %get3A_41 = arith.constant 0 : index
      %get3A_42 = arith.constant 0 : index
      %get3A_43 = vector.load %arg9[%get3A_41, %get3A_42] : memref<64x128xf32, #tpu.memory_space<vmem>>, vector<64x128xf32>
      %max3A = arith.constant 1.000000e+00 : f32
      %max3A_44 = vector.broadcast %max3A : f32 to vector<64x1xf32>
      %max3A_45 = arith.maximumf %get3A_40, %max3A_44 : vector<64x1xf32>
      %div3A = vector.broadcast %max3A_45 : vector<64x1xf32> to vector<64x128xf32>
      %div3A_46 = arith.divf %get3A_43, %div3A : vector<64x128xf32>
      %gt3A = arith.constant 0.000000e+00 : f32
      %gt3A_47 = vector.broadcast %gt3A : f32 to vector<64x1xf32>
      %gt3A_48 = arith.cmpf ogt, %get3A_40, %gt3A_47 : vector<64x1xf32>
      %get3A_49 = arith.constant 0 : index
      %get3A_50 = arith.constant 0 : index
      %get3A_51 = vector.load %arg5[%get3A_49, %get3A_50] : memref<1x128xf32, #tpu.memory_space<vmem>>, vector<1x128xf32>
      %jit3A = arith.constant 0.000000e+00 : f32
      %broadcast_in_dim3A_52 = vector.shape_cast %gt3A_48 : vector<64x1xi1> to vector<64x1xi1>
      %broadcast_in_dim3A_53 = vector.broadcast %broadcast_in_dim3A_52 : vector<64x1xi1> to vector<64x128xi1>
      %broadcast_in_dim3A_54 = vector.shape_cast %get3A_51 : vector<1x128xf32> to vector<1x128xf32>
      %broadcast_in_dim3A_55 = vector.broadcast %broadcast_in_dim3A_54 : vector<1x128xf32> to vector<64x128xf32>
      %broadcast_in_dim3A_56 = vector.broadcast %jit3A : f32 to vector<64x128xf32>
      %select_n3A = arith.select %broadcast_in_dim3A_53, %broadcast_in_dim3A_55, %broadcast_in_dim3A_56 : vector<64x128xi1>, vector<64x128xf32>
      %add3A_57 = arith.addf %div3A_46, %select_n3A : vector<64x128xf32>
      %get3A_58 = arith.constant 0 : index
      %get3A_59 = arith.constant 0 : index
      %get3A_60 = vector.load %arg6[%get3A_58, %get3A_59] : memref<128x10xf32, #tpu.memory_space<vmem>>, vector<128x10xf32>
      %dot_general3A_61 = arith.constant dense<0.000000e+00> : vector<64x10xf32>
      %dot_general3A_62 = tpu.matmul %add3A_57, %get3A_60, %dot_general3A_61 {dimension_numbers = #tpu.dot_dimension_numbers<[1], [0], [0], [1], [0, 0, 1, 1], [], []>, transpose_lhs_hint = false} : vector<64x128xf32>, vector<128x10xf32>, vector<64x10xf32> -> vector<64x10xf32>
      %get3A_63 = arith.constant 0 : index
      %get3A_64 = arith.constant 0 : index
      %get3A_65 = vector.load %arg7[%get3A_63, %get3A_64] : memref<1x10xf32, #tpu.memory_space<vmem>>, vector<1x10xf32>
      %add3A_66 = vector.broadcast %get3A_65 : vector<1x10xf32> to vector<64x10xf32>
      %add3A_67 = arith.addf %dot_general3A_62, %add3A_66 : vector<64x10xf32>
      %swap3A_68 = arith.constant 0 : index
      %swap3A_69 = arith.constant 0 : index
      %swap3A_70 = vector.load %arg8[%swap3A_68, %swap3A_69] : memref<64x10xf32, #tpu.memory_space<vmem>>, vector<64x10xf32>
      tpu.vector_store %arg8[%swap3A_68, %swap3A_69], %add3A_67 {strides = array<i32>} : memref<64x10xf32, #tpu.memory_space<vmem>>, vector<64x10xf32>,
    } else {
    }
    return
  }
  func.func @transform_0(%arg0: i32) -> (i32, i32) {
    %c0_i32 = arith.constant 0 : i32
    %c0_i32_0 = arith.constant 0 : i32
    return %arg0, %c0_i32 : i32, i32
  }
  func.func @transform_1(%arg0: i32) -> (i32, i32) {
    %c0_i32 = arith.constant 0 : i32
    %c0_i32_0 = arith.constant 0 : i32
    return %arg0, %c0_i32 : i32, i32
  }
  func.func @transform_2(%arg0: i32) -> (i32, i32) {
    %c0_i32 = arith.constant 0 : i32
    %c0_i32_0 = arith.constant 0 : i32
    return %arg0, %c0_i32 : i32, i32
  }
  func.func @transform_3(%arg0: i32) -> (i32, i32) {
    %c0_i32 = arith.constant 0 : i32
    %c0_i32_0 = arith.constant 0 : i32
    return %c0_i32, %arg0 : i32, i32
  }
  func.func @transform_4(%arg0: i32) -> (i32, i32) {
    %c0_i32 = arith.constant 0 : i32
    %c0_i32_0 = arith.constant 0 : i32
    %c0_i32_1 = arith.constant 0 : i32
    return %c0_i32, %c0_i32_0 : i32, i32
  }
  func.func @transform_5(%arg0: i32) -> (i32, i32) {
    %c0_i32 = arith.constant 0 : i32
    %c0_i32_0 = arith.constant 0 : i32
    %c0_i32_1 = arith.constant 0 : i32
    return %c0_i32, %c0_i32_0 : i32, i32
  }
  func.func @transform_6(%arg0: i32) -> (i32, i32) {
    %c0_i32 = arith.constant 0 : i32
    %c0_i32_0 = arith.constant 0 : i32
    %c0_i32_1 = arith.constant 0 : i32
    return %c0_i32, %c0_i32_0 : i32, i32
  }
  func.func @transform_7(%arg0: i32) -> (i32, i32) {
    %c0_i32 = arith.constant 0 : i32
    %c0_i32_0 = arith.constant 0 : i32
    %c0_i32_1 = arith.constant 0 : i32
    return %c0_i32, %c0_i32_0 : i32, i32
  }
}

</mosaic_0001>

<sc_bundles>
// kernel: kernel.10.cloned.1.call-start
scs
__scs_entry_jumppad:
0x0: {  	(pc) =	sbr.rel $0x88, $3  }
0x1: {  	(tag) =	ssettag $0x0;
	lr =	simm.s32 $0x1  }
0x2: {  	[smem:$0x3F96] =	sst lr;
	_ =	strace $0xD0000000  }
0x3: {  	_ = 	snop  }
0x4: {  	_ = 	snop  }
0x5: {  	_ = 	snop  }
0x6: {  	_ = 	snop  }
0x7: {  	_ = 	snop  }
__scs_overlays_trampoline_lowered:
0x8: {  	[smem:$0x3FA5] =	sst s0  }
0x9: {  	[smem:$0x3FA6] =	sst s1  }
0xa: {  	[smem:$0x3FA7] =	sst s2  }
0xb: {  	[smem:$0x3FA8] =	sst s3  }
0xc: {  	[smem:$0x3FA9] =	sst s4  }
0xd: {  	[smem:$0x3FAA] =	sst s5  }
0xe: {  	[smem:$0x3FAB] =	sst s6  }
0xf: {  	[smem:$0x3FAC] =	sst s7  }
0x10: {  	[smem:$0x3FAD] =	sst s8  }
0x11: {  	[smem:$0x3FAE] =	sst s9;
	s0 =	simm.s32 @!p0 $0x0  }
0x12: {  	s1 =	sld [smem:$0x3F94];
	s0 =	simm.s32 @p0 $0x1  }
0x13: {  	[smem:$0x3FAF] =	sst s0;
	s0 =	simm.s32 @!p1 $0x0  }
0x14: {  	s2 =	sld [smem:$0x3F93];
	s0 =	simm.s32 @p1 $0x1  }
0x15: {  	[smem:$0x3FB0] =	sst s0;
	s0 =	simm.s32 @!p2 $0x0  }
0x16: {  	s3 =	sld [smem:$0x3FDB];
	s0 =	simm.s32 @p2 $0x1  }
0x17: {  	s4 =	simm.s32 $0x1BF5;
	[smem:$0x3FB2] =	sst s0  }
0x18: {  	s0 =	sld [smem:$0x3F95];
	_ =	swait.ge [sflag:s4], $0x0  }
0x19: {  	s7 =	sld [smem:$0x3F96]  }
0x1a: {  	s8 =	sadd.s32 $0xFFFFE003, lr  }
0x1b: {  	s9 =	sadd.s32 $0xFFFFFEF7, lr;
	s5 =	simm.s32 $0xFFFFFFFF;
	p2 =	slt.u32 s8, $0xFFFFF086  }
0x1c: {  	p1 =	slt.u32 s9, $0xF7A;
	s5 =	simm.s32 @!p2 $0x0  }
0x1d: {  	s5 =	simm.s32 @p1 $0x1;
	p0 =	seq.s32 s7, s2  }
0x1e: {  	s7 =	smul.u32 @!p0 $0xF7A, s2;
	p2 =	seq.s32 @!p0 s5, $0x0  }
0x1f: {  	s9 =	smul.u32 $0xF7A, s1;
	s8 =	simm.s32 @!p0 $0x1BF5;
	p2 =	por !p2, p0  }
0x20: {  	[sflag:s8] =	ssyncset.s32 @!p0 $0xFFFFF086;
	s6 =	sadd.s32 @!p0 s3, s7;
	s7 =	simm.s32 @!p0 $0x108  }
0x21: {  	s3 =	sadd.s32 s3, s9;
	s6 =	sadd.s32 @!p0 $0x88, s6;
	s7 =	simm.s32 @p2 $0x1082  }
0x22: {  	[simem:s7], [sflag:s8] =	dma.local @!p0 [hbm:s6], $0xF7A  }
0x23: {  	s9 =	sor.u32 $0xD0000000, s2;
	s6 =	simm.s32 $0x108;
	_ =	swait.ge @!p0 [sflag:s8], $0x0  }
0x24: {  	s3 =	sadd.s32 $0x88, s3;
	s6 =	simm.s32 @!p1 $0x1082;
	[sflag:s4] =	ssyncset.s32 $0xFFFFF086  }
0x25: {  	[simem:s6], [sflag:s4] =	dma.local [hbm:s3], $0xF7A  }
0x26: {  	[smem:$0x3F96] =	sst s1;
	(tag) =	ssettag s2;
	_ =	strace s9  }
0x27: {  	s1 =	sld [smem:$0x3FA6]  }
0x28: {  	s2 =	sld [smem:$0x3FA7]  }
0x29: {  	s4 =	sld [smem:$0x3FA9]  }
0x2a: {  	p0 =	seq.s32 s5, $0x0;
	s5 =	sld [smem:$0x3FAA]  }
0x2b: {  	s6 =	sld [smem:$0x3FAB]  }
0x2c: {  	s7 =	sld [smem:$0x3FAC]  }
0x2d: {  	s3 =	simm.s32 $0x108;
	s8 =	sld [smem:$0x3FAD]  }
0x2e: {  	s3 =	simm.s32 @!p0 $0x1082;
	s9 =	sld [smem:$0x3FAE]  }
0x2f: {  	lr =	sadd.s32 s0, s3;
	s0 =	sld [smem:$0x3FA5]  }
0x30: {  	s3 =	sld [smem:$0x3FA8]  }
0x31: {  	[smem:$0x3FB1] =	sst s10  }
0x32: {  	s10 =	sld [smem:$0x3FAF];
	_ =	sdelay $0x3  }
0x33: {  	p0 =	seq.s32 s10, $0x1;
	s10 =	sld [smem:$0x3FB1];
	_ =	sdelay $0x3  }
0x34: {  	[smem:$0x3FB1] =	sst s10  }
0x35: {  	s10 =	sld [smem:$0x3FB0];
	_ =	sdelay $0x3  }
0x36: {  	p1 =	seq.s32 s10, $0x1;
	s10 =	sld [smem:$0x3FB1];
	_ =	sdelay $0x3  }
0x37: {  	[smem:$0x3FB1] =	sst s10  }
0x38: {  	s10 =	sld [smem:$0x3FB2]  }
0x39: {  	_ = 	snop;
	(pc) =	sbr.ind lr, $3  }
0x3a: {  	_ = 	snop  }
0x3b: {  	_ = 	snop  }
0x3c: {  	p2 =	seq.s32 s10, $0x1;
	s10 =	sld [smem:$0x3FB1]  }
0x3d: {  	_ =	shalt  }
0x3e: {  	_ =	shalt  }
0x3f: {  	_ =	shalt  }
0x40: {  	_ =	shalt  }
0x41: {  	_ =	shalt  }
0x42: {  	_ =	shalt  }
0x43: {  	_ =	shalt  }
0x44: {  	_ =	shalt  }
0x45: {  	_ =	shalt  }
0x46: {  	_ =	shalt  }
0x47: {  	_ =	shalt  }
0x48: {  	_ =	shalt  }
0x49: {  	_ =	shalt  }
0x4a: {  	_ =	shalt  }
0x4b: {  	_ =	shalt  }
0x4c: {  	_ =	shalt  }
0x4d: {  	_ =	shalt  }
0x4e: {  	_ =	shalt  }
0x4f: {  	_ =	shalt  }
0x50: {  	_ =	shalt  }
0x51: {  	_ =	shalt  }
0x52: {  	_ =	shalt  }
0x53: {  	_ =	shalt  }
0x54: {  	_ =	shalt  }
0x55: {  	_ =	shalt  }
0x56: {  	_ =	shalt  }
0x57: {  	_ =	shalt  }
0x58: {  	_ =	shalt  }
0x59: {  	_ =	shalt  }
0x5a: {  	_ =	shalt  }
0x5b: {  	_ =	shalt  }
0x5c: {  	_ =	shalt  }
0x5d: {  	_ =	shalt  }
0x5e: {  	_ =	shalt  }
0x5f: {  	_ =	shalt  }
0x60: {  	_ =	shalt  }
0x61: {  	_ =	shalt  }
0x62: {  	_ =	shalt  }
0x63: {  	_ =	shalt  }
0x64: {  	_ =	shalt  }
0x65: {  	_ =	shalt  }
0x66: {  	_ =	shalt  }
0x67: {  	_ =	shalt  }
0x68: {  	_ =	shalt  }
0x69: {  	_ =	shalt  }
0x6a: {  	_ =	shalt  }
0x6b: {  	_ =	shalt  }
0x6c: {  	_ =	shalt  }
0x6d: {  	_ =	shalt  }
0x6e: {  	_ =	shalt  }
0x6f: {  	_ =	shalt  }
0x70: {  	_ =	shalt  }
0x71: {  	_ =	shalt  }
0x72: {  	_ =	shalt  }
0x73: {  	_ =	shalt  }
0x74: {  	_ =	shalt  }
0x75: {  	_ =	shalt  }
0x76: {  	_ =	shalt  }
0x77: {  	_ =	shalt  }
0x78: {  	_ =	shalt  }
0x79: {  	_ =	shalt  }
0x7a: {  	_ =	shalt  }
0x7b: {  	_ =	shalt  }
0x7c: {  	_ =	shalt  }
0x7d: {  	_ =	shalt  }
0x7e: {  	_ =	shalt  }
0x7f: {  	_ =	shalt  }
0x80: {  	_ =	shalt  }
0x81: {  	_ =	shalt  }
0x82: {  	_ =	shalt  }
0x83: {  	_ =	shalt  }
0x84: {  	_ =	shalt  }
0x85: {  	_ =	shalt  }
0x86: {  	_ =	shalt  }
0x87: {  	_ =	shalt  }
.Lfunc_end0:
.L_simem_size_0:
called_computation_lowered:
.L_overlay_start_0:
0x88: {  	s2 =	sld [smem:$0x3FD9]  }
0x89: {  	s3 =	sld [smem:$0x3FFE];
	_ =	sdelay $0x1  }
0x8a: {  	s1 =	srdreg.scid  }
0x8b: {  	s0 =	sand.u32 $0x1, s1  }
0x8c: {  	s16 =	sshll.u32 s0, $0xA;
	s2 =	sadd.s32 s3, s2  }
0x8d: {  	s2 =	sadd.s32 s2, s16  }
0x8e: {  	[smem:$0x3FBD] =	sst s2  }
0x8f: {  	_ = 	snop  }
0x90: {  	(tm) =	ssettm $0x1  }
0x91: {  	s17 =	sld [smem:$0x3FFB];
	_ =	sdelay $0x3  }
0x92: {  	_ =	strace s17  }
0x93: {  	s2 =	sld [smem:$0x3FFC];
	_ =	sdelay $0x3  }
0x94: {  	_ =	strace s2  }
0x95: {  	s2 =	sld [smem:$0x3FFD];
	_ =	sdelay $0x3  }
0x96: {  	_ =	strace s2  }
0x97: {  	_ =	strace $0x8FFFFFFF  }
0x98: {  	s18 =	sld [smem:$0x3FDB];
	_ =	sdelay $0x1  }
0x99: {  	s19 =	simm.s32 $_scs_section_size  }
0x9a: {  	s4 =	simm.s32 $_size__tile_overlayer_lowered;
	s5 =	simm.s32 $_tile_overlayer_lowered  }
0x9b: {  	s22 =	simm.s32 $0x1BFF;
	s21 =	sshll.u32 s5, $0x1;
	s2 =	sadd.s32 s19, s18  }
0x9c: {  	s6 =	simm.s32 $0x0;
	s20 =	sshll.u32 s4, $0x1;
	s4 =	sadd.s32 s21, s2  }
0x9d: {  	[timem:s6], [sflag:s22] =	dma.local [hbm:s4], s20  }
0x9e: {  	_ =	swait.ge [sflag:s22], s20  }
0x9f: {  	s3 =	ssub.s32 $0x0, s20;
	[sflag:s22] =	ssyncset.done $0x0  }
0xa0: {  	[sflag:s22] =	ssyncadd.s32 s3;
	_ =	sdelay $0x1  }
0xa1: {  	s23 =	simm.s32 $0x1B8B  }
0xa2: {  	_ =	swait.ge [sflag:s23], $0x1  }
0xa3: {  	[sflag:s23] =	ssyncset.done $0x0  }
0xa4: {  	s25 =	simm.s32 $0x1B8E;
	s24 =	sld [smem:$0x3FFE];
	[sflag:s23] =	ssyncadd.s32 $0xFFFFFFFF  }
0xa5: {  	s26 =	simm.s32 $execute0_lowered;
	[smem:$0x3FD2] =	sst s25  }
0xa6: {  	s4 =	sshll.u32 s26, $0x1;
	_ =	strace $0x80000046;
	[dreg:$0x1] =	wrdreg $0xFFFFFFFF  }
0xa7: {  	s28 =	simm.s32 $_size_execute0_lowered;
	s2 =	sadd.s32 s2, s4;
	[dreg:$0x0] =	wrdreg $0x0  }
0xa8: {  	s4 =	sshll.u32 s28, $0x1;
	[dreg:$0x2] =	wrdreg s2  }
0xa9: {  	[dreg:$0x3] =	wrdreg s4  }
0xaa: {  	[dreg:$0x4] =	wrdreg $0xC0  }
0xab: {  	_ =	task [dreg:s6], $0x5FFFF  }
0xac: {  	[dreg:$0x1] =	wrdreg $0xFFFFFFFF  }
0xad: {  	[dreg:$0x0] =	wrdreg $0x60  }
0xae: {  	[dreg:$0x2] =	wrdreg s24  }
0xaf: {  	[dreg:$0x3] =	wrdreg $0x44000  }
0xb0: {  	[dreg:$0x4] =	wrdreg $0x9  }
0xb1: {  	_ =	task.clear_ibuf [dreg:s6], $0x5FFFF;
	_ =	strace $0x90000046  }
0xb2: {  	s29 =	simm.s32 $0x9;
	_ =	strace $0x80000048  }
0xb3: {  	_ =	swait.ge [sflag:s29], $0x1  }
0xb4: {  	[sflag:s29] =	ssyncadd.s32 $0xFFFFFFFF  }
0xb5: {  	_ =	strace $0x90000048  }
0xb6: {  	_ =	sfence  }
0xb7: {  	s30 =	sld [smem:$0x0];
	_ =	sdelay $0x2  }
0xb8: {  	s31 =	sshll.u32 s1, $0xD;
	s1 =	sshrl.u32 s1, $0x2  }
0xb9: {  	s3 =	sand.u32 $0x4000, s31;
	s1 =	sadd.s32 s1, s30  }
0xba: {  	s0 =	sor.u32 s3, s0;
	s1 =	sshll.u32 s1, $0x11  }
0xbb: {  	s0 =	sor.u32 s1, s0  }
0xbc: {  	s0 =	sadd.s32 $0x8F2B, s0  }
0xbd: {  	[sflag:s0] =	ssyncadd.remote.s32 $0x1  }
0xbe: {  	_ =	sfence.sel $0xFFFF  }
0xbf: {  	[dreg:$0x0] =	wrdreg $0xFFFFFFFF;
	(pc) =	sbr.abs _section_cstart, $3  }
0xc0: {  	[dreg:$0x1] =	wrdreg $0xFFFFFFFF  }
0xc1: {  	_ =	task.clear_ibuf [dreg:s6], $0x2FFFF;
	_ =	strace $0x9FFFFFFF  }
0xc2: {  	(tm) =	ssettm $0x7FFFFFFF  }
0xc3: {  	_ =	shalt  }
tec
execute0_lowered:
.L_overlay_start_1:
0x0: {  	(tag) =	ssettag $0x1  }
0x1: {  	s0 =	srdreg.scid  }
0x2: {  	s1 =	rddreg [dreg:$0x0];
	s24 =	stileid.u32  }
0x3: {  	s2 =	rddreg [dreg:$0x1];
	s3 =	simm.s32 $0x0;
	s17 =	simm.s32 $0x2400  }
0x4: {  	s18 =	simm.s32 $0x1;
	s19 =	simm.s32 $0x40;
	s20 =	simm.s32 $0x400  }
0x5: {  	s21 =	simm.s32 $0x80;
	s22 =	simm.s32 $0x100;
	s6 =	smul.u32 $0x5400, s24  }
0x6: {  	s23 =	simm.s32 $0x180;
	s28 =	simm.s32 $0x380;
	s25 =	smul.u32 $0x14000, s24  }
0x7: {  	s29 =	simm.s32 $0x0;
	s4 =	sand.u32 $0x1, s0;
	s8 =	smul.u32 $0x50000, s24  }
0x8: {  	[smem:$0x7FF] =	sst s3;
	s24 =	simm.s32 $0x200;
	s5 =	smul.u32 $0x54000, s4  }
0x9: {  	s7 =	smul.u32 $0x140000, s4;
	_ =	strace $0x80000047;
	s4 =	ssub.s32 $0x2, s4  }
0xa: {  	s30 =	sshrl.u32 s4, $0x1;
	s31 =	sshrl.u32 s8, $0x2;
	s5 =	sadd.s32 s6, s5  }
0xb: {  	s26 =	sadd.s32 s25, s7;
	s15 =	ssub.s32 s4, s30;
	s4 =	sadd.s32 s31, s2  }
0xc: {  	s25 =	simm.s32 $0x280;
	s5 =	sshrl.u32 s5, $0x3;
	s6 =	sadd.s32 $0x4000, s4  }
0xd: {  	s7 =	sadd.s32 $0x6000, s4;
	s8 =	sadd.s32 $0x8000, s4;
	s9 =	sadd.s32 $0xA000, s4  }
0xe: {  	s10 =	sadd.s32 $0xC000, s4;
	s11 =	sadd.s32 $0xE000, s4;
	s12 =	sadd.s32 $0x10000, s4  }
0xf: {  	s13 =	sadd.s32 $0x12000, s4;
	s16 =	sadd.s32 s5, s1;
	s5 =	sshrl.u32 s26, $0x3  }
0x10: {  	s15 =	smax.u32 s15, $0x1;
	s26 =	simm.s32 $0x300;
	s1 =	sadd.s32 s5, s1  }
0x11: {  	v0 =	vimm.f32 $0.0e+00;
	v1 =	vimm.f32 $1.000000000e+00;
	s5 =	sadd.s32 $0x2000, s4;
	s16 =	sadd.s32 $0x3200, s16;
	s14 =	sadd.s32 $0x18200, s1  }
.LBB2_1:
0x12: {  	s30 =	simm.s32 $0x0;
	s31 =	simm.s32 $0x200  }
.LBB2_2:
0x13: {  	p0 =	sne.s32 s31, $0x7E00;
	[tilespmem:s30+$0x470] =	vst v1  }
0x14: {  	[tilespmem:s30+$0x2400] =	vst v0  }
0x15: {  	[tilespmem:s30+$0x400] =	vst v1  }
0x16: {  	[tilespmem:s30+$0x2410] =	vst v0  }
0x17: {  	[tilespmem:s30+$0x410] =	vst v1  }
0x18: {  	[tilespmem:s30+$0x2420] =	vst v0  }
0x19: {  	[tilespmem:s30+$0x420] =	vst v1  }
0x1a: {  	[tilespmem:s30+$0x2430] =	vst v0  }
0x1b: {  	[tilespmem:s30+$0x430] =	vst v1  }
0x1c: {  	[tilespmem:s30+$0x2440] =	vst v0  }
0x1d: {  	[tilespmem:s30+$0x440] =	vst v1  }
.Ltmp0:
0x1e: {  	[tilespmem:s30+$0x2450] =	vst v0;
	(pc) =	sbr.rel @p0 .LBB2_2-.Ltmp0, $4  }
0x1f: {  	[tilespmem:s30+$0x450] =	vst v1  }
0x20: {  	[tilespmem:s30+$0x2460] =	vst v0  }
0x21: {  	[tilespmem:s30+$0x460] =	vst v1  }
0x22: {  	[tilespmem:s30+$0x2470] =	vst v0;
	s30 =	sshra.s32 s31, $0x2;
	s31 =	sadd.s32 $0x200, s31  }
0x23: {  	[tilespmem:s30+$0x470] =	vst v1  }
0x24: {  	[tilespmem:s30+$0x2400] =	vst v0  }
0x25: {  	[tilespmem:s30+$0x400] =	vst v1  }
0x26: {  	[tilespmem:s30+$0x2410] =	vst v0  }
0x27: {  	[tilespmem:s30+$0x410] =	vst v1  }
0x28: {  	[tilespmem:s30+$0x2420] =	vst v0  }
0x29: {  	[tilespmem:s30+$0x420] =	vst v1  }
0x2a: {  	[tilespmem:s30+$0x2430] =	vst v0  }
0x2b: {  	[tilespmem:s30+$0x430] =	vst v1  }
0x2c: {  	[tilespmem:s30+$0x2440] =	vst v0  }
0x2d: {  	[tilespmem:s30+$0x440] =	vst v1  }
0x2e: {  	[tilespmem:s30+$0x2450] =	vst v0  }
0x2f: {  	[tilespmem:s30+$0x450] =	vst v1  }
0x30: {  	[tilespmem:s30+$0x2460] =	vst v0  }
0x31: {  	[tilespmem:s30+$0x460] =	vst v1  }
0x32: {  	[tilespmem:s30+$0x2470] =	vst v0  }
0x33: {  	[spmem:s4] =	stream.linear.scatter [tilespmem:s17], [sflag:$0x1], $0x2000, $0x38;
	[tilespmem:$0x18400] =	vst v63  }
0x34: {  	_ =	swait.ge [sflag:s18], $0x2000  }
0x35: {  	[sflag:s18] =	ssyncset.done $0x0  }
0x36: {  	[sflag:s18] =	ssyncadd.s32 $0xFFFFE000  }
0x37: {  	[spmem:s5] =	stream.linear.scatter [tilespmem:s17], [sflag:$0x1], $0x2000, $0x38;
	[tilespmem:$0x18400] =	vst v63  }
0x38: {  	_ =	swait.ge [sflag:s18], $0x2000  }
0x39: {  	[sflag:s18] =	ssyncset.done $0x0  }
0x3a: {  	[sflag:s18] =	ssyncadd.s32 $0xFFFFE000  }
0x3b: {  	[spmem:s6] =	stream.linear.scatter [tilespmem:s17], [sflag:$0x1], $0x2000, $0x38;
	[tilespmem:$0x18400] =	vst v63  }
0x3c: {  	_ =	swait.ge [sflag:s18], $0x2000  }
0x3d: {  	[sflag:s18] =	ssyncset.done $0x0  }
0x3e: {  	[sflag:s18] =	ssyncadd.s32 $0xFFFFE000  }
0x3f: {  	[spmem:s7] =	stream.linear.scatter [tilespmem:s17], [sflag:$0x1], $0x2000, $0x38;
	[tilespmem:$0x18400] =	vst v63  }
0x40: {  	_ =	swait.ge [sflag:s18], $0x2000  }
0x41: {  	[sflag:s18] =	ssyncset.done $0x0  }
0x42: {  	[sflag:s18] =	ssyncadd.s32 $0xFFFFE000  }
0x43: {  	[spmem:s8] =	stream.linear.scatter [tilespmem:s17], [sflag:$0x1], $0x2000, $0x38;
	[tilespmem:$0x18400] =	vst v63  }
0x44: {  	_ =	swait.ge [sflag:s18], $0x2000  }
0x45: {  	[sflag:s18] =	ssyncset.done $0x0  }
0x46: {  	[sflag:s18] =	ssyncadd.s32 $0xFFFFE000  }
0x47: {  	[spmem:s9] =	stream.linear.scatter [tilespmem:s17], [sflag:$0x1], $0x2000, $0x38;
	[tilespmem:$0x18400] =	vst v63  }
0x48: {  	_ =	swait.ge [sflag:s18], $0x2000  }
0x49: {  	[sflag:s18] =	ssyncset.done $0x0  }
0x4a: {  	[sflag:s18] =	ssyncadd.s32 $0xFFFFE000  }
0x4b: {  	[spmem:s10] =	stream.linear.scatter [tilespmem:s17], [sflag:$0x1], $0x2000, $0x38;
	[tilespmem:$0x18400] =	vst v63  }
0x4c: {  	_ =	swait.ge [sflag:s18], $0x2000  }
0x4d: {  	[sflag:s18] =	ssyncset.done $0x0  }
0x4e: {  	[sflag:s18] =	ssyncadd.s32 $0xFFFFE000  }
0x4f: {  	[spmem:s11] =	stream.linear.scatter [tilespmem:s17], [sflag:$0x1], $0x2000, $0x38;
	[tilespmem:$0x18400] =	vst v63  }
0x50: {  	_ =	swait.ge [sflag:s18], $0x2000  }
0x51: {  	[sflag:s18] =	ssyncset.done $0x0  }
0x52: {  	[sflag:s18] =	ssyncadd.s32 $0xFFFFE000  }
0x53: {  	[spmem:s12] =	stream.linear.scatter [tilespmem:s17], [sflag:$0x1], $0x2000, $0x38;
	[tilespmem:$0x18400] =	vst v63  }
0x54: {  	_ =	swait.ge [sflag:s18], $0x2000  }
0x55: {  	[sflag:s18] =	ssyncset.done $0x0  }
0x56: {  	[sflag:s18] =	ssyncadd.s32 $0xFFFFE000  }
0x57: {  	[spmem:s13] =	stream.linear.scatter [tilespmem:s17], [sflag:$0x1], $0x2000, $0x38;
	[tilespmem:$0x18400] =	vst v63  }
0x58: {  	_ =	swait.ge [sflag:s18], $0x2000  }
0x59: {  	[sflag:s18] =	ssyncset.done $0x0  }
0x5a: {  	[sflag:s18] =	ssyncadd.s32 $0xFFFFE000  }
0x5b: {  	s1 =	sadd.s32 $0x0, s16;
	[bflag:$0x0] =	sbarrier.arrive $0xFFFF  }
0x5c: {  	[tilespmem:s3], [sflag:$0x1] =	stream.linear.gather [hbm4b:s1+s3], $0x400, $0x38;
	[tilespmem:$0x18400] =	vst v63  }
0x5d: {  	_ =	swait.ge [sflag:s18], $0x400  }
0x5e: {  	[sflag:s18] =	ssyncset.done $0x0  }
0x5f: {  	[sflag:s18] =	ssyncadd.s32 $0xFFFFFC00  }
0x60: {  	[spmem:s2] =	stream.indirect.scatter.add.f32 [tilespmem:s20], [sflag:$0x1], $0x80, s3, s19, $0xb8;
	[tilespmem:$0x18400] =	vst v63  }
0x61: {  	_ =	swait.ge [sflag:s18], $0x2000  }
0x62: {  	[sflag:s18] =	ssyncset.done $0x0  }
0x63: {  	[sflag:s18] =	ssyncadd.s32 $0xFFFFE000  }
0x64: {  	[spmem:s2] =	stream.indirect.scatter.add.f32 [tilespmem:s20], [sflag:$0x1], $0x80, s21, s19, $0xb8;
	[tilespmem:$0x18400] =	vst v63  }
0x65: {  	_ =	swait.ge [sflag:s18], $0x2000  }
0x66: {  	[sflag:s18] =	ssyncset.done $0x0  }
0x67: {  	[sflag:s18] =	ssyncadd.s32 $0xFFFFE000  }
0x68: {  	[spmem:s2] =	stream.indirect.scatter.add.f32 [tilespmem:s20], [sflag:$0x1], $0x80, s22, s19, $0xb8;
	[tilespmem:$0x18400] =	vst v63  }
0x69: {  	_ =	swait.ge [sflag:s18], $0x2000  }
0x6a: {  	[sflag:s18] =	ssyncset.done $0x0  }
0x6b: {  	[sflag:s18] =	ssyncadd.s32 $0xFFFFE000  }
0x6c: {  	[spmem:s2] =	stream.indirect.scatter.add.f32 [tilespmem:s20], [sflag:$0x1], $0x80, s23, s19, $0xb8;
	[tilespmem:$0x18400] =	vst v63  }
0x6d: {  	_ =	swait.ge [sflag:s18], $0x2000  }
0x6e: {  	[sflag:s18] =	ssyncset.done $0x0  }
0x6f: {  	[sflag:s18] =	ssyncadd.s32 $0xFFFFE000  }
0x70: {  	[spmem:s2] =	stream.indirect.scatter.add.f32 [tilespmem:s20], [sflag:$0x1], $0x80, s24, s19, $0xb8;
	[tilespmem:$0x18400] =	vst v63  }
0x71: {  	_ =	swait.ge [sflag:s18], $0x2000  }
0x72: {  	[sflag:s18] =	ssyncset.done $0x0  }
0x73: {  	[sflag:s18] =	ssyncadd.s32 $0xFFFFE000  }
0x74: {  	[spmem:s2] =	stream.indirect.scatter.add.f32 [tilespmem:s20], [sflag:$0x1], $0x80, s25, s19, $0xb8;
	[tilespmem:$0x18400] =	vst v63  }
0x75: {  	_ =	swait.ge [sflag:s18], $0x2000  }
0x76: {  	[sflag:s18] =	ssyncset.done $0x0  }
0x77: {  	[sflag:s18] =	ssyncadd.s32 $0xFFFFE000  }
0x78: {  	[spmem:s2] =	stream.indirect.scatter.add.f32 [tilespmem:s20], [sflag:$0x1], $0x80, s26, s19, $0xb8;
	[tilespmem:$0x18400] =	vst v63  }
0x79: {  	_ =	swait.ge [sflag:s18], $0x2000  }
0x7a: {  	[sflag:s18] =	ssyncset.done $0x0  }
0x7b: {  	[sflag:s18] =	ssyncadd.s32 $0xFFFFE000  }
0x7c: {  	[spmem:s2] =	stream.indirect.scatter.add.f32 [tilespmem:s20], [sflag:$0x1], $0x80, s28, s19, $0xb8;
	[tilespmem:$0x18400] =	vst v63  }
0x7d: {  	_ =	swait.ge [sflag:s18], $0x2000  }
0x7e: {  	s30 =	simm.s32 $0x80;
	s31 =	simm.s32 $0x100;
	[sflag:s18] =	ssyncset.done $0x0  }
.LBB2_4:
0x7f: {  	s0 =	sadd.s32 s30, s16  }
0x80: {  	[sflag:s18] =	ssyncadd.s32 $0xFFFFE000;
	s30 =	smov.u32 s31;
	s1 =	sadd.s32 $0x80, s31  }
0x81: {  	[tilespmem:s3], [sflag:$0x1] =	stream.linear.gather [hbm4b:s0+s3], $0x400, $0x38;
	[tilespmem:$0x18400] =	vst v63  }
0x82: {  	p0 =	sne.s32 s31, $0xA00;
	_ =	swait.ge [sflag:s18], $0x400  }
0x83: {  	[sflag:s18] =	ssyncset.done $0x0  }
0x84: {  	[sflag:s18] =	ssyncadd.s32 $0xFFFFFC00  }
0x85: {  	[spmem:s2] =	stream.indirect.scatter.add.f32 [tilespmem:s20], [sflag:$0x1], $0x80, s3, s19, $0xb8;
	[tilespmem:$0x18400] =	vst v63  }
0x86: {  	_ =	swait.ge [sflag:s18], $0x2000  }
0x87: {  	[sflag:s18] =	ssyncset.done $0x0  }
0x88: {  	[sflag:s18] =	ssyncadd.s32 $0xFFFFE000  }
0x89: {  	[spmem:s2] =	stream.indirect.scatter.add.f32 [tilespmem:s20], [sflag:$0x1], $0x80, s21, s19, $0xb8;
	[tilespmem:$0x18400] =	vst v63  }
0x8a: {  	_ =	swait.ge [sflag:s18], $0x2000  }
0x8b: {  	[sflag:s18] =	ssyncset.done $0x0  }
0x8c: {  	[sflag:s18] =	ssyncadd.s32 $0xFFFFE000  }
0x8d: {  	[spmem:s2] =	stream.indirect.scatter.add.f32 [tilespmem:s20], [sflag:$0x1], $0x80, s22, s19, $0xb8;
	[tilespmem:$0x18400] =	vst v63  }
0x8e: {  	_ =	swait.ge [sflag:s18], $0x2000  }
0x8f: {  	[sflag:s18] =	ssyncset.done $0x0  }
0x90: {  	[sflag:s18] =	ssyncadd.s32 $0xFFFFE000  }
0x91: {  	[spmem:s2] =	stream.indirect.scatter.add.f32 [tilespmem:s20], [sflag:$0x1], $0x80, s23, s19, $0xb8;
	[tilespmem:$0x18400] =	vst v63  }
0x92: {  	_ =	swait.ge [sflag:s18], $0x2000  }
0x93: {  	[sflag:s18] =	ssyncset.done $0x0  }
0x94: {  	[sflag:s18] =	ssyncadd.s32 $0xFFFFE000  }
0x95: {  	[spmem:s2] =	stream.indirect.scatter.add.f32 [tilespmem:s20], [sflag:$0x1], $0x80, s24, s19, $0xb8;
	[tilespmem:$0x18400] =	vst v63  }
0x96: {  	_ =	swait.ge [sflag:s18], $0x2000  }
0x97: {  	[sflag:s18] =	ssyncset.done $0x0  }
0x98: {  	[sflag:s18] =	ssyncadd.s32 $0xFFFFE000  }
0x99: {  	[spmem:s2] =	stream.indirect.scatter.add.f32 [tilespmem:s20], [sflag:$0x1], $0x80, s25, s19, $0xb8;
	[tilespmem:$0x18400] =	vst v63  }
0x9a: {  	_ =	swait.ge [sflag:s18], $0x2000  }
0x9b: {  	[sflag:s18] =	ssyncset.done $0x0  }
0x9c: {  	[sflag:s18] =	ssyncadd.s32 $0xFFFFE000  }
0x9d: {  	[spmem:s2] =	stream.indirect.scatter.add.f32 [tilespmem:s20], [sflag:$0x1], $0x80, s26, s19, $0xb8;
	[tilespmem:$0x18400] =	vst v63  }
0x9e: {  	_ =	swait.ge [sflag:s18], $0x2000  }
.Ltmp1:
0x9f: {  	[sflag:s18] =	ssyncset.done $0x0;
	(pc) =	sbr.rel @p0 .LBB2_4-.Ltmp1, $4  }
0xa0: {  	[sflag:s18] =	ssyncadd.s32 $0xFFFFE000  }
0xa1: {  	[spmem:s2] =	stream.indirect.scatter.add.f32 [tilespmem:s20], [sflag:$0x1], $0x80, s28, s19, $0xb8;
	[tilespmem:$0x18400] =	vst v63  }
0xa2: {  	_ =	swait.ge [sflag:s18], $0x2000  }
0xa3: {  	s31 =	smov.u32 s1;
	[sflag:s18] =	ssyncset.done $0x0  }
0xa4: {  	s0 =	sadd.s32 s30, s16;
	[sflag:s18] =	ssyncadd.s32 $0xFFFFE000  }
0xa5: {  	[tilespmem:s3], [sflag:$0x1] =	stream.linear.gather [hbm4b:s0+s3], $0x400, $0x38;
	[tilespmem:$0x18400] =	vst v63  }
0xa6: {  	_ =	swait.ge [sflag:s18], $0x400  }
0xa7: {  	[sflag:s18] =	ssyncset.done $0x0  }
0xa8: {  	[sflag:s18] =	ssyncadd.s32 $0xFFFFFC00  }
0xa9: {  	[spmem:s2] =	stream.indirect.scatter.add.f32 [tilespmem:s20], [sflag:$0x1], $0x80, s3, s19, $0xb8;
	[tilespmem:$0x18400] =	vst v63  }
0xaa: {  	_ =	swait.ge [sflag:s18], $0x2000  }
0xab: {  	[sflag:s18] =	ssyncset.done $0x0  }
0xac: {  	[sflag:s18] =	ssyncadd.s32 $0xFFFFE000  }
0xad: {  	[spmem:s2] =	stream.indirect.scatter.add.f32 [tilespmem:s20], [sflag:$0x1], $0x80, s21, s19, $0xb8;
	[tilespmem:$0x18400] =	vst v63  }
0xae: {  	_ =	swait.ge [sflag:s18], $0x2000  }
0xaf: {  	[sflag:s18] =	ssyncset.done $0x0  }
0xb0: {  	[sflag:s18] =	ssyncadd.s32 $0xFFFFE000  }
0xb1: {  	[spmem:s2] =	stream.indirect.scatter.add.f32 [tilespmem:s20], [sflag:$0x1], $0x80, s22, s19, $0xb8;
	[tilespmem:$0x18400] =	vst v63  }
0xb2: {  	_ =	swait.ge [sflag:s18], $0x2000  }
0xb3: {  	[sflag:s18] =	ssyncset.done $0x0  }
0xb4: {  	[sflag:s18] =	ssyncadd.s32 $0xFFFFE000  }
0xb5: {  	[spmem:s2] =	stream.indirect.scatter.add.f32 [tilespmem:s20], [sflag:$0x1], $0x80, s23, s19, $0xb8;
	[tilespmem:$0x18400] =	vst v63  }
0xb6: {  	_ =	swait.ge [sflag:s18], $0x2000  }
0xb7: {  	[sflag:s18] =	ssyncset.done $0x0  }
0xb8: {  	[sflag:s18] =	ssyncadd.s32 $0xFFFFE000  }
0xb9: {  	[spmem:s2] =	stream.indirect.scatter.add.f32 [tilespmem:s20], [sflag:$0x1], $0x80, s24, s19, $0xb8;
	[tilespmem:$0x18400] =	vst v63  }
0xba: {  	_ =	swait.ge [sflag:s18], $0x2000  }
0xbb: {  	[sflag:s18] =	ssyncset.done $0x0  }
0xbc: {  	[sflag:s18] =	ssyncadd.s32 $0xFFFFE000  }
0xbd: {  	[spmem:s2] =	stream.indirect.scatter.add.f32 [tilespmem:s20], [sflag:$0x1], $0x80, s25, s19, $0xb8;
	[tilespmem:$0x18400] =	vst v63  }
0xbe: {  	_ =	swait.ge [sflag:s18], $0x2000  }
0xbf: {  	[sflag:s18] =	ssyncset.done $0x0  }
0xc0: {  	[sflag:s18] =	ssyncadd.s32 $0xFFFFE000  }
0xc1: {  	[spmem:s2] =	stream.indirect.scatter.add.f32 [tilespmem:s20], [sflag:$0x1], $0x80, s26, s19, $0xb8;
	[tilespmem:$0x18400] =	vst v63  }
0xc2: {  	_ =	swait.ge [sflag:s18], $0x2000  }
0xc3: {  	[sflag:s18] =	ssyncset.done $0x0  }
0xc4: {  	[sflag:s18] =	ssyncadd.s32 $0xFFFFE000  }
0xc5: {  	[spmem:s2] =	stream.indirect.scatter.add.f32 [tilespmem:s20], [sflag:$0x1], $0x80, s28, s19, $0xb8;
	[tilespmem:$0x18400] =	vst v63  }
0xc6: {  	s31 =	stileid.u32;
	_ =	swait.ge [sflag:s18], $0x2000  }
0xc7: {  	s1 =	sshrl.u32 s4, $0x3;
	s29 =	sadd.s32 $0x1, s29;
	[sflag:s18] =	ssyncset.done $0x0  }
0xc8: {  	s0 =	sshll.u32 s31, $0x6;
	p0 =	sne.s32 s29, s15;
	[sflag:s18] =	ssyncadd.s32 $0xFFFFE000  }
.Ltmp2:
0xc9: {  	s0 =	sor.u32 $0x1C01, s0;
	[bflag:$0x0] =	sbarrier.arrive $0xFFFF;
	(pc) =	sbr.rel @p0 .LBB2_1-.Ltmp2, $4  }
0xca: {  	[hbm:s14], [sflag:s0] =	dma.local [spmem:s1], $0x2800  }
0xcb: {  	_ =	swait.ge [sflag:s18], $0x2800  }
0xcc: {  	[sflag:s18] =	ssyncset.done $0x0  }
0xcd: {  	[sflag:s18] =	ssyncadd.s32 $0xFFFFD800  }
0xce: {  	_ =	sfence.sel $0x180000  }
0xcf: {  	[bflag:$0x0] =	sbarrier.arrive $0xFFFF  }
0xd0: {  	_ =	strace $0x90000047  }
0xd1: {  	s0 =	stileid.u32;
	[bflag:$0x2] =	sbarrier.arrive $0xFFFF  }
0xd2: {  	p0 =	sne.s32 s0, $0x0;
	s0 =	rddreg [dreg:$0x2]  }
0xd3: {  	s0 =	sadd.s32 @!p0 $0x100000, s0  }
0xd4: {  	[sflag:s0] =	ssyncadd.tile.s32 @!p0 $0x1;
	_ =	shalt  }
.Lfunc_end2:
_tile_overlayer_lowered:
.L_overlay_start_2:
0xd5: {  	(tag) =	ssettag $0x2  }
0xd6: {  	s0 =	rddreg [dreg:$0x0];
	s2 =	stileid.u32  }
0xd7: {  	s1 =	rddreg [dreg:$0x1];
	p0 =	sne.s32 s2, $0x0  }
0xd8: {  	s3 =	rddreg [dreg:$0x2];
	[bflag:$0x3] =	sbarrier.arrive $0xFFFF;
	s2 =	simm.s32 @!p0 $0x1C01  }
0xd9: {  	[timem:s3], [sflag:s2] =	dma.local @!p0 [hbm:s0], s1  }
0xda: {  	s0 =	simm.s32 @!p0 $0x1  }
0xdb: {  	_ =	swait.ge @!p0 [sflag:s0], s1  }
0xdc: {  	s1 =	ssub.s32 @!p0 $0x0, s1;
	[sflag:s0] =	ssyncset.done @!p0 $0x0  }
0xdd: {  	[sflag:s0] =	ssyncadd.s32 @!p0 s1  }
0xde: {  	[bflag:$0x3] =	sbarrier.arrive $0xFFFF  }
0xdf: {  	_ =	shalt  }

// kernel: kernel.13.cloned.1.call-start
scs
__scs_entry_jumppad:
0x0: {  	(pc) =	sbr.rel $0x88, $3  }
0x1: {  	(tag) =	ssettag $0x0;
	lr =	simm.s32 $0x1  }
0x2: {  	[smem:$0x3F96] =	sst lr;
	_ =	strace $0xD0000000  }
0x3: {  	_ = 	snop  }
0x4: {  	_ = 	snop  }
0x5: {  	_ = 	snop  }
0x6: {  	_ = 	snop  }
0x7: {  	_ = 	snop  }
__scs_overlays_trampoline_lowered:
0x8: {  	[smem:$0x3FA5] =	sst s0  }
0x9: {  	[smem:$0x3FA6] =	sst s1  }
0xa: {  	[smem:$0x3FA7] =	sst s2  }
0xb: {  	[smem:$0x3FA8] =	sst s3  }
0xc: {  	[smem:$0x3FA9] =	sst s4  }
0xd: {  	[smem:$0x3FAA] =	sst s5  }
0xe: {  	[smem:$0x3FAB] =	sst s6  }
0xf: {  	[smem:$0x3FAC] =	sst s7  }
0x10: {  	[smem:$0x3FAD] =	sst s8  }
0x11: {  	[smem:$0x3FAE] =	sst s9;
	s0 =	simm.s32 @!p0 $0x0  }
0x12: {  	s1 =	sld [smem:$0x3F94];
	s0 =	simm.s32 @p0 $0x1  }
0x13: {  	[smem:$0x3FAF] =	sst s0;
	s0 =	simm.s32 @!p1 $0x0  }
0x14: {  	s2 =	sld [smem:$0x3F93];
	s0 =	simm.s32 @p1 $0x1  }
0x15: {  	[smem:$0x3FB0] =	sst s0;
	s0 =	simm.s32 @!p2 $0x0  }
0x16: {  	s3 =	sld [smem:$0x3FDB];
	s0 =	simm.s32 @p2 $0x1  }
0x17: {  	s4 =	simm.s32 $0x1BF5;
	[smem:$0x3FB2] =	sst s0  }
0x18: {  	s0 =	sld [smem:$0x3F95];
	_ =	swait.ge [sflag:s4], $0x0  }
0x19: {  	s7 =	sld [smem:$0x3F96]  }
0x1a: {  	s8 =	sadd.s32 $0xFFFFE003, lr  }
0x1b: {  	s9 =	sadd.s32 $0xFFFFFEF7, lr;
	s5 =	simm.s32 $0xFFFFFFFF;
	p2 =	slt.u32 s8, $0xFFFFF086  }
0x1c: {  	p1 =	slt.u32 s9, $0xF7A;
	s5 =	simm.s32 @!p2 $0x0  }
0x1d: {  	s5 =	simm.s32 @p1 $0x1;
	p0 =	seq.s32 s7, s2  }
0x1e: {  	s7 =	smul.u32 @!p0 $0xF7A, s2;
	p2 =	seq.s32 @!p0 s5, $0x0  }
0x1f: {  	s9 =	smul.u32 $0xF7A, s1;
	s8 =	simm.s32 @!p0 $0x1BF5;
	p2 =	por !p2, p0  }
0x20: {  	[sflag:s8] =	ssyncset.s32 @!p0 $0xFFFFF086;
	s6 =	sadd.s32 @!p0 s3, s7;
	s7 =	simm.s32 @!p0 $0x108  }
0x21: {  	s3 =	sadd.s32 s3, s9;
	s6 =	sadd.s32 @!p0 $0x88, s6;
	s7 =	simm.s32 @p2 $0x1082  }
0x22: {  	[simem:s7], [sflag:s8] =	dma.local @!p0 [hbm:s6], $0xF7A  }
0x23: {  	s9 =	sor.u32 $0xD0000000, s2;
	s6 =	simm.s32 $0x108;
	_ =	swait.ge @!p0 [sflag:s8], $0x0  }
0x24: {  	s3 =	sadd.s32 $0x88, s3;
	s6 =	simm.s32 @!p1 $0x1082;
	[sflag:s4] =	ssyncset.s32 $0xFFFFF086  }
0x25: {  	[simem:s6], [sflag:s4] =	dma.local [hbm:s3], $0xF7A  }
0x26: {  	[smem:$0x3F96] =	sst s1;
	(tag) =	ssettag s2;
	_ =	strace s9  }
0x27: {  	s1 =	sld [smem:$0x3FA6]  }
0x28: {  	s2 =	sld [smem:$0x3FA7]  }
0x29: {  	s4 =	sld [smem:$0x3FA9]  }
0x2a: {  	p0 =	seq.s32 s5, $0x0;
	s5 =	sld [smem:$0x3FAA]  }
0x2b: {  	s6 =	sld [smem:$0x3FAB]  }
0x2c: {  	s7 =	sld [smem:$0x3FAC]  }
0x2d: {  	s3 =	simm.s32 $0x108;
	s8 =	sld [smem:$0x3FAD]  }
0x2e: {  	s3 =	simm.s32 @!p0 $0x1082;
	s9 =	sld [smem:$0x3FAE]  }
0x2f: {  	lr =	sadd.s32 s0, s3;
	s0 =	sld [smem:$0x3FA5]  }
0x30: {  	s3 =	sld [smem:$0x3FA8]  }
0x31: {  	[smem:$0x3FB1] =	sst s10  }
0x32: {  	s10 =	sld [smem:$0x3FAF];
	_ =	sdelay $0x3  }
0x33: {  	p0 =	seq.s32 s10, $0x1;
	s10 =	sld [smem:$0x3FB1];
	_ =	sdelay $0x3  }
0x34: {  	[smem:$0x3FB1] =	sst s10  }
0x35: {  	s10 =	sld [smem:$0x3FB0];
	_ =	sdelay $0x3  }
0x36: {  	p1 =	seq.s32 s10, $0x1;
	s10 =	sld [smem:$0x3FB1];
	_ =	sdelay $0x3  }
0x37: {  	[smem:$0x3FB1] =	sst s10  }
0x38: {  	s10 =	sld [smem:$0x3FB2]  }
0x39: {  	_ = 	snop;
	(pc) =	sbr.ind lr, $3  }
0x3a: {  	_ = 	snop  }
0x3b: {  	_ = 	snop  }
0x3c: {  	p2 =	seq.s32 s10, $0x1;
	s10 =	sld [smem:$0x3FB1]  }
0x3d: {  	_ =	shalt  }
0x3e: {  	_ =	shalt  }
0x3f: {  	_ =	shalt  }
0x40: {  	_ =	shalt  }
0x41: {  	_ =	shalt  }
0x42: {  	_ =	shalt  }
0x43: {  	_ =	shalt  }
0x44: {  	_ =	shalt  }
0x45: {  	_ =	shalt  }
0x46: {  	_ =	shalt  }
0x47: {  	_ =	shalt  }
0x48: {  	_ =	shalt  }
0x49: {  	_ =	shalt  }
0x4a: {  	_ =	shalt  }
0x4b: {  	_ =	shalt  }
0x4c: {  	_ =	shalt  }
0x4d: {  	_ =	shalt  }
0x4e: {  	_ =	shalt  }
0x4f: {  	_ =	shalt  }
0x50: {  	_ =	shalt  }
0x51: {  	_ =	shalt  }
0x52: {  	_ =	shalt  }
0x53: {  	_ =	shalt  }
0x54: {  	_ =	shalt  }
0x55: {  	_ =	shalt  }
0x56: {  	_ =	shalt  }
0x57: {  	_ =	shalt  }
0x58: {  	_ =	shalt  }
0x59: {  	_ =	shalt  }
0x5a: {  	_ =	shalt  }
0x5b: {  	_ =	shalt  }
0x5c: {  	_ =	shalt  }
0x5d: {  	_ =	shalt  }
0x5e: {  	_ =	shalt  }
0x5f: {  	_ =	shalt  }
0x60: {  	_ =	shalt  }
0x61: {  	_ =	shalt  }
0x62: {  	_ =	shalt  }
0x63: {  	_ =	shalt  }
0x64: {  	_ =	shalt  }
0x65: {  	_ =	shalt  }
0x66: {  	_ =	shalt  }
0x67: {  	_ =	shalt  }
0x68: {  	_ =	shalt  }
0x69: {  	_ =	shalt  }
0x6a: {  	_ =	shalt  }
0x6b: {  	_ =	shalt  }
0x6c: {  	_ =	shalt  }
0x6d: {  	_ =	shalt  }
0x6e: {  	_ =	shalt  }
0x6f: {  	_ =	shalt  }
0x70: {  	_ =	shalt  }
0x71: {  	_ =	shalt  }
0x72: {  	_ =	shalt  }
0x73: {  	_ =	shalt  }
0x74: {  	_ =	shalt  }
0x75: {  	_ =	shalt  }
0x76: {  	_ =	shalt  }
0x77: {  	_ =	shalt  }
0x78: {  	_ =	shalt  }
0x79: {  	_ =	shalt  }
0x7a: {  	_ =	shalt  }
0x7b: {  	_ =	shalt  }
0x7c: {  	_ =	shalt  }
0x7d: {  	_ =	shalt  }
0x7e: {  	_ =	shalt  }
0x7f: {  	_ =	shalt  }
0x80: {  	_ =	shalt  }
0x81: {  	_ =	shalt  }
0x82: {  	_ =	shalt  }
0x83: {  	_ =	shalt  }
0x84: {  	_ =	shalt  }
0x85: {  	_ =	shalt  }
0x86: {  	_ =	shalt  }
0x87: {  	_ =	shalt  }
.Lfunc_end0:
.L_simem_size_0:
called_computation.1_lowered:
.L_overlay_start_0:
0x88: {  	s2 =	sld [smem:$0x3FD9]  }
0x89: {  	s3 =	sld [smem:$0x3FFE];
	_ =	sdelay $0x1  }
0x8a: {  	s1 =	srdreg.scid  }
0x8b: {  	s0 =	sand.u32 $0x1, s1  }
0x8c: {  	s16 =	sshll.u32 s0, $0xA;
	s2 =	sadd.s32 s3, s2  }
0x8d: {  	s2 =	sadd.s32 s2, s16  }
0x8e: {  	[smem:$0x3FBD] =	sst s2  }
0x8f: {  	_ = 	snop  }
0x90: {  	(tm) =	ssettm $0x1  }
0x91: {  	s17 =	sld [smem:$0x3FFB];
	_ =	sdelay $0x3  }
0x92: {  	_ =	strace s17  }
0x93: {  	s2 =	sld [smem:$0x3FFC];
	_ =	sdelay $0x3  }
0x94: {  	_ =	strace s2  }
0x95: {  	s2 =	sld [smem:$0x3FFD];
	_ =	sdelay $0x3  }
0x96: {  	_ =	strace s2  }
0x97: {  	_ =	strace $0x8FFFFFFF  }
0x98: {  	s18 =	sld [smem:$0x3FDB];
	_ =	sdelay $0x1  }
0x99: {  	s19 =	simm.s32 $_scs_section_size  }
0x9a: {  	s4 =	simm.s32 $_size__tile_overlayer_lowered;
	s5 =	simm.s32 $_tile_overlayer_lowered  }
0x9b: {  	s22 =	simm.s32 $0x1BFF;
	s21 =	sshll.u32 s5, $0x1;
	s2 =	sadd.s32 s19, s18  }
0x9c: {  	s6 =	simm.s32 $0x0;
	s20 =	sshll.u32 s4, $0x1;
	s4 =	sadd.s32 s21, s2  }
0x9d: {  	[timem:s6], [sflag:s22] =	dma.local [hbm:s4], s20  }
0x9e: {  	_ =	swait.ge [sflag:s22], s20  }
0x9f: {  	s3 =	ssub.s32 $0x0, s20;
	[sflag:s22] =	ssyncset.done $0x0  }
0xa0: {  	[sflag:s22] =	ssyncadd.s32 s3;
	_ =	sdelay $0x1  }
0xa1: {  	s23 =	simm.s32 $0x1B8B  }
0xa2: {  	_ =	swait.ge [sflag:s23], $0x1  }
0xa3: {  	[sflag:s23] =	ssyncset.done $0x0  }
0xa4: {  	s25 =	simm.s32 $0x1B8E;
	s24 =	sld [smem:$0x3FFE];
	[sflag:s23] =	ssyncadd.s32 $0xFFFFFFFF  }
0xa5: {  	s26 =	simm.s32 $execute0_lowered;
	[smem:$0x3FD2] =	sst s25  }
0xa6: {  	s4 =	sshll.u32 s26, $0x1;
	_ =	strace $0x80000049;
	[dreg:$0x1] =	wrdreg $0xFFFFFFFF  }
0xa7: {  	s28 =	simm.s32 $_size_execute0_lowered;
	s2 =	sadd.s32 s2, s4;
	[dreg:$0x0] =	wrdreg $0x0  }
0xa8: {  	s4 =	sshll.u32 s28, $0x1;
	[dreg:$0x2] =	wrdreg s2  }
0xa9: {  	[dreg:$0x3] =	wrdreg s4  }
0xaa: {  	[dreg:$0x4] =	wrdreg $0xC0  }
0xab: {  	_ =	task [dreg:s6], $0x5FFFF  }
0xac: {  	[dreg:$0x1] =	wrdreg $0xFFFFFFFF  }
0xad: {  	[dreg:$0x0] =	wrdreg $0x60  }
0xae: {  	[dreg:$0x2] =	wrdreg s24  }
0xaf: {  	[dreg:$0x3] =	wrdreg $0x88000  }
0xb0: {  	[dreg:$0x4] =	wrdreg $0x9  }
0xb1: {  	_ =	task.clear_ibuf [dreg:s6], $0x5FFFF;
	_ =	strace $0x90000049  }
0xb2: {  	s29 =	simm.s32 $0x9;
	_ =	strace $0x8000004B  }
0xb3: {  	_ =	swait.ge [sflag:s29], $0x1  }
0xb4: {  	[sflag:s29] =	ssyncadd.s32 $0xFFFFFFFF  }
0xb5: {  	_ =	strace $0x9000004B  }
0xb6: {  	_ =	sfence  }
0xb7: {  	s30 =	sld [smem:$0x0];
	_ =	sdelay $0x2  }
0xb8: {  	s31 =	sshll.u32 s1, $0xD;
	s1 =	sshrl.u32 s1, $0x2  }
0xb9: {  	s3 =	sand.u32 $0x4000, s31;
	s1 =	sadd.s32 s1, s30  }
0xba: {  	s0 =	sor.u32 s3, s0;
	s1 =	sshll.u32 s1, $0x11  }
0xbb: {  	s0 =	sor.u32 s1, s0  }
0xbc: {  	s0 =	sadd.s32 $0x8F2B, s0  }
0xbd: {  	[sflag:s0] =	ssyncadd.remote.s32 $0x1  }
0xbe: {  	_ =	sfence.sel $0xFFFF  }
0xbf: {  	[dreg:$0x0] =	wrdreg $0xFFFFFFFF;
	(pc) =	sbr.abs _section_cstart, $3  }
0xc0: {  	[dreg:$0x1] =	wrdreg $0xFFFFFFFF  }
0xc1: {  	_ =	task.clear_ibuf [dreg:s6], $0x2FFFF;
	_ =	strace $0x9FFFFFFF  }
0xc2: {  	(tm) =	ssettm $0x7FFFFFFF  }
0xc3: {  	_ =	shalt  }
tec
execute0_lowered:
.L_overlay_start_1:
0x0: {  	(tag) =	ssettag $0x1  }
0x1: {  	s0 =	rddreg [dreg:$0x0];
	s1 =	srdreg.scid  }
0x2: {  	s2 =	rddreg [dreg:$0x1];
	s8 =	stileid.u32  }
0x3: {  	s3 =	simm.s32 $0x0;
	s26 =	simm.s32 $0x80;
	s28 =	simm.s32 $0x2  }
0x4: {  	s29 =	simm.s32 $0x480;
	s30 =	simm.s32 $0x3;
	s5 =	smul.u32 $0x5400, s8  }
0x5: {  	s31 =	simm.s32 $0x500;
	s9 =	simm.s32 $0x380;
	s7 =	smul.u32 $0x14000, s8  }
0x6: {  	s10 =	simm.s32 $0x600;
	s1 =	sand.u32 $0x1, s1;
	s8 =	smul.u32 $0x50000, s8  }
0x7: {  	s11 =	simm.s32 $0x680;
	s12 =	simm.s32 $0x700;
	s4 =	smul.u32 $0x54000, s1  }
0x8: {  	s13 =	simm.s32 $0x780;
	[smem:$0x7FF] =	sst s3;
	s6 =	smul.u32 $0x140000, s1  }
0x9: {  	_ =	strace $0x8000004A;
	s1 =	ssub.s32 $0x2, s1;
	s8 =	sshrl.u32 s8, $0x2  }
0xa: {  	[dreg:$0x5] =	wrdreg s26;
	s26 =	simm.s32 $0x1;
	s15 =	sadd.s32 s8, s2  }
0xb: {  	s14 =	sshrl.u32 s1, $0x1;
	s16 =	sadd.s32 $0x2000, s15;
	[dreg:$0x6] =	wrdreg s15  }
0xc: {  	s5 =	sadd.s32 s5, s4;
	s17 =	sadd.s32 $0x4000, s15;
	[dreg:$0x7] =	wrdreg s16  }
0xd: {  	s4 =	sadd.s32 $0x18200, s0;
	s18 =	sadd.s32 $0x6000, s15;
	[dreg:$0x8] =	wrdreg s17  }
0xe: {  	s6 =	sadd.s32 s7, s6;
	s19 =	sadd.s32 $0x8000, s15;
	[dreg:$0x9] =	wrdreg s18  }
0xf: {  	s1 =	ssub.s32 s1, s14;
	s20 =	sadd.s32 $0xA000, s15;
	[dreg:$0xa] =	wrdreg s19  }
0x10: {  	s8 =	simm.s32 $0x300;
	s21 =	sadd.s32 $0xC000, s15;
	[dreg:$0xb] =	wrdreg s20  }
0x11: {  	s14 =	simm.s32 $0x0;
	s22 =	sadd.s32 $0xE000, s15;
	[dreg:$0xc] =	wrdreg s21  }
0x12: {  	s5 =	sshrl.u32 s5, $0x3;
	s23 =	sadd.s32 $0x10000, s15;
	[dreg:$0xd] =	wrdreg s22  }
0x13: {  	s6 =	sshrl.u32 s6, $0x3;
	s7 =	sadd.s32 $0x12000, s15;
	[dreg:$0xe] =	wrdreg s23  }
0x14: {  	s25 =	smax.u32 s1, $0x1;
	s1 =	simm.s32 $0x580;
	[dreg:$0xf] =	wrdreg s7  }
0x15: {  	s5 =	sadd.s32 s5, s0;
	s0 =	sadd.s32 s6, s0;
	[dreg:$0x11] =	wrdreg s25  }
0x16: {  	s17 =	simm.s32 $0x800;
	s18 =	simm.s32 $0x5;
	s19 =	simm.s32 $0x400  }
0x17: {  	s20 =	simm.s32 $0x40;
	s21 =	simm.s32 $0x2800;
	s22 =	simm.s32 $0x100  }
0x18: {  	s23 =	simm.s32 $0x4800;
	s25 =	simm.s32 $0x6800;
	s24 =	sadd.s32 $0x3200, s5  }
0x19: {  	s6 =	simm.s32 $0x200;
	s0 =	sadd.s32 $0x7D200, s0;
	[dreg:$0x3] =	wrdreg s24  }
0x1a: {  	s7 =	simm.s32 $0x280;
	s5 =	sadd.s32 $0x68200, s5;
	[dreg:$0x10] =	wrdreg s0  }
0x1b: {  	v0 =	vimm.f32 $0.0e+00;
	[dreg:$0x4] =	wrdreg s5;
	s24 =	simm.s32 $0x180;
	s0 =	simm.s32 $0x4  }
.LBB2_1:
0x1c: {  	s15 =	simm.s32 $0x0;
	s16 =	simm.s32 $0x200  }
.LBB2_2:
0x1d: {  	p0 =	sne.s32 s16, $0x7E00;
	[tilespmem:s15+$0x870] =	vst v0  }
0x1e: {  	[tilespmem:s15+$0x800] =	vst v0  }
0x1f: {  	[tilespmem:s15+$0x810] =	vst v0  }
.Ltmp0:
0x20: {  	[tilespmem:s15+$0x820] =	vst v0;
	(pc) =	sbr.rel @p0 .LBB2_2-.Ltmp0, $4  }
0x21: {  	[tilespmem:s15+$0x830] =	vst v0  }
0x22: {  	[tilespmem:s15+$0x840] =	vst v0  }
0x23: {  	[tilespmem:s15+$0x850] =	vst v0  }
0x24: {  	[tilespmem:s15+$0x860] =	vst v0;
	s15 =	sshra.s32 s16, $0x2;
	s16 =	sadd.s32 $0x200, s16  }
0x25: {  	[tilespmem:s15+$0x870] =	vst v0  }
0x26: {  	[tilespmem:s15+$0x800] =	vst v0  }
0x27: {  	[tilespmem:s15+$0x810] =	vst v0  }
0x28: {  	[tilespmem:s15+$0x820] =	vst v0  }
0x29: {  	[tilespmem:s15+$0x830] =	vst v0  }
0x2a: {  	[tilespmem:s15+$0x840] =	vst v0  }
0x2b: {  	[dreg:$0x12] =	wrdreg s14;
	[tilespmem:s15+$0x850] =	vst v0  }
0x2c: {  	[tilespmem:s15+$0x860] =	vst v0;
	s5 =	rddreg [dreg:$0x6]  }
0x2d: {  	[spmem:s5] =	stream.linear.scatter [tilespmem:s17], [sflag:$0x5], $0x2000, $0x38;
	[tilespmem:$0x1C800] =	vst v63  }
0x2e: {  	_ =	swait.ge [sflag:s18], $0x2000  }
0x2f: {  	[sflag:s18] =	ssyncset.done $0x0  }
0x30: {  	s14 =	rddreg [dreg:$0x7];
	[sflag:s18] =	ssyncadd.s32 $0xFFFFE000  }
0x31: {  	[spmem:s14] =	stream.linear.scatter [tilespmem:s17], [sflag:$0x5], $0x2000, $0x38;
	[tilespmem:$0x1C800] =	vst v63  }
0x32: {  	_ =	swait.ge [sflag:s18], $0x2000  }
0x33: {  	[sflag:s18] =	ssyncset.done $0x0  }
0x34: {  	s15 =	rddreg [dreg:$0x8];
	[sflag:s18] =	ssyncadd.s32 $0xFFFFE000  }
0x35: {  	[spmem:s15] =	stream.linear.scatter [tilespmem:s17], [sflag:$0x5], $0x2000, $0x38;
	[tilespmem:$0x1C800] =	vst v63  }
0x36: {  	_ =	swait.ge [sflag:s18], $0x2000  }
0x37: {  	[sflag:s18] =	ssyncset.done $0x0  }
0x38: {  	s16 =	rddreg [dreg:$0x9];
	[sflag:s18] =	ssyncadd.s32 $0xFFFFE000  }
0x39: {  	[spmem:s16] =	stream.linear.scatter [tilespmem:s17], [sflag:$0x5], $0x2000, $0x38;
	[tilespmem:$0x1C800] =	vst v63  }
0x3a: {  	_ =	swait.ge [sflag:s18], $0x2000  }
0x3b: {  	[sflag:s18] =	ssyncset.done $0x0  }
0x3c: {  	s14 =	rddreg [dreg:$0xa];
	[sflag:s18] =	ssyncadd.s32 $0xFFFFE000  }
0x3d: {  	[spmem:s14] =	stream.linear.scatter [tilespmem:s17], [sflag:$0x5], $0x2000, $0x38;
	[tilespmem:$0x1C800] =	vst v63  }
0x3e: {  	_ =	swait.ge [sflag:s18], $0x2000  }
0x3f: {  	[sflag:s18] =	ssyncset.done $0x0  }
0x40: {  	s15 =	rddreg [dreg:$0xb];
	[sflag:s18] =	ssyncadd.s32 $0xFFFFE000  }
0x41: {  	[spmem:s15] =	stream.linear.scatter [tilespmem:s17], [sflag:$0x5], $0x2000, $0x38;
	[tilespmem:$0x1C800] =	vst v63  }
0x42: {  	_ =	swait.ge [sflag:s18], $0x2000  }
0x43: {  	[sflag:s18] =	ssyncset.done $0x0  }
0x44: {  	s16 =	rddreg [dreg:$0xc];
	[sflag:s18] =	ssyncadd.s32 $0xFFFFE000  }
0x45: {  	[spmem:s16] =	stream.linear.scatter [tilespmem:s17], [sflag:$0x5], $0x2000, $0x38;
	[tilespmem:$0x1C800] =	vst v63  }
0x46: {  	_ =	swait.ge [sflag:s18], $0x2000  }
0x47: {  	[sflag:s18] =	ssyncset.done $0x0  }
0x48: {  	s14 =	rddreg [dreg:$0xd];
	[sflag:s18] =	ssyncadd.s32 $0xFFFFE000  }
0x49: {  	[spmem:s14] =	stream.linear.scatter [tilespmem:s17], [sflag:$0x5], $0x2000, $0x38;
	[tilespmem:$0x1C800] =	vst v63  }
0x4a: {  	_ =	swait.ge [sflag:s18], $0x2000  }
0x4b: {  	[sflag:s18] =	ssyncset.done $0x0  }
0x4c: {  	s15 =	rddreg [dreg:$0xe];
	[sflag:s18] =	ssyncadd.s32 $0xFFFFE000  }
0x4d: {  	[spmem:s15] =	stream.linear.scatter [tilespmem:s17], [sflag:$0x5], $0x2000, $0x38;
	[tilespmem:$0x1C800] =	vst v63  }
0x4e: {  	_ =	swait.ge [sflag:s18], $0x2000  }
0x4f: {  	[sflag:s18] =	ssyncset.done $0x0  }
0x50: {  	s16 =	rddreg [dreg:$0xf];
	[sflag:s18] =	ssyncadd.s32 $0xFFFFE000  }
0x51: {  	[spmem:s16] =	stream.linear.scatter [tilespmem:s17], [sflag:$0x5], $0x2000, $0x38;
	[tilespmem:$0x1C800] =	vst v63  }
0x52: {  	_ =	swait.ge [sflag:s18], $0x2000  }
0x53: {  	[sflag:s18] =	ssyncset.done $0x0  }
0x54: {  	[sflag:s18] =	ssyncadd.s32 $0xFFFFE000  }
0x55: {  	[bflag:$0x0] =	sbarrier.arrive $0xFFFF  }
0x56: {  	s14 =	rddreg [dreg:$0x4]  }
0x57: {  	s5 =	sadd.s32 $0x0, s14  }
0x58: {  	[tilespmem:s3], [sflag:$0x5] =	stream.linear.gather [hbm4b:s5+s3], $0x400, $0x38;
	[tilespmem:$0x1C800] =	vst v63  }
0x59: {  	_ =	swait.ge [sflag:s18], $0x400  }
0x5a: {  	s15 =	rddreg [dreg:$0x3];
	[sflag:s18] =	ssyncset.done $0x0  }
0x5b: {  	[sflag:s18] =	ssyncadd.s32 $0xFFFFFC00;
	s5 =	sadd.s32 $0x0, s15  }
0x5c: {  	[tilespmem:s19], [sflag:$0x5] =	stream.linear.gather [hbm4b:s5+s3], $0x400, $0x38;
	[tilespmem:$0x1C800] =	vst v63  }
0x5d: {  	_ =	swait.ge [sflag:s18], $0x400  }
0x5e: {  	[sflag:s18] =	ssyncset.done $0x0  }
0x5f: {  	[sflag:s18] =	ssyncadd.s32 $0xFFFFFC00  }
0x60: {  	[tilespmem:s17], [sflag:$0x1] =	stream.indirect.gather [hbm4b:s4+s20], $0x80, s3, s20, $0xb8;
	[tilespmem:$0x1C800] =	vst v63  }
0x61: {  	s16 =	rddreg [dreg:$0x5]  }
0x62: {  	[tilespmem:s21], [sflag:$0x2] =	stream.indirect.gather [hbm4b:s4+s20], $0x80, s16, s20, $0xb8;
	[tilespmem:$0x1C800] =	vst v63  }
0x63: {  	_ = 	snop  }
0x64: {  	[tilespmem:s23], [sflag:$0x3] =	stream.indirect.gather [hbm4b:s4+s20], $0x80, s22, s20, $0xb8;
	[tilespmem:$0x1C800] =	vst v63  }
0x65: {  	_ = 	snop  }
0x66: {  	[tilespmem:s25], [sflag:$0x4] =	stream.indirect.gather [hbm4b:s4+s20], $0x80, s24, s20, $0xb8;
	[tilespmem:$0x1C800] =	vst v63  }
0x67: {  	_ =	swait.ge [sflag:s26], $0x2000  }
0x68: {  	[sflag:s26] =	ssyncset.done $0x0  }
0x69: {  	[sflag:s26] =	ssyncadd.s32 $0xFFFFE000  }
0x6a: {  	[spmem:s2] =	stream.indirect.scatter.add.f32 [tilespmem:s17], [sflag:$0x5], $0x80, s19, s20, $0xb8;
	[tilespmem:$0x1C800] =	vst v63  }
0x6b: {  	_ =	swait.ge [sflag:s18], $0x2000  }
0x6c: {  	[sflag:s18] =	ssyncset.done $0x0  }
0x6d: {  	[sflag:s18] =	ssyncadd.s32 $0xFFFFE000  }
0x6e: {  	_ =	swait.ge [sflag:s28], $0x2000  }
0x6f: {  	[sflag:s28] =	ssyncset.done $0x0  }
0x70: {  	[sflag:s28] =	ssyncadd.s32 $0xFFFFE000  }
0x71: {  	[spmem:s2] =	stream.indirect.scatter.add.f32 [tilespmem:s21], [sflag:$0x5], $0x80, s29, s20, $0xb8;
	[tilespmem:$0x1C800] =	vst v63  }
0x72: {  	_ =	swait.ge [sflag:s18], $0x2000  }
0x73: {  	[sflag:s18] =	ssyncset.done $0x0  }
0x74: {  	[sflag:s18] =	ssyncadd.s32 $0xFFFFE000  }
0x75: {  	_ =	swait.ge [sflag:s30], $0x2000  }
0x76: {  	[sflag:s30] =	ssyncset.done $0x0  }
0x77: {  	[sflag:s30] =	ssyncadd.s32 $0xFFFFE000  }
0x78: {  	[spmem:s2] =	stream.indirect.scatter.add.f32 [tilespmem:s23], [sflag:$0x5], $0x80, s31, s20, $0xb8;
	[tilespmem:$0x1C800] =	vst v63  }
0x79: {  	_ =	swait.ge [sflag:s18], $0x2000  }
0x7a: {  	[sflag:s18] =	ssyncset.done $0x0  }
0x7b: {  	[sflag:s18] =	ssyncadd.s32 $0xFFFFE000  }
0x7c: {  	_ =	swait.ge [sflag:s0], $0x2000  }
0x7d: {  	[sflag:s0] =	ssyncset.done $0x0  }
0x7e: {  	[sflag:s0] =	ssyncadd.s32 $0xFFFFE000  }
0x7f: {  	[spmem:s2] =	stream.indirect.scatter.add.f32 [tilespmem:s25], [sflag:$0x5], $0x80, s1, s20, $0xb8;
	[tilespmem:$0x1C800] =	vst v63  }
0x80: {  	_ =	swait.ge [sflag:s18], $0x2000  }
0x81: {  	[sflag:s18] =	ssyncset.done $0x0  }
0x82: {  	[sflag:s18] =	ssyncadd.s32 $0xFFFFE000  }
0x83: {  	[tilespmem:s17], [sflag:$0x1] =	stream.indirect.gather [hbm4b:s4+s20], $0x80, s6, s20, $0xb8;
	[tilespmem:$0x1C800] =	vst v63  }
0x84: {  	_ = 	snop  }
0x85: {  	[tilespmem:s21], [sflag:$0x2] =	stream.indirect.gather [hbm4b:s4+s20], $0x80, s7, s20, $0xb8;
	[tilespmem:$0x1C800] =	vst v63  }
0x86: {  	_ = 	snop  }
0x87: {  	[tilespmem:s23], [sflag:$0x3] =	stream.indirect.gather [hbm4b:s4+s20], $0x80, s8, s20, $0xb8;
	[tilespmem:$0x1C800] =	vst v63  }
0x88: {  	_ = 	snop  }
0x89: {  	[tilespmem:s25], [sflag:$0x4] =	stream.indirect.gather [hbm4b:s4+s20], $0x80, s9, s20, $0xb8;
	[tilespmem:$0x1C800] =	vst v63  }
0x8a: {  	_ =	swait.ge [sflag:s26], $0x2000  }
0x8b: {  	[sflag:s26] =	ssyncset.done $0x0  }
0x8c: {  	[sflag:s26] =	ssyncadd.s32 $0xFFFFE000  }
0x8d: {  	[spmem:s2] =	stream.indirect.scatter.add.f32 [tilespmem:s17], [sflag:$0x5], $0x80, s10, s20, $0xb8;
	[tilespmem:$0x1C800] =	vst v63  }
0x8e: {  	_ =	swait.ge [sflag:s18], $0x2000  }
0x8f: {  	[sflag:s18] =	ssyncset.done $0x0  }
0x90: {  	[sflag:s18] =	ssyncadd.s32 $0xFFFFE000  }
0x91: {  	_ =	swait.ge [sflag:s28], $0x2000  }
0x92: {  	[sflag:s28] =	ssyncset.done $0x0  }
0x93: {  	[sflag:s28] =	ssyncadd.s32 $0xFFFFE000  }
0x94: {  	[spmem:s2] =	stream.indirect.scatter.add.f32 [tilespmem:s21], [sflag:$0x5], $0x80, s11, s20, $0xb8;
	[tilespmem:$0x1C800] =	vst v63  }
0x95: {  	_ =	swait.ge [sflag:s18], $0x2000  }
0x96: {  	[sflag:s18] =	ssyncset.done $0x0  }
0x97: {  	[sflag:s18] =	ssyncadd.s32 $0xFFFFE000  }
0x98: {  	_ =	swait.ge [sflag:s30], $0x2000  }
0x99: {  	[sflag:s30] =	ssyncset.done $0x0  }
0x9a: {  	[sflag:s30] =	ssyncadd.s32 $0xFFFFE000  }
0x9b: {  	[spmem:s2] =	stream.indirect.scatter.add.f32 [tilespmem:s23], [sflag:$0x5], $0x80, s12, s20, $0xb8;
	[tilespmem:$0x1C800] =	vst v63  }
0x9c: {  	_ =	swait.ge [sflag:s18], $0x2000  }
0x9d: {  	[sflag:s18] =	ssyncset.done $0x0  }
0x9e: {  	[sflag:s18] =	ssyncadd.s32 $0xFFFFE000  }
0x9f: {  	_ =	swait.ge [sflag:s0], $0x2000  }
0xa0: {  	[sflag:s0] =	ssyncset.done $0x0  }
0xa1: {  	[sflag:s0] =	ssyncadd.s32 $0xFFFFE000  }
0xa2: {  	[spmem:s2] =	stream.indirect.scatter.add.f32 [tilespmem:s25], [sflag:$0x5], $0x80, s13, s20, $0xb8;
	[tilespmem:$0x1C800] =	vst v63  }
0xa3: {  	s15 =	simm.s32 $0x80;
	_ =	swait.ge [sflag:s18], $0x2000  }
0xa4: {  	s16 =	simm.s32 $0x100;
	s5 =	rddreg [dreg:$0x4];
	[sflag:s18] =	ssyncset.done $0x0  }
.LBB2_4:
0xa5: {  	[sflag:s18] =	ssyncadd.s32 $0xFFFFE000;
	s5 =	sadd.s32 s15, s5  }
0xa6: {  	[tilespmem:s3], [sflag:$0x5] =	stream.linear.gather [hbm4b:s5+s3], $0x400, $0x38;
	[tilespmem:$0x1C800] =	vst v63  }
0xa7: {  	_ =	swait.ge [sflag:s18], $0x400  }
0xa8: {  	s5 =	rddreg [dreg:$0x3];
	[sflag:s18] =	ssyncset.done $0x0  }
0xa9: {  	[sflag:s18] =	ssyncadd.s32 $0xFFFFFC00;
	s5 =	sadd.s32 s15, s5  }
0xaa: {  	[tilespmem:s19], [sflag:$0x5] =	stream.linear.gather [hbm4b:s5+s3], $0x400, $0x38;
	[tilespmem:$0x1C800] =	vst v63  }
0xab: {  	_ =	swait.ge [sflag:s18], $0x400  }
0xac: {  	[sflag:s18] =	ssyncset.done $0x0  }
0xad: {  	s14 =	smov.u32 s16;
	[sflag:s18] =	ssyncadd.s32 $0xFFFFFC00  }
0xae: {  	[tilespmem:s17], [sflag:$0x1] =	stream.indirect.gather [hbm4b:s4+s20], $0x80, s3, s20, $0xb8;
	[tilespmem:$0x1C800] =	vst v63  }
0xaf: {  	s15 =	smov.u32 s14;
	s14 =	rddreg [dreg:$0x5]  }
0xb0: {  	[tilespmem:s21], [sflag:$0x2] =	stream.indirect.gather [hbm4b:s4+s20], $0x80, s14, s20, $0xb8;
	[tilespmem:$0x1C800] =	vst v63  }
0xb1: {  	_ = 	snop  }
0xb2: {  	[tilespmem:s23], [sflag:$0x3] =	stream.indirect.gather [hbm4b:s4+s20], $0x80, s22, s20, $0xb8;
	[tilespmem:$0x1C800] =	vst v63  }
0xb3: {  	_ = 	snop  }
0xb4: {  	[tilespmem:s25], [sflag:$0x4] =	stream.indirect.gather [hbm4b:s4+s20], $0x80, s24, s20, $0xb8;
	[tilespmem:$0x1C800] =	vst v63  }
0xb5: {  	_ =	swait.ge [sflag:s26], $0x2000  }
0xb6: {  	[sflag:s26] =	ssyncset.done $0x0  }
0xb7: {  	[sflag:s26] =	ssyncadd.s32 $0xFFFFE000  }
0xb8: {  	[spmem:s2] =	stream.indirect.scatter.add.f32 [tilespmem:s17], [sflag:$0x5], $0x80, s19, s20, $0xb8;
	[tilespmem:$0x1C800] =	vst v63  }
0xb9: {  	_ =	swait.ge [sflag:s18], $0x2000  }
0xba: {  	[sflag:s18] =	ssyncset.done $0x0  }
0xbb: {  	[sflag:s18] =	ssyncadd.s32 $0xFFFFE000  }
0xbc: {  	_ =	swait.ge [sflag:s28], $0x2000  }
0xbd: {  	[sflag:s28] =	ssyncset.done $0x0  }
0xbe: {  	[sflag:s28] =	ssyncadd.s32 $0xFFFFE000  }
0xbf: {  	[spmem:s2] =	stream.indirect.scatter.add.f32 [tilespmem:s21], [sflag:$0x5], $0x80, s29, s20, $0xb8;
	[tilespmem:$0x1C800] =	vst v63  }
0xc0: {  	_ =	swait.ge [sflag:s18], $0x2000  }
0xc1: {  	[sflag:s18] =	ssyncset.done $0x0  }
0xc2: {  	[sflag:s18] =	ssyncadd.s32 $0xFFFFE000  }
0xc3: {  	_ =	swait.ge [sflag:s30], $0x2000  }
0xc4: {  	[sflag:s30] =	ssyncset.done $0x0  }
0xc5: {  	[sflag:s30] =	ssyncadd.s32 $0xFFFFE000  }
0xc6: {  	[spmem:s2] =	stream.indirect.scatter.add.f32 [tilespmem:s23], [sflag:$0x5], $0x80, s31, s20, $0xb8;
	[tilespmem:$0x1C800] =	vst v63  }
0xc7: {  	_ =	swait.ge [sflag:s18], $0x2000  }
0xc8: {  	[sflag:s18] =	ssyncset.done $0x0  }
0xc9: {  	[sflag:s18] =	ssyncadd.s32 $0xFFFFE000  }
0xca: {  	_ =	swait.ge [sflag:s0], $0x2000  }
0xcb: {  	[sflag:s0] =	ssyncset.done $0x0  }
0xcc: {  	[sflag:s0] =	ssyncadd.s32 $0xFFFFE000  }
0xcd: {  	[spmem:s2] =	stream.indirect.scatter.add.f32 [tilespmem:s25], [sflag:$0x5], $0x80, s1, s20, $0xb8;
	[tilespmem:$0x1C800] =	vst v63  }
0xce: {  	_ =	swait.ge [sflag:s18], $0x2000  }
0xcf: {  	[sflag:s18] =	ssyncset.done $0x0  }
0xd0: {  	[sflag:s18] =	ssyncadd.s32 $0xFFFFE000  }
0xd1: {  	[tilespmem:s17], [sflag:$0x1] =	stream.indirect.gather [hbm4b:s4+s20], $0x80, s6, s20, $0xb8;
	[tilespmem:$0x1C800] =	vst v63  }
0xd2: {  	_ = 	snop  }
0xd3: {  	[tilespmem:s21], [sflag:$0x2] =	stream.indirect.gather [hbm4b:s4+s20], $0x80, s7, s20, $0xb8;
	[tilespmem:$0x1C800] =	vst v63  }
0xd4: {  	_ = 	snop  }
0xd5: {  	[tilespmem:s23], [sflag:$0x3] =	stream.indirect.gather [hbm4b:s4+s20], $0x80, s8, s20, $0xb8;
	[tilespmem:$0x1C800] =	vst v63  }
0xd6: {  	_ = 	snop  }
0xd7: {  	[tilespmem:s25], [sflag:$0x4] =	stream.indirect.gather [hbm4b:s4+s20], $0x80, s9, s20, $0xb8;
	[tilespmem:$0x1C800] =	vst v63  }
0xd8: {  	_ =	swait.ge [sflag:s26], $0x2000  }
0xd9: {  	[sflag:s26] =	ssyncset.done $0x0  }
0xda: {  	[sflag:s26] =	ssyncadd.s32 $0xFFFFE000  }
0xdb: {  	[spmem:s2] =	stream.indirect.scatter.add.f32 [tilespmem:s17], [sflag:$0x5], $0x80, s10, s20, $0xb8;
	[tilespmem:$0x1C800] =	vst v63  }
0xdc: {  	_ =	swait.ge [sflag:s18], $0x2000  }
0xdd: {  	[sflag:s18] =	ssyncset.done $0x0  }
0xde: {  	[sflag:s18] =	ssyncadd.s32 $0xFFFFE000  }
0xdf: {  	_ =	swait.ge [sflag:s28], $0x2000  }
0xe0: {  	[sflag:s28] =	ssyncset.done $0x0  }
0xe1: {  	[sflag:s28] =	ssyncadd.s32 $0xFFFFE000  }
0xe2: {  	[spmem:s2] =	stream.indirect.scatter.add.f32 [tilespmem:s21], [sflag:$0x5], $0x80, s11, s20, $0xb8;
	[tilespmem:$0x1C800] =	vst v63  }
0xe3: {  	_ =	swait.ge [sflag:s18], $0x2000  }
0xe4: {  	[sflag:s18] =	ssyncset.done $0x0  }
0xe5: {  	[sflag:s18] =	ssyncadd.s32 $0xFFFFE000  }
0xe6: {  	_ =	swait.ge [sflag:s30], $0x2000  }
0xe7: {  	[sflag:s30] =	ssyncset.done $0x0  }
0xe8: {  	[sflag:s30] =	ssyncadd.s32 $0xFFFFE000  }
0xe9: {  	[spmem:s2] =	stream.indirect.scatter.add.f32 [tilespmem:s23], [sflag:$0x5], $0x80, s12, s20, $0xb8;
	[tilespmem:$0x1C800] =	vst v63  }
0xea: {  	_ =	swait.ge [sflag:s18], $0x2000  }
0xeb: {  	[sflag:s18] =	ssyncset.done $0x0  }
0xec: {  	[sflag:s18] =	ssyncadd.s32 $0xFFFFE000  }
0xed: {  	p0 =	sne.s32 s16, $0xA00;
	_ =	swait.ge [sflag:s0], $0x2000  }
.Ltmp1:
0xee: {  	[sflag:s0] =	ssyncset.done $0x0;
	(pc) =	sbr.rel @p0 .LBB2_4-.Ltmp1, $4  }
0xef: {  	[sflag:s0] =	ssyncadd.s32 $0xFFFFE000  }
0xf0: {  	[spmem:s2] =	stream.indirect.scatter.add.f32 [tilespmem:s25], [sflag:$0x5], $0x80, s13, s20, $0xb8;
	[tilespmem:$0x1C800] =	vst v63  }
0xf1: {  	_ =	swait.ge [sflag:s18], $0x2000  }
0xf2: {  	s16 =	sadd.s32 $0x80, s16;
	s5 =	rddreg [dreg:$0x4];
	[sflag:s18] =	ssyncset.done $0x0  }
0xf3: {  	[sflag:s18] =	ssyncadd.s32 $0xFFFFE000;
	s5 =	sadd.s32 s15, s5  }
0xf4: {  	[tilespmem:s3], [sflag:$0x5] =	stream.linear.gather [hbm4b:s5+s3], $0x400, $0x38;
	[tilespmem:$0x1C800] =	vst v63  }
0xf5: {  	_ =	swait.ge [sflag:s18], $0x400  }
0xf6: {  	s16 =	rddreg [dreg:$0x3];
	[sflag:s18] =	ssyncset.done $0x0  }
0xf7: {  	[sflag:s18] =	ssyncadd.s32 $0xFFFFFC00;
	s5 =	sadd.s32 s15, s16  }
0xf8: {  	[tilespmem:s19], [sflag:$0x5] =	stream.linear.gather [hbm4b:s5+s3], $0x400, $0x38;
	[tilespmem:$0x1C800] =	vst v63  }
0xf9: {  	_ =	swait.ge [sflag:s18], $0x400  }
0xfa: {  	[sflag:s18] =	ssyncset.done $0x0  }
0xfb: {  	[sflag:s18] =	ssyncadd.s32 $0xFFFFFC00  }
0xfc: {  	[tilespmem:s17], [sflag:$0x1] =	stream.indirect.gather [hbm4b:s4+s20], $0x80, s3, s20, $0xb8;
	[tilespmem:$0x1C800] =	vst v63  }
0xfd: {  	s14 =	rddreg [dreg:$0x5]  }
0xfe: {  	[tilespmem:s21], [sflag:$0x2] =	stream.indirect.gather [hbm4b:s4+s20], $0x80, s14, s20, $0xb8;
	[tilespmem:$0x1C800] =	vst v63  }
0xff: {  	_ = 	snop  }
0x100: {  	[tilespmem:s23], [sflag:$0x3] =	stream.indirect.gather [hbm4b:s4+s20], $0x80, s22, s20, $0xb8;
	[tilespmem:$0x1C800] =	vst v63  }
0x101: {  	_ = 	snop  }
0x102: {  	[tilespmem:s25], [sflag:$0x4] =	stream.indirect.gather [hbm4b:s4+s20], $0x80, s24, s20, $0xb8;
	[tilespmem:$0x1C800] =	vst v63  }
0x103: {  	_ =	swait.ge [sflag:s26], $0x2000  }
0x104: {  	[sflag:s26] =	ssyncset.done $0x0  }
0x105: {  	[sflag:s26] =	ssyncadd.s32 $0xFFFFE000  }
0x106: {  	[spmem:s2] =	stream.indirect.scatter.add.f32 [tilespmem:s17], [sflag:$0x5], $0x80, s19, s20, $0xb8;
	[tilespmem:$0x1C800] =	vst v63  }
0x107: {  	_ =	swait.ge [sflag:s18], $0x2000  }
0x108: {  	[sflag:s18] =	ssyncset.done $0x0  }
0x109: {  	[sflag:s18] =	ssyncadd.s32 $0xFFFFE000  }
0x10a: {  	_ =	swait.ge [sflag:s28], $0x2000  }
0x10b: {  	[sflag:s28] =	ssyncset.done $0x0  }
0x10c: {  	[sflag:s28] =	ssyncadd.s32 $0xFFFFE000  }
0x10d: {  	[spmem:s2] =	stream.indirect.scatter.add.f32 [tilespmem:s21], [sflag:$0x5], $0x80, s29, s20, $0xb8;
	[tilespmem:$0x1C800] =	vst v63  }
0x10e: {  	_ =	swait.ge [sflag:s18], $0x2000  }
0x10f: {  	[sflag:s18] =	ssyncset.done $0x0  }
0x110: {  	[sflag:s18] =	ssyncadd.s32 $0xFFFFE000  }
0x111: {  	_ =	swait.ge [sflag:s30], $0x2000  }
0x112: {  	[sflag:s30] =	ssyncset.done $0x0  }
0x113: {  	[sflag:s30] =	ssyncadd.s32 $0xFFFFE000  }
0x114: {  	[spmem:s2] =	stream.indirect.scatter.add.f32 [tilespmem:s23], [sflag:$0x5], $0x80, s31, s20, $0xb8;
	[tilespmem:$0x1C800] =	vst v63  }
0x115: {  	_ =	swait.ge [sflag:s18], $0x2000  }
0x116: {  	[sflag:s18] =	ssyncset.done $0x0  }
0x117: {  	[sflag:s18] =	ssyncadd.s32 $0xFFFFE000  }
0x118: {  	_ =	swait.ge [sflag:s0], $0x2000  }
0x119: {  	[sflag:s0] =	ssyncset.done $0x0  }
0x11a: {  	[sflag:s0] =	ssyncadd.s32 $0xFFFFE000  }
0x11b: {  	[spmem:s2] =	stream.indirect.scatter.add.f32 [tilespmem:s25], [sflag:$0x5], $0x80, s1, s20, $0xb8;
	[tilespmem:$0x1C800] =	vst v63  }
0x11c: {  	_ =	swait.ge [sflag:s18], $0x2000  }
0x11d: {  	[sflag:s18] =	ssyncset.done $0x0  }
0x11e: {  	[sflag:s18] =	ssyncadd.s32 $0xFFFFE000  }
0x11f: {  	[tilespmem:s17], [sflag:$0x1] =	stream.indirect.gather [hbm4b:s4+s20], $0x80, s6, s20, $0xb8;
	[tilespmem:$0x1C800] =	vst v63  }
0x120: {  	_ = 	snop  }
0x121: {  	[tilespmem:s21], [sflag:$0x2] =	stream.indirect.gather [hbm4b:s4+s20], $0x80, s7, s20, $0xb8;
	[tilespmem:$0x1C800] =	vst v63  }
0x122: {  	_ = 	snop  }
0x123: {  	[tilespmem:s23], [sflag:$0x3] =	stream.indirect.gather [hbm4b:s4+s20], $0x80, s8, s20, $0xb8;
	[tilespmem:$0x1C800] =	vst v63  }
0x124: {  	_ = 	snop  }
0x125: {  	[tilespmem:s25], [sflag:$0x4] =	stream.indirect.gather [hbm4b:s4+s20], $0x80, s9, s20, $0xb8;
	[tilespmem:$0x1C800] =	vst v63  }
0x126: {  	_ =	swait.ge [sflag:s26], $0x2000  }
0x127: {  	[sflag:s26] =	ssyncset.done $0x0  }
0x128: {  	[sflag:s26] =	ssyncadd.s32 $0xFFFFE000  }
0x129: {  	[spmem:s2] =	stream.indirect.scatter.add.f32 [tilespmem:s17], [sflag:$0x5], $0x80, s10, s20, $0xb8;
	[tilespmem:$0x1C800] =	vst v63  }
0x12a: {  	_ =	swait.ge [sflag:s18], $0x2000  }
0x12b: {  	[sflag:s18] =	ssyncset.done $0x0  }
0x12c: {  	[sflag:s18] =	ssyncadd.s32 $0xFFFFE000  }
0x12d: {  	_ =	swait.ge [sflag:s28], $0x2000  }
0x12e: {  	[sflag:s28] =	ssyncset.done $0x0  }
0x12f: {  	[sflag:s28] =	ssyncadd.s32 $0xFFFFE000  }
0x130: {  	[spmem:s2] =	stream.indirect.scatter.add.f32 [tilespmem:s21], [sflag:$0x5], $0x80, s11, s20, $0xb8;
	[tilespmem:$0x1C800] =	vst v63  }
0x131: {  	_ =	swait.ge [sflag:s18], $0x2000  }
0x132: {  	[sflag:s18] =	ssyncset.done $0x0  }
0x133: {  	[sflag:s18] =	ssyncadd.s32 $0xFFFFE000  }
0x134: {  	_ =	swait.ge [sflag:s30], $0x2000  }
0x135: {  	[sflag:s30] =	ssyncset.done $0x0  }
0x136: {  	[sflag:s30] =	ssyncadd.s32 $0xFFFFE000  }
0x137: {  	[spmem:s2] =	stream.indirect.scatter.add.f32 [tilespmem:s23], [sflag:$0x5], $0x80, s12, s20, $0xb8;
	[tilespmem:$0x1C800] =	vst v63  }
0x138: {  	_ =	swait.ge [sflag:s18], $0x2000  }
0x139: {  	[sflag:s18] =	ssyncset.done $0x0  }
0x13a: {  	[sflag:s18] =	ssyncadd.s32 $0xFFFFE000  }
0x13b: {  	_ =	swait.ge [sflag:s0], $0x2000  }
0x13c: {  	[sflag:s0] =	ssyncset.done $0x0  }
0x13d: {  	[sflag:s0] =	ssyncadd.s32 $0xFFFFE000  }
0x13e: {  	[spmem:s2] =	stream.indirect.scatter.add.f32 [tilespmem:s25], [sflag:$0x5], $0x80, s13, s20, $0xb8;
	[tilespmem:$0x1C800] =	vst v63  }
0x13f: {  	_ =	swait.ge [sflag:s18], $0x2000  }
0x140: {  	[sflag:s18] =	ssyncset.done $0x0  }
0x141: {  	[sflag:s18] =	ssyncadd.s32 $0xFFFFE000  }
0x142: {  	s15 =	stileid.u32;
	[bflag:$0x0] =	sbarrier.arrive $0xFFFF  }
0x143: {  	s5 =	sshll.u32 s15, $0x6;
	s14 =	rddreg [dreg:$0x6]  }
0x144: {  	s5 =	sor.u32 $0x1C05, s5;
	s16 =	rddreg [dreg:$0x10];
	s14 =	sshrl.u32 s14, $0x3  }
0x145: {  	[hbm:s16], [sflag:s5] =	dma.local [spmem:s14], $0x2800  }
0x146: {  	_ =	swait.ge [sflag:s18], $0x2800  }
0x147: {  	s15 =	rddreg [dreg:$0x12]  }
0x148: {  	s16 =	rddreg [dreg:$0x11];
	s14 =	sadd.s32 $0x1, s15  }
0x149: {  	p0 =	sne.s32 s14, s16  }
.Ltmp2:
0x14a: {  	_ = 	snop;
	(pc) =	sbr.rel @p0 .LBB2_1-.Ltmp2, $3  }
0x14b: {  	_ =	sdelay $0x1  }
0x14c: {  	[sflag:s18] =	ssyncset.done $0x0  }
0x14d: {  	[sflag:s18] =	ssyncadd.s32 $0xFFFFD800  }
0x14e: {  	_ =	sfence.sel $0x180000  }
0x14f: {  	[bflag:$0x0] =	sbarrier.arrive $0xFFFF  }
0x150: {  	_ =	strace $0x9000004A  }
0x151: {  	s0 =	stileid.u32;
	[bflag:$0x2] =	sbarrier.arrive $0xFFFF  }
0x152: {  	p0 =	sne.s32 s0, $0x0;
	s0 =	rddreg [dreg:$0x2]  }
0x153: {  	s0 =	sadd.s32 @!p0 $0x100000, s0  }
0x154: {  	[sflag:s0] =	ssyncadd.tile.s32 @!p0 $0x1;
	_ =	shalt  }
.Lfunc_end2:
_tile_overlayer_lowered:
.L_overlay_start_2:
0x155: {  	(tag) =	ssettag $0x2  }
0x156: {  	s0 =	rddreg [dreg:$0x0];
	s2 =	stileid.u32  }
0x157: {  	s1 =	rddreg [dreg:$0x1];
	p0 =	sne.s32 s2, $0x0  }
0x158: {  	s3 =	rddreg [dreg:$0x2];
	[bflag:$0x3] =	sbarrier.arrive $0xFFFF;
	s2 =	simm.s32 @!p0 $0x1C05  }
0x159: {  	[timem:s3], [sflag:s2] =	dma.local @!p0 [hbm:s0], s1  }
0x15a: {  	s0 =	simm.s32 @!p0 $0x5  }
0x15b: {  	_ =	swait.ge @!p0 [sflag:s0], s1  }
0x15c: {  	s1 =	ssub.s32 @!p0 $0x0, s1;
	[sflag:s0] =	ssyncset.done @!p0 $0x0  }
0x15d: {  	[sflag:s0] =	ssyncadd.s32 @!p0 s1  }
0x15e: {  	[bflag:$0x3] =	sbarrier.arrive $0xFFFF  }
0x15f: {  	_ =	shalt  }

// kernel: kernel.16.cloned.1.call-start
scs
__scs_entry_jumppad:
0x0: {  	(pc) =	sbr.rel $0x88, $3  }
0x1: {  	(tag) =	ssettag $0x0;
	lr =	simm.s32 $0x1  }
0x2: {  	[smem:$0x3F96] =	sst lr;
	_ =	strace $0xD0000000  }
0x3: {  	_ = 	snop  }
0x4: {  	_ = 	snop  }
0x5: {  	_ = 	snop  }
0x6: {  	_ = 	snop  }
0x7: {  	_ = 	snop  }
__scs_overlays_trampoline_lowered:
0x8: {  	[smem:$0x3FA5] =	sst s0  }
0x9: {  	[smem:$0x3FA6] =	sst s1  }
0xa: {  	[smem:$0x3FA7] =	sst s2  }
0xb: {  	[smem:$0x3FA8] =	sst s3  }
0xc: {  	[smem:$0x3FA9] =	sst s4  }
0xd: {  	[smem:$0x3FAA] =	sst s5  }
0xe: {  	[smem:$0x3FAB] =	sst s6  }
0xf: {  	[smem:$0x3FAC] =	sst s7  }
0x10: {  	[smem:$0x3FAD] =	sst s8  }
0x11: {  	[smem:$0x3FAE] =	sst s9;
	s0 =	simm.s32 @!p0 $0x0  }
0x12: {  	s1 =	sld [smem:$0x3F94];
	s0 =	simm.s32 @p0 $0x1  }
0x13: {  	[smem:$0x3FAF] =	sst s0;
	s0 =	simm.s32 @!p1 $0x0  }
0x14: {  	s2 =	sld [smem:$0x3F93];
	s0 =	simm.s32 @p1 $0x1  }
0x15: {  	[smem:$0x3FB0] =	sst s0;
	s0 =	simm.s32 @!p2 $0x0  }
0x16: {  	s3 =	sld [smem:$0x3FDB];
	s0 =	simm.s32 @p2 $0x1  }
0x17: {  	s4 =	simm.s32 $0x1BF5;
	[smem:$0x3FB2] =	sst s0  }
0x18: {  	s0 =	sld [smem:$0x3F95];
	_ =	swait.ge [sflag:s4], $0x0  }
0x19: {  	s7 =	sld [smem:$0x3F96]  }
0x1a: {  	s8 =	sadd.s32 $0xFFFFE003, lr  }
0x1b: {  	s9 =	sadd.s32 $0xFFFFFEF7, lr;
	s5 =	simm.s32 $0xFFFFFFFF;
	p2 =	slt.u32 s8, $0xFFFFF086  }
0x1c: {  	p1 =	slt.u32 s9, $0xF7A;
	s5 =	simm.s32 @!p2 $0x0  }
0x1d: {  	s5 =	simm.s32 @p1 $0x1;
	p0 =	seq.s32 s7, s2  }
0x1e: {  	s7 =	smul.u32 @!p0 $0xF7A, s2;
	p2 =	seq.s32 @!p0 s5, $0x0  }
0x1f: {  	s9 =	smul.u32 $0xF7A, s1;
	s8 =	simm.s32 @!p0 $0x1BF5;
	p2 =	por !p2, p0  }
0x20: {  	[sflag:s8] =	ssyncset.s32 @!p0 $0xFFFFF086;
	s6 =	sadd.s32 @!p0 s3, s7;
	s7 =	simm.s32 @!p0 $0x108  }
0x21: {  	s3 =	sadd.s32 s3, s9;
	s6 =	sadd.s32 @!p0 $0x88, s6;
	s7 =	simm.s32 @p2 $0x1082  }
0x22: {  	[simem:s7], [sflag:s8] =	dma.local @!p0 [hbm:s6], $0xF7A  }
0x23: {  	s9 =	sor.u32 $0xD0000000, s2;
	s6 =	simm.s32 $0x108;
	_ =	swait.ge @!p0 [sflag:s8], $0x0  }
0x24: {  	s3 =	sadd.s32 $0x88, s3;
	s6 =	simm.s32 @!p1 $0x1082;
	[sflag:s4] =	ssyncset.s32 $0xFFFFF086  }
0x25: {  	[simem:s6], [sflag:s4] =	dma.local [hbm:s3], $0xF7A  }
0x26: {  	[smem:$0x3F96] =	sst s1;
	(tag) =	ssettag s2;
	_ =	strace s9  }
0x27: {  	s1 =	sld [smem:$0x3FA6]  }
0x28: {  	s2 =	sld [smem:$0x3FA7]  }
0x29: {  	s4 =	sld [smem:$0x3FA9]  }
0x2a: {  	p0 =	seq.s32 s5, $0x0;
	s5 =	sld [smem:$0x3FAA]  }
0x2b: {  	s6 =	sld [smem:$0x3FAB]  }
0x2c: {  	s7 =	sld [smem:$0x3FAC]  }
0x2d: {  	s3 =	simm.s32 $0x108;
	s8 =	sld [smem:$0x3FAD]  }
0x2e: {  	s3 =	simm.s32 @!p0 $0x1082;
	s9 =	sld [smem:$0x3FAE]  }
0x2f: {  	lr =	sadd.s32 s0, s3;
	s0 =	sld [smem:$0x3FA5]  }
0x30: {  	s3 =	sld [smem:$0x3FA8]  }
0x31: {  	[smem:$0x3FB1] =	sst s10  }
0x32: {  	s10 =	sld [smem:$0x3FAF];
	_ =	sdelay $0x3  }
0x33: {  	p0 =	seq.s32 s10, $0x1;
	s10 =	sld [smem:$0x3FB1];
	_ =	sdelay $0x3  }
0x34: {  	[smem:$0x3FB1] =	sst s10  }
0x35: {  	s10 =	sld [smem:$0x3FB0];
	_ =	sdelay $0x3  }
0x36: {  	p1 =	seq.s32 s10, $0x1;
	s10 =	sld [smem:$0x3FB1];
	_ =	sdelay $0x3  }
0x37: {  	[smem:$0x3FB1] =	sst s10  }
0x38: {  	s10 =	sld [smem:$0x3FB2]  }
0x39: {  	_ = 	snop;
	(pc) =	sbr.ind lr, $3  }
0x3a: {  	_ = 	snop  }
0x3b: {  	_ = 	snop  }
0x3c: {  	p2 =	seq.s32 s10, $0x1;
	s10 =	sld [smem:$0x3FB1]  }
0x3d: {  	_ =	shalt  }
0x3e: {  	_ =	shalt  }
0x3f: {  	_ =	shalt  }
0x40: {  	_ =	shalt  }
0x41: {  	_ =	shalt  }
0x42: {  	_ =	shalt  }
0x43: {  	_ =	shalt  }
0x44: {  	_ =	shalt  }
0x45: {  	_ =	shalt  }
0x46: {  	_ =	shalt  }
0x47: {  	_ =	shalt  }
0x48: {  	_ =	shalt  }
0x49: {  	_ =	shalt  }
0x4a: {  	_ =	shalt  }
0x4b: {  	_ =	shalt  }
0x4c: {  	_ =	shalt  }
0x4d: {  	_ =	shalt  }
0x4e: {  	_ =	shalt  }
0x4f: {  	_ =	shalt  }
0x50: {  	_ =	shalt  }
0x51: {  	_ =	shalt  }
0x52: {  	_ =	shalt  }
0x53: {  	_ =	shalt  }
0x54: {  	_ =	shalt  }
0x55: {  	_ =	shalt  }
0x56: {  	_ =	shalt  }
0x57: {  	_ =	shalt  }
0x58: {  	_ =	shalt  }
0x59: {  	_ =	shalt  }
0x5a: {  	_ =	shalt  }
0x5b: {  	_ =	shalt  }
0x5c: {  	_ =	shalt  }
0x5d: {  	_ =	shalt  }
0x5e: {  	_ =	shalt  }
0x5f: {  	_ =	shalt  }
0x60: {  	_ =	shalt  }
0x61: {  	_ =	shalt  }
0x62: {  	_ =	shalt  }
0x63: {  	_ =	shalt  }
0x64: {  	_ =	shalt  }
0x65: {  	_ =	shalt  }
0x66: {  	_ =	shalt  }
0x67: {  	_ =	shalt  }
0x68: {  	_ =	shalt  }
0x69: {  	_ =	shalt  }
0x6a: {  	_ =	shalt  }
0x6b: {  	_ =	shalt  }
0x6c: {  	_ =	shalt  }
0x6d: {  	_ =	shalt  }
0x6e: {  	_ =	shalt  }
0x6f: {  	_ =	shalt  }
0x70: {  	_ =	shalt  }
0x71: {  	_ =	shalt  }
0x72: {  	_ =	shalt  }
0x73: {  	_ =	shalt  }
0x74: {  	_ =	shalt  }
0x75: {  	_ =	shalt  }
0x76: {  	_ =	shalt  }
0x77: {  	_ =	shalt  }
0x78: {  	_ =	shalt  }
0x79: {  	_ =	shalt  }
0x7a: {  	_ =	shalt  }
0x7b: {  	_ =	shalt  }
0x7c: {  	_ =	shalt  }
0x7d: {  	_ =	shalt  }
0x7e: {  	_ =	shalt  }
0x7f: {  	_ =	shalt  }
0x80: {  	_ =	shalt  }
0x81: {  	_ =	shalt  }
0x82: {  	_ =	shalt  }
0x83: {  	_ =	shalt  }
0x84: {  	_ =	shalt  }
0x85: {  	_ =	shalt  }
0x86: {  	_ =	shalt  }
0x87: {  	_ =	shalt  }
.Lfunc_end0:
.L_simem_size_0:
called_computation.2_lowered:
.L_overlay_start_0:
0x88: {  	s2 =	sld [smem:$0x3FD9]  }
0x89: {  	s3 =	sld [smem:$0x3FFE];
	_ =	sdelay $0x1  }
0x8a: {  	s1 =	srdreg.scid  }
0x8b: {  	s0 =	sand.u32 $0x1, s1  }
0x8c: {  	s16 =	sshll.u32 s0, $0xA;
	s2 =	sadd.s32 s3, s2  }
0x8d: {  	s2 =	sadd.s32 s2, s16  }
0x8e: {  	[smem:$0x3FBD] =	sst s2  }
0x8f: {  	_ = 	snop  }
0x90: {  	(tm) =	ssettm $0x1  }
0x91: {  	s17 =	sld [smem:$0x3FFB];
	_ =	sdelay $0x3  }
0x92: {  	_ =	strace s17  }
0x93: {  	s2 =	sld [smem:$0x3FFC];
	_ =	sdelay $0x3  }
0x94: {  	_ =	strace s2  }
0x95: {  	s2 =	sld [smem:$0x3FFD];
	_ =	sdelay $0x3  }
0x96: {  	_ =	strace s2  }
0x97: {  	_ =	strace $0x8FFFFFFF  }
0x98: {  	s18 =	sld [smem:$0x3FDB];
	_ =	sdelay $0x1  }
0x99: {  	s19 =	simm.s32 $_scs_section_size  }
0x9a: {  	s4 =	simm.s32 $_size__tile_overlayer_lowered;
	s5 =	simm.s32 $_tile_overlayer_lowered  }
0x9b: {  	s22 =	simm.s32 $0x1BFF;
	s21 =	sshll.u32 s5, $0x1;
	s2 =	sadd.s32 s19, s18  }
0x9c: {  	s6 =	simm.s32 $0x0;
	s20 =	sshll.u32 s4, $0x1;
	s4 =	sadd.s32 s21, s2  }
0x9d: {  	[timem:s6], [sflag:s22] =	dma.local [hbm:s4], s20  }
0x9e: {  	_ =	swait.ge [sflag:s22], s20  }
0x9f: {  	s3 =	ssub.s32 $0x0, s20;
	[sflag:s22] =	ssyncset.done $0x0  }
0xa0: {  	[sflag:s22] =	ssyncadd.s32 s3;
	_ =	sdelay $0x1  }
0xa1: {  	s23 =	simm.s32 $0x1B8B  }
0xa2: {  	_ =	swait.ge [sflag:s23], $0x1  }
0xa3: {  	[sflag:s23] =	ssyncset.done $0x0  }
0xa4: {  	s25 =	simm.s32 $0x1B8E;
	s24 =	sld [smem:$0x3FFE];
	[sflag:s23] =	ssyncadd.s32 $0xFFFFFFFF  }
0xa5: {  	s26 =	simm.s32 $execute0_lowered;
	[smem:$0x3FD2] =	sst s25  }
0xa6: {  	s4 =	sshll.u32 s26, $0x1;
	_ =	strace $0x8000004C;
	[dreg:$0x1] =	wrdreg $0xFFFFFFFF  }
0xa7: {  	s28 =	simm.s32 $_size_execute0_lowered;
	s2 =	sadd.s32 s2, s4;
	[dreg:$0x0] =	wrdreg $0x0  }
0xa8: {  	s4 =	sshll.u32 s28, $0x1;
	[dreg:$0x2] =	wrdreg s2  }
0xa9: {  	[dreg:$0x3] =	wrdreg s4  }
0xaa: {  	[dreg:$0x4] =	wrdreg $0xC0  }
0xab: {  	_ =	task [dreg:s6], $0x5FFFF  }
0xac: {  	[dreg:$0x1] =	wrdreg $0xFFFFFFFF  }
0xad: {  	[dreg:$0x0] =	wrdreg $0x60  }
0xae: {  	[dreg:$0x2] =	wrdreg s24  }
0xaf: {  	[dreg:$0x3] =	wrdreg $0x88000  }
0xb0: {  	[dreg:$0x4] =	wrdreg $0x9  }
0xb1: {  	_ =	task.clear_ibuf [dreg:s6], $0x5FFFF;
	_ =	strace $0x9000004C  }
0xb2: {  	s29 =	simm.s32 $0x9;
	_ =	strace $0x8000004E  }
0xb3: {  	_ =	swait.ge [sflag:s29], $0x1  }
0xb4: {  	[sflag:s29] =	ssyncadd.s32 $0xFFFFFFFF  }
0xb5: {  	_ =	strace $0x9000004E  }
0xb6: {  	_ =	sfence  }
0xb7: {  	s30 =	sld [smem:$0x0];
	_ =	sdelay $0x2  }
0xb8: {  	s31 =	sshll.u32 s1, $0xD;
	s1 =	sshrl.u32 s1, $0x2  }
0xb9: {  	s3 =	sand.u32 $0x4000, s31;
	s1 =	sadd.s32 s1, s30  }
0xba: {  	s0 =	sor.u32 s3, s0;
	s1 =	sshll.u32 s1, $0x11  }
0xbb: {  	s0 =	sor.u32 s1, s0  }
0xbc: {  	s0 =	sadd.s32 $0x8F2B, s0  }
0xbd: {  	[sflag:s0] =	ssyncadd.remote.s32 $0x1  }
0xbe: {  	_ =	sfence.sel $0xFFFF  }
0xbf: {  	[dreg:$0x0] =	wrdreg $0xFFFFFFFF;
	(pc) =	sbr.abs _section_cstart, $3  }
0xc0: {  	[dreg:$0x1] =	wrdreg $0xFFFFFFFF  }
0xc1: {  	_ =	task.clear_ibuf [dreg:s6], $0x2FFFF;
	_ =	strace $0x9FFFFFFF  }
0xc2: {  	(tm) =	ssettm $0x7FFFFFFF  }
0xc3: {  	_ =	shalt  }
tec
execute0_lowered:
.L_overlay_start_1:
0x0: {  	(tag) =	ssettag $0x1  }
0x1: {  	s0 =	rddreg [dreg:$0x0];
	s1 =	srdreg.scid  }
0x2: {  	s2 =	rddreg [dreg:$0x1];
	s8 =	stileid.u32  }
0x3: {  	s3 =	simm.s32 $0x0;
	s26 =	simm.s32 $0x80;
	s28 =	simm.s32 $0x2  }
0x4: {  	s29 =	simm.s32 $0x480;
	s30 =	simm.s32 $0x3;
	s5 =	smul.u32 $0x5400, s8  }
0x5: {  	s31 =	simm.s32 $0x500;
	s9 =	simm.s32 $0x380;
	s7 =	smul.u32 $0x14000, s8  }
0x6: {  	s10 =	simm.s32 $0x600;
	s1 =	sand.u32 $0x1, s1;
	s8 =	smul.u32 $0x50000, s8  }
0x7: {  	s11 =	simm.s32 $0x680;
	s12 =	simm.s32 $0x700;
	s4 =	smul.u32 $0x54000, s1  }
0x8: {  	s13 =	simm.s32 $0x780;
	[smem:$0x7FF] =	sst s3;
	s6 =	smul.u32 $0x140000, s1  }
0x9: {  	_ =	strace $0x8000004D;
	s1 =	ssub.s32 $0x2, s1;
	s8 =	sshrl.u32 s8, $0x2  }
0xa: {  	[dreg:$0x5] =	wrdreg s26;
	s26 =	simm.s32 $0x1;
	s15 =	sadd.s32 s8, s2  }
0xb: {  	s14 =	sshrl.u32 s1, $0x1;
	s16 =	sadd.s32 $0x2000, s15;
	[dreg:$0x6] =	wrdreg s15  }
0xc: {  	s5 =	sadd.s32 s5, s4;
	s17 =	sadd.s32 $0x4000, s15;
	[dreg:$0x7] =	wrdreg s16  }
0xd: {  	s4 =	sadd.s32 $0x18200, s0;
	s18 =	sadd.s32 $0x6000, s15;
	[dreg:$0x8] =	wrdreg s17  }
0xe: {  	s6 =	sadd.s32 s7, s6;
	s19 =	sadd.s32 $0x8000, s15;
	[dreg:$0x9] =	wrdreg s18  }
0xf: {  	s1 =	ssub.s32 s1, s14;
	s20 =	sadd.s32 $0xA000, s15;
	[dreg:$0xa] =	wrdreg s19  }
0x10: {  	s8 =	simm.s32 $0x300;
	s21 =	sadd.s32 $0xC000, s15;
	[dreg:$0xb] =	wrdreg s20  }
0x11: {  	s14 =	simm.s32 $0x0;
	s22 =	sadd.s32 $0xE000, s15;
	[dreg:$0xc] =	wrdreg s21  }
0x12: {  	s5 =	sshrl.u32 s5, $0x3;
	s23 =	sadd.s32 $0x10000, s15;
	[dreg:$0xd] =	wrdreg s22  }
0x13: {  	s6 =	sshrl.u32 s6, $0x3;
	s7 =	sadd.s32 $0x12000, s15;
	[dreg:$0xe] =	wrdreg s23  }
0x14: {  	s25 =	smax.u32 s1, $0x1;
	s1 =	simm.s32 $0x580;
	[dreg:$0xf] =	wrdreg s7  }
0x15: {  	s5 =	sadd.s32 s5, s0;
	s0 =	sadd.s32 s6, s0;
	[dreg:$0x11] =	wrdreg s25  }
0x16: {  	s17 =	simm.s32 $0x800;
	s18 =	simm.s32 $0x5;
	s19 =	simm.s32 $0x400  }
0x17: {  	s20 =	simm.s32 $0x40;
	s21 =	simm.s32 $0x2800;
	s22 =	simm.s32 $0x100  }
0x18: {  	s23 =	simm.s32 $0x4800;
	s25 =	simm.s32 $0x6800;
	s24 =	sadd.s32 $0x3200, s5  }
0x19: {  	s6 =	simm.s32 $0x200;
	s0 =	sadd.s32 $0x7D200, s0;
	[dreg:$0x3] =	wrdreg s24  }
0x1a: {  	s7 =	simm.s32 $0x280;
	s5 =	sadd.s32 $0x68200, s5;
	[dreg:$0x10] =	wrdreg s0  }
0x1b: {  	v0 =	vimm.f32 $0.0e+00;
	[dreg:$0x4] =	wrdreg s5;
	s24 =	simm.s32 $0x180;
	s0 =	simm.s32 $0x4  }
.LBB2_1:
0x1c: {  	s15 =	simm.s32 $0x0;
	s16 =	simm.s32 $0x200  }
.LBB2_2:
0x1d: {  	p0 =	sne.s32 s16, $0x7E00;
	[tilespmem:s15+$0x870] =	vst v0  }
0x1e: {  	[tilespmem:s15+$0x800] =	vst v0  }
0x1f: {  	[tilespmem:s15+$0x810] =	vst v0  }
.Ltmp0:
0x20: {  	[tilespmem:s15+$0x820] =	vst v0;
	(pc) =	sbr.rel @p0 .LBB2_2-.Ltmp0, $4  }
0x21: {  	[tilespmem:s15+$0x830] =	vst v0  }
0x22: {  	[tilespmem:s15+$0x840] =	vst v0  }
0x23: {  	[tilespmem:s15+$0x850] =	vst v0  }
0x24: {  	[tilespmem:s15+$0x860] =	vst v0;
	s15 =	sshra.s32 s16, $0x2;
	s16 =	sadd.s32 $0x200, s16  }
0x25: {  	[tilespmem:s15+$0x870] =	vst v0  }
0x26: {  	[tilespmem:s15+$0x800] =	vst v0  }
0x27: {  	[tilespmem:s15+$0x810] =	vst v0  }
0x28: {  	[tilespmem:s15+$0x820] =	vst v0  }
0x29: {  	[tilespmem:s15+$0x830] =	vst v0  }
0x2a: {  	[tilespmem:s15+$0x840] =	vst v0  }
0x2b: {  	[dreg:$0x12] =	wrdreg s14;
	[tilespmem:s15+$0x850] =	vst v0  }
0x2c: {  	[tilespmem:s15+$0x860] =	vst v0;
	s5 =	rddreg [dreg:$0x6]  }
0x2d: {  	[spmem:s5] =	stream.linear.scatter [tilespmem:s17], [sflag:$0x5], $0x2000, $0x38;
	[tilespmem:$0x1C800] =	vst v63  }
0x2e: {  	_ =	swait.ge [sflag:s18], $0x2000  }
0x2f: {  	[sflag:s18] =	ssyncset.done $0x0  }
0x30: {  	s14 =	rddreg [dreg:$0x7];
	[sflag:s18] =	ssyncadd.s32 $0xFFFFE000  }
0x31: {  	[spmem:s14] =	stream.linear.scatter [tilespmem:s17], [sflag:$0x5], $0x2000, $0x38;
	[tilespmem:$0x1C800] =	vst v63  }
0x32: {  	_ =	swait.ge [sflag:s18], $0x2000  }
0x33: {  	[sflag:s18] =	ssyncset.done $0x0  }
0x34: {  	s15 =	rddreg [dreg:$0x8];
	[sflag:s18] =	ssyncadd.s32 $0xFFFFE000  }
0x35: {  	[spmem:s15] =	stream.linear.scatter [tilespmem:s17], [sflag:$0x5], $0x2000, $0x38;
	[tilespmem:$0x1C800] =	vst v63  }
0x36: {  	_ =	swait.ge [sflag:s18], $0x2000  }
0x37: {  	[sflag:s18] =	ssyncset.done $0x0  }
0x38: {  	s16 =	rddreg [dreg:$0x9];
	[sflag:s18] =	ssyncadd.s32 $0xFFFFE000  }
0x39: {  	[spmem:s16] =	stream.linear.scatter [tilespmem:s17], [sflag:$0x5], $0x2000, $0x38;
	[tilespmem:$0x1C800] =	vst v63  }
0x3a: {  	_ =	swait.ge [sflag:s18], $0x2000  }
0x3b: {  	[sflag:s18] =	ssyncset.done $0x0  }
0x3c: {  	s14 =	rddreg [dreg:$0xa];
	[sflag:s18] =	ssyncadd.s32 $0xFFFFE000  }
0x3d: {  	[spmem:s14] =	stream.linear.scatter [tilespmem:s17], [sflag:$0x5], $0x2000, $0x38;
	[tilespmem:$0x1C800] =	vst v63  }
0x3e: {  	_ =	swait.ge [sflag:s18], $0x2000  }
0x3f: {  	[sflag:s18] =	ssyncset.done $0x0  }
0x40: {  	s15 =	rddreg [dreg:$0xb];
	[sflag:s18] =	ssyncadd.s32 $0xFFFFE000  }
0x41: {  	[spmem:s15] =	stream.linear.scatter [tilespmem:s17], [sflag:$0x5], $0x2000, $0x38;
	[tilespmem:$0x1C800] =	vst v63  }
0x42: {  	_ =	swait.ge [sflag:s18], $0x2000  }
0x43: {  	[sflag:s18] =	ssyncset.done $0x0  }
0x44: {  	s16 =	rddreg [dreg:$0xc];
	[sflag:s18] =	ssyncadd.s32 $0xFFFFE000  }
0x45: {  	[spmem:s16] =	stream.linear.scatter [tilespmem:s17], [sflag:$0x5], $0x2000, $0x38;
	[tilespmem:$0x1C800] =	vst v63  }
0x46: {  	_ =	swait.ge [sflag:s18], $0x2000  }
0x47: {  	[sflag:s18] =	ssyncset.done $0x0  }
0x48: {  	s14 =	rddreg [dreg:$0xd];
	[sflag:s18] =	ssyncadd.s32 $0xFFFFE000  }
0x49: {  	[spmem:s14] =	stream.linear.scatter [tilespmem:s17], [sflag:$0x5], $0x2000, $0x38;
	[tilespmem:$0x1C800] =	vst v63  }
0x4a: {  	_ =	swait.ge [sflag:s18], $0x2000  }
0x4b: {  	[sflag:s18] =	ssyncset.done $0x0  }
0x4c: {  	s15 =	rddreg [dreg:$0xe];
	[sflag:s18] =	ssyncadd.s32 $0xFFFFE000  }
0x4d: {  	[spmem:s15] =	stream.linear.scatter [tilespmem:s17], [sflag:$0x5], $0x2000, $0x38;
	[tilespmem:$0x1C800] =	vst v63  }
0x4e: {  	_ =	swait.ge [sflag:s18], $0x2000  }
0x4f: {  	[sflag:s18] =	ssyncset.done $0x0  }
0x50: {  	s16 =	rddreg [dreg:$0xf];
	[sflag:s18] =	ssyncadd.s32 $0xFFFFE000  }
0x51: {  	[spmem:s16] =	stream.linear.scatter [tilespmem:s17], [sflag:$0x5], $0x2000, $0x38;
	[tilespmem:$0x1C800] =	vst v63  }
0x52: {  	_ =	swait.ge [sflag:s18], $0x2000  }
0x53: {  	[sflag:s18] =	ssyncset.done $0x0  }
0x54: {  	[sflag:s18] =	ssyncadd.s32 $0xFFFFE000  }
0x55: {  	[bflag:$0x0] =	sbarrier.arrive $0xFFFF  }
0x56: {  	s14 =	rddreg [dreg:$0x4]  }
0x57: {  	s5 =	sadd.s32 $0x0, s14  }
0x58: {  	[tilespmem:s3], [sflag:$0x5] =	stream.linear.gather [hbm4b:s5+s3], $0x400, $0x38;
	[tilespmem:$0x1C800] =	vst v63  }
0x59: {  	_ =	swait.ge [sflag:s18], $0x400  }
0x5a: {  	s15 =	rddreg [dreg:$0x3];
	[sflag:s18] =	ssyncset.done $0x0  }
0x5b: {  	[sflag:s18] =	ssyncadd.s32 $0xFFFFFC00;
	s5 =	sadd.s32 $0x0, s15  }
0x5c: {  	[tilespmem:s19], [sflag:$0x5] =	stream.linear.gather [hbm4b:s5+s3], $0x400, $0x38;
	[tilespmem:$0x1C800] =	vst v63  }
0x5d: {  	_ =	swait.ge [sflag:s18], $0x400  }
0x5e: {  	[sflag:s18] =	ssyncset.done $0x0  }
0x5f: {  	[sflag:s18] =	ssyncadd.s32 $0xFFFFFC00  }
0x60: {  	[tilespmem:s17], [sflag:$0x1] =	stream.indirect.gather [hbm4b:s4+s20], $0x80, s3, s20, $0xb8;
	[tilespmem:$0x1C800] =	vst v63  }
0x61: {  	s16 =	rddreg [dreg:$0x5]  }
0x62: {  	[tilespmem:s21], [sflag:$0x2] =	stream.indirect.gather [hbm4b:s4+s20], $0x80, s16, s20, $0xb8;
	[tilespmem:$0x1C800] =	vst v63  }
0x63: {  	_ = 	snop  }
0x64: {  	[tilespmem:s23], [sflag:$0x3] =	stream.indirect.gather [hbm4b:s4+s20], $0x80, s22, s20, $0xb8;
	[tilespmem:$0x1C800] =	vst v63  }
0x65: {  	_ = 	snop  }
0x66: {  	[tilespmem:s25], [sflag:$0x4] =	stream.indirect.gather [hbm4b:s4+s20], $0x80, s24, s20, $0xb8;
	[tilespmem:$0x1C800] =	vst v63  }
0x67: {  	_ =	swait.ge [sflag:s26], $0x2000  }
0x68: {  	[sflag:s26] =	ssyncset.done $0x0  }
0x69: {  	[sflag:s26] =	ssyncadd.s32 $0xFFFFE000  }
0x6a: {  	[spmem:s2] =	stream.indirect.scatter.add.f32 [tilespmem:s17], [sflag:$0x5], $0x80, s19, s20, $0xb8;
	[tilespmem:$0x1C800] =	vst v63  }
0x6b: {  	_ =	swait.ge [sflag:s18], $0x2000  }
0x6c: {  	[sflag:s18] =	ssyncset.done $0x0  }
0x6d: {  	[sflag:s18] =	ssyncadd.s32 $0xFFFFE000  }
0x6e: {  	_ =	swait.ge [sflag:s28], $0x2000  }
0x6f: {  	[sflag:s28] =	ssyncset.done $0x0  }
0x70: {  	[sflag:s28] =	ssyncadd.s32 $0xFFFFE000  }
0x71: {  	[spmem:s2] =	stream.indirect.scatter.add.f32 [tilespmem:s21], [sflag:$0x5], $0x80, s29, s20, $0xb8;
	[tilespmem:$0x1C800] =	vst v63  }
0x72: {  	_ =	swait.ge [sflag:s18], $0x2000  }
0x73: {  	[sflag:s18] =	ssyncset.done $0x0  }
0x74: {  	[sflag:s18] =	ssyncadd.s32 $0xFFFFE000  }
0x75: {  	_ =	swait.ge [sflag:s30], $0x2000  }
0x76: {  	[sflag:s30] =	ssyncset.done $0x0  }
0x77: {  	[sflag:s30] =	ssyncadd.s32 $0xFFFFE000  }
0x78: {  	[spmem:s2] =	stream.indirect.scatter.add.f32 [tilespmem:s23], [sflag:$0x5], $0x80, s31, s20, $0xb8;
	[tilespmem:$0x1C800] =	vst v63  }
0x79: {  	_ =	swait.ge [sflag:s18], $0x2000  }
0x7a: {  	[sflag:s18] =	ssyncset.done $0x0  }
0x7b: {  	[sflag:s18] =	ssyncadd.s32 $0xFFFFE000  }
0x7c: {  	_ =	swait.ge [sflag:s0], $0x2000  }
0x7d: {  	[sflag:s0] =	ssyncset.done $0x0  }
0x7e: {  	[sflag:s0] =	ssyncadd.s32 $0xFFFFE000  }
0x7f: {  	[spmem:s2] =	stream.indirect.scatter.add.f32 [tilespmem:s25], [sflag:$0x5], $0x80, s1, s20, $0xb8;
	[tilespmem:$0x1C800] =	vst v63  }
0x80: {  	_ =	swait.ge [sflag:s18], $0x2000  }
0x81: {  	[sflag:s18] =	ssyncset.done $0x0  }
0x82: {  	[sflag:s18] =	ssyncadd.s32 $0xFFFFE000  }
0x83: {  	[tilespmem:s17], [sflag:$0x1] =	stream.indirect.gather [hbm4b:s4+s20], $0x80, s6, s20, $0xb8;
	[tilespmem:$0x1C800] =	vst v63  }
0x84: {  	_ = 	snop  }
0x85: {  	[tilespmem:s21], [sflag:$0x2] =	stream.indirect.gather [hbm4b:s4+s20], $0x80, s7, s20, $0xb8;
	[tilespmem:$0x1C800] =	vst v63  }
0x86: {  	_ = 	snop  }
0x87: {  	[tilespmem:s23], [sflag:$0x3] =	stream.indirect.gather [hbm4b:s4+s20], $0x80, s8, s20, $0xb8;
	[tilespmem:$0x1C800] =	vst v63  }
0x88: {  	_ = 	snop  }
0x89: {  	[tilespmem:s25], [sflag:$0x4] =	stream.indirect.gather [hbm4b:s4+s20], $0x80, s9, s20, $0xb8;
	[tilespmem:$0x1C800] =	vst v63  }
0x8a: {  	_ =	swait.ge [sflag:s26], $0x2000  }
0x8b: {  	[sflag:s26] =	ssyncset.done $0x0  }
0x8c: {  	[sflag:s26] =	ssyncadd.s32 $0xFFFFE000  }
0x8d: {  	[spmem:s2] =	stream.indirect.scatter.add.f32 [tilespmem:s17], [sflag:$0x5], $0x80, s10, s20, $0xb8;
	[tilespmem:$0x1C800] =	vst v63  }
0x8e: {  	_ =	swait.ge [sflag:s18], $0x2000  }
0x8f: {  	[sflag:s18] =	ssyncset.done $0x0  }
0x90: {  	[sflag:s18] =	ssyncadd.s32 $0xFFFFE000  }
0x91: {  	_ =	swait.ge [sflag:s28], $0x2000  }
0x92: {  	[sflag:s28] =	ssyncset.done $0x0  }
0x93: {  	[sflag:s28] =	ssyncadd.s32 $0xFFFFE000  }
0x94: {  	[spmem:s2] =	stream.indirect.scatter.add.f32 [tilespmem:s21], [sflag:$0x5], $0x80, s11, s20, $0xb8;
	[tilespmem:$0x1C800] =	vst v63  }
0x95: {  	_ =	swait.ge [sflag:s18], $0x2000  }
0x96: {  	[sflag:s18] =	ssyncset.done $0x0  }
0x97: {  	[sflag:s18] =	ssyncadd.s32 $0xFFFFE000  }
0x98: {  	_ =	swait.ge [sflag:s30], $0x2000  }
0x99: {  	[sflag:s30] =	ssyncset.done $0x0  }
0x9a: {  	[sflag:s30] =	ssyncadd.s32 $0xFFFFE000  }
0x9b: {  	[spmem:s2] =	stream.indirect.scatter.add.f32 [tilespmem:s23], [sflag:$0x5], $0x80, s12, s20, $0xb8;
	[tilespmem:$0x1C800] =	vst v63  }
0x9c: {  	_ =	swait.ge [sflag:s18], $0x2000  }
0x9d: {  	[sflag:s18] =	ssyncset.done $0x0  }
0x9e: {  	[sflag:s18] =	ssyncadd.s32 $0xFFFFE000  }
0x9f: {  	_ =	swait.ge [sflag:s0], $0x2000  }
0xa0: {  	[sflag:s0] =	ssyncset.done $0x0  }
0xa1: {  	[sflag:s0] =	ssyncadd.s32 $0xFFFFE000  }
0xa2: {  	[spmem:s2] =	stream.indirect.scatter.add.f32 [tilespmem:s25], [sflag:$0x5], $0x80, s13, s20, $0xb8;
	[tilespmem:$0x1C800] =	vst v63  }
0xa3: {  	s15 =	simm.s32 $0x80;
	_ =	swait.ge [sflag:s18], $0x2000  }
0xa4: {  	s16 =	simm.s32 $0x100;
	s5 =	rddreg [dreg:$0x4];
	[sflag:s18] =	ssyncset.done $0x0  }
.LBB2_4:
0xa5: {  	[sflag:s18] =	ssyncadd.s32 $0xFFFFE000;
	s5 =	sadd.s32 s15, s5  }
0xa6: {  	[tilespmem:s3], [sflag:$0x5] =	stream.linear.gather [hbm4b:s5+s3], $0x400, $0x38;
	[tilespmem:$0x1C800] =	vst v63  }
0xa7: {  	_ =	swait.ge [sflag:s18], $0x400  }
0xa8: {  	s5 =	rddreg [dreg:$0x3];
	[sflag:s18] =	ssyncset.done $0x0  }
0xa9: {  	[sflag:s18] =	ssyncadd.s32 $0xFFFFFC00;
	s5 =	sadd.s32 s15, s5  }
0xaa: {  	[tilespmem:s19], [sflag:$0x5] =	stream.linear.gather [hbm4b:s5+s3], $0x400, $0x38;
	[tilespmem:$0x1C800] =	vst v63  }
0xab: {  	_ =	swait.ge [sflag:s18], $0x400  }
0xac: {  	[sflag:s18] =	ssyncset.done $0x0  }
0xad: {  	s14 =	smov.u32 s16;
	[sflag:s18] =	ssyncadd.s32 $0xFFFFFC00  }
0xae: {  	[tilespmem:s17], [sflag:$0x1] =	stream.indirect.gather [hbm4b:s4+s20], $0x80, s3, s20, $0xb8;
	[tilespmem:$0x1C800] =	vst v63  }
0xaf: {  	s15 =	smov.u32 s14;
	s14 =	rddreg [dreg:$0x5]  }
0xb0: {  	[tilespmem:s21], [sflag:$0x2] =	stream.indirect.gather [hbm4b:s4+s20], $0x80, s14, s20, $0xb8;
	[tilespmem:$0x1C800] =	vst v63  }
0xb1: {  	_ = 	snop  }
0xb2: {  	[tilespmem:s23], [sflag:$0x3] =	stream.indirect.gather [hbm4b:s4+s20], $0x80, s22, s20, $0xb8;
	[tilespmem:$0x1C800] =	vst v63  }
0xb3: {  	_ = 	snop  }
0xb4: {  	[tilespmem:s25], [sflag:$0x4] =	stream.indirect.gather [hbm4b:s4+s20], $0x80, s24, s20, $0xb8;
	[tilespmem:$0x1C800] =	vst v63  }
0xb5: {  	_ =	swait.ge [sflag:s26], $0x2000  }
0xb6: {  	[sflag:s26] =	ssyncset.done $0x0  }
0xb7: {  	[sflag:s26] =	ssyncadd.s32 $0xFFFFE000  }
0xb8: {  	[spmem:s2] =	stream.indirect.scatter.add.f32 [tilespmem:s17], [sflag:$0x5], $0x80, s19, s20, $0xb8;
	[tilespmem:$0x1C800] =	vst v63  }
0xb9: {  	_ =	swait.ge [sflag:s18], $0x2000  }
0xba: {  	[sflag:s18] =	ssyncset.done $0x0  }
0xbb: {  	[sflag:s18] =	ssyncadd.s32 $0xFFFFE000  }
0xbc: {  	_ =	swait.ge [sflag:s28], $0x2000  }
0xbd: {  	[sflag:s28] =	ssyncset.done $0x0  }
0xbe: {  	[sflag:s28] =	ssyncadd.s32 $0xFFFFE000  }
0xbf: {  	[spmem:s2] =	stream.indirect.scatter.add.f32 [tilespmem:s21], [sflag:$0x5], $0x80, s29, s20, $0xb8;
	[tilespmem:$0x1C800] =	vst v63  }
0xc0: {  	_ =	swait.ge [sflag:s18], $0x2000  }
0xc1: {  	[sflag:s18] =	ssyncset.done $0x0  }
0xc2: {  	[sflag:s18] =	ssyncadd.s32 $0xFFFFE000  }
0xc3: {  	_ =	swait.ge [sflag:s30], $0x2000  }
0xc4: {  	[sflag:s30] =	ssyncset.done $0x0  }
0xc5: {  	[sflag:s30] =	ssyncadd.s32 $0xFFFFE000  }
0xc6: {  	[spmem:s2] =	stream.indirect.scatter.add.f32 [tilespmem:s23], [sflag:$0x5], $0x80, s31, s20, $0xb8;
	[tilespmem:$0x1C800] =	vst v63  }
0xc7: {  	_ =	swait.ge [sflag:s18], $0x2000  }
0xc8: {  	[sflag:s18] =	ssyncset.done $0x0  }
0xc9: {  	[sflag:s18] =	ssyncadd.s32 $0xFFFFE000  }
0xca: {  	_ =	swait.ge [sflag:s0], $0x2000  }
0xcb: {  	[sflag:s0] =	ssyncset.done $0x0  }
0xcc: {  	[sflag:s0] =	ssyncadd.s32 $0xFFFFE000  }
0xcd: {  	[spmem:s2] =	stream.indirect.scatter.add.f32 [tilespmem:s25], [sflag:$0x5], $0x80, s1, s20, $0xb8;
	[tilespmem:$0x1C800] =	vst v63  }
0xce: {  	_ =	swait.ge [sflag:s18], $0x2000  }
0xcf: {  	[sflag:s18] =	ssyncset.done $0x0  }
0xd0: {  	[sflag:s18] =	ssyncadd.s32 $0xFFFFE000  }
0xd1: {  	[tilespmem:s17], [sflag:$0x1] =	stream.indirect.gather [hbm4b:s4+s20], $0x80, s6, s20, $0xb8;
	[tilespmem:$0x1C800] =	vst v63  }
0xd2: {  	_ = 	snop  }
0xd3: {  	[tilespmem:s21], [sflag:$0x2] =	stream.indirect.gather [hbm4b:s4+s20], $0x80, s7, s20, $0xb8;
	[tilespmem:$0x1C800] =	vst v63  }
0xd4: {  	_ = 	snop  }
0xd5: {  	[tilespmem:s23], [sflag:$0x3] =	stream.indirect.gather [hbm4b:s4+s20], $0x80, s8, s20, $0xb8;
	[tilespmem:$0x1C800] =	vst v63  }
0xd6: {  	_ = 	snop  }
0xd7: {  	[tilespmem:s25], [sflag:$0x4] =	stream.indirect.gather [hbm4b:s4+s20], $0x80, s9, s20, $0xb8;
	[tilespmem:$0x1C800] =	vst v63  }
0xd8: {  	_ =	swait.ge [sflag:s26], $0x2000  }
0xd9: {  	[sflag:s26] =	ssyncset.done $0x0  }
0xda: {  	[sflag:s26] =	ssyncadd.s32 $0xFFFFE000  }
0xdb: {  	[spmem:s2] =	stream.indirect.scatter.add.f32 [tilespmem:s17], [sflag:$0x5], $0x80, s10, s20, $0xb8;
	[tilespmem:$0x1C800] =	vst v63  }
0xdc: {  	_ =	swait.ge [sflag:s18], $0x2000  }
0xdd: {  	[sflag:s18] =	ssyncset.done $0x0  }
0xde: {  	[sflag:s18] =	ssyncadd.s32 $0xFFFFE000  }
0xdf: {  	_ =	swait.ge [sflag:s28], $0x2000  }
0xe0: {  	[sflag:s28] =	ssyncset.done $0x0  }
0xe1: {  	[sflag:s28] =	ssyncadd.s32 $0xFFFFE000  }
0xe2: {  	[spmem:s2] =	stream.indirect.scatter.add.f32 [tilespmem:s21], [sflag:$0x5], $0x80, s11, s20, $0xb8;
	[tilespmem:$0x1C800] =	vst v63  }
0xe3: {  	_ =	swait.ge [sflag:s18], $0x2000  }
0xe4: {  	[sflag:s18] =	ssyncset.done $0x0  }
0xe5: {  	[sflag:s18] =	ssyncadd.s32 $0xFFFFE000  }
0xe6: {  	_ =	swait.ge [sflag:s30], $0x2000  }
0xe7: {  	[sflag:s30] =	ssyncset.done $0x0  }
0xe8: {  	[sflag:s30] =	ssyncadd.s32 $0xFFFFE000  }
0xe9: {  	[spmem:s2] =	stream.indirect.scatter.add.f32 [tilespmem:s23], [sflag:$0x5], $0x80, s12, s20, $0xb8;
	[tilespmem:$0x1C800] =	vst v63  }
0xea: {  	_ =	swait.ge [sflag:s18], $0x2000  }
0xeb: {  	[sflag:s18] =	ssyncset.done $0x0  }
0xec: {  	[sflag:s18] =	ssyncadd.s32 $0xFFFFE000  }
0xed: {  	p0 =	sne.s32 s16, $0xA00;
	_ =	swait.ge [sflag:s0], $0x2000  }
.Ltmp1:
0xee: {  	[sflag:s0] =	ssyncset.done $0x0;
	(pc) =	sbr.rel @p0 .LBB2_4-.Ltmp1, $4  }
0xef: {  	[sflag:s0] =	ssyncadd.s32 $0xFFFFE000  }
0xf0: {  	[spmem:s2] =	stream.indirect.scatter.add.f32 [tilespmem:s25], [sflag:$0x5], $0x80, s13, s20, $0xb8;
	[tilespmem:$0x1C800] =	vst v63  }
0xf1: {  	_ =	swait.ge [sflag:s18], $0x2000  }
0xf2: {  	s16 =	sadd.s32 $0x80, s16;
	s5 =	rddreg [dreg:$0x4];
	[sflag:s18] =	ssyncset.done $0x0  }
0xf3: {  	[sflag:s18] =	ssyncadd.s32 $0xFFFFE000;
	s5 =	sadd.s32 s15, s5  }
0xf4: {  	[tilespmem:s3], [sflag:$0x5] =	stream.linear.gather [hbm4b:s5+s3], $0x400, $0x38;
	[tilespmem:$0x1C800] =	vst v63  }
0xf5: {  	_ =	swait.ge [sflag:s18], $0x400  }
0xf6: {  	s16 =	rddreg [dreg:$0x3];
	[sflag:s18] =	ssyncset.done $0x0  }
0xf7: {  	[sflag:s18] =	ssyncadd.s32 $0xFFFFFC00;
	s5 =	sadd.s32 s15, s16  }
0xf8: {  	[tilespmem:s19], [sflag:$0x5] =	stream.linear.gather [hbm4b:s5+s3], $0x400, $0x38;
	[tilespmem:$0x1C800] =	vst v63  }
0xf9: {  	_ =	swait.ge [sflag:s18], $0x400  }
0xfa: {  	[sflag:s18] =	ssyncset.done $0x0  }
0xfb: {  	[sflag:s18] =	ssyncadd.s32 $0xFFFFFC00  }
0xfc: {  	[tilespmem:s17], [sflag:$0x1] =	stream.indirect.gather [hbm4b:s4+s20], $0x80, s3, s20, $0xb8;
	[tilespmem:$0x1C800] =	vst v63  }
0xfd: {  	s14 =	rddreg [dreg:$0x5]  }
0xfe: {  	[tilespmem:s21], [sflag:$0x2] =	stream.indirect.gather [hbm4b:s4+s20], $0x80, s14, s20, $0xb8;
	[tilespmem:$0x1C800] =	vst v63  }
0xff: {  	_ = 	snop  }
0x100: {  	[tilespmem:s23], [sflag:$0x3] =	stream.indirect.gather [hbm4b:s4+s20], $0x80, s22, s20, $0xb8;
	[tilespmem:$0x1C800] =	vst v63  }
0x101: {  	_ = 	snop  }
0x102: {  	[tilespmem:s25], [sflag:$0x4] =	stream.indirect.gather [hbm4b:s4+s20], $0x80, s24, s20, $0xb8;
	[tilespmem:$0x1C800] =	vst v63  }
0x103: {  	_ =	swait.ge [sflag:s26], $0x2000  }
0x104: {  	[sflag:s26] =	ssyncset.done $0x0  }
0x105: {  	[sflag:s26] =	ssyncadd.s32 $0xFFFFE000  }
0x106: {  	[spmem:s2] =	stream.indirect.scatter.add.f32 [tilespmem:s17], [sflag:$0x5], $0x80, s19, s20, $0xb8;
	[tilespmem:$0x1C800] =	vst v63  }
0x107: {  	_ =	swait.ge [sflag:s18], $0x2000  }
0x108: {  	[sflag:s18] =	ssyncset.done $0x0  }
0x109: {  	[sflag:s18] =	ssyncadd.s32 $0xFFFFE000  }
0x10a: {  	_ =	swait.ge [sflag:s28], $0x2000  }
0x10b: {  	[sflag:s28] =	ssyncset.done $0x0  }
0x10c: {  	[sflag:s28] =	ssyncadd.s32 $0xFFFFE000  }
0x10d: {  	[spmem:s2] =	stream.indirect.scatter.add.f32 [tilespmem:s21], [sflag:$0x5], $0x80, s29, s20, $0xb8;
	[tilespmem:$0x1C800] =	vst v63  }
0x10e: {  	_ =	swait.ge [sflag:s18], $0x2000  }
0x10f: {  	[sflag:s18] =	ssyncset.done $0x0  }
0x110: {  	[sflag:s18] =	ssyncadd.s32 $0xFFFFE000  }
0x111: {  	_ =	swait.ge [sflag:s30], $0x2000  }
0x112: {  	[sflag:s30] =	ssyncset.done $0x0  }
0x113: {  	[sflag:s30] =	ssyncadd.s32 $0xFFFFE000  }
0x114: {  	[spmem:s2] =	stream.indirect.scatter.add.f32 [tilespmem:s23], [sflag:$0x5], $0x80, s31, s20, $0xb8;
	[tilespmem:$0x1C800] =	vst v63  }
0x115: {  	_ =	swait.ge [sflag:s18], $0x2000  }
0x116: {  	[sflag:s18] =	ssyncset.done $0x0  }
0x117: {  	[sflag:s18] =	ssyncadd.s32 $0xFFFFE000  }
0x118: {  	_ =	swait.ge [sflag:s0], $0x2000  }
0x119: {  	[sflag:s0] =	ssyncset.done $0x0  }
0x11a: {  	[sflag:s0] =	ssyncadd.s32 $0xFFFFE000  }
0x11b: {  	[spmem:s2] =	stream.indirect.scatter.add.f32 [tilespmem:s25], [sflag:$0x5], $0x80, s1, s20, $0xb8;
	[tilespmem:$0x1C800] =	vst v63  }
0x11c: {  	_ =	swait.ge [sflag:s18], $0x2000  }
0x11d: {  	[sflag:s18] =	ssyncset.done $0x0  }
0x11e: {  	[sflag:s18] =	ssyncadd.s32 $0xFFFFE000  }
0x11f: {  	[tilespmem:s17], [sflag:$0x1] =	stream.indirect.gather [hbm4b:s4+s20], $0x80, s6, s20, $0xb8;
	[tilespmem:$0x1C800] =	vst v63  }
0x120: {  	_ = 	snop  }
0x121: {  	[tilespmem:s21], [sflag:$0x2] =	stream.indirect.gather [hbm4b:s4+s20], $0x80, s7, s20, $0xb8;
	[tilespmem:$0x1C800] =	vst v63  }
0x122: {  	_ = 	snop  }
0x123: {  	[tilespmem:s23], [sflag:$0x3] =	stream.indirect.gather [hbm4b:s4+s20], $0x80, s8, s20, $0xb8;
	[tilespmem:$0x1C800] =	vst v63  }
0x124: {  	_ = 	snop  }
0x125: {  	[tilespmem:s25], [sflag:$0x4] =	stream.indirect.gather [hbm4b:s4+s20], $0x80, s9, s20, $0xb8;
	[tilespmem:$0x1C800] =	vst v63  }
0x126: {  	_ =	swait.ge [sflag:s26], $0x2000  }
0x127: {  	[sflag:s26] =	ssyncset.done $0x0  }
0x128: {  	[sflag:s26] =	ssyncadd.s32 $0xFFFFE000  }
0x129: {  	[spmem:s2] =	stream.indirect.scatter.add.f32 [tilespmem:s17], [sflag:$0x5], $0x80, s10, s20, $0xb8;
	[tilespmem:$0x1C800] =	vst v63  }
0x12a: {  	_ =	swait.ge [sflag:s18], $0x2000  }
0x12b: {  	[sflag:s18] =	ssyncset.done $0x0  }
0x12c: {  	[sflag:s18] =	ssyncadd.s32 $0xFFFFE000  }
0x12d: {  	_ =	swait.ge [sflag:s28], $0x2000  }
0x12e: {  	[sflag:s28] =	ssyncset.done $0x0  }
0x12f: {  	[sflag:s28] =	ssyncadd.s32 $0xFFFFE000  }
0x130: {  	[spmem:s2] =	stream.indirect.scatter.add.f32 [tilespmem:s21], [sflag:$0x5], $0x80, s11, s20, $0xb8;
	[tilespmem:$0x1C800] =	vst v63  }
0x131: {  	_ =	swait.ge [sflag:s18], $0x2000  }
0x132: {  	[sflag:s18] =	ssyncset.done $0x0  }
0x133: {  	[sflag:s18] =	ssyncadd.s32 $0xFFFFE000  }
0x134: {  	_ =	swait.ge [sflag:s30], $0x2000  }
0x135: {  	[sflag:s30] =	ssyncset.done $0x0  }
0x136: {  	[sflag:s30] =	ssyncadd.s32 $0xFFFFE000  }
0x137: {  	[spmem:s2] =	stream.indirect.scatter.add.f32 [tilespmem:s23], [sflag:$0x5], $0x80, s12, s20, $0xb8;
	[tilespmem:$0x1C800] =	vst v63  }
0x138: {  	_ =	swait.ge [sflag:s18], $0x2000  }
0x139: {  	[sflag:s18] =	ssyncset.done $0x0  }
0x13a: {  	[sflag:s18] =	ssyncadd.s32 $0xFFFFE000  }
0x13b: {  	_ =	swait.ge [sflag:s0], $0x2000  }
0x13c: {  	[sflag:s0] =	ssyncset.done $0x0  }
0x13d: {  	[sflag:s0] =	ssyncadd.s32 $0xFFFFE000  }
0x13e: {  	[spmem:s2] =	stream.indirect.scatter.add.f32 [tilespmem:s25], [sflag:$0x5], $0x80, s13, s20, $0xb8;
	[tilespmem:$0x1C800] =	vst v63  }
0x13f: {  	_ =	swait.ge [sflag:s18], $0x2000  }
0x140: {  	[sflag:s18] =	ssyncset.done $0x0  }
0x141: {  	[sflag:s18] =	ssyncadd.s32 $0xFFFFE000  }
0x142: {  	s15 =	stileid.u32;
	[bflag:$0x0] =	sbarrier.arrive $0xFFFF  }
0x143: {  	s5 =	sshll.u32 s15, $0x6;
	s14 =	rddreg [dreg:$0x6]  }
0x144: {  	s5 =	sor.u32 $0x1C05, s5;
	s16 =	rddreg [dreg:$0x10];
	s14 =	sshrl.u32 s14, $0x3  }
0x145: {  	[hbm:s16], [sflag:s5] =	dma.local [spmem:s14], $0x2800  }
0x146: {  	_ =	swait.ge [sflag:s18], $0x2800  }
0x147: {  	s15 =	rddreg [dreg:$0x12]  }
0x148: {  	s16 =	rddreg [dreg:$0x11];
	s14 =	sadd.s32 $0x1, s15  }
0x149: {  	p0 =	sne.s32 s14, s16  }
.Ltmp2:
0x14a: {  	_ = 	snop;
	(pc) =	sbr.rel @p0 .LBB2_1-.Ltmp2, $3  }
0x14b: {  	_ =	sdelay $0x1  }
0x14c: {  	[sflag:s18] =	ssyncset.done $0x0  }
0x14d: {  	[sflag:s18] =	ssyncadd.s32 $0xFFFFD800  }
0x14e: {  	_ =	sfence.sel $0x180000  }
0x14f: {  	[bflag:$0x0] =	sbarrier.arrive $0xFFFF  }
0x150: {  	_ =	strace $0x9000004D  }
0x151: {  	s0 =	stileid.u32;
	[bflag:$0x2] =	sbarrier.arrive $0xFFFF  }
0x152: {  	p0 =	sne.s32 s0, $0x0;
	s0 =	rddreg [dreg:$0x2]  }
0x153: {  	s0 =	sadd.s32 @!p0 $0x100000, s0  }
0x154: {  	[sflag:s0] =	ssyncadd.tile.s32 @!p0 $0x1;
	_ =	shalt  }
.Lfunc_end2:
_tile_overlayer_lowered:
.L_overlay_start_2:
0x155: {  	(tag) =	ssettag $0x2  }
0x156: {  	s0 =	rddreg [dreg:$0x0];
	s2 =	stileid.u32  }
0x157: {  	s1 =	rddreg [dreg:$0x1];
	p0 =	sne.s32 s2, $0x0  }
0x158: {  	s3 =	rddreg [dreg:$0x2];
	[bflag:$0x3] =	sbarrier.arrive $0xFFFF;
	s2 =	simm.s32 @!p0 $0x1C05  }
0x159: {  	[timem:s3], [sflag:s2] =	dma.local @!p0 [hbm:s0], s1  }
0x15a: {  	s0 =	simm.s32 @!p0 $0x5  }
0x15b: {  	_ =	swait.ge @!p0 [sflag:s0], s1  }
0x15c: {  	s1 =	ssub.s32 @!p0 $0x0, s1;
	[sflag:s0] =	ssyncset.done @!p0 $0x0  }
0x15d: {  	[sflag:s0] =	ssyncadd.s32 @!p0 s1  }
0x15e: {  	[bflag:$0x3] =	sbarrier.arrive $0xFFFF  }
0x15f: {  	_ =	shalt  }

// kernel: kernel.19.cloned.1.call-start
scs
__scs_entry_jumppad:
0x0: {  	(pc) =	sbr.rel $0x88, $3  }
0x1: {  	(tag) =	ssettag $0x0;
	lr =	simm.s32 $0x1  }
0x2: {  	[smem:$0x3F96] =	sst lr;
	_ =	strace $0xD0000000  }
0x3: {  	_ = 	snop  }
0x4: {  	_ = 	snop  }
0x5: {  	_ = 	snop  }
0x6: {  	_ = 	snop  }
0x7: {  	_ = 	snop  }
__scs_overlays_trampoline_lowered:
0x8: {  	[smem:$0x3FA5] =	sst s0  }
0x9: {  	[smem:$0x3FA6] =	sst s1  }
0xa: {  	[smem:$0x3FA7] =	sst s2  }
0xb: {  	[smem:$0x3FA8] =	sst s3  }
0xc: {  	[smem:$0x3FA9] =	sst s4  }
0xd: {  	[smem:$0x3FAA] =	sst s5  }
0xe: {  	[smem:$0x3FAB] =	sst s6  }
0xf: {  	[smem:$0x3FAC] =	sst s7  }
0x10: {  	[smem:$0x3FAD] =	sst s8  }
0x11: {  	[smem:$0x3FAE] =	sst s9;
	s0 =	simm.s32 @!p0 $0x0  }
0x12: {  	s1 =	sld [smem:$0x3F94];
	s0 =	simm.s32 @p0 $0x1  }
0x13: {  	[smem:$0x3FAF] =	sst s0;
	s0 =	simm.s32 @!p1 $0x0  }
0x14: {  	s2 =	sld [smem:$0x3F93];
	s0 =	simm.s32 @p1 $0x1  }
0x15: {  	[smem:$0x3FB0] =	sst s0;
	s0 =	simm.s32 @!p2 $0x0  }
0x16: {  	s3 =	sld [smem:$0x3FDB];
	s0 =	simm.s32 @p2 $0x1  }
0x17: {  	s4 =	simm.s32 $0x1BF5;
	[smem:$0x3FB2] =	sst s0  }
0x18: {  	s0 =	sld [smem:$0x3F95];
	_ =	swait.ge [sflag:s4], $0x0  }
0x19: {  	s7 =	sld [smem:$0x3F96]  }
0x1a: {  	s8 =	sadd.s32 $0xFFFFE003, lr  }
0x1b: {  	s9 =	sadd.s32 $0xFFFFFEF7, lr;
	s5 =	simm.s32 $0xFFFFFFFF;
	p2 =	slt.u32 s8, $0xFFFFF086  }
0x1c: {  	p1 =	slt.u32 s9, $0xF7A;
	s5 =	simm.s32 @!p2 $0x0  }
0x1d: {  	s5 =	simm.s32 @p1 $0x1;
	p0 =	seq.s32 s7, s2  }
0x1e: {  	s7 =	smul.u32 @!p0 $0xF7A, s2;
	p2 =	seq.s32 @!p0 s5, $0x0  }
0x1f: {  	s9 =	smul.u32 $0xF7A, s1;
	s8 =	simm.s32 @!p0 $0x1BF5;
	p2 =	por !p2, p0  }
0x20: {  	[sflag:s8] =	ssyncset.s32 @!p0 $0xFFFFF086;
	s6 =	sadd.s32 @!p0 s3, s7;
	s7 =	simm.s32 @!p0 $0x108  }
0x21: {  	s3 =	sadd.s32 s3, s9;
	s6 =	sadd.s32 @!p0 $0x88, s6;
	s7 =	simm.s32 @p2 $0x1082  }
0x22: {  	[simem:s7], [sflag:s8] =	dma.local @!p0 [hbm:s6], $0xF7A  }
0x23: {  	s9 =	sor.u32 $0xD0000000, s2;
	s6 =	simm.s32 $0x108;
	_ =	swait.ge @!p0 [sflag:s8], $0x0  }
0x24: {  	s3 =	sadd.s32 $0x88, s3;
	s6 =	simm.s32 @!p1 $0x1082;
	[sflag:s4] =	ssyncset.s32 $0xFFFFF086  }
0x25: {  	[simem:s6], [sflag:s4] =	dma.local [hbm:s3], $0xF7A  }
0x26: {  	[smem:$0x3F96] =	sst s1;
	(tag) =	ssettag s2;
	_ =	strace s9  }
0x27: {  	s1 =	sld [smem:$0x3FA6]  }
0x28: {  	s2 =	sld [smem:$0x3FA7]  }
0x29: {  	s4 =	sld [smem:$0x3FA9]  }
0x2a: {  	p0 =	seq.s32 s5, $0x0;
	s5 =	sld [smem:$0x3FAA]  }
0x2b: {  	s6 =	sld [smem:$0x3FAB]  }
0x2c: {  	s7 =	sld [smem:$0x3FAC]  }
0x2d: {  	s3 =	simm.s32 $0x108;
	s8 =	sld [smem:$0x3FAD]  }
0x2e: {  	s3 =	simm.s32 @!p0 $0x1082;
	s9 =	sld [smem:$0x3FAE]  }
0x2f: {  	lr =	sadd.s32 s0, s3;
	s0 =	sld [smem:$0x3FA5]  }
0x30: {  	s3 =	sld [smem:$0x3FA8]  }
0x31: {  	[smem:$0x3FB1] =	sst s10  }
0x32: {  	s10 =	sld [smem:$0x3FAF];
	_ =	sdelay $0x3  }
0x33: {  	p0 =	seq.s32 s10, $0x1;
	s10 =	sld [smem:$0x3FB1];
	_ =	sdelay $0x3  }
0x34: {  	[smem:$0x3FB1] =	sst s10  }
0x35: {  	s10 =	sld [smem:$0x3FB0];
	_ =	sdelay $0x3  }
0x36: {  	p1 =	seq.s32 s10, $0x1;
	s10 =	sld [smem:$0x3FB1];
	_ =	sdelay $0x3  }
0x37: {  	[smem:$0x3FB1] =	sst s10  }
0x38: {  	s10 =	sld [smem:$0x3FB2]  }
0x39: {  	_ = 	snop;
	(pc) =	sbr.ind lr, $3  }
0x3a: {  	_ = 	snop  }
0x3b: {  	_ = 	snop  }
0x3c: {  	p2 =	seq.s32 s10, $0x1;
	s10 =	sld [smem:$0x3FB1]  }
0x3d: {  	_ =	shalt  }
0x3e: {  	_ =	shalt  }
0x3f: {  	_ =	shalt  }
0x40: {  	_ =	shalt  }
0x41: {  	_ =	shalt  }
0x42: {  	_ =	shalt  }
0x43: {  	_ =	shalt  }
0x44: {  	_ =	shalt  }
0x45: {  	_ =	shalt  }
0x46: {  	_ =	shalt  }
0x47: {  	_ =	shalt  }
0x48: {  	_ =	shalt  }
0x49: {  	_ =	shalt  }
0x4a: {  	_ =	shalt  }
0x4b: {  	_ =	shalt  }
0x4c: {  	_ =	shalt  }
0x4d: {  	_ =	shalt  }
0x4e: {  	_ =	shalt  }
0x4f: {  	_ =	shalt  }
0x50: {  	_ =	shalt  }
0x51: {  	_ =	shalt  }
0x52: {  	_ =	shalt  }
0x53: {  	_ =	shalt  }
0x54: {  	_ =	shalt  }
0x55: {  	_ =	shalt  }
0x56: {  	_ =	shalt  }
0x57: {  	_ =	shalt  }
0x58: {  	_ =	shalt  }
0x59: {  	_ =	shalt  }
0x5a: {  	_ =	shalt  }
0x5b: {  	_ =	shalt  }
0x5c: {  	_ =	shalt  }
0x5d: {  	_ =	shalt  }
0x5e: {  	_ =	shalt  }
0x5f: {  	_ =	shalt  }
0x60: {  	_ =	shalt  }
0x61: {  	_ =	shalt  }
0x62: {  	_ =	shalt  }
0x63: {  	_ =	shalt  }
0x64: {  	_ =	shalt  }
0x65: {  	_ =	shalt  }
0x66: {  	_ =	shalt  }
0x67: {  	_ =	shalt  }
0x68: {  	_ =	shalt  }
0x69: {  	_ =	shalt  }
0x6a: {  	_ =	shalt  }
0x6b: {  	_ =	shalt  }
0x6c: {  	_ =	shalt  }
0x6d: {  	_ =	shalt  }
0x6e: {  	_ =	shalt  }
0x6f: {  	_ =	shalt  }
0x70: {  	_ =	shalt  }
0x71: {  	_ =	shalt  }
0x72: {  	_ =	shalt  }
0x73: {  	_ =	shalt  }
0x74: {  	_ =	shalt  }
0x75: {  	_ =	shalt  }
0x76: {  	_ =	shalt  }
0x77: {  	_ =	shalt  }
0x78: {  	_ =	shalt  }
0x79: {  	_ =	shalt  }
0x7a: {  	_ =	shalt  }
0x7b: {  	_ =	shalt  }
0x7c: {  	_ =	shalt  }
0x7d: {  	_ =	shalt  }
0x7e: {  	_ =	shalt  }
0x7f: {  	_ =	shalt  }
0x80: {  	_ =	shalt  }
0x81: {  	_ =	shalt  }
0x82: {  	_ =	shalt  }
0x83: {  	_ =	shalt  }
0x84: {  	_ =	shalt  }
0x85: {  	_ =	shalt  }
0x86: {  	_ =	shalt  }
0x87: {  	_ =	shalt  }
.Lfunc_end0:
.L_simem_size_0:
called_computation.3_lowered:
.L_overlay_start_0:
0x88: {  	s2 =	sld [smem:$0x3FD9]  }
0x89: {  	s3 =	sld [smem:$0x3FFE];
	_ =	sdelay $0x1  }
0x8a: {  	s1 =	srdreg.scid  }
0x8b: {  	s0 =	sand.u32 $0x1, s1  }
0x8c: {  	s16 =	sshll.u32 s0, $0xA;
	s2 =	sadd.s32 s3, s2  }
0x8d: {  	s2 =	sadd.s32 s2, s16  }
0x8e: {  	[smem:$0x3FBD] =	sst s2  }
0x8f: {  	_ = 	snop  }
0x90: {  	(tm) =	ssettm $0x1  }
0x91: {  	s17 =	sld [smem:$0x3FFB];
	_ =	sdelay $0x3  }
0x92: {  	_ =	strace s17  }
0x93: {  	s2 =	sld [smem:$0x3FFC];
	_ =	sdelay $0x3  }
0x94: {  	_ =	strace s2  }
0x95: {  	s2 =	sld [smem:$0x3FFD];
	_ =	sdelay $0x3  }
0x96: {  	_ =	strace s2  }
0x97: {  	_ =	strace $0x8FFFFFFF  }
0x98: {  	s18 =	sld [smem:$0x3FDB];
	_ =	sdelay $0x1  }
0x99: {  	s19 =	simm.s32 $_scs_section_size  }
0x9a: {  	s4 =	simm.s32 $_size__tile_overlayer_lowered;
	s5 =	simm.s32 $_tile_overlayer_lowered  }
0x9b: {  	s22 =	simm.s32 $0x1BFF;
	s21 =	sshll.u32 s5, $0x1;
	s2 =	sadd.s32 s19, s18  }
0x9c: {  	s6 =	simm.s32 $0x0;
	s20 =	sshll.u32 s4, $0x1;
	s4 =	sadd.s32 s21, s2  }
0x9d: {  	[timem:s6], [sflag:s22] =	dma.local [hbm:s4], s20  }
0x9e: {  	_ =	swait.ge [sflag:s22], s20  }
0x9f: {  	s3 =	ssub.s32 $0x0, s20;
	[sflag:s22] =	ssyncset.done $0x0  }
0xa0: {  	[sflag:s22] =	ssyncadd.s32 s3;
	_ =	sdelay $0x1  }
0xa1: {  	s23 =	simm.s32 $0x1B8B  }
0xa2: {  	_ =	swait.ge [sflag:s23], $0x1  }
0xa3: {  	[sflag:s23] =	ssyncset.done $0x0  }
0xa4: {  	s25 =	simm.s32 $0x1B8E;
	s24 =	sld [smem:$0x3FFE];
	[sflag:s23] =	ssyncadd.s32 $0xFFFFFFFF  }
0xa5: {  	s26 =	simm.s32 $execute0_lowered;
	[smem:$0x3FD2] =	sst s25  }
0xa6: {  	s4 =	sshll.u32 s26, $0x1;
	_ =	strace $0x8000004F;
	[dreg:$0x1] =	wrdreg $0xFFFFFFFF  }
0xa7: {  	s28 =	simm.s32 $_size_execute0_lowered;
	s2 =	sadd.s32 s2, s4;
	[dreg:$0x0] =	wrdreg $0x0  }
0xa8: {  	s4 =	sshll.u32 s28, $0x1;
	[dreg:$0x2] =	wrdreg s2  }
0xa9: {  	[dreg:$0x3] =	wrdreg s4  }
0xaa: {  	[dreg:$0x4] =	wrdreg $0xC0  }
0xab: {  	_ =	task [dreg:s6], $0x5FFFF  }
0xac: {  	[dreg:$0x1] =	wrdreg $0xFFFFFFFF  }
0xad: {  	[dreg:$0x0] =	wrdreg $0x60  }
0xae: {  	[dreg:$0x2] =	wrdreg s24  }
0xaf: {  	[dreg:$0x3] =	wrdreg $0x88000  }
0xb0: {  	[dreg:$0x4] =	wrdreg $0x9  }
0xb1: {  	_ =	task.clear_ibuf [dreg:s6], $0x5FFFF;
	_ =	strace $0x9000004F  }
0xb2: {  	s29 =	simm.s32 $0x9;
	_ =	strace $0x80000051  }
0xb3: {  	_ =	swait.ge [sflag:s29], $0x1  }
0xb4: {  	[sflag:s29] =	ssyncadd.s32 $0xFFFFFFFF  }
0xb5: {  	_ =	strace $0x90000051  }
0xb6: {  	_ =	sfence  }
0xb7: {  	s30 =	sld [smem:$0x0];
	_ =	sdelay $0x2  }
0xb8: {  	s31 =	sshll.u32 s1, $0xD;
	s1 =	sshrl.u32 s1, $0x2  }
0xb9: {  	s3 =	sand.u32 $0x4000, s31;
	s1 =	sadd.s32 s1, s30  }
0xba: {  	s0 =	sor.u32 s3, s0;
	s1 =	sshll.u32 s1, $0x11  }
0xbb: {  	s0 =	sor.u32 s1, s0  }
0xbc: {  	s0 =	sadd.s32 $0x8F2B, s0  }
0xbd: {  	[sflag:s0] =	ssyncadd.remote.s32 $0x1  }
0xbe: {  	_ =	sfence.sel $0xFFFF  }
0xbf: {  	[dreg:$0x0] =	wrdreg $0xFFFFFFFF;
	(pc) =	sbr.abs _section_cstart, $3  }
0xc0: {  	[dreg:$0x1] =	wrdreg $0xFFFFFFFF  }
0xc1: {  	_ =	task.clear_ibuf [dreg:s6], $0x2FFFF;
	_ =	strace $0x9FFFFFFF  }
0xc2: {  	(tm) =	ssettm $0x7FFFFFFF  }
0xc3: {  	_ =	shalt  }
tec
execute0_lowered:
.L_overlay_start_1:
0x0: {  	(tag) =	ssettag $0x1  }
0x1: {  	s0 =	rddreg [dreg:$0x0];
	s1 =	srdreg.scid  }
0x2: {  	s2 =	rddreg [dreg:$0x1];
	s8 =	stileid.u32  }
0x3: {  	s3 =	simm.s32 $0x0;
	s26 =	simm.s32 $0x80;
	s28 =	simm.s32 $0x2  }
0x4: {  	s29 =	simm.s32 $0x480;
	s30 =	simm.s32 $0x3;
	s5 =	smul.u32 $0x5400, s8  }
0x5: {  	s31 =	simm.s32 $0x500;
	s9 =	simm.s32 $0x380;
	s7 =	smul.u32 $0x14000, s8  }
0x6: {  	s10 =	simm.s32 $0x600;
	s1 =	sand.u32 $0x1, s1;
	s8 =	smul.u32 $0x50000, s8  }
0x7: {  	s11 =	simm.s32 $0x680;
	s12 =	simm.s32 $0x700;
	s4 =	smul.u32 $0x54000, s1  }
0x8: {  	s13 =	simm.s32 $0x780;
	[smem:$0x7FF] =	sst s3;
	s6 =	smul.u32 $0x140000, s1  }
0x9: {  	_ =	strace $0x80000050;
	s1 =	ssub.s32 $0x2, s1;
	s8 =	sshrl.u32 s8, $0x2  }
0xa: {  	[dreg:$0x5] =	wrdreg s26;
	s26 =	simm.s32 $0x1;
	s15 =	sadd.s32 s8, s2  }
0xb: {  	s14 =	sshrl.u32 s1, $0x1;
	s16 =	sadd.s32 $0x2000, s15;
	[dreg:$0x6] =	wrdreg s15  }
0xc: {  	s5 =	sadd.s32 s5, s4;
	s17 =	sadd.s32 $0x4000, s15;
	[dreg:$0x7] =	wrdreg s16  }
0xd: {  	s4 =	sadd.s32 $0x18200, s0;
	s18 =	sadd.s32 $0x6000, s15;
	[dreg:$0x8] =	wrdreg s17  }
0xe: {  	s6 =	sadd.s32 s7, s6;
	s19 =	sadd.s32 $0x8000, s15;
	[dreg:$0x9] =	wrdreg s18  }
0xf: {  	s1 =	ssub.s32 s1, s14;
	s20 =	sadd.s32 $0xA000, s15;
	[dreg:$0xa] =	wrdreg s19  }
0x10: {  	s8 =	simm.s32 $0x300;
	s21 =	sadd.s32 $0xC000, s15;
	[dreg:$0xb] =	wrdreg s20  }
0x11: {  	s14 =	simm.s32 $0x0;
	s22 =	sadd.s32 $0xE000, s15;
	[dreg:$0xc] =	wrdreg s21  }
0x12: {  	s5 =	sshrl.u32 s5, $0x3;
	s23 =	sadd.s32 $0x10000, s15;
	[dreg:$0xd] =	wrdreg s22  }
0x13: {  	s6 =	sshrl.u32 s6, $0x3;
	s7 =	sadd.s32 $0x12000, s15;
	[dreg:$0xe] =	wrdreg s23  }
0x14: {  	s25 =	smax.u32 s1, $0x1;
	s1 =	simm.s32 $0x580;
	[dreg:$0xf] =	wrdreg s7  }
0x15: {  	s5 =	sadd.s32 s5, s0;
	s0 =	sadd.s32 s6, s0;
	[dreg:$0x11] =	wrdreg s25  }
0x16: {  	s17 =	simm.s32 $0x800;
	s18 =	simm.s32 $0x5;
	s19 =	simm.s32 $0x400  }
0x17: {  	s20 =	simm.s32 $0x40;
	s21 =	simm.s32 $0x2800;
	s22 =	simm.s32 $0x100  }
0x18: {  	s23 =	simm.s32 $0x4800;
	s25 =	simm.s32 $0x6800;
	s24 =	sadd.s32 $0x3200, s5  }
0x19: {  	s6 =	simm.s32 $0x200;
	s0 =	sadd.s32 $0x7D200, s0;
	[dreg:$0x3] =	wrdreg s24  }
0x1a: {  	s7 =	simm.s32 $0x280;
	s5 =	sadd.s32 $0x68200, s5;
	[dreg:$0x10] =	wrdreg s0  }
0x1b: {  	v0 =	vimm.f32 $0.0e+00;
	[dreg:$0x4] =	wrdreg s5;
	s24 =	simm.s32 $0x180;
	s0 =	simm.s32 $0x4  }
.LBB2_1:
0x1c: {  	s15 =	simm.s32 $0x0;
	s16 =	simm.s32 $0x200  }
.LBB2_2:
0x1d: {  	p0 =	sne.s32 s16, $0x7E00;
	[tilespmem:s15+$0x870] =	vst v0  }
0x1e: {  	[tilespmem:s15+$0x800] =	vst v0  }
0x1f: {  	[tilespmem:s15+$0x810] =	vst v0  }
.Ltmp0:
0x20: {  	[tilespmem:s15+$0x820] =	vst v0;
	(pc) =	sbr.rel @p0 .LBB2_2-.Ltmp0, $4  }
0x21: {  	[tilespmem:s15+$0x830] =	vst v0  }
0x22: {  	[tilespmem:s15+$0x840] =	vst v0  }
0x23: {  	[tilespmem:s15+$0x850] =	vst v0  }
0x24: {  	[tilespmem:s15+$0x860] =	vst v0;
	s15 =	sshra.s32 s16, $0x2;
	s16 =	sadd.s32 $0x200, s16  }
0x25: {  	[tilespmem:s15+$0x870] =	vst v0  }
0x26: {  	[tilespmem:s15+$0x800] =	vst v0  }
0x27: {  	[tilespmem:s15+$0x810] =	vst v0  }
0x28: {  	[tilespmem:s15+$0x820] =	vst v0  }
0x29: {  	[tilespmem:s15+$0x830] =	vst v0  }
0x2a: {  	[tilespmem:s15+$0x840] =	vst v0  }
0x2b: {  	[dreg:$0x12] =	wrdreg s14;
	[tilespmem:s15+$0x850] =	vst v0  }
0x2c: {  	[tilespmem:s15+$0x860] =	vst v0;
	s5 =	rddreg [dreg:$0x6]  }
0x2d: {  	[spmem:s5] =	stream.linear.scatter [tilespmem:s17], [sflag:$0x5], $0x2000, $0x38;
	[tilespmem:$0x1C800] =	vst v63  }
0x2e: {  	_ =	swait.ge [sflag:s18], $0x2000  }
0x2f: {  	[sflag:s18] =	ssyncset.done $0x0  }
0x30: {  	s14 =	rddreg [dreg:$0x7];
	[sflag:s18] =	ssyncadd.s32 $0xFFFFE000  }
0x31: {  	[spmem:s14] =	stream.linear.scatter [tilespmem:s17], [sflag:$0x5], $0x2000, $0x38;
	[tilespmem:$0x1C800] =	vst v63  }
0x32: {  	_ =	swait.ge [sflag:s18], $0x2000  }
0x33: {  	[sflag:s18] =	ssyncset.done $0x0  }
0x34: {  	s15 =	rddreg [dreg:$0x8];
	[sflag:s18] =	ssyncadd.s32 $0xFFFFE000  }
0x35: {  	[spmem:s15] =	stream.linear.scatter [tilespmem:s17], [sflag:$0x5], $0x2000, $0x38;
	[tilespmem:$0x1C800] =	vst v63  }
0x36: {  	_ =	swait.ge [sflag:s18], $0x2000  }
0x37: {  	[sflag:s18] =	ssyncset.done $0x0  }
0x38: {  	s16 =	rddreg [dreg:$0x9];
	[sflag:s18] =	ssyncadd.s32 $0xFFFFE000  }
0x39: {  	[spmem:s16] =	stream.linear.scatter [tilespmem:s17], [sflag:$0x5], $0x2000, $0x38;
	[tilespmem:$0x1C800] =	vst v63  }
0x3a: {  	_ =	swait.ge [sflag:s18], $0x2000  }
0x3b: {  	[sflag:s18] =	ssyncset.done $0x0  }
0x3c: {  	s14 =	rddreg [dreg:$0xa];
	[sflag:s18] =	ssyncadd.s32 $0xFFFFE000  }
0x3d: {  	[spmem:s14] =	stream.linear.scatter [tilespmem:s17], [sflag:$0x5], $0x2000, $0x38;
	[tilespmem:$0x1C800] =	vst v63  }
0x3e: {  	_ =	swait.ge [sflag:s18], $0x2000  }
0x3f: {  	[sflag:s18] =	ssyncset.done $0x0  }
0x40: {  	s15 =	rddreg [dreg:$0xb];
	[sflag:s18] =	ssyncadd.s32 $0xFFFFE000  }
0x41: {  	[spmem:s15] =	stream.linear.scatter [tilespmem:s17], [sflag:$0x5], $0x2000, $0x38;
	[tilespmem:$0x1C800] =	vst v63  }
0x42: {  	_ =	swait.ge [sflag:s18], $0x2000  }
0x43: {  	[sflag:s18] =	ssyncset.done $0x0  }
0x44: {  	s16 =	rddreg [dreg:$0xc];
	[sflag:s18] =	ssyncadd.s32 $0xFFFFE000  }
0x45: {  	[spmem:s16] =	stream.linear.scatter [tilespmem:s17], [sflag:$0x5], $0x2000, $0x38;
	[tilespmem:$0x1C800] =	vst v63  }
0x46: {  	_ =	swait.ge [sflag:s18], $0x2000  }
0x47: {  	[sflag:s18] =	ssyncset.done $0x0  }
0x48: {  	s14 =	rddreg [dreg:$0xd];
	[sflag:s18] =	ssyncadd.s32 $0xFFFFE000  }
0x49: {  	[spmem:s14] =	stream.linear.scatter [tilespmem:s17], [sflag:$0x5], $0x2000, $0x38;
	[tilespmem:$0x1C800] =	vst v63  }
0x4a: {  	_ =	swait.ge [sflag:s18], $0x2000  }
0x4b: {  	[sflag:s18] =	ssyncset.done $0x0  }
0x4c: {  	s15 =	rddreg [dreg:$0xe];
	[sflag:s18] =	ssyncadd.s32 $0xFFFFE000  }
0x4d: {  	[spmem:s15] =	stream.linear.scatter [tilespmem:s17], [sflag:$0x5], $0x2000, $0x38;
	[tilespmem:$0x1C800] =	vst v63  }
0x4e: {  	_ =	swait.ge [sflag:s18], $0x2000  }
0x4f: {  	[sflag:s18] =	ssyncset.done $0x0  }
0x50: {  	s16 =	rddreg [dreg:$0xf];
	[sflag:s18] =	ssyncadd.s32 $0xFFFFE000  }
0x51: {  	[spmem:s16] =	stream.linear.scatter [tilespmem:s17], [sflag:$0x5], $0x2000, $0x38;
	[tilespmem:$0x1C800] =	vst v63  }
0x52: {  	_ =	swait.ge [sflag:s18], $0x2000  }
0x53: {  	[sflag:s18] =	ssyncset.done $0x0  }
0x54: {  	[sflag:s18] =	ssyncadd.s32 $0xFFFFE000  }
0x55: {  	[bflag:$0x0] =	sbarrier.arrive $0xFFFF  }
0x56: {  	s14 =	rddreg [dreg:$0x4]  }
0x57: {  	s5 =	sadd.s32 $0x0, s14  }
0x58: {  	[tilespmem:s3], [sflag:$0x5] =	stream.linear.gather [hbm4b:s5+s3], $0x400, $0x38;
	[tilespmem:$0x1C800] =	vst v63  }
0x59: {  	_ =	swait.ge [sflag:s18], $0x400  }
0x5a: {  	s15 =	rddreg [dreg:$0x3];
	[sflag:s18] =	ssyncset.done $0x0  }
0x5b: {  	[sflag:s18] =	ssyncadd.s32 $0xFFFFFC00;
	s5 =	sadd.s32 $0x0, s15  }
0x5c: {  	[tilespmem:s19], [sflag:$0x5] =	stream.linear.gather [hbm4b:s5+s3], $0x400, $0x38;
	[tilespmem:$0x1C800] =	vst v63  }
0x5d: {  	_ =	swait.ge [sflag:s18], $0x400  }
0x5e: {  	[sflag:s18] =	ssyncset.done $0x0  }
0x5f: {  	[sflag:s18] =	ssyncadd.s32 $0xFFFFFC00  }
0x60: {  	[tilespmem:s17], [sflag:$0x1] =	stream.indirect.gather [hbm4b:s4+s20], $0x80, s3, s20, $0xb8;
	[tilespmem:$0x1C800] =	vst v63  }
0x61: {  	s16 =	rddreg [dreg:$0x5]  }
0x62: {  	[tilespmem:s21], [sflag:$0x2] =	stream.indirect.gather [hbm4b:s4+s20], $0x80, s16, s20, $0xb8;
	[tilespmem:$0x1C800] =	vst v63  }
0x63: {  	_ = 	snop  }
0x64: {  	[tilespmem:s23], [sflag:$0x3] =	stream.indirect.gather [hbm4b:s4+s20], $0x80, s22, s20, $0xb8;
	[tilespmem:$0x1C800] =	vst v63  }
0x65: {  	_ = 	snop  }
0x66: {  	[tilespmem:s25], [sflag:$0x4] =	stream.indirect.gather [hbm4b:s4+s20], $0x80, s24, s20, $0xb8;
	[tilespmem:$0x1C800] =	vst v63  }
0x67: {  	_ =	swait.ge [sflag:s26], $0x2000  }
0x68: {  	[sflag:s26] =	ssyncset.done $0x0  }
0x69: {  	[sflag:s26] =	ssyncadd.s32 $0xFFFFE000  }
0x6a: {  	[spmem:s2] =	stream.indirect.scatter.add.f32 [tilespmem:s17], [sflag:$0x5], $0x80, s19, s20, $0xb8;
	[tilespmem:$0x1C800] =	vst v63  }
0x6b: {  	_ =	swait.ge [sflag:s18], $0x2000  }
0x6c: {  	[sflag:s18] =	ssyncset.done $0x0  }
0x6d: {  	[sflag:s18] =	ssyncadd.s32 $0xFFFFE000  }
0x6e: {  	_ =	swait.ge [sflag:s28], $0x2000  }
0x6f: {  	[sflag:s28] =	ssyncset.done $0x0  }
0x70: {  	[sflag:s28] =	ssyncadd.s32 $0xFFFFE000  }
0x71: {  	[spmem:s2] =	stream.indirect.scatter.add.f32 [tilespmem:s21], [sflag:$0x5], $0x80, s29, s20, $0xb8;
	[tilespmem:$0x1C800] =	vst v63  }
0x72: {  	_ =	swait.ge [sflag:s18], $0x2000  }
0x73: {  	[sflag:s18] =	ssyncset.done $0x0  }
0x74: {  	[sflag:s18] =	ssyncadd.s32 $0xFFFFE000  }
0x75: {  	_ =	swait.ge [sflag:s30], $0x2000  }
0x76: {  	[sflag:s30] =	ssyncset.done $0x0  }
0x77: {  	[sflag:s30] =	ssyncadd.s32 $0xFFFFE000  }
0x78: {  	[spmem:s2] =	stream.indirect.scatter.add.f32 [tilespmem:s23], [sflag:$0x5], $0x80, s31, s20, $0xb8;
	[tilespmem:$0x1C800] =	vst v63  }
0x79: {  	_ =	swait.ge [sflag:s18], $0x2000  }
0x7a: {  	[sflag:s18] =	ssyncset.done $0x0  }
0x7b: {  	[sflag:s18] =	ssyncadd.s32 $0xFFFFE000  }
0x7c: {  	_ =	swait.ge [sflag:s0], $0x2000  }
0x7d: {  	[sflag:s0] =	ssyncset.done $0x0  }
0x7e: {  	[sflag:s0] =	ssyncadd.s32 $0xFFFFE000  }
0x7f: {  	[spmem:s2] =	stream.indirect.scatter.add.f32 [tilespmem:s25], [sflag:$0x5], $0x80, s1, s20, $0xb8;
	[tilespmem:$0x1C800] =	vst v63  }
0x80: {  	_ =	swait.ge [sflag:s18], $0x2000  }
0x81: {  	[sflag:s18] =	ssyncset.done $0x0  }
0x82: {  	[sflag:s18] =	ssyncadd.s32 $0xFFFFE000  }
0x83: {  	[tilespmem:s17], [sflag:$0x1] =	stream.indirect.gather [hbm4b:s4+s20], $0x80, s6, s20, $0xb8;
	[tilespmem:$0x1C800] =	vst v63  }
0x84: {  	_ = 	snop  }
0x85: {  	[tilespmem:s21], [sflag:$0x2] =	stream.indirect.gather [hbm4b:s4+s20], $0x80, s7, s20, $0xb8;
	[tilespmem:$0x1C800] =	vst v63  }
0x86: {  	_ = 	snop  }
0x87: {  	[tilespmem:s23], [sflag:$0x3] =	stream.indirect.gather [hbm4b:s4+s20], $0x80, s8, s20, $0xb8;
	[tilespmem:$0x1C800] =	vst v63  }
0x88: {  	_ = 	snop  }
0x89: {  	[tilespmem:s25], [sflag:$0x4] =	stream.indirect.gather [hbm4b:s4+s20], $0x80, s9, s20, $0xb8;
	[tilespmem:$0x1C800] =	vst v63  }
0x8a: {  	_ =	swait.ge [sflag:s26], $0x2000  }
0x8b: {  	[sflag:s26] =	ssyncset.done $0x0  }
0x8c: {  	[sflag:s26] =	ssyncadd.s32 $0xFFFFE000  }
0x8d: {  	[spmem:s2] =	stream.indirect.scatter.add.f32 [tilespmem:s17], [sflag:$0x5], $0x80, s10, s20, $0xb8;
	[tilespmem:$0x1C800] =	vst v63  }
0x8e: {  	_ =	swait.ge [sflag:s18], $0x2000  }
0x8f: {  	[sflag:s18] =	ssyncset.done $0x0  }
0x90: {  	[sflag:s18] =	ssyncadd.s32 $0xFFFFE000  }
0x91: {  	_ =	swait.ge [sflag:s28], $0x2000  }
0x92: {  	[sflag:s28] =	ssyncset.done $0x0  }
0x93: {  	[sflag:s28] =	ssyncadd.s32 $0xFFFFE000  }
0x94: {  	[spmem:s2] =	stream.indirect.scatter.add.f32 [tilespmem:s21], [sflag:$0x5], $0x80, s11, s20, $0xb8;
	[tilespmem:$0x1C800] =	vst v63  }
0x95: {  	_ =	swait.ge [sflag:s18], $0x2000  }
0x96: {  	[sflag:s18] =	ssyncset.done $0x0  }
0x97: {  	[sflag:s18] =	ssyncadd.s32 $0xFFFFE000  }
0x98: {  	_ =	swait.ge [sflag:s30], $0x2000  }
0x99: {  	[sflag:s30] =	ssyncset.done $0x0  }
0x9a: {  	[sflag:s30] =	ssyncadd.s32 $0xFFFFE000  }
0x9b: {  	[spmem:s2] =	stream.indirect.scatter.add.f32 [tilespmem:s23], [sflag:$0x5], $0x80, s12, s20, $0xb8;
	[tilespmem:$0x1C800] =	vst v63  }
0x9c: {  	_ =	swait.ge [sflag:s18], $0x2000  }
0x9d: {  	[sflag:s18] =	ssyncset.done $0x0  }
0x9e: {  	[sflag:s18] =	ssyncadd.s32 $0xFFFFE000  }
0x9f: {  	_ =	swait.ge [sflag:s0], $0x2000  }
0xa0: {  	[sflag:s0] =	ssyncset.done $0x0  }
0xa1: {  	[sflag:s0] =	ssyncadd.s32 $0xFFFFE000  }
0xa2: {  	[spmem:s2] =	stream.indirect.scatter.add.f32 [tilespmem:s25], [sflag:$0x5], $0x80, s13, s20, $0xb8;
	[tilespmem:$0x1C800] =	vst v63  }
0xa3: {  	s15 =	simm.s32 $0x80;
	_ =	swait.ge [sflag:s18], $0x2000  }
0xa4: {  	s16 =	simm.s32 $0x100;
	s5 =	rddreg [dreg:$0x4];
	[sflag:s18] =	ssyncset.done $0x0  }
.LBB2_4:
0xa5: {  	[sflag:s18] =	ssyncadd.s32 $0xFFFFE000;
	s5 =	sadd.s32 s15, s5  }
0xa6: {  	[tilespmem:s3], [sflag:$0x5] =	stream.linear.gather [hbm4b:s5+s3], $0x400, $0x38;
	[tilespmem:$0x1C800] =	vst v63  }
0xa7: {  	_ =	swait.ge [sflag:s18], $0x400  }
0xa8: {  	s5 =	rddreg [dreg:$0x3];
	[sflag:s18] =	ssyncset.done $0x0  }
0xa9: {  	[sflag:s18] =	ssyncadd.s32 $0xFFFFFC00;
	s5 =	sadd.s32 s15, s5  }
0xaa: {  	[tilespmem:s19], [sflag:$0x5] =	stream.linear.gather [hbm4b:s5+s3], $0x400, $0x38;
	[tilespmem:$0x1C800] =	vst v63  }
0xab: {  	_ =	swait.ge [sflag:s18], $0x400  }
0xac: {  	[sflag:s18] =	ssyncset.done $0x0  }
0xad: {  	s14 =	smov.u32 s16;
	[sflag:s18] =	ssyncadd.s32 $0xFFFFFC00  }
0xae: {  	[tilespmem:s17], [sflag:$0x1] =	stream.indirect.gather [hbm4b:s4+s20], $0x80, s3, s20, $0xb8;
	[tilespmem:$0x1C800] =	vst v63  }
0xaf: {  	s15 =	smov.u32 s14;
	s14 =	rddreg [dreg:$0x5]  }
0xb0: {  	[tilespmem:s21], [sflag:$0x2] =	stream.indirect.gather [hbm4b:s4+s20], $0x80, s14, s20, $0xb8;
	[tilespmem:$0x1C800] =	vst v63  }
0xb1: {  	_ = 	snop  }
0xb2: {  	[tilespmem:s23], [sflag:$0x3] =	stream.indirect.gather [hbm4b:s4+s20], $0x80, s22, s20, $0xb8;
	[tilespmem:$0x1C800] =	vst v63  }
0xb3: {  	_ = 	snop  }
0xb4: {  	[tilespmem:s25], [sflag:$0x4] =	stream.indirect.gather [hbm4b:s4+s20], $0x80, s24, s20, $0xb8;
	[tilespmem:$0x1C800] =	vst v63  }
0xb5: {  	_ =	swait.ge [sflag:s26], $0x2000  }
0xb6: {  	[sflag:s26] =	ssyncset.done $0x0  }
0xb7: {  	[sflag:s26] =	ssyncadd.s32 $0xFFFFE000  }
0xb8: {  	[spmem:s2] =	stream.indirect.scatter.add.f32 [tilespmem:s17], [sflag:$0x5], $0x80, s19, s20, $0xb8;
	[tilespmem:$0x1C800] =	vst v63  }
0xb9: {  	_ =	swait.ge [sflag:s18], $0x2000  }
0xba: {  	[sflag:s18] =	ssyncset.done $0x0  }
0xbb: {  	[sflag:s18] =	ssyncadd.s32 $0xFFFFE000  }
0xbc: {  	_ =	swait.ge [sflag:s28], $0x2000  }
0xbd: {  	[sflag:s28] =	ssyncset.done $0x0  }
0xbe: {  	[sflag:s28] =	ssyncadd.s32 $0xFFFFE000  }
0xbf: {  	[spmem:s2] =	stream.indirect.scatter.add.f32 [tilespmem:s21], [sflag:$0x5], $0x80, s29, s20, $0xb8;
	[tilespmem:$0x1C800] =	vst v63  }
0xc0: {  	_ =	swait.ge [sflag:s18], $0x2000  }
0xc1: {  	[sflag:s18] =	ssyncset.done $0x0  }
0xc2: {  	[sflag:s18] =	ssyncadd.s32 $0xFFFFE000  }
0xc3: {  	_ =	swait.ge [sflag:s30], $0x2000  }
0xc4: {  	[sflag:s30] =	ssyncset.done $0x0  }
0xc5: {  	[sflag:s30] =	ssyncadd.s32 $0xFFFFE000  }
0xc6: {  	[spmem:s2] =	stream.indirect.scatter.add.f32 [tilespmem:s23], [sflag:$0x5], $0x80, s31, s20, $0xb8;
	[tilespmem:$0x1C800] =	vst v63  }
0xc7: {  	_ =	swait.ge [sflag:s18], $0x2000  }
0xc8: {  	[sflag:s18] =	ssyncset.done $0x0  }
0xc9: {  	[sflag:s18] =	ssyncadd.s32 $0xFFFFE000  }
0xca: {  	_ =	swait.ge [sflag:s0], $0x2000  }
0xcb: {  	[sflag:s0] =	ssyncset.done $0x0  }
0xcc: {  	[sflag:s0] =	ssyncadd.s32 $0xFFFFE000  }
0xcd: {  	[spmem:s2] =	stream.indirect.scatter.add.f32 [tilespmem:s25], [sflag:$0x5], $0x80, s1, s20, $0xb8;
	[tilespmem:$0x1C800] =	vst v63  }
0xce: {  	_ =	swait.ge [sflag:s18], $0x2000  }
0xcf: {  	[sflag:s18] =	ssyncset.done $0x0  }
0xd0: {  	[sflag:s18] =	ssyncadd.s32 $0xFFFFE000  }
0xd1: {  	[tilespmem:s17], [sflag:$0x1] =	stream.indirect.gather [hbm4b:s4+s20], $0x80, s6, s20, $0xb8;
	[tilespmem:$0x1C800] =	vst v63  }
0xd2: {  	_ = 	snop  }
0xd3: {  	[tilespmem:s21], [sflag:$0x2] =	stream.indirect.gather [hbm4b:s4+s20], $0x80, s7, s20, $0xb8;
	[tilespmem:$0x1C800] =	vst v63  }
0xd4: {  	_ = 	snop  }
0xd5: {  	[tilespmem:s23], [sflag:$0x3] =	stream.indirect.gather [hbm4b:s4+s20], $0x80, s8, s20, $0xb8;
	[tilespmem:$0x1C800] =	vst v63  }
0xd6: {  	_ = 	snop  }
0xd7: {  	[tilespmem:s25], [sflag:$0x4] =	stream.indirect.gather [hbm4b:s4+s20], $0x80, s9, s20, $0xb8;
	[tilespmem:$0x1C800] =	vst v63  }
0xd8: {  	_ =	swait.ge [sflag:s26], $0x2000  }
0xd9: {  	[sflag:s26] =	ssyncset.done $0x0  }
0xda: {  	[sflag:s26] =	ssyncadd.s32 $0xFFFFE000  }
0xdb: {  	[spmem:s2] =	stream.indirect.scatter.add.f32 [tilespmem:s17], [sflag:$0x5], $0x80, s10, s20, $0xb8;
	[tilespmem:$0x1C800] =	vst v63  }
0xdc: {  	_ =	swait.ge [sflag:s18], $0x2000  }
0xdd: {  	[sflag:s18] =	ssyncset.done $0x0  }
0xde: {  	[sflag:s18] =	ssyncadd.s32 $0xFFFFE000  }
0xdf: {  	_ =	swait.ge [sflag:s28], $0x2000  }
0xe0: {  	[sflag:s28] =	ssyncset.done $0x0  }
0xe1: {  	[sflag:s28] =	ssyncadd.s32 $0xFFFFE000  }
0xe2: {  	[spmem:s2] =	stream.indirect.scatter.add.f32 [tilespmem:s21], [sflag:$0x5], $0x80, s11, s20, $0xb8;
	[tilespmem:$0x1C800] =	vst v63  }
0xe3: {  	_ =	swait.ge [sflag:s18], $0x2000  }
0xe4: {  	[sflag:s18] =	ssyncset.done $0x0  }
0xe5: {  	[sflag:s18] =	ssyncadd.s32 $0xFFFFE000  }
0xe6: {  	_ =	swait.ge [sflag:s30], $0x2000  }
0xe7: {  	[sflag:s30] =	ssyncset.done $0x0  }
0xe8: {  	[sflag:s30] =	ssyncadd.s32 $0xFFFFE000  }
0xe9: {  	[spmem:s2] =	stream.indirect.scatter.add.f32 [tilespmem:s23], [sflag:$0x5], $0x80, s12, s20, $0xb8;
	[tilespmem:$0x1C800] =	vst v63  }
0xea: {  	_ =	swait.ge [sflag:s18], $0x2000  }
0xeb: {  	[sflag:s18] =	ssyncset.done $0x0  }
0xec: {  	[sflag:s18] =	ssyncadd.s32 $0xFFFFE000  }
0xed: {  	p0 =	sne.s32 s16, $0xA00;
	_ =	swait.ge [sflag:s0], $0x2000  }
.Ltmp1:
0xee: {  	[sflag:s0] =	ssyncset.done $0x0;
	(pc) =	sbr.rel @p0 .LBB2_4-.Ltmp1, $4  }
0xef: {  	[sflag:s0] =	ssyncadd.s32 $0xFFFFE000  }
0xf0: {  	[spmem:s2] =	stream.indirect.scatter.add.f32 [tilespmem:s25], [sflag:$0x5], $0x80, s13, s20, $0xb8;
	[tilespmem:$0x1C800] =	vst v63  }
0xf1: {  	_ =	swait.ge [sflag:s18], $0x2000  }
0xf2: {  	s16 =	sadd.s32 $0x80, s16;
	s5 =	rddreg [dreg:$0x4];
	[sflag:s18] =	ssyncset.done $0x0  }
0xf3: {  	[sflag:s18] =	ssyncadd.s32 $0xFFFFE000;
	s5 =	sadd.s32 s15, s5  }
0xf4: {  	[tilespmem:s3], [sflag:$0x5] =	stream.linear.gather [hbm4b:s5+s3], $0x400, $0x38;
	[tilespmem:$0x1C800] =	vst v63  }
0xf5: {  	_ =	swait.ge [sflag:s18], $0x400  }
0xf6: {  	s16 =	rddreg [dreg:$0x3];
	[sflag:s18] =	ssyncset.done $0x0  }
0xf7: {  	[sflag:s18] =	ssyncadd.s32 $0xFFFFFC00;
	s5 =	sadd.s32 s15, s16  }
0xf8: {  	[tilespmem:s19], [sflag:$0x5] =	stream.linear.gather [hbm4b:s5+s3], $0x400, $0x38;
	[tilespmem:$0x1C800] =	vst v63  }
0xf9: {  	_ =	swait.ge [sflag:s18], $0x400  }
0xfa: {  	[sflag:s18] =	ssyncset.done $0x0  }
0xfb: {  	[sflag:s18] =	ssyncadd.s32 $0xFFFFFC00  }
0xfc: {  	[tilespmem:s17], [sflag:$0x1] =	stream.indirect.gather [hbm4b:s4+s20], $0x80, s3, s20, $0xb8;
	[tilespmem:$0x1C800] =	vst v63  }
0xfd: {  	s14 =	rddreg [dreg:$0x5]  }
0xfe: {  	[tilespmem:s21], [sflag:$0x2] =	stream.indirect.gather [hbm4b:s4+s20], $0x80, s14, s20, $0xb8;
	[tilespmem:$0x1C800] =	vst v63  }
0xff: {  	_ = 	snop  }
0x100: {  	[tilespmem:s23], [sflag:$0x3] =	stream.indirect.gather [hbm4b:s4+s20], $0x80, s22, s20, $0xb8;
	[tilespmem:$0x1C800] =	vst v63  }
0x101: {  	_ = 	snop  }
0x102: {  	[tilespmem:s25], [sflag:$0x4] =	stream.indirect.gather [hbm4b:s4+s20], $0x80, s24, s20, $0xb8;
	[tilespmem:$0x1C800] =	vst v63  }
0x103: {  	_ =	swait.ge [sflag:s26], $0x2000  }
0x104: {  	[sflag:s26] =	ssyncset.done $0x0  }
0x105: {  	[sflag:s26] =	ssyncadd.s32 $0xFFFFE000  }
0x106: {  	[spmem:s2] =	stream.indirect.scatter.add.f32 [tilespmem:s17], [sflag:$0x5], $0x80, s19, s20, $0xb8;
	[tilespmem:$0x1C800] =	vst v63  }
0x107: {  	_ =	swait.ge [sflag:s18], $0x2000  }
0x108: {  	[sflag:s18] =	ssyncset.done $0x0  }
0x109: {  	[sflag:s18] =	ssyncadd.s32 $0xFFFFE000  }
0x10a: {  	_ =	swait.ge [sflag:s28], $0x2000  }
0x10b: {  	[sflag:s28] =	ssyncset.done $0x0  }
0x10c: {  	[sflag:s28] =	ssyncadd.s32 $0xFFFFE000  }
0x10d: {  	[spmem:s2] =	stream.indirect.scatter.add.f32 [tilespmem:s21], [sflag:$0x5], $0x80, s29, s20, $0xb8;
	[tilespmem:$0x1C800] =	vst v63  }
0x10e: {  	_ =	swait.ge [sflag:s18], $0x2000  }
0x10f: {  	[sflag:s18] =	ssyncset.done $0x0  }
0x110: {  	[sflag:s18] =	ssyncadd.s32 $0xFFFFE000  }
0x111: {  	_ =	swait.ge [sflag:s30], $0x2000  }
0x112: {  	[sflag:s30] =	ssyncset.done $0x0  }
0x113: {  	[sflag:s30] =	ssyncadd.s32 $0xFFFFE000  }
0x114: {  	[spmem:s2] =	stream.indirect.scatter.add.f32 [tilespmem:s23], [sflag:$0x5], $0x80, s31, s20, $0xb8;
	[tilespmem:$0x1C800] =	vst v63  }
0x115: {  	_ =	swait.ge [sflag:s18], $0x2000  }
0x116: {  	[sflag:s18] =	ssyncset.done $0x0  }
0x117: {  	[sflag:s18] =	ssyncadd.s32 $0xFFFFE000  }
0x118: {  	_ =	swait.ge [sflag:s0], $0x2000  }
0x119: {  	[sflag:s0] =	ssyncset.done $0x0  }
0x11a: {  	[sflag:s0] =	ssyncadd.s32 $0xFFFFE000  }
0x11b: {  	[spmem:s2] =	stream.indirect.scatter.add.f32 [tilespmem:s25], [sflag:$0x5], $0x80, s1, s20, $0xb8;
	[tilespmem:$0x1C800] =	vst v63  }
0x11c: {  	_ =	swait.ge [sflag:s18], $0x2000  }
0x11d: {  	[sflag:s18] =	ssyncset.done $0x0  }
0x11e: {  	[sflag:s18] =	ssyncadd.s32 $0xFFFFE000  }
0x11f: {  	[tilespmem:s17], [sflag:$0x1] =	stream.indirect.gather [hbm4b:s4+s20], $0x80, s6, s20, $0xb8;
	[tilespmem:$0x1C800] =	vst v63  }
0x120: {  	_ = 	snop  }
0x121: {  	[tilespmem:s21], [sflag:$0x2] =	stream.indirect.gather [hbm4b:s4+s20], $0x80, s7, s20, $0xb8;
	[tilespmem:$0x1C800] =	vst v63  }
0x122: {  	_ = 	snop  }
0x123: {  	[tilespmem:s23], [sflag:$0x3] =	stream.indirect.gather [hbm4b:s4+s20], $0x80, s8, s20, $0xb8;
	[tilespmem:$0x1C800] =	vst v63  }
0x124: {  	_ = 	snop  }
0x125: {  	[tilespmem:s25], [sflag:$0x4] =	stream.indirect.gather [hbm4b:s4+s20], $0x80, s9, s20, $0xb8;
	[tilespmem:$0x1C800] =	vst v63  }
0x126: {  	_ =	swait.ge [sflag:s26], $0x2000  }
0x127: {  	[sflag:s26] =	ssyncset.done $0x0  }
0x128: {  	[sflag:s26] =	ssyncadd.s32 $0xFFFFE000  }
0x129: {  	[spmem:s2] =	stream.indirect.scatter.add.f32 [tilespmem:s17], [sflag:$0x5], $0x80, s10, s20, $0xb8;
	[tilespmem:$0x1C800] =	vst v63  }
0x12a: {  	_ =	swait.ge [sflag:s18], $0x2000  }
0x12b: {  	[sflag:s18] =	ssyncset.done $0x0  }
0x12c: {  	[sflag:s18] =	ssyncadd.s32 $0xFFFFE000  }
0x12d: {  	_ =	swait.ge [sflag:s28], $0x2000  }
0x12e: {  	[sflag:s28] =	ssyncset.done $0x0  }
0x12f: {  	[sflag:s28] =	ssyncadd.s32 $0xFFFFE000  }
0x130: {  	[spmem:s2] =	stream.indirect.scatter.add.f32 [tilespmem:s21], [sflag:$0x5], $0x80, s11, s20, $0xb8;
	[tilespmem:$0x1C800] =	vst v63  }
0x131: {  	_ =	swait.ge [sflag:s18], $0x2000  }
0x132: {  	[sflag:s18] =	ssyncset.done $0x0  }
0x133: {  	[sflag:s18] =	ssyncadd.s32 $0xFFFFE000  }
0x134: {  	_ =	swait.ge [sflag:s30], $0x2000  }
0x135: {  	[sflag:s30] =	ssyncset.done $0x0  }
0x136: {  	[sflag:s30] =	ssyncadd.s32 $0xFFFFE000  }
0x137: {  	[spmem:s2] =	stream.indirect.scatter.add.f32 [tilespmem:s23], [sflag:$0x5], $0x80, s12, s20, $0xb8;
	[tilespmem:$0x1C800] =	vst v63  }
0x138: {  	_ =	swait.ge [sflag:s18], $0x2000  }
0x139: {  	[sflag:s18] =	ssyncset.done $0x0  }
0x13a: {  	[sflag:s18] =	ssyncadd.s32 $0xFFFFE000  }
0x13b: {  	_ =	swait.ge [sflag:s0], $0x2000  }
0x13c: {  	[sflag:s0] =	ssyncset.done $0x0  }
0x13d: {  	[sflag:s0] =	ssyncadd.s32 $0xFFFFE000  }
0x13e: {  	[spmem:s2] =	stream.indirect.scatter.add.f32 [tilespmem:s25], [sflag:$0x5], $0x80, s13, s20, $0xb8;
	[tilespmem:$0x1C800] =	vst v63  }
0x13f: {  	_ =	swait.ge [sflag:s18], $0x2000  }
0x140: {  	[sflag:s18] =	ssyncset.done $0x0  }
0x141: {  	[sflag:s18] =	ssyncadd.s32 $0xFFFFE000  }
0x142: {  	s15 =	stileid.u32;
	[bflag:$0x0] =	sbarrier.arrive $0xFFFF  }
0x143: {  	s5 =	sshll.u32 s15, $0x6;
	s14 =	rddreg [dreg:$0x6]  }
0x144: {  	s5 =	sor.u32 $0x1C05, s5;
	s16 =	rddreg [dreg:$0x10];
	s14 =	sshrl.u32 s14, $0x3  }
0x145: {  	[hbm:s16], [sflag:s5] =	dma.local [spmem:s14], $0x2800  }
0x146: {  	_ =	swait.ge [sflag:s18], $0x2800  }
0x147: {  	s15 =	rddreg [dreg:$0x12]  }
0x148: {  	s16 =	rddreg [dreg:$0x11];
	s14 =	sadd.s32 $0x1, s15  }
0x149: {  	p0 =	sne.s32 s14, s16  }
.Ltmp2:
0x14a: {  	_ = 	snop;
	(pc) =	sbr.rel @p0 .LBB2_1-.Ltmp2, $3  }
0x14b: {  	_ =	sdelay $0x1  }
0x14c: {  	[sflag:s18] =	ssyncset.done $0x0  }
0x14d: {  	[sflag:s18] =	ssyncadd.s32 $0xFFFFD800  }
0x14e: {  	_ =	sfence.sel $0x180000  }
0x14f: {  	[bflag:$0x0] =	sbarrier.arrive $0xFFFF  }
0x150: {  	_ =	strace $0x90000050  }
0x151: {  	s0 =	stileid.u32;
	[bflag:$0x2] =	sbarrier.arrive $0xFFFF  }
0x152: {  	p0 =	sne.s32 s0, $0x0;
	s0 =	rddreg [dreg:$0x2]  }
0x153: {  	s0 =	sadd.s32 @!p0 $0x100000, s0  }
0x154: {  	[sflag:s0] =	ssyncadd.tile.s32 @!p0 $0x1;
	_ =	shalt  }
.Lfunc_end2:
_tile_overlayer_lowered:
.L_overlay_start_2:
0x155: {  	(tag) =	ssettag $0x2  }
0x156: {  	s0 =	rddreg [dreg:$0x0];
	s2 =	stileid.u32  }
0x157: {  	s1 =	rddreg [dreg:$0x1];
	p0 =	sne.s32 s2, $0x0  }
0x158: {  	s3 =	rddreg [dreg:$0x2];
	[bflag:$0x3] =	sbarrier.arrive $0xFFFF;
	s2 =	simm.s32 @!p0 $0x1C05  }
0x159: {  	[timem:s3], [sflag:s2] =	dma.local @!p0 [hbm:s0], s1  }
0x15a: {  	s0 =	simm.s32 @!p0 $0x5  }
0x15b: {  	_ =	swait.ge @!p0 [sflag:s0], s1  }
0x15c: {  	s1 =	ssub.s32 @!p0 $0x0, s1;
	[sflag:s0] =	ssyncset.done @!p0 $0x0  }
0x15d: {  	[sflag:s0] =	ssyncadd.s32 @!p0 s1  }
0x15e: {  	[bflag:$0x3] =	sbarrier.arrive $0xFFFF  }
0x15f: {  	_ =	shalt  }

</sc_bundles>
